<compile_context>
chip_gen: v7x
topology: tpu7x:2x2x1
jax: 0.10.2.dev20260603
libtpu: 0.0.44.dev20260713+nightly
codegen_flags: <defaults>
</compile_context>

<pallas_src>
import functools

import jax
import jax.numpy as jnp
from jax import lax
from jax.experimental import pallas as pl
from jax.experimental.pallas import tpu as pltpu
from jax.experimental.pallas import tpu_sc as plsc

_BATCH = 4096
_SEQ = 200
_D = 64
_NC, _NS = 2, 16
_NW = _NC * _NS
_BB = _BATCH // _NW
_L = 16
_NB = 4


def _transpose_block(rows_v, trans_v, idx_vecs):
    @plsc.parallel_loop(0, _BB, unroll=8)
    def _b(b):
        b_vec = jnp.full((_L,), 0, jnp.int32) + b
        for k, (ehi_vec, elo_vec) in enumerate(idx_vecs):
            x = rows_v[b, pl.ds(k * _L, _L)]
            plsc.store_scatter(trans_v, [ehi_vec, elo_vec, b_vec], x)


def _sc_body(p_t, h_t, table, p_out, h_out, idx_bufs, rows, trans, isems,
             gsems, osems):
    wid = lax.axis_index("s") * _NC + lax.axis_index("c")
    iota = lax.iota(jnp.int32, _L)
    idx_vecs = [((k * _L + iota) // 8, (k * _L + iota) % 8)
                for k in range(_D // _L)]

    stage = [
        pltpu.async_copy(src.at[:, pl.ds(wid * _BB, _BB)], idx_bufs[i],
                         isems[i])
        for i, src in enumerate((p_t, h_t))
    ]

    for i, dst in enumerate((p_out, h_out)):
        idx_v = idx_bufs[i]
        stage[i].wait()

        def fire_gather(s, b):
            return pltpu.async_copy(table.at[idx_v.at[s]], rows[b], gsems[b])

        def fire_write(s, b):
            pltpu.async_copy(trans[b].at[:, :, pl.ds(0, _BB)],
                             dst.at[s, :, wid], osems[b])

        def drain_write(b):
            pltpu.make_async_copy(trans[b].at[:, :, pl.ds(0, _BB)],
                                  dst.at[0, :, wid], osems[b]).wait()

        def drain_gather(b):
            pltpu.make_async_copy(table.at[idx_v.at[0]], rows[b],
                                  gsems[b]).wait()

        for s in range(_NB - 1):
            fire_gather(s, s)

        @pl.loop(0, _SEQ, step=_NB)
        def _steady(s0):
            for j in range(_NB):
                s = s0 + j
                b = j
                drain_gather(b)

                @pl.when(s0 >= _NB)
                def _():
                    drain_write(b)

                @pl.when(s + _NB - 1 < _SEQ)
                def _():
                    fire_gather(s + _NB - 1, (b + _NB - 1) % _NB)

                _transpose_block(rows[b], trans[b], idx_vecs)
                fire_write(s, b)

        for b in range(_NB):
            drain_write(b)


@functools.partial(
    pl.kernel,
    out_type=(jax.ShapeDtypeStruct((_SEQ, 8, _NW, 8, _BB), jnp.float32),
              jax.ShapeDtypeStruct((_SEQ, 8, _NW, 8, _BB), jnp.float32)),
    mesh=plsc.VectorSubcoreMesh(core_axis_name="c", subcore_axis_name="s"),
    compiler_params=pltpu.CompilerParams(use_tc_tiling_on_sc=False,
                                         needs_layout_passes=False),
    scratch_types=(
        [pltpu.VMEM((_SEQ, _BB), jnp.int32)] * 2
        + [pltpu.VMEM((_BB, _D), jnp.float32)] * _NB
        + [pltpu.VMEM((8, 8, _BB + 1), jnp.float32)] * _NB
        + [pltpu.SemaphoreType.DMA] * (2 + 2 * _NB)
    ),
)
def _embed_lookup(p_t, h_t, table, p_out, h_out, *bufs):
    idx_bufs = bufs[:2]
    rows = bufs[2:2 + _NB]
    trans = bufs[2 + _NB:2 + 2 * _NB]
    isems = bufs[2 + 2 * _NB:4 + 2 * _NB]
    gsems = bufs[4 + 2 * _NB:4 + 3 * _NB]
    osems = bufs[4 + 3 * _NB:]
    _sc_body(p_t, h_t, table, p_out, h_out, idx_bufs, rows, trans, isems,
             gsems, osems)


def kernel(premises, hypotheses, labels, table):
    p_raw, h_raw = _embed_lookup(premises.T, hypotheses.T, table)
    p_emb = p_raw.transpose(2, 4, 0, 1, 3).reshape(_BATCH, _SEQ, _D)
    h_emb = h_raw.transpose(2, 4, 0, 1, 3).reshape(_BATCH, _SEQ, _D)
    return (p_emb, h_emb, labels)

# --- scband reference (transcript-rebuilt; emitter-appended) ---
"""Pipeline reference for scband-embedding-module-65403761984200 (READ-ONLY COPY).

The authoritative reference and input builder live on the scoring server;
editing this copy changes nothing except your own understanding.
"""

import jax, jax.numpy as jnp
import numpy as np

VOCAB = 100001
EMBED_DIM = 64
BATCH = 4096
SEQ = 200


def setup_inputs(seed: int = 0) -> dict:
    key = jax.random.key(seed)
    k1, k2, k3, k4 = jax.random.split(key, 4)
    # Frozen pretrained embedding table (stand-in for GloVe vectors incl. <unk> row 0)
    table = jax.random.normal(k1, (VOCAB, EMBED_DIM), dtype=jnp.float32) * 0.1
    premises = jax.random.randint(k2, (BATCH, SEQ), 0, VOCAB, dtype=jnp.int32)
    hypotheses = jax.random.randint(k3, (BATCH, SEQ), 0, VOCAB, dtype=jnp.int32)
    labels = jax.random.randint(k4, (BATCH,), 0, 3, dtype=jnp.int32)
    return {"premises": premises, "hypotheses": hypotheses, "labels": labels, "table": table}


def reference(premises, hypotheses, labels, table):
    # EmbeddingModule.forward: embed premises and hypotheses via frozen table,
    # pass labels through untouched.
    p_emb = jnp.take(table, premises, axis=0)
    h_emb = jnp.take(table, hypotheses, axis=0)
    return (p_emb, h_emb, labels)

if __name__ == "__main__":
    import jax
    _d = setup_inputs()
    print(jax.jit(kernel)(*tuple(_d.values())))

</pallas_src>

<mosaic_0001>
#map = affine_map<(d0, d1) -> (0, 0)>
#map1 = affine_map<(d0, d1) -> (0, 0, 0, 0, 0)>
module attributes {stable_mosaic.version = 14 : i64} {
  func.func @_embed_lookup(%arg0: i32, %arg1: i32, %arg2: memref<200x4096xi32, #tpu.memory_space<hbm>>, %arg3: memref<200x4096xi32, #tpu.memory_space<hbm>>, %arg4: memref<100001x64xf32, #tpu.memory_space<hbm>>, %arg5: memref<200x8x32x8x128xf32, #tpu.memory_space<hbm>>, %arg6: memref<200x8x32x8x128xf32, #tpu.memory_space<hbm>>, %arg7: memref<200x128xi32, #tpu.memory_space<vmem>>, %arg8: memref<200x128xi32, #tpu.memory_space<vmem>>, %arg9: memref<128x64xf32, #tpu.memory_space<vmem>>, %arg10: memref<128x64xf32, #tpu.memory_space<vmem>>, %arg11: memref<128x64xf32, #tpu.memory_space<vmem>>, %arg12: memref<128x64xf32, #tpu.memory_space<vmem>>, %arg13: memref<8x8x129xf32, #tpu.memory_space<vmem>>, %arg14: memref<8x8x129xf32, #tpu.memory_space<vmem>>, %arg15: memref<8x8x129xf32, #tpu.memory_space<vmem>>, %arg16: memref<8x8x129xf32, #tpu.memory_space<vmem>>, %arg17: memref<!tpu.dma_semaphore, #tpu.memory_space<semaphore_mem>>, %arg18: memref<!tpu.dma_semaphore, #tpu.memory_space<semaphore_mem>>, %arg19: memref<!tpu.dma_semaphore, #tpu.memory_space<semaphore_mem>>, %arg20: memref<!tpu.dma_semaphore, #tpu.memory_space<semaphore_mem>>, %arg21: memref<!tpu.dma_semaphore, #tpu.memory_space<semaphore_mem>>, %arg22: memref<!tpu.dma_semaphore, #tpu.memory_space<semaphore_mem>>, %arg23: memref<!tpu.dma_semaphore, #tpu.memory_space<semaphore_mem>>, %arg24: memref<!tpu.dma_semaphore, #tpu.memory_space<semaphore_mem>>, %arg25: memref<!tpu.dma_semaphore, #tpu.memory_space<semaphore_mem>>, %arg26: memref<!tpu.dma_semaphore, #tpu.memory_space<semaphore_mem>>) attributes {dimension_semantics = [#tpu.dimension_semantics<core_parallel>, #tpu.dimension_semantics<subcore_parallel>], iteration_bounds = array<i64: 2, 16>, scalar_prefetch = 0 : i64, scratch_operands = 20 : i64, tpu.core_type = #tpu.core_type<sc_vector_subcore>, window_params = [{transform_indices = #map}, {transform_indices = #map}, {transform_indices = #map}, {transform_indices = #map1}, {transform_indices = #map1}]} {
    %mul3A = arith.constant 2 : i32
    %mul3A_0 = arith.muli %arg1, %mul3A : i32
    %add3A = arith.addi %mul3A_0, %arg0 : i32
    %iota3A = tpu.iota {dimensions = array<i32: 0>} : vector<16xi32>
    %add3A_1 = arith.constant 0 : i32
    %add3A_2 = vector.broadcast %add3A_1 : i32 to vector<16xi32>
    %add3A_3 = arith.addi %add3A_2, %iota3A : vector<16xi32>
    %jit3A = arith.constant 8 : i32
    %div3A = vector.broadcast %jit3A : i32 to vector<16xi32>
    %div3A_4 = arith.divsi %add3A_3, %div3A : vector<16xi32>
    %sign3A = arith.constant 0 : i32
    %sign3A_5 = vector.broadcast %sign3A : i32 to vector<16xi32>
    %sign3A_6 = arith.cmpi sgt, %add3A_3, %sign3A_5 : vector<16xi32>
    %sign3A_7 = arith.extui %sign3A_6 : vector<16xi1> to vector<16xi32>
    %sign3A_8 = arith.constant 0 : i32
    %sign3A_9 = vector.broadcast %sign3A_8 : i32 to vector<16xi32>
    %sign3A_10 = arith.cmpi slt, %add3A_3, %sign3A_9 : vector<16xi32>
    %sign3A_11 = arith.extui %sign3A_10 : vector<16xi1> to vector<16xi32>
    %sign3A_12 = arith.subi %sign3A_7, %sign3A_11 : vector<16xi32>
    %sign3A_13 = arith.constant 0 : i32
    %sign3A_14 = arith.cmpi sgt, %jit3A, %sign3A_13 : i32
    %sign3A_15 = arith.extui %sign3A_14 : i1 to i32
    %sign3A_16 = arith.constant 0 : i32
    %sign3A_17 = arith.cmpi slt, %jit3A, %sign3A_16 : i32
    %sign3A_18 = arith.extui %sign3A_17 : i1 to i32
    %sign3A_19 = arith.subi %sign3A_15, %sign3A_18 : i32
    %ne3A = vector.broadcast %sign3A_19 : i32 to vector<16xi32>
    %ne3A_20 = arith.cmpi ne, %sign3A_12, %ne3A : vector<16xi32>
    %rem3A = vector.broadcast %jit3A : i32 to vector<16xi32>
    %rem3A_21 = arith.remsi %add3A_3, %rem3A : vector<16xi32>
    %ne3A_22 = arith.constant 0 : i32
    %ne3A_23 = vector.broadcast %ne3A_22 : i32 to vector<16xi32>
    %ne3A_24 = arith.cmpi ne, %rem3A_21, %ne3A_23 : vector<16xi32>
    %and3A = arith.andi %ne3A_20, %ne3A_24 : vector<16xi1>
    %sub3A = arith.constant 1 : i32
    %sub3A_25 = vector.broadcast %sub3A : i32 to vector<16xi32>
    %sub3A_26 = arith.subi %div3A_4, %sub3A_25 : vector<16xi32>
    %select_n3A = arith.select %and3A, %sub3A_26, %div3A_4 : vector<16xi1>, vector<16xi32>
    %add3A_27 = arith.constant 0 : i32
    %add3A_28 = vector.broadcast %add3A_27 : i32 to vector<16xi32>
    %add3A_29 = arith.addi %add3A_28, %iota3A : vector<16xi32>
    %jit3A_30 = arith.constant 8 : i32
    %eq3A = arith.constant 0 : i32
    %eq3A_31 = arith.cmpi eq, %jit3A_30, %eq3A : i32
    %jit3A_32 = arith.constant 1 : i32
    %select_n3A_33 = arith.select %eq3A_31, %jit3A_32, %jit3A_30 : i32
    %rem3A_34 = vector.broadcast %select_n3A_33 : i32 to vector<16xi32>
    %rem3A_35 = arith.remsi %add3A_29, %rem3A_34 : vector<16xi32>
    %ne3A_36 = arith.constant 0 : i32
    %ne3A_37 = vector.broadcast %ne3A_36 : i32 to vector<16xi32>
    %ne3A_38 = arith.cmpi ne, %rem3A_35, %ne3A_37 : vector<16xi32>
    %lt3A = arith.constant 0 : i32
    %lt3A_39 = vector.broadcast %lt3A : i32 to vector<16xi32>
    %lt3A_40 = arith.cmpi slt, %rem3A_35, %lt3A_39 : vector<16xi32>
    %lt3A_41 = arith.constant 0 : i32
    %lt3A_42 = arith.cmpi slt, %select_n3A_33, %lt3A_41 : i32
    %ne3A_43 = vector.broadcast %lt3A_42 : i1 to vector<16xi1>
    %ne3A_44 = vector.broadcast %ne3A_43 : vector<16xi1> to vector<16xi1>
    %ne3A_45 = arith.xori %lt3A_40, %ne3A_44 : vector<16xi1>
    %and3A_46 = arith.andi %ne3A_45, %ne3A_38 : vector<16xi1>
    %add3A_47 = vector.broadcast %select_n3A_33 : i32 to vector<16xi32>
    %add3A_48 = arith.addi %rem3A_35, %add3A_47 : vector<16xi32>
    %select_n3A_49 = arith.select %and3A_46, %add3A_48, %rem3A_35 : vector<16xi1>, vector<16xi32>
    %add3A_50 = arith.constant 16 : i32
    %add3A_51 = vector.broadcast %add3A_50 : i32 to vector<16xi32>
    %add3A_52 = arith.addi %add3A_51, %iota3A : vector<16xi32>
    %jit3A_53 = arith.constant 8 : i32
    %div3A_54 = vector.broadcast %jit3A_53 : i32 to vector<16xi32>
    %div3A_55 = arith.divsi %add3A_52, %div3A_54 : vector<16xi32>
    %sign3A_56 = arith.constant 0 : i32
    %sign3A_57 = vector.broadcast %sign3A_56 : i32 to vector<16xi32>
    %sign3A_58 = arith.cmpi sgt, %add3A_52, %sign3A_57 : vector<16xi32>
    %sign3A_59 = arith.extui %sign3A_58 : vector<16xi1> to vector<16xi32>
    %sign3A_60 = arith.constant 0 : i32
    %sign3A_61 = vector.broadcast %sign3A_60 : i32 to vector<16xi32>
    %sign3A_62 = arith.cmpi slt, %add3A_52, %sign3A_61 : vector<16xi32>
    %sign3A_63 = arith.extui %sign3A_62 : vector<16xi1> to vector<16xi32>
    %sign3A_64 = arith.subi %sign3A_59, %sign3A_63 : vector<16xi32>
    %sign3A_65 = arith.constant 0 : i32
    %sign3A_66 = arith.cmpi sgt, %jit3A_53, %sign3A_65 : i32
    %sign3A_67 = arith.extui %sign3A_66 : i1 to i32
    %sign3A_68 = arith.constant 0 : i32
    %sign3A_69 = arith.cmpi slt, %jit3A_53, %sign3A_68 : i32
    %sign3A_70 = arith.extui %sign3A_69 : i1 to i32
    %sign3A_71 = arith.subi %sign3A_67, %sign3A_70 : i32
    %ne3A_72 = vector.broadcast %sign3A_71 : i32 to vector<16xi32>
    %ne3A_73 = arith.cmpi ne, %sign3A_64, %ne3A_72 : vector<16xi32>
    %rem3A_74 = vector.broadcast %jit3A_53 : i32 to vector<16xi32>
    %rem3A_75 = arith.remsi %add3A_52, %rem3A_74 : vector<16xi32>
    %ne3A_76 = arith.constant 0 : i32
    %ne3A_77 = vector.broadcast %ne3A_76 : i32 to vector<16xi32>
    %ne3A_78 = arith.cmpi ne, %rem3A_75, %ne3A_77 : vector<16xi32>
    %and3A_79 = arith.andi %ne3A_73, %ne3A_78 : vector<16xi1>
    %sub3A_80 = arith.constant 1 : i32
    %sub3A_81 = vector.broadcast %sub3A_80 : i32 to vector<16xi32>
    %sub3A_82 = arith.subi %div3A_55, %sub3A_81 : vector<16xi32>
    %select_n3A_83 = arith.select %and3A_79, %sub3A_82, %div3A_55 : vector<16xi1>, vector<16xi32>
    %add3A_84 = arith.constant 16 : i32
    %add3A_85 = vector.broadcast %add3A_84 : i32 to vector<16xi32>
    %add3A_86 = arith.addi %add3A_85, %iota3A : vector<16xi32>
    %jit3A_87 = arith.constant 8 : i32
    %eq3A_88 = arith.constant 0 : i32
    %eq3A_89 = arith.cmpi eq, %jit3A_87, %eq3A_88 : i32
    %jit3A_90 = arith.constant 1 : i32
    %select_n3A_91 = arith.select %eq3A_89, %jit3A_90, %jit3A_87 : i32
    %rem3A_92 = vector.broadcast %select_n3A_91 : i32 to vector<16xi32>
    %rem3A_93 = arith.remsi %add3A_86, %rem3A_92 : vector<16xi32>
    %ne3A_94 = arith.constant 0 : i32
    %ne3A_95 = vector.broadcast %ne3A_94 : i32 to vector<16xi32>
    %ne3A_96 = arith.cmpi ne, %rem3A_93, %ne3A_95 : vector<16xi32>
    %lt3A_97 = arith.constant 0 : i32
    %lt3A_98 = vector.broadcast %lt3A_97 : i32 to vector<16xi32>
    %lt3A_99 = arith.cmpi slt, %rem3A_93, %lt3A_98 : vector<16xi32>
    %lt3A_100 = arith.constant 0 : i32
    %lt3A_101 = arith.cmpi slt, %select_n3A_91, %lt3A_100 : i32
    %ne3A_102 = vector.broadcast %lt3A_101 : i1 to vector<16xi1>
    %ne3A_103 = vector.broadcast %ne3A_102 : vector<16xi1> to vector<16xi1>
    %ne3A_104 = arith.xori %lt3A_99, %ne3A_103 : vector<16xi1>
    %and3A_105 = arith.andi %ne3A_104, %ne3A_96 : vector<16xi1>
    %add3A_106 = vector.broadcast %select_n3A_91 : i32 to vector<16xi32>
    %add3A_107 = arith.addi %rem3A_93, %add3A_106 : vector<16xi32>
    %select_n3A_108 = arith.select %and3A_105, %add3A_107, %rem3A_93 : vector<16xi1>, vector<16xi32>
    %add3A_109 = arith.constant 32 : i32
    %add3A_110 = vector.broadcast %add3A_109 : i32 to vector<16xi32>
    %add3A_111 = arith.addi %add3A_110, %iota3A : vector<16xi32>
    %jit3A_112 = arith.constant 8 : i32
    %div3A_113 = vector.broadcast %jit3A_112 : i32 to vector<16xi32>
    %div3A_114 = arith.divsi %add3A_111, %div3A_113 : vector<16xi32>
    %sign3A_115 = arith.constant 0 : i32
    %sign3A_116 = vector.broadcast %sign3A_115 : i32 to vector<16xi32>
    %sign3A_117 = arith.cmpi sgt, %add3A_111, %sign3A_116 : vector<16xi32>
    %sign3A_118 = arith.extui %sign3A_117 : vector<16xi1> to vector<16xi32>
    %sign3A_119 = arith.constant 0 : i32
    %sign3A_120 = vector.broadcast %sign3A_119 : i32 to vector<16xi32>
    %sign3A_121 = arith.cmpi slt, %add3A_111, %sign3A_120 : vector<16xi32>
    %sign3A_122 = arith.extui %sign3A_121 : vector<16xi1> to vector<16xi32>
    %sign3A_123 = arith.subi %sign3A_118, %sign3A_122 : vector<16xi32>
    %sign3A_124 = arith.constant 0 : i32
    %sign3A_125 = arith.cmpi sgt, %jit3A_112, %sign3A_124 : i32
    %sign3A_126 = arith.extui %sign3A_125 : i1 to i32
    %sign3A_127 = arith.constant 0 : i32
    %sign3A_128 = arith.cmpi slt, %jit3A_112, %sign3A_127 : i32
    %sign3A_129 = arith.extui %sign3A_128 : i1 to i32
    %sign3A_130 = arith.subi %sign3A_126, %sign3A_129 : i32
    %ne3A_131 = vector.broadcast %sign3A_130 : i32 to vector<16xi32>
    %ne3A_132 = arith.cmpi ne, %sign3A_123, %ne3A_131 : vector<16xi32>
    %rem3A_133 = vector.broadcast %jit3A_112 : i32 to vector<16xi32>
    %rem3A_134 = arith.remsi %add3A_111, %rem3A_133 : vector<16xi32>
    %ne3A_135 = arith.constant 0 : i32
    %ne3A_136 = vector.broadcast %ne3A_135 : i32 to vector<16xi32>
    %ne3A_137 = arith.cmpi ne, %rem3A_134, %ne3A_136 : vector<16xi32>
    %and3A_138 = arith.andi %ne3A_132, %ne3A_137 : vector<16xi1>
    %sub3A_139 = arith.constant 1 : i32
    %sub3A_140 = vector.broadcast %sub3A_139 : i32 to vector<16xi32>
    %sub3A_141 = arith.subi %div3A_114, %sub3A_140 : vector<16xi32>
    %select_n3A_142 = arith.select %and3A_138, %sub3A_141, %div3A_114 : vector<16xi1>, vector<16xi32>
    %add3A_143 = arith.constant 32 : i32
    %add3A_144 = vector.broadcast %add3A_143 : i32 to vector<16xi32>
    %add3A_145 = arith.addi %add3A_144, %iota3A : vector<16xi32>
    %jit3A_146 = arith.constant 8 : i32
    %eq3A_147 = arith.constant 0 : i32
    %eq3A_148 = arith.cmpi eq, %jit3A_146, %eq3A_147 : i32
    %jit3A_149 = arith.constant 1 : i32
    %select_n3A_150 = arith.select %eq3A_148, %jit3A_149, %jit3A_146 : i32
    %rem3A_151 = vector.broadcast %select_n3A_150 : i32 to vector<16xi32>
    %rem3A_152 = arith.remsi %add3A_145, %rem3A_151 : vector<16xi32>
    %ne3A_153 = arith.constant 0 : i32
    %ne3A_154 = vector.broadcast %ne3A_153 : i32 to vector<16xi32>
    %ne3A_155 = arith.cmpi ne, %rem3A_152, %ne3A_154 : vector<16xi32>
    %lt3A_156 = arith.constant 0 : i32
    %lt3A_157 = vector.broadcast %lt3A_156 : i32 to vector<16xi32>
    %lt3A_158 = arith.cmpi slt, %rem3A_152, %lt3A_157 : vector<16xi32>
    %lt3A_159 = arith.constant 0 : i32
    %lt3A_160 = arith.cmpi slt, %select_n3A_150, %lt3A_159 : i32
    %ne3A_161 = vector.broadcast %lt3A_160 : i1 to vector<16xi1>
    %ne3A_162 = vector.broadcast %ne3A_161 : vector<16xi1> to vector<16xi1>
    %ne3A_163 = arith.xori %lt3A_158, %ne3A_162 : vector<16xi1>
    %and3A_164 = arith.andi %ne3A_163, %ne3A_155 : vector<16xi1>
    %add3A_165 = vector.broadcast %select_n3A_150 : i32 to vector<16xi32>
    %add3A_166 = arith.addi %rem3A_152, %add3A_165 : vector<16xi32>
    %select_n3A_167 = arith.select %and3A_164, %add3A_166, %rem3A_152 : vector<16xi1>, vector<16xi32>
    %add3A_168 = arith.constant 48 : i32
    %add3A_169 = vector.broadcast %add3A_168 : i32 to vector<16xi32>
    %add3A_170 = arith.addi %add3A_169, %iota3A : vector<16xi32>
    %jit3A_171 = arith.constant 8 : i32
    %div3A_172 = vector.broadcast %jit3A_171 : i32 to vector<16xi32>
    %div3A_173 = arith.divsi %add3A_170, %div3A_172 : vector<16xi32>
    %sign3A_174 = arith.constant 0 : i32
    %sign3A_175 = vector.broadcast %sign3A_174 : i32 to vector<16xi32>
    %sign3A_176 = arith.cmpi sgt, %add3A_170, %sign3A_175 : vector<16xi32>
    %sign3A_177 = arith.extui %sign3A_176 : vector<16xi1> to vector<16xi32>
    %sign3A_178 = arith.constant 0 : i32
    %sign3A_179 = vector.broadcast %sign3A_178 : i32 to vector<16xi32>
    %sign3A_180 = arith.cmpi slt, %add3A_170, %sign3A_179 : vector<16xi32>
    %sign3A_181 = arith.extui %sign3A_180 : vector<16xi1> to vector<16xi32>
    %sign3A_182 = arith.subi %sign3A_177, %sign3A_181 : vector<16xi32>
    %sign3A_183 = arith.constant 0 : i32
    %sign3A_184 = arith.cmpi sgt, %jit3A_171, %sign3A_183 : i32
    %sign3A_185 = arith.extui %sign3A_184 : i1 to i32
    %sign3A_186 = arith.constant 0 : i32
    %sign3A_187 = arith.cmpi slt, %jit3A_171, %sign3A_186 : i32
    %sign3A_188 = arith.extui %sign3A_187 : i1 to i32
    %sign3A_189 = arith.subi %sign3A_185, %sign3A_188 : i32
    %ne3A_190 = vector.broadcast %sign3A_189 : i32 to vector<16xi32>
    %ne3A_191 = arith.cmpi ne, %sign3A_182, %ne3A_190 : vector<16xi32>
    %rem3A_192 = vector.broadcast %jit3A_171 : i32 to vector<16xi32>
    %rem3A_193 = arith.remsi %add3A_170, %rem3A_192 : vector<16xi32>
    %ne3A_194 = arith.constant 0 : i32
    %ne3A_195 = vector.broadcast %ne3A_194 : i32 to vector<16xi32>
    %ne3A_196 = arith.cmpi ne, %rem3A_193, %ne3A_195 : vector<16xi32>
    %and3A_197 = arith.andi %ne3A_191, %ne3A_196 : vector<16xi1>
    %sub3A_198 = arith.constant 1 : i32
    %sub3A_199 = vector.broadcast %sub3A_198 : i32 to vector<16xi32>
    %sub3A_200 = arith.subi %div3A_173, %sub3A_199 : vector<16xi32>
    %select_n3A_201 = arith.select %and3A_197, %sub3A_200, %div3A_173 : vector<16xi1>, vector<16xi32>
    %add3A_202 = arith.constant 48 : i32
    %add3A_203 = vector.broadcast %add3A_202 : i32 to vector<16xi32>
    %add3A_204 = arith.addi %add3A_203, %iota3A : vector<16xi32>
    %jit3A_205 = arith.constant 8 : i32
    %eq3A_206 = arith.constant 0 : i32
    %eq3A_207 = arith.cmpi eq, %jit3A_205, %eq3A_206 : i32
    %jit3A_208 = arith.constant 1 : i32
    %select_n3A_209 = arith.select %eq3A_207, %jit3A_208, %jit3A_205 : i32
    %rem3A_210 = vector.broadcast %select_n3A_209 : i32 to vector<16xi32>
    %rem3A_211 = arith.remsi %add3A_204, %rem3A_210 : vector<16xi32>
    %ne3A_212 = arith.constant 0 : i32
    %ne3A_213 = vector.broadcast %ne3A_212 : i32 to vector<16xi32>
    %ne3A_214 = arith.cmpi ne, %rem3A_211, %ne3A_213 : vector<16xi32>
    %lt3A_215 = arith.constant 0 : i32
    %lt3A_216 = vector.broadcast %lt3A_215 : i32 to vector<16xi32>
    %lt3A_217 = arith.cmpi slt, %rem3A_211, %lt3A_216 : vector<16xi32>
    %lt3A_218 = arith.constant 0 : i32
    %lt3A_219 = arith.cmpi slt, %select_n3A_209, %lt3A_218 : i32
    %ne3A_220 = vector.broadcast %lt3A_219 : i1 to vector<16xi1>
    %ne3A_221 = vector.broadcast %ne3A_220 : vector<16xi1> to vector<16xi1>
    %ne3A_222 = arith.xori %lt3A_217, %ne3A_221 : vector<16xi1>
    %and3A_223 = arith.andi %ne3A_222, %ne3A_214 : vector<16xi1>
    %add3A_224 = vector.broadcast %select_n3A_209 : i32 to vector<16xi32>
    %add3A_225 = arith.addi %rem3A_211, %add3A_224 : vector<16xi32>
    %select_n3A_226 = arith.select %and3A_223, %add3A_225, %rem3A_211 : vector<16xi1>, vector<16xi32>
    %mul3A_227 = arith.constant 128 : i32
    %mul3A_228 = arith.muli %add3A, %mul3A_227 : i32
    %dma_start3A = arith.constant 0 : i32
    %dma_start3A_229 = tpu.memref_slice %arg2[%dma_start3A, %mul3A_228] : memref<200x4096xi32, #tpu.memory_space<hbm>> -> memref<200x128xi32, #tpu.memory_space<hbm>>
    %dma_start3A_230 = arith.constant 0 : i32
    %dma_start3A_231 = tpu.memref_slice %arg2[%dma_start3A_230, %mul3A_228] : memref<200x4096xi32, #tpu.memory_space<hbm>> -> memref<200x128xi32, #tpu.memory_space<hbm>>
    tpu.enqueue_dma source(%dma_start3A_231 : memref<200x128xi32, #tpu.memory_space<hbm>>) target(%arg7 : memref<200x128xi32, #tpu.memory_space<vmem>>) target_semaphore(%arg17 : memref<!tpu.dma_semaphore, #tpu.memory_space<semaphore_mem>>)
    %mul3A_232 = arith.constant 128 : i32
    %mul3A_233 = arith.muli %add3A, %mul3A_232 : i32
    %dma_start3A_234 = arith.constant 0 : i32
    %dma_start3A_235 = tpu.memref_slice %arg3[%dma_start3A_234, %mul3A_233] : memref<200x4096xi32, #tpu.memory_space<hbm>> -> memref<200x128xi32, #tpu.memory_space<hbm>>
    %dma_start3A_236 = arith.constant 0 : i32
    %dma_start3A_237 = tpu.memref_slice %arg3[%dma_start3A_236, %mul3A_233] : memref<200x4096xi32, #tpu.memory_space<hbm>> -> memref<200x128xi32, #tpu.memory_space<hbm>>
    tpu.enqueue_dma source(%dma_start3A_237 : memref<200x128xi32, #tpu.memory_space<hbm>>) target(%arg8 : memref<200x128xi32, #tpu.memory_space<vmem>>) target_semaphore(%arg18 : memref<!tpu.dma_semaphore, #tpu.memory_space<semaphore_mem>>)
    %dma_wait3A = arith.constant 0 : i32
    %dma_wait3A_238 = tpu.memref_slice %arg2[%dma_wait3A, %mul3A_228] : memref<200x4096xi32, #tpu.memory_space<hbm>> -> memref<200x128xi32, #tpu.memory_space<hbm>>
    %dma_wait3A_239 = arith.constant 0 : i32
    %dma_wait3A_240 = tpu.memref_slice %arg2[%dma_wait3A_239, %mul3A_228] : memref<200x4096xi32, #tpu.memory_space<hbm>> -> memref<200x128xi32, #tpu.memory_space<hbm>>
    tpu.wait_dma2 semaphore(%arg17 : memref<!tpu.dma_semaphore, #tpu.memory_space<semaphore_mem>>) src(%dma_wait3A_240 : memref<200x128xi32, #tpu.memory_space<hbm>>) dst(%arg7 : memref<200x128xi32, #tpu.memory_space<vmem>>)
    %dma_start3A_241 = arith.constant 0 : i32
    %dma_start3A_242 = arith.constant 0 : i32
    %dma_start3A_243 = tpu.memref_slice %arg7[%dma_start3A_241, %dma_start3A_242] : memref<200x128xi32, #tpu.memory_space<vmem>> -> memref<1x128xi32, #tpu.memory_space<vmem>>
    %dma_start3A_244 = tpu.memref_squeeze %dma_start3A_243 : memref<1x128xi32, #tpu.memory_space<vmem>> -> memref<128xi32, #tpu.memory_space<vmem>>
    %dma_start3A_245 = arith.constant 0 : i32
    %dma_start3A_246 = arith.constant 0 : i32
    %dma_start3A_247 = tpu.memref_slice %arg4[%dma_start3A_245, %dma_start3A_246] : memref<100001x64xf32, #tpu.memory_space<hbm>> -> memref<100001x64xf32, #tpu.memory_space<hbm>>
    tpu.enqueue_indirect_dma source(%dma_start3A_247 : memref<100001x64xf32, #tpu.memory_space<hbm>>) target(%arg9 : memref<128x64xf32, #tpu.memory_space<vmem>>) offsets(%dma_start3A_244 : memref<128xi32, #tpu.memory_space<vmem>>) semaphore(%arg19 : memref<!tpu.dma_semaphore, #tpu.memory_space<semaphore_mem>>)
    %dma_start3A_248 = arith.constant 1 : i32
    %dma_start3A_249 = arith.constant 0 : i32
    %dma_start3A_250 = tpu.memref_slice %arg7[%dma_start3A_248, %dma_start3A_249] : memref<200x128xi32, #tpu.memory_space<vmem>> -> memref<1x128xi32, #tpu.memory_space<vmem>>
    %dma_start3A_251 = tpu.memref_squeeze %dma_start3A_250 : memref<1x128xi32, #tpu.memory_space<vmem>> -> memref<128xi32, #tpu.memory_space<vmem>>
    %dma_start3A_252 = arith.constant 0 : i32
    %dma_start3A_253 = arith.constant 0 : i32
    %dma_start3A_254 = tpu.memref_slice %arg4[%dma_start3A_252, %dma_start3A_253] : memref<100001x64xf32, #tpu.memory_space<hbm>> -> memref<100001x64xf32, #tpu.memory_space<hbm>>
    tpu.enqueue_indirect_dma source(%dma_start3A_254 : memref<100001x64xf32, #tpu.memory_space<hbm>>) target(%arg10 : memref<128x64xf32, #tpu.memory_space<vmem>>) offsets(%dma_start3A_251 : memref<128xi32, #tpu.memory_space<vmem>>) semaphore(%arg20 : memref<!tpu.dma_semaphore, #tpu.memory_space<semaphore_mem>>)
    %dma_start3A_255 = arith.constant 2 : i32
    %dma_start3A_256 = arith.constant 0 : i32
    %dma_start3A_257 = tpu.memref_slice %arg7[%dma_start3A_255, %dma_start3A_256] : memref<200x128xi32, #tpu.memory_space<vmem>> -> memref<1x128xi32, #tpu.memory_space<vmem>>
    %dma_start3A_258 = tpu.memref_squeeze %dma_start3A_257 : memref<1x128xi32, #tpu.memory_space<vmem>> -> memref<128xi32, #tpu.memory_space<vmem>>
    %dma_start3A_259 = arith.constant 0 : i32
    %dma_start3A_260 = arith.constant 0 : i32
    %dma_start3A_261 = tpu.memref_slice %arg4[%dma_start3A_259, %dma_start3A_260] : memref<100001x64xf32, #tpu.memory_space<hbm>> -> memref<100001x64xf32, #tpu.memory_space<hbm>>
    tpu.enqueue_indirect_dma source(%dma_start3A_261 : memref<100001x64xf32, #tpu.memory_space<hbm>>) target(%arg11 : memref<128x64xf32, #tpu.memory_space<vmem>>) offsets(%dma_start3A_258 : memref<128xi32, #tpu.memory_space<vmem>>) semaphore(%arg21 : memref<!tpu.dma_semaphore, #tpu.memory_space<semaphore_mem>>)
    %scan3A = arith.constant 0 : i32
    %scan3A_262 = arith.constant 50 : i32
    %scan3A_263 = arith.addi %scan3A, %scan3A_262 : i32
    %scan3A_264 = arith.constant 1 : i32
    scf.for %scan3A_448 = %scan3A to %scan3A_263 step %scan3A_264  : i32 {
      %mul3A_449 = arith.constant 4 : i32
      %mul3A_450 = arith.muli %scan3A_448, %mul3A_449 : i32
      %add3A_451 = arith.constant 0 : i32
      %add3A_452 = arith.addi %add3A_451, %mul3A_450 : i32
      %add3A_453 = arith.constant 0 : i32
      %add3A_454 = arith.addi %add3A_452, %add3A_453 : i32
      %dma_wait3A_455 = arith.constant 0 : i32
      %dma_wait3A_456 = arith.constant 0 : i32
      %dma_wait3A_457 = tpu.memref_slice %arg7[%dma_wait3A_455, %dma_wait3A_456] : memref<200x128xi32, #tpu.memory_space<vmem>> -> memref<1x128xi32, #tpu.memory_space<vmem>>
      %dma_wait3A_458 = tpu.memref_squeeze %dma_wait3A_457 : memref<1x128xi32, #tpu.memory_space<vmem>> -> memref<128xi32, #tpu.memory_space<vmem>>
      %dma_wait3A_459 = arith.constant 0 : i32
      %dma_wait3A_460 = arith.constant 0 : i32
      %dma_wait3A_461 = tpu.memref_slice %arg4[%dma_wait3A_459, %dma_wait3A_460] : memref<100001x64xf32, #tpu.memory_space<hbm>> -> memref<100001x64xf32, #tpu.memory_space<hbm>>
      tpu.wait_indirect_dma semaphore(%arg19 : memref<!tpu.dma_semaphore, #tpu.memory_space<semaphore_mem>>) src(%dma_wait3A_461 : memref<100001x64xf32, #tpu.memory_space<hbm>>) dst(%arg9 : memref<128x64xf32, #tpu.memory_space<vmem>>)
      %ge3A = arith.constant 4 : i32
      %ge3A_462 = arith.cmpi sge, %add3A_452, %ge3A : i32
      %convert_element_type3A = arith.extui %ge3A_462 : i1 to i32
      %cond3A = arith.constant 0 : i32
      %cond3A_463 = arith.cmpi ne, %convert_element_type3A, %cond3A : i32
      scf.if %cond3A_463 {
        %dma_wait3A_625 = arith.constant 0 : i32
        %dma_wait3A_626 = arith.constant 0 : i32
        %dma_wait3A_627 = arith.constant 0 : i32
        %dma_wait3A_628 = arith.constant 0 : i32
        %dma_wait3A_629 = tpu.memref_slice %arg13[%dma_wait3A_626, %dma_wait3A_627, %dma_wait3A_628] : memref<8x8x129xf32, #tpu.memory_space<vmem>> -> memref<8x8x128xf32, #tpu.memory_space<vmem>>
        %dma_wait3A_630 = arith.constant 0 : i32
        %dma_wait3A_631 = arith.constant 0 : i32
        %dma_wait3A_632 = arith.constant 0 : i32
        %dma_wait3A_633 = tpu.memref_slice %arg5[%dma_wait3A_625, %dma_wait3A_630, %add3A, %dma_wait3A_631, %dma_wait3A_632] : memref<200x8x32x8x128xf32, #tpu.memory_space<hbm>> -> memref<1x8x1x8x128xf32, #tpu.memory_space<hbm>>
        %dma_wait3A_634 = tpu.memref_squeeze %dma_wait3A_633 : memref<1x8x1x8x128xf32, #tpu.memory_space<hbm>> -> memref<8x8x128xf32, #tpu.memory_space<hbm>>
        %dma_wait3A_635 = arith.constant 0 : i32
        %dma_wait3A_636 = arith.constant 0 : i32
        %dma_wait3A_637 = arith.constant 0 : i32
        %dma_wait3A_638 = tpu.memref_slice %arg5[%dma_wait3A_625, %dma_wait3A_635, %add3A, %dma_wait3A_636, %dma_wait3A_637] : memref<200x8x32x8x128xf32, #tpu.memory_space<hbm>> -> memref<1x8x1x8x128xf32, #tpu.memory_space<hbm>>
        %dma_wait3A_639 = tpu.memref_squeeze %dma_wait3A_638 : memref<1x8x1x8x128xf32, #tpu.memory_space<hbm>> -> memref<8x8x128xf32, #tpu.memory_space<hbm>>
        %dma_wait3A_640 = arith.constant 0 : i32
        %dma_wait3A_641 = arith.constant 0 : i32
        %dma_wait3A_642 = arith.constant 0 : i32
        %dma_wait3A_643 = tpu.memref_slice %arg13[%dma_wait3A_640, %dma_wait3A_641, %dma_wait3A_642] : memref<8x8x129xf32, #tpu.memory_space<vmem>> -> memref<8x8x128xf32, #tpu.memory_space<vmem>>
        tpu.wait_dma2 semaphore(%arg23 : memref<!tpu.dma_semaphore, #tpu.memory_space<semaphore_mem>>) src(%dma_wait3A_643 : memref<8x8x128xf32, #tpu.memory_space<vmem>>) dst(%dma_wait3A_639 : memref<8x8x128xf32, #tpu.memory_space<hbm>>)
      } else {
      }
      %add3A_464 = arith.constant 4 : i32
      %add3A_465 = arith.addi %add3A_454, %add3A_464 : i32
      %sub3A_466 = arith.constant 1 : i32
      %sub3A_467 = arith.subi %add3A_465, %sub3A_466 : i32
      %lt3A_468 = arith.constant 200 : i32
      %lt3A_469 = arith.cmpi slt, %sub3A_467, %lt3A_468 : i32
      %convert_element_type3A_470 = arith.extui %lt3A_469 : i1 to i32
      %cond3A_471 = arith.constant 0 : i32
      %cond3A_472 = arith.cmpi ne, %convert_element_type3A_470, %cond3A_471 : i32
      scf.if %cond3A_472 {
        %add3A_625 = arith.constant 4 : i32
        %add3A_626 = arith.addi %add3A_454, %add3A_625 : i32
        %sub3A_627 = arith.constant 1 : i32
        %sub3A_628 = arith.subi %add3A_626, %sub3A_627 : i32
        %dma_start3A_629 = arith.constant 0 : i32
        %dma_start3A_630 = tpu.memref_slice %arg7[%sub3A_628, %dma_start3A_629] : memref<200x128xi32, #tpu.memory_space<vmem>> -> memref<1x128xi32, #tpu.memory_space<vmem>>
        %dma_start3A_631 = tpu.memref_squeeze %dma_start3A_630 : memref<1x128xi32, #tpu.memory_space<vmem>> -> memref<128xi32, #tpu.memory_space<vmem>>
        %dma_start3A_632 = arith.constant 0 : i32
        %dma_start3A_633 = arith.constant 0 : i32
        %dma_start3A_634 = tpu.memref_slice %arg4[%dma_start3A_632, %dma_start3A_633] : memref<100001x64xf32, #tpu.memory_space<hbm>> -> memref<100001x64xf32, #tpu.memory_space<hbm>>
        tpu.enqueue_indirect_dma source(%dma_start3A_634 : memref<100001x64xf32, #tpu.memory_space<hbm>>) target(%arg12 : memref<128x64xf32, #tpu.memory_space<vmem>>) offsets(%dma_start3A_631 : memref<128xi32, #tpu.memory_space<vmem>>) semaphore(%arg22 : memref<!tpu.dma_semaphore, #tpu.memory_space<semaphore_mem>>)
      } else {
      }
      %parallel_loop3A = arith.constant 0 : i32
      %parallel_loop3A_473 = arith.constant 128 : i32
      %parallel_loop3A_474 = arith.constant 1 : i32
      scf.for %parallel_loop3A_625 = %parallel_loop3A to %parallel_loop3A_473 step %parallel_loop3A_474  : i32 {
        %parallel_loop3A_626 = arith.constant 0 : i32
        %parallel_loop3A_627 = vector.broadcast %parallel_loop3A_626 : i32 to vector<16xi32>
        %parallel_loop3A_628 = vector.broadcast %parallel_loop3A_625 : i32 to vector<16xi32>
        %parallel_loop3A_629 = arith.addi %parallel_loop3A_627, %parallel_loop3A_628 : vector<16xi32>
        %parallel_loop3A_630 = arith.index_cast %parallel_loop3A_625 : i32 to index
        %parallel_loop3A_631 = arith.constant 0 : index
        %parallel_loop3A_632 = tpu.vector_load %arg9[%parallel_loop3A_630, %parallel_loop3A_631] {strides = array<i32>} : memref<128x64xf32, #tpu.memory_space<vmem>>, vector<16xf32>,
        tpu.vector_store_idx %arg13[%select_n3A, %select_n3A_49, %parallel_loop3A_629], %parallel_loop3A_632 : memref<8x8x129xf32, #tpu.memory_space<vmem>>[vector<16xi32>, vector<16xi32>, vector<16xi32>], vector<16xf32>,
        %parallel_loop3A_633 = arith.index_cast %parallel_loop3A_625 : i32 to index
        %parallel_loop3A_634 = arith.constant 16 : index
        %parallel_loop3A_635 = tpu.vector_load %arg9[%parallel_loop3A_633, %parallel_loop3A_634] {strides = array<i32>} : memref<128x64xf32, #tpu.memory_space<vmem>>, vector<16xf32>,
        tpu.vector_store_idx %arg13[%select_n3A_83, %select_n3A_108, %parallel_loop3A_629], %parallel_loop3A_635 : memref<8x8x129xf32, #tpu.memory_space<vmem>>[vector<16xi32>, vector<16xi32>, vector<16xi32>], vector<16xf32>,
        %parallel_loop3A_636 = arith.index_cast %parallel_loop3A_625 : i32 to index
        %parallel_loop3A_637 = arith.constant 32 : index
        %parallel_loop3A_638 = tpu.vector_load %arg9[%parallel_loop3A_636, %parallel_loop3A_637] {strides = array<i32>} : memref<128x64xf32, #tpu.memory_space<vmem>>, vector<16xf32>,
        tpu.vector_store_idx %arg13[%select_n3A_142, %select_n3A_167, %parallel_loop3A_629], %parallel_loop3A_638 : memref<8x8x129xf32, #tpu.memory_space<vmem>>[vector<16xi32>, vector<16xi32>, vector<16xi32>], vector<16xf32>,
        %parallel_loop3A_639 = arith.index_cast %parallel_loop3A_625 : i32 to index
        %parallel_loop3A_640 = arith.constant 48 : index
        %parallel_loop3A_641 = tpu.vector_load %arg9[%parallel_loop3A_639, %parallel_loop3A_640] {strides = array<i32>} : memref<128x64xf32, #tpu.memory_space<vmem>>, vector<16xf32>,
        tpu.vector_store_idx %arg13[%select_n3A_201, %select_n3A_226, %parallel_loop3A_629], %parallel_loop3A_641 : memref<8x8x129xf32, #tpu.memory_space<vmem>>[vector<16xi32>, vector<16xi32>, vector<16xi32>], vector<16xf32>,
      } {sc.loop_unroll_factor = 8 : i64, sc.parallel_access}
      %dma_start3A_475 = arith.constant 0 : i32
      %dma_start3A_476 = arith.constant 0 : i32
      %dma_start3A_477 = arith.constant 0 : i32
      %dma_start3A_478 = tpu.memref_slice %arg13[%dma_start3A_475, %dma_start3A_476, %dma_start3A_477] : memref<8x8x129xf32, #tpu.memory_space<vmem>> -> memref<8x8x128xf32, #tpu.memory_space<vmem>>
      %dma_start3A_479 = arith.constant 0 : i32
      %dma_start3A_480 = arith.constant 0 : i32
      %dma_start3A_481 = arith.constant 0 : i32
      %dma_start3A_482 = tpu.memref_slice %arg5[%add3A_454, %dma_start3A_479, %add3A, %dma_start3A_480, %dma_start3A_481] : memref<200x8x32x8x128xf32, #tpu.memory_space<hbm>> -> memref<1x8x1x8x128xf32, #tpu.memory_space<hbm>>
      %dma_start3A_483 = tpu.memref_squeeze %dma_start3A_482 : memref<1x8x1x8x128xf32, #tpu.memory_space<hbm>> -> memref<8x8x128xf32, #tpu.memory_space<hbm>>
      %dma_start3A_484 = arith.constant 0 : i32
      %dma_start3A_485 = arith.constant 0 : i32
      %dma_start3A_486 = arith.constant 0 : i32
      %dma_start3A_487 = tpu.memref_slice %arg5[%add3A_454, %dma_start3A_484, %add3A, %dma_start3A_485, %dma_start3A_486] : memref<200x8x32x8x128xf32, #tpu.memory_space<hbm>> -> memref<1x8x1x8x128xf32, #tpu.memory_space<hbm>>
      %dma_start3A_488 = tpu.memref_squeeze %dma_start3A_487 : memref<1x8x1x8x128xf32, #tpu.memory_space<hbm>> -> memref<8x8x128xf32, #tpu.memory_space<hbm>>
      %dma_start3A_489 = arith.constant 0 : i32
      %dma_start3A_490 = arith.constant 0 : i32
      %dma_start3A_491 = arith.constant 0 : i32
      %dma_start3A_492 = tpu.memref_slice %arg13[%dma_start3A_489, %dma_start3A_490, %dma_start3A_491] : memref<8x8x129xf32, #tpu.memory_space<vmem>> -> memref<8x8x128xf32, #tpu.memory_space<vmem>>
      tpu.enqueue_dma source(%dma_start3A_492 : memref<8x8x128xf32, #tpu.memory_space<vmem>>) target(%dma_start3A_488 : memref<8x8x128xf32, #tpu.memory_space<hbm>>) target_semaphore(%arg23 : memref<!tpu.dma_semaphore, #tpu.memory_space<semaphore_mem>>)
      %add3A_493 = arith.constant 1 : i32
      %add3A_494 = arith.addi %add3A_452, %add3A_493 : i32
      %dma_wait3A_495 = arith.constant 0 : i32
      %dma_wait3A_496 = arith.constant 0 : i32
      %dma_wait3A_497 = tpu.memref_slice %arg7[%dma_wait3A_495, %dma_wait3A_496] : memref<200x128xi32, #tpu.memory_space<vmem>> -> memref<1x128xi32, #tpu.memory_space<vmem>>
      %dma_wait3A_498 = tpu.memref_squeeze %dma_wait3A_497 : memref<1x128xi32, #tpu.memory_space<vmem>> -> memref<128xi32, #tpu.memory_space<vmem>>
      %dma_wait3A_499 = arith.constant 0 : i32
      %dma_wait3A_500 = arith.constant 0 : i32
      %dma_wait3A_501 = tpu.memref_slice %arg4[%dma_wait3A_499, %dma_wait3A_500] : memref<100001x64xf32, #tpu.memory_space<hbm>> -> memref<100001x64xf32, #tpu.memory_space<hbm>>
      tpu.wait_indirect_dma semaphore(%arg20 : memref<!tpu.dma_semaphore, #tpu.memory_space<semaphore_mem>>) src(%dma_wait3A_501 : memref<100001x64xf32, #tpu.memory_space<hbm>>) dst(%arg10 : memref<128x64xf32, #tpu.memory_space<vmem>>)
      %ge3A_502 = arith.constant 4 : i32
      %ge3A_503 = arith.cmpi sge, %add3A_452, %ge3A_502 : i32
      %convert_element_type3A_504 = arith.extui %ge3A_503 : i1 to i32
      %cond3A_505 = arith.constant 0 : i32
      %cond3A_506 = arith.cmpi ne, %convert_element_type3A_504, %cond3A_505 : i32
      scf.if %cond3A_506 {
        %dma_wait3A_625 = arith.constant 0 : i32
        %dma_wait3A_626 = arith.constant 0 : i32
        %dma_wait3A_627 = arith.constant 0 : i32
        %dma_wait3A_628 = arith.constant 0 : i32
        %dma_wait3A_629 = tpu.memref_slice %arg14[%dma_wait3A_626, %dma_wait3A_627, %dma_wait3A_628] : memref<8x8x129xf32, #tpu.memory_space<vmem>> -> memref<8x8x128xf32, #tpu.memory_space<vmem>>
        %dma_wait3A_630 = arith.constant 0 : i32
        %dma_wait3A_631 = arith.constant 0 : i32
        %dma_wait3A_632 = arith.constant 0 : i32
        %dma_wait3A_633 = tpu.memref_slice %arg5[%dma_wait3A_625, %dma_wait3A_630, %add3A, %dma_wait3A_631, %dma_wait3A_632] : memref<200x8x32x8x128xf32, #tpu.memory_space<hbm>> -> memref<1x8x1x8x128xf32, #tpu.memory_space<hbm>>
        %dma_wait3A_634 = tpu.memref_squeeze %dma_wait3A_633 : memref<1x8x1x8x128xf32, #tpu.memory_space<hbm>> -> memref<8x8x128xf32, #tpu.memory_space<hbm>>
        %dma_wait3A_635 = arith.constant 0 : i32
        %dma_wait3A_636 = arith.constant 0 : i32
        %dma_wait3A_637 = arith.constant 0 : i32
        %dma_wait3A_638 = tpu.memref_slice %arg5[%dma_wait3A_625, %dma_wait3A_635, %add3A, %dma_wait3A_636, %dma_wait3A_637] : memref<200x8x32x8x128xf32, #tpu.memory_space<hbm>> -> memref<1x8x1x8x128xf32, #tpu.memory_space<hbm>>
        %dma_wait3A_639 = tpu.memref_squeeze %dma_wait3A_638 : memref<1x8x1x8x128xf32, #tpu.memory_space<hbm>> -> memref<8x8x128xf32, #tpu.memory_space<hbm>>
        %dma_wait3A_640 = arith.constant 0 : i32
        %dma_wait3A_641 = arith.constant 0 : i32
        %dma_wait3A_642 = arith.constant 0 : i32
        %dma_wait3A_643 = tpu.memref_slice %arg14[%dma_wait3A_640, %dma_wait3A_641, %dma_wait3A_642] : memref<8x8x129xf32, #tpu.memory_space<vmem>> -> memref<8x8x128xf32, #tpu.memory_space<vmem>>
        tpu.wait_dma2 semaphore(%arg24 : memref<!tpu.dma_semaphore, #tpu.memory_space<semaphore_mem>>) src(%dma_wait3A_643 : memref<8x8x128xf32, #tpu.memory_space<vmem>>) dst(%dma_wait3A_639 : memref<8x8x128xf32, #tpu.memory_space<hbm>>)
      } else {
      }
      %add3A_507 = arith.constant 4 : i32
      %add3A_508 = arith.addi %add3A_494, %add3A_507 : i32
      %sub3A_509 = arith.constant 1 : i32
      %sub3A_510 = arith.subi %add3A_508, %sub3A_509 : i32
      %lt3A_511 = arith.constant 200 : i32
      %lt3A_512 = arith.cmpi slt, %sub3A_510, %lt3A_511 : i32
      %convert_element_type3A_513 = arith.extui %lt3A_512 : i1 to i32
      %cond3A_514 = arith.constant 0 : i32
      %cond3A_515 = arith.cmpi ne, %convert_element_type3A_513, %cond3A_514 : i32
      scf.if %cond3A_515 {
        %add3A_625 = arith.constant 4 : i32
        %add3A_626 = arith.addi %add3A_494, %add3A_625 : i32
        %sub3A_627 = arith.constant 1 : i32
        %sub3A_628 = arith.subi %add3A_626, %sub3A_627 : i32
        %dma_start3A_629 = arith.constant 0 : i32
        %dma_start3A_630 = tpu.memref_slice %arg7[%sub3A_628, %dma_start3A_629] : memref<200x128xi32, #tpu.memory_space<vmem>> -> memref<1x128xi32, #tpu.memory_space<vmem>>
        %dma_start3A_631 = tpu.memref_squeeze %dma_start3A_630 : memref<1x128xi32, #tpu.memory_space<vmem>> -> memref<128xi32, #tpu.memory_space<vmem>>
        %dma_start3A_632 = arith.constant 0 : i32
        %dma_start3A_633 = arith.constant 0 : i32
        %dma_start3A_634 = tpu.memref_slice %arg4[%dma_start3A_632, %dma_start3A_633] : memref<100001x64xf32, #tpu.memory_space<hbm>> -> memref<100001x64xf32, #tpu.memory_space<hbm>>
        tpu.enqueue_indirect_dma source(%dma_start3A_634 : memref<100001x64xf32, #tpu.memory_space<hbm>>) target(%arg9 : memref<128x64xf32, #tpu.memory_space<vmem>>) offsets(%dma_start3A_631 : memref<128xi32, #tpu.memory_space<vmem>>) semaphore(%arg19 : memref<!tpu.dma_semaphore, #tpu.memory_space<semaphore_mem>>)
      } else {
      }
      %parallel_loop3A_516 = arith.constant 0 : i32
      %parallel_loop3A_517 = arith.constant 128 : i32
      %parallel_loop3A_518 = arith.constant 1 : i32
      scf.for %parallel_loop3A_625 = %parallel_loop3A_516 to %parallel_loop3A_517 step %parallel_loop3A_518  : i32 {
        %parallel_loop3A_626 = arith.constant 0 : i32
        %parallel_loop3A_627 = vector.broadcast %parallel_loop3A_626 : i32 to vector<16xi32>
        %parallel_loop3A_628 = vector.broadcast %parallel_loop3A_625 : i32 to vector<16xi32>
        %parallel_loop3A_629 = arith.addi %parallel_loop3A_627, %parallel_loop3A_628 : vector<16xi32>
        %parallel_loop3A_630 = arith.index_cast %parallel_loop3A_625 : i32 to index
        %parallel_loop3A_631 = arith.constant 0 : index
        %parallel_loop3A_632 = tpu.vector_load %arg10[%parallel_loop3A_630, %parallel_loop3A_631] {strides = array<i32>} : memref<128x64xf32, #tpu.memory_space<vmem>>, vector<16xf32>,
        tpu.vector_store_idx %arg14[%select_n3A, %select_n3A_49, %parallel_loop3A_629], %parallel_loop3A_632 : memref<8x8x129xf32, #tpu.memory_space<vmem>>[vector<16xi32>, vector<16xi32>, vector<16xi32>], vector<16xf32>,
        %parallel_loop3A_633 = arith.index_cast %parallel_loop3A_625 : i32 to index
        %parallel_loop3A_634 = arith.constant 16 : index
        %parallel_loop3A_635 = tpu.vector_load %arg10[%parallel_loop3A_633, %parallel_loop3A_634] {strides = array<i32>} : memref<128x64xf32, #tpu.memory_space<vmem>>, vector<16xf32>,
        tpu.vector_store_idx %arg14[%select_n3A_83, %select_n3A_108, %parallel_loop3A_629], %parallel_loop3A_635 : memref<8x8x129xf32, #tpu.memory_space<vmem>>[vector<16xi32>, vector<16xi32>, vector<16xi32>], vector<16xf32>,
        %parallel_loop3A_636 = arith.index_cast %parallel_loop3A_625 : i32 to index
        %parallel_loop3A_637 = arith.constant 32 : index
        %parallel_loop3A_638 = tpu.vector_load %arg10[%parallel_loop3A_636, %parallel_loop3A_637] {strides = array<i32>} : memref<128x64xf32, #tpu.memory_space<vmem>>, vector<16xf32>,
        tpu.vector_store_idx %arg14[%select_n3A_142, %select_n3A_167, %parallel_loop3A_629], %parallel_loop3A_638 : memref<8x8x129xf32, #tpu.memory_space<vmem>>[vector<16xi32>, vector<16xi32>, vector<16xi32>], vector<16xf32>,
        %parallel_loop3A_639 = arith.index_cast %parallel_loop3A_625 : i32 to index
        %parallel_loop3A_640 = arith.constant 48 : index
        %parallel_loop3A_641 = tpu.vector_load %arg10[%parallel_loop3A_639, %parallel_loop3A_640] {strides = array<i32>} : memref<128x64xf32, #tpu.memory_space<vmem>>, vector<16xf32>,
        tpu.vector_store_idx %arg14[%select_n3A_201, %select_n3A_226, %parallel_loop3A_629], %parallel_loop3A_641 : memref<8x8x129xf32, #tpu.memory_space<vmem>>[vector<16xi32>, vector<16xi32>, vector<16xi32>], vector<16xf32>,
      } {sc.loop_unroll_factor = 8 : i64, sc.parallel_access}
      %dma_start3A_519 = arith.constant 0 : i32
      %dma_start3A_520 = arith.constant 0 : i32
      %dma_start3A_521 = arith.constant 0 : i32
      %dma_start3A_522 = tpu.memref_slice %arg14[%dma_start3A_519, %dma_start3A_520, %dma_start3A_521] : memref<8x8x129xf32, #tpu.memory_space<vmem>> -> memref<8x8x128xf32, #tpu.memory_space<vmem>>
      %dma_start3A_523 = arith.constant 0 : i32
      %dma_start3A_524 = arith.constant 0 : i32
      %dma_start3A_525 = arith.constant 0 : i32
      %dma_start3A_526 = tpu.memref_slice %arg5[%add3A_494, %dma_start3A_523, %add3A, %dma_start3A_524, %dma_start3A_525] : memref<200x8x32x8x128xf32, #tpu.memory_space<hbm>> -> memref<1x8x1x8x128xf32, #tpu.memory_space<hbm>>
      %dma_start3A_527 = tpu.memref_squeeze %dma_start3A_526 : memref<1x8x1x8x128xf32, #tpu.memory_space<hbm>> -> memref<8x8x128xf32, #tpu.memory_space<hbm>>
      %dma_start3A_528 = arith.constant 0 : i32
      %dma_start3A_529 = arith.constant 0 : i32
      %dma_start3A_530 = arith.constant 0 : i32
      %dma_start3A_531 = tpu.memref_slice %arg5[%add3A_494, %dma_start3A_528, %add3A, %dma_start3A_529, %dma_start3A_530] : memref<200x8x32x8x128xf32, #tpu.memory_space<hbm>> -> memref<1x8x1x8x128xf32, #tpu.memory_space<hbm>>
      %dma_start3A_532 = tpu.memref_squeeze %dma_start3A_531 : memref<1x8x1x8x128xf32, #tpu.memory_space<hbm>> -> memref<8x8x128xf32, #tpu.memory_space<hbm>>
      %dma_start3A_533 = arith.constant 0 : i32
      %dma_start3A_534 = arith.constant 0 : i32
      %dma_start3A_535 = arith.constant 0 : i32
      %dma_start3A_536 = tpu.memref_slice %arg14[%dma_start3A_533, %dma_start3A_534, %dma_start3A_535] : memref<8x8x129xf32, #tpu.memory_space<vmem>> -> memref<8x8x128xf32, #tpu.memory_space<vmem>>
      tpu.enqueue_dma source(%dma_start3A_536 : memref<8x8x128xf32, #tpu.memory_space<vmem>>) target(%dma_start3A_532 : memref<8x8x128xf32, #tpu.memory_space<hbm>>) target_semaphore(%arg24 : memref<!tpu.dma_semaphore, #tpu.memory_space<semaphore_mem>>)
      %add3A_537 = arith.constant 2 : i32
      %add3A_538 = arith.addi %add3A_452, %add3A_537 : i32
      %dma_wait3A_539 = arith.constant 0 : i32
      %dma_wait3A_540 = arith.constant 0 : i32
      %dma_wait3A_541 = tpu.memref_slice %arg7[%dma_wait3A_539, %dma_wait3A_540] : memref<200x128xi32, #tpu.memory_space<vmem>> -> memref<1x128xi32, #tpu.memory_space<vmem>>
      %dma_wait3A_542 = tpu.memref_squeeze %dma_wait3A_541 : memref<1x128xi32, #tpu.memory_space<vmem>> -> memref<128xi32, #tpu.memory_space<vmem>>
      %dma_wait3A_543 = arith.constant 0 : i32
      %dma_wait3A_544 = arith.constant 0 : i32
      %dma_wait3A_545 = tpu.memref_slice %arg4[%dma_wait3A_543, %dma_wait3A_544] : memref<100001x64xf32, #tpu.memory_space<hbm>> -> memref<100001x64xf32, #tpu.memory_space<hbm>>
      tpu.wait_indirect_dma semaphore(%arg21 : memref<!tpu.dma_semaphore, #tpu.memory_space<semaphore_mem>>) src(%dma_wait3A_545 : memref<100001x64xf32, #tpu.memory_space<hbm>>) dst(%arg11 : memref<128x64xf32, #tpu.memory_space<vmem>>)
      %ge3A_546 = arith.constant 4 : i32
      %ge3A_547 = arith.cmpi sge, %add3A_452, %ge3A_546 : i32
      %convert_element_type3A_548 = arith.extui %ge3A_547 : i1 to i32
      %cond3A_549 = arith.constant 0 : i32
      %cond3A_550 = arith.cmpi ne, %convert_element_type3A_548, %cond3A_549 : i32
      scf.if %cond3A_550 {
        %dma_wait3A_625 = arith.constant 0 : i32
        %dma_wait3A_626 = arith.constant 0 : i32
        %dma_wait3A_627 = arith.constant 0 : i32
        %dma_wait3A_628 = arith.constant 0 : i32
        %dma_wait3A_629 = tpu.memref_slice %arg15[%dma_wait3A_626, %dma_wait3A_627, %dma_wait3A_628] : memref<8x8x129xf32, #tpu.memory_space<vmem>> -> memref<8x8x128xf32, #tpu.memory_space<vmem>>
        %dma_wait3A_630 = arith.constant 0 : i32
        %dma_wait3A_631 = arith.constant 0 : i32
        %dma_wait3A_632 = arith.constant 0 : i32
        %dma_wait3A_633 = tpu.memref_slice %arg5[%dma_wait3A_625, %dma_wait3A_630, %add3A, %dma_wait3A_631, %dma_wait3A_632] : memref<200x8x32x8x128xf32, #tpu.memory_space<hbm>> -> memref<1x8x1x8x128xf32, #tpu.memory_space<hbm>>
        %dma_wait3A_634 = tpu.memref_squeeze %dma_wait3A_633 : memref<1x8x1x8x128xf32, #tpu.memory_space<hbm>> -> memref<8x8x128xf32, #tpu.memory_space<hbm>>
        %dma_wait3A_635 = arith.constant 0 : i32
        %dma_wait3A_636 = arith.constant 0 : i32
        %dma_wait3A_637 = arith.constant 0 : i32
        %dma_wait3A_638 = tpu.memref_slice %arg5[%dma_wait3A_625, %dma_wait3A_635, %add3A, %dma_wait3A_636, %dma_wait3A_637] : memref<200x8x32x8x128xf32, #tpu.memory_space<hbm>> -> memref<1x8x1x8x128xf32, #tpu.memory_space<hbm>>
        %dma_wait3A_639 = tpu.memref_squeeze %dma_wait3A_638 : memref<1x8x1x8x128xf32, #tpu.memory_space<hbm>> -> memref<8x8x128xf32, #tpu.memory_space<hbm>>
        %dma_wait3A_640 = arith.constant 0 : i32
        %dma_wait3A_641 = arith.constant 0 : i32
        %dma_wait3A_642 = arith.constant 0 : i32
        %dma_wait3A_643 = tpu.memref_slice %arg15[%dma_wait3A_640, %dma_wait3A_641, %dma_wait3A_642] : memref<8x8x129xf32, #tpu.memory_space<vmem>> -> memref<8x8x128xf32, #tpu.memory_space<vmem>>
        tpu.wait_dma2 semaphore(%arg25 : memref<!tpu.dma_semaphore, #tpu.memory_space<semaphore_mem>>) src(%dma_wait3A_643 : memref<8x8x128xf32, #tpu.memory_space<vmem>>) dst(%dma_wait3A_639 : memref<8x8x128xf32, #tpu.memory_space<hbm>>)
      } else {
      }
      %add3A_551 = arith.constant 4 : i32
      %add3A_552 = arith.addi %add3A_538, %add3A_551 : i32
      %sub3A_553 = arith.constant 1 : i32
      %sub3A_554 = arith.subi %add3A_552, %sub3A_553 : i32
      %lt3A_555 = arith.constant 200 : i32
      %lt3A_556 = arith.cmpi slt, %sub3A_554, %lt3A_555 : i32
      %convert_element_type3A_557 = arith.extui %lt3A_556 : i1 to i32
      %cond3A_558 = arith.constant 0 : i32
      %cond3A_559 = arith.cmpi ne, %convert_element_type3A_557, %cond3A_558 : i32
      scf.if %cond3A_559 {
        %add3A_625 = arith.constant 4 : i32
        %add3A_626 = arith.addi %add3A_538, %add3A_625 : i32
        %sub3A_627 = arith.constant 1 : i32
        %sub3A_628 = arith.subi %add3A_626, %sub3A_627 : i32
        %dma_start3A_629 = arith.constant 0 : i32
        %dma_start3A_630 = tpu.memref_slice %arg7[%sub3A_628, %dma_start3A_629] : memref<200x128xi32, #tpu.memory_space<vmem>> -> memref<1x128xi32, #tpu.memory_space<vmem>>
        %dma_start3A_631 = tpu.memref_squeeze %dma_start3A_630 : memref<1x128xi32, #tpu.memory_space<vmem>> -> memref<128xi32, #tpu.memory_space<vmem>>
        %dma_start3A_632 = arith.constant 0 : i32
        %dma_start3A_633 = arith.constant 0 : i32
        %dma_start3A_634 = tpu.memref_slice %arg4[%dma_start3A_632, %dma_start3A_633] : memref<100001x64xf32, #tpu.memory_space<hbm>> -> memref<100001x64xf32, #tpu.memory_space<hbm>>
        tpu.enqueue_indirect_dma source(%dma_start3A_634 : memref<100001x64xf32, #tpu.memory_space<hbm>>) target(%arg10 : memref<128x64xf32, #tpu.memory_space<vmem>>) offsets(%dma_start3A_631 : memref<128xi32, #tpu.memory_space<vmem>>) semaphore(%arg20 : memref<!tpu.dma_semaphore, #tpu.memory_space<semaphore_mem>>)
      } else {
      }
      %parallel_loop3A_560 = arith.constant 0 : i32
      %parallel_loop3A_561 = arith.constant 128 : i32
      %parallel_loop3A_562 = arith.constant 1 : i32
      scf.for %parallel_loop3A_625 = %parallel_loop3A_560 to %parallel_loop3A_561 step %parallel_loop3A_562  : i32 {
        %parallel_loop3A_626 = arith.constant 0 : i32
        %parallel_loop3A_627 = vector.broadcast %parallel_loop3A_626 : i32 to vector<16xi32>
        %parallel_loop3A_628 = vector.broadcast %parallel_loop3A_625 : i32 to vector<16xi32>
        %parallel_loop3A_629 = arith.addi %parallel_loop3A_627, %parallel_loop3A_628 : vector<16xi32>
        %parallel_loop3A_630 = arith.index_cast %parallel_loop3A_625 : i32 to index
        %parallel_loop3A_631 = arith.constant 0 : index
        %parallel_loop3A_632 = tpu.vector_load %arg11[%parallel_loop3A_630, %parallel_loop3A_631] {strides = array<i32>} : memref<128x64xf32, #tpu.memory_space<vmem>>, vector<16xf32>,
        tpu.vector_store_idx %arg15[%select_n3A, %select_n3A_49, %parallel_loop3A_629], %parallel_loop3A_632 : memref<8x8x129xf32, #tpu.memory_space<vmem>>[vector<16xi32>, vector<16xi32>, vector<16xi32>], vector<16xf32>,
        %parallel_loop3A_633 = arith.index_cast %parallel_loop3A_625 : i32 to index
        %parallel_loop3A_634 = arith.constant 16 : index
        %parallel_loop3A_635 = tpu.vector_load %arg11[%parallel_loop3A_633, %parallel_loop3A_634] {strides = array<i32>} : memref<128x64xf32, #tpu.memory_space<vmem>>, vector<16xf32>,
        tpu.vector_store_idx %arg15[%select_n3A_83, %select_n3A_108, %parallel_loop3A_629], %parallel_loop3A_635 : memref<8x8x129xf32, #tpu.memory_space<vmem>>[vector<16xi32>, vector<16xi32>, vector<16xi32>], vector<16xf32>,
        %parallel_loop3A_636 = arith.index_cast %parallel_loop3A_625 : i32 to index
        %parallel_loop3A_637 = arith.constant 32 : index
        %parallel_loop3A_638 = tpu.vector_load %arg11[%parallel_loop3A_636, %parallel_loop3A_637] {strides = array<i32>} : memref<128x64xf32, #tpu.memory_space<vmem>>, vector<16xf32>,
        tpu.vector_store_idx %arg15[%select_n3A_142, %select_n3A_167, %parallel_loop3A_629], %parallel_loop3A_638 : memref<8x8x129xf32, #tpu.memory_space<vmem>>[vector<16xi32>, vector<16xi32>, vector<16xi32>], vector<16xf32>,
        %parallel_loop3A_639 = arith.index_cast %parallel_loop3A_625 : i32 to index
        %parallel_loop3A_640 = arith.constant 48 : index
        %parallel_loop3A_641 = tpu.vector_load %arg11[%parallel_loop3A_639, %parallel_loop3A_640] {strides = array<i32>} : memref<128x64xf32, #tpu.memory_space<vmem>>, vector<16xf32>,
        tpu.vector_store_idx %arg15[%select_n3A_201, %select_n3A_226, %parallel_loop3A_629], %parallel_loop3A_641 : memref<8x8x129xf32, #tpu.memory_space<vmem>>[vector<16xi32>, vector<16xi32>, vector<16xi32>], vector<16xf32>,
      } {sc.loop_unroll_factor = 8 : i64, sc.parallel_access}
      %dma_start3A_563 = arith.constant 0 : i32
      %dma_start3A_564 = arith.constant 0 : i32
      %dma_start3A_565 = arith.constant 0 : i32
      %dma_start3A_566 = tpu.memref_slice %arg15[%dma_start3A_563, %dma_start3A_564, %dma_start3A_565] : memref<8x8x129xf32, #tpu.memory_space<vmem>> -> memref<8x8x128xf32, #tpu.memory_space<vmem>>
      %dma_start3A_567 = arith.constant 0 : i32
      %dma_start3A_568 = arith.constant 0 : i32
      %dma_start3A_569 = arith.constant 0 : i32
      %dma_start3A_570 = tpu.memref_slice %arg5[%add3A_538, %dma_start3A_567, %add3A, %dma_start3A_568, %dma_start3A_569] : memref<200x8x32x8x128xf32, #tpu.memory_space<hbm>> -> memref<1x8x1x8x128xf32, #tpu.memory_space<hbm>>
      %dma_start3A_571 = tpu.memref_squeeze %dma_start3A_570 : memref<1x8x1x8x128xf32, #tpu.memory_space<hbm>> -> memref<8x8x128xf32, #tpu.memory_space<hbm>>
      %dma_start3A_572 = arith.constant 0 : i32
      %dma_start3A_573 = arith.constant 0 : i32
      %dma_start3A_574 = arith.constant 0 : i32
      %dma_start3A_575 = tpu.memref_slice %arg5[%add3A_538, %dma_start3A_572, %add3A, %dma_start3A_573, %dma_start3A_574] : memref<200x8x32x8x128xf32, #tpu.memory_space<hbm>> -> memref<1x8x1x8x128xf32, #tpu.memory_space<hbm>>
      %dma_start3A_576 = tpu.memref_squeeze %dma_start3A_575 : memref<1x8x1x8x128xf32, #tpu.memory_space<hbm>> -> memref<8x8x128xf32, #tpu.memory_space<hbm>>
      %dma_start3A_577 = arith.constant 0 : i32
      %dma_start3A_578 = arith.constant 0 : i32
      %dma_start3A_579 = arith.constant 0 : i32
      %dma_start3A_580 = tpu.memref_slice %arg15[%dma_start3A_577, %dma_start3A_578, %dma_start3A_579] : memref<8x8x129xf32, #tpu.memory_space<vmem>> -> memref<8x8x128xf32, #tpu.memory_space<vmem>>
      tpu.enqueue_dma source(%dma_start3A_580 : memref<8x8x128xf32, #tpu.memory_space<vmem>>) target(%dma_start3A_576 : memref<8x8x128xf32, #tpu.memory_space<hbm>>) target_semaphore(%arg25 : memref<!tpu.dma_semaphore, #tpu.memory_space<semaphore_mem>>)
      %add3A_581 = arith.constant 3 : i32
      %add3A_582 = arith.addi %add3A_452, %add3A_581 : i32
      %dma_wait3A_583 = arith.constant 0 : i32
      %dma_wait3A_584 = arith.constant 0 : i32
      %dma_wait3A_585 = tpu.memref_slice %arg7[%dma_wait3A_583, %dma_wait3A_584] : memref<200x128xi32, #tpu.memory_space<vmem>> -> memref<1x128xi32, #tpu.memory_space<vmem>>
      %dma_wait3A_586 = tpu.memref_squeeze %dma_wait3A_585 : memref<1x128xi32, #tpu.memory_space<vmem>> -> memref<128xi32, #tpu.memory_space<vmem>>
      %dma_wait3A_587 = arith.constant 0 : i32
      %dma_wait3A_588 = arith.constant 0 : i32
      %dma_wait3A_589 = tpu.memref_slice %arg4[%dma_wait3A_587, %dma_wait3A_588] : memref<100001x64xf32, #tpu.memory_space<hbm>> -> memref<100001x64xf32, #tpu.memory_space<hbm>>
      tpu.wait_indirect_dma semaphore(%arg22 : memref<!tpu.dma_semaphore, #tpu.memory_space<semaphore_mem>>) src(%dma_wait3A_589 : memref<100001x64xf32, #tpu.memory_space<hbm>>) dst(%arg12 : memref<128x64xf32, #tpu.memory_space<vmem>>)
      %ge3A_590 = arith.constant 4 : i32
      %ge3A_591 = arith.cmpi sge, %add3A_452, %ge3A_590 : i32
      %convert_element_type3A_592 = arith.extui %ge3A_591 : i1 to i32
      %cond3A_593 = arith.constant 0 : i32
      %cond3A_594 = arith.cmpi ne, %convert_element_type3A_592, %cond3A_593 : i32
      scf.if %cond3A_594 {
        %dma_wait3A_625 = arith.constant 0 : i32
        %dma_wait3A_626 = arith.constant 0 : i32
        %dma_wait3A_627 = arith.constant 0 : i32
        %dma_wait3A_628 = arith.constant 0 : i32
        %dma_wait3A_629 = tpu.memref_slice %arg16[%dma_wait3A_626, %dma_wait3A_627, %dma_wait3A_628] : memref<8x8x129xf32, #tpu.memory_space<vmem>> -> memref<8x8x128xf32, #tpu.memory_space<vmem>>
        %dma_wait3A_630 = arith.constant 0 : i32
        %dma_wait3A_631 = arith.constant 0 : i32
        %dma_wait3A_632 = arith.constant 0 : i32
        %dma_wait3A_633 = tpu.memref_slice %arg5[%dma_wait3A_625, %dma_wait3A_630, %add3A, %dma_wait3A_631, %dma_wait3A_632] : memref<200x8x32x8x128xf32, #tpu.memory_space<hbm>> -> memref<1x8x1x8x128xf32, #tpu.memory_space<hbm>>
        %dma_wait3A_634 = tpu.memref_squeeze %dma_wait3A_633 : memref<1x8x1x8x128xf32, #tpu.memory_space<hbm>> -> memref<8x8x128xf32, #tpu.memory_space<hbm>>
        %dma_wait3A_635 = arith.constant 0 : i32
        %dma_wait3A_636 = arith.constant 0 : i32
        %dma_wait3A_637 = arith.constant 0 : i32
        %dma_wait3A_638 = tpu.memref_slice %arg5[%dma_wait3A_625, %dma_wait3A_635, %add3A, %dma_wait3A_636, %dma_wait3A_637] : memref<200x8x32x8x128xf32, #tpu.memory_space<hbm>> -> memref<1x8x1x8x128xf32, #tpu.memory_space<hbm>>
        %dma_wait3A_639 = tpu.memref_squeeze %dma_wait3A_638 : memref<1x8x1x8x128xf32, #tpu.memory_space<hbm>> -> memref<8x8x128xf32, #tpu.memory_space<hbm>>
        %dma_wait3A_640 = arith.constant 0 : i32
        %dma_wait3A_641 = arith.constant 0 : i32
        %dma_wait3A_642 = arith.constant 0 : i32
        %dma_wait3A_643 = tpu.memref_slice %arg16[%dma_wait3A_640, %dma_wait3A_641, %dma_wait3A_642] : memref<8x8x129xf32, #tpu.memory_space<vmem>> -> memref<8x8x128xf32, #tpu.memory_space<vmem>>
        tpu.wait_dma2 semaphore(%arg26 : memref<!tpu.dma_semaphore, #tpu.memory_space<semaphore_mem>>) src(%dma_wait3A_643 : memref<8x8x128xf32, #tpu.memory_space<vmem>>) dst(%dma_wait3A_639 : memref<8x8x128xf32, #tpu.memory_space<hbm>>)
      } else {
      }
      %add3A_595 = arith.constant 4 : i32
      %add3A_596 = arith.addi %add3A_582, %add3A_595 : i32
      %sub3A_597 = arith.constant 1 : i32
      %sub3A_598 = arith.subi %add3A_596, %sub3A_597 : i32
      %lt3A_599 = arith.constant 200 : i32
      %lt3A_600 = arith.cmpi slt, %sub3A_598, %lt3A_599 : i32
      %convert_element_type3A_601 = arith.extui %lt3A_600 : i1 to i32
      %cond3A_602 = arith.constant 0 : i32
      %cond3A_603 = arith.cmpi ne, %convert_element_type3A_601, %cond3A_602 : i32
      scf.if %cond3A_603 {
        %add3A_625 = arith.constant 4 : i32
        %add3A_626 = arith.addi %add3A_582, %add3A_625 : i32
        %sub3A_627 = arith.constant 1 : i32
        %sub3A_628 = arith.subi %add3A_626, %sub3A_627 : i32
        %dma_start3A_629 = arith.constant 0 : i32
        %dma_start3A_630 = tpu.memref_slice %arg7[%sub3A_628, %dma_start3A_629] : memref<200x128xi32, #tpu.memory_space<vmem>> -> memref<1x128xi32, #tpu.memory_space<vmem>>
        %dma_start3A_631 = tpu.memref_squeeze %dma_start3A_630 : memref<1x128xi32, #tpu.memory_space<vmem>> -> memref<128xi32, #tpu.memory_space<vmem>>
        %dma_start3A_632 = arith.constant 0 : i32
        %dma_start3A_633 = arith.constant 0 : i32
        %dma_start3A_634 = tpu.memref_slice %arg4[%dma_start3A_632, %dma_start3A_633] : memref<100001x64xf32, #tpu.memory_space<hbm>> -> memref<100001x64xf32, #tpu.memory_space<hbm>>
        tpu.enqueue_indirect_dma source(%dma_start3A_634 : memref<100001x64xf32, #tpu.memory_space<hbm>>) target(%arg11 : memref<128x64xf32, #tpu.memory_space<vmem>>) offsets(%dma_start3A_631 : memref<128xi32, #tpu.memory_space<vmem>>) semaphore(%arg21 : memref<!tpu.dma_semaphore, #tpu.memory_space<semaphore_mem>>)
      } else {
      }
      %parallel_loop3A_604 = arith.constant 0 : i32
      %parallel_loop3A_605 = arith.constant 128 : i32
      %parallel_loop3A_606 = arith.constant 1 : i32
      scf.for %parallel_loop3A_625 = %parallel_loop3A_604 to %parallel_loop3A_605 step %parallel_loop3A_606  : i32 {
        %parallel_loop3A_626 = arith.constant 0 : i32
        %parallel_loop3A_627 = vector.broadcast %parallel_loop3A_626 : i32 to vector<16xi32>
        %parallel_loop3A_628 = vector.broadcast %parallel_loop3A_625 : i32 to vector<16xi32>
        %parallel_loop3A_629 = arith.addi %parallel_loop3A_627, %parallel_loop3A_628 : vector<16xi32>
        %parallel_loop3A_630 = arith.index_cast %parallel_loop3A_625 : i32 to index
        %parallel_loop3A_631 = arith.constant 0 : index
        %parallel_loop3A_632 = tpu.vector_load %arg12[%parallel_loop3A_630, %parallel_loop3A_631] {strides = array<i32>} : memref<128x64xf32, #tpu.memory_space<vmem>>, vector<16xf32>,
        tpu.vector_store_idx %arg16[%select_n3A, %select_n3A_49, %parallel_loop3A_629], %parallel_loop3A_632 : memref<8x8x129xf32, #tpu.memory_space<vmem>>[vector<16xi32>, vector<16xi32>, vector<16xi32>], vector<16xf32>,
        %parallel_loop3A_633 = arith.index_cast %parallel_loop3A_625 : i32 to index
        %parallel_loop3A_634 = arith.constant 16 : index
        %parallel_loop3A_635 = tpu.vector_load %arg12[%parallel_loop3A_633, %parallel_loop3A_634] {strides = array<i32>} : memref<128x64xf32, #tpu.memory_space<vmem>>, vector<16xf32>,
        tpu.vector_store_idx %arg16[%select_n3A_83, %select_n3A_108, %parallel_loop3A_629], %parallel_loop3A_635 : memref<8x8x129xf32, #tpu.memory_space<vmem>>[vector<16xi32>, vector<16xi32>, vector<16xi32>], vector<16xf32>,
        %parallel_loop3A_636 = arith.index_cast %parallel_loop3A_625 : i32 to index
        %parallel_loop3A_637 = arith.constant 32 : index
        %parallel_loop3A_638 = tpu.vector_load %arg12[%parallel_loop3A_636, %parallel_loop3A_637] {strides = array<i32>} : memref<128x64xf32, #tpu.memory_space<vmem>>, vector<16xf32>,
        tpu.vector_store_idx %arg16[%select_n3A_142, %select_n3A_167, %parallel_loop3A_629], %parallel_loop3A_638 : memref<8x8x129xf32, #tpu.memory_space<vmem>>[vector<16xi32>, vector<16xi32>, vector<16xi32>], vector<16xf32>,
        %parallel_loop3A_639 = arith.index_cast %parallel_loop3A_625 : i32 to index
        %parallel_loop3A_640 = arith.constant 48 : index
        %parallel_loop3A_641 = tpu.vector_load %arg12[%parallel_loop3A_639, %parallel_loop3A_640] {strides = array<i32>} : memref<128x64xf32, #tpu.memory_space<vmem>>, vector<16xf32>,
        tpu.vector_store_idx %arg16[%select_n3A_201, %select_n3A_226, %parallel_loop3A_629], %parallel_loop3A_641 : memref<8x8x129xf32, #tpu.memory_space<vmem>>[vector<16xi32>, vector<16xi32>, vector<16xi32>], vector<16xf32>,
      } {sc.loop_unroll_factor = 8 : i64, sc.parallel_access}
      %dma_start3A_607 = arith.constant 0 : i32
      %dma_start3A_608 = arith.constant 0 : i32
      %dma_start3A_609 = arith.constant 0 : i32
      %dma_start3A_610 = tpu.memref_slice %arg16[%dma_start3A_607, %dma_start3A_608, %dma_start3A_609] : memref<8x8x129xf32, #tpu.memory_space<vmem>> -> memref<8x8x128xf32, #tpu.memory_space<vmem>>
      %dma_start3A_611 = arith.constant 0 : i32
      %dma_start3A_612 = arith.constant 0 : i32
      %dma_start3A_613 = arith.constant 0 : i32
      %dma_start3A_614 = tpu.memref_slice %arg5[%add3A_582, %dma_start3A_611, %add3A, %dma_start3A_612, %dma_start3A_613] : memref<200x8x32x8x128xf32, #tpu.memory_space<hbm>> -> memref<1x8x1x8x128xf32, #tpu.memory_space<hbm>>
      %dma_start3A_615 = tpu.memref_squeeze %dma_start3A_614 : memref<1x8x1x8x128xf32, #tpu.memory_space<hbm>> -> memref<8x8x128xf32, #tpu.memory_space<hbm>>
      %dma_start3A_616 = arith.constant 0 : i32
      %dma_start3A_617 = arith.constant 0 : i32
      %dma_start3A_618 = arith.constant 0 : i32
      %dma_start3A_619 = tpu.memref_slice %arg5[%add3A_582, %dma_start3A_616, %add3A, %dma_start3A_617, %dma_start3A_618] : memref<200x8x32x8x128xf32, #tpu.memory_space<hbm>> -> memref<1x8x1x8x128xf32, #tpu.memory_space<hbm>>
      %dma_start3A_620 = tpu.memref_squeeze %dma_start3A_619 : memref<1x8x1x8x128xf32, #tpu.memory_space<hbm>> -> memref<8x8x128xf32, #tpu.memory_space<hbm>>
      %dma_start3A_621 = arith.constant 0 : i32
      %dma_start3A_622 = arith.constant 0 : i32
      %dma_start3A_623 = arith.constant 0 : i32
      %dma_start3A_624 = tpu.memref_slice %arg16[%dma_start3A_621, %dma_start3A_622, %dma_start3A_623] : memref<8x8x129xf32, #tpu.memory_space<vmem>> -> memref<8x8x128xf32, #tpu.memory_space<vmem>>
      tpu.enqueue_dma source(%dma_start3A_624 : memref<8x8x128xf32, #tpu.memory_space<vmem>>) target(%dma_start3A_620 : memref<8x8x128xf32, #tpu.memory_space<hbm>>) target_semaphore(%arg26 : memref<!tpu.dma_semaphore, #tpu.memory_space<semaphore_mem>>)
    }
    %scan3A_265 = arith.constant 50 : i32
    %dma_wait3A_266 = arith.constant 0 : i32
    %dma_wait3A_267 = arith.constant 0 : i32
    %dma_wait3A_268 = arith.constant 0 : i32
    %dma_wait3A_269 = arith.constant 0 : i32
    %dma_wait3A_270 = tpu.memref_slice %arg13[%dma_wait3A_267, %dma_wait3A_268, %dma_wait3A_269] : memref<8x8x129xf32, #tpu.memory_space<vmem>> -> memref<8x8x128xf32, #tpu.memory_space<vmem>>
    %dma_wait3A_271 = arith.constant 0 : i32
    %dma_wait3A_272 = arith.constant 0 : i32
    %dma_wait3A_273 = arith.constant 0 : i32
    %dma_wait3A_274 = tpu.memref_slice %arg5[%dma_wait3A_266, %dma_wait3A_271, %add3A, %dma_wait3A_272, %dma_wait3A_273] : memref<200x8x32x8x128xf32, #tpu.memory_space<hbm>> -> memref<1x8x1x8x128xf32, #tpu.memory_space<hbm>>
    %dma_wait3A_275 = tpu.memref_squeeze %dma_wait3A_274 : memref<1x8x1x8x128xf32, #tpu.memory_space<hbm>> -> memref<8x8x128xf32, #tpu.memory_space<hbm>>
    %dma_wait3A_276 = arith.constant 0 : i32
    %dma_wait3A_277 = arith.constant 0 : i32
    %dma_wait3A_278 = arith.constant 0 : i32
    %dma_wait3A_279 = tpu.memref_slice %arg5[%dma_wait3A_266, %dma_wait3A_276, %add3A, %dma_wait3A_277, %dma_wait3A_278] : memref<200x8x32x8x128xf32, #tpu.memory_space<hbm>> -> memref<1x8x1x8x128xf32, #tpu.memory_space<hbm>>
    %dma_wait3A_280 = tpu.memref_squeeze %dma_wait3A_279 : memref<1x8x1x8x128xf32, #tpu.memory_space<hbm>> -> memref<8x8x128xf32, #tpu.memory_space<hbm>>
    %dma_wait3A_281 = arith.constant 0 : i32
    %dma_wait3A_282 = arith.constant 0 : i32
    %dma_wait3A_283 = arith.constant 0 : i32
    %dma_wait3A_284 = tpu.memref_slice %arg13[%dma_wait3A_281, %dma_wait3A_282, %dma_wait3A_283] : memref<8x8x129xf32, #tpu.memory_space<vmem>> -> memref<8x8x128xf32, #tpu.memory_space<vmem>>
    tpu.wait_dma2 semaphore(%arg23 : memref<!tpu.dma_semaphore, #tpu.memory_space<semaphore_mem>>) src(%dma_wait3A_284 : memref<8x8x128xf32, #tpu.memory_space<vmem>>) dst(%dma_wait3A_280 : memref<8x8x128xf32, #tpu.memory_space<hbm>>)
    %dma_wait3A_285 = arith.constant 0 : i32
    %dma_wait3A_286 = arith.constant 0 : i32
    %dma_wait3A_287 = arith.constant 0 : i32
    %dma_wait3A_288 = arith.constant 0 : i32
    %dma_wait3A_289 = tpu.memref_slice %arg14[%dma_wait3A_286, %dma_wait3A_287, %dma_wait3A_288] : memref<8x8x129xf32, #tpu.memory_space<vmem>> -> memref<8x8x128xf32, #tpu.memory_space<vmem>>
    %dma_wait3A_290 = arith.constant 0 : i32
    %dma_wait3A_291 = arith.constant 0 : i32
    %dma_wait3A_292 = arith.constant 0 : i32
    %dma_wait3A_293 = tpu.memref_slice %arg5[%dma_wait3A_285, %dma_wait3A_290, %add3A, %dma_wait3A_291, %dma_wait3A_292] : memref<200x8x32x8x128xf32, #tpu.memory_space<hbm>> -> memref<1x8x1x8x128xf32, #tpu.memory_space<hbm>>
    %dma_wait3A_294 = tpu.memref_squeeze %dma_wait3A_293 : memref<1x8x1x8x128xf32, #tpu.memory_space<hbm>> -> memref<8x8x128xf32, #tpu.memory_space<hbm>>
    %dma_wait3A_295 = arith.constant 0 : i32
    %dma_wait3A_296 = arith.constant 0 : i32
    %dma_wait3A_297 = arith.constant 0 : i32
    %dma_wait3A_298 = tpu.memref_slice %arg5[%dma_wait3A_285, %dma_wait3A_295, %add3A, %dma_wait3A_296, %dma_wait3A_297] : memref<200x8x32x8x128xf32, #tpu.memory_space<hbm>> -> memref<1x8x1x8x128xf32, #tpu.memory_space<hbm>>
    %dma_wait3A_299 = tpu.memref_squeeze %dma_wait3A_298 : memref<1x8x1x8x128xf32, #tpu.memory_space<hbm>> -> memref<8x8x128xf32, #tpu.memory_space<hbm>>
    %dma_wait3A_300 = arith.constant 0 : i32
    %dma_wait3A_301 = arith.constant 0 : i32
    %dma_wait3A_302 = arith.constant 0 : i32
    %dma_wait3A_303 = tpu.memref_slice %arg14[%dma_wait3A_300, %dma_wait3A_301, %dma_wait3A_302] : memref<8x8x129xf32, #tpu.memory_space<vmem>> -> memref<8x8x128xf32, #tpu.memory_space<vmem>>
    tpu.wait_dma2 semaphore(%arg24 : memref<!tpu.dma_semaphore, #tpu.memory_space<semaphore_mem>>) src(%dma_wait3A_303 : memref<8x8x128xf32, #tpu.memory_space<vmem>>) dst(%dma_wait3A_299 : memref<8x8x128xf32, #tpu.memory_space<hbm>>)
    %dma_wait3A_304 = arith.constant 0 : i32
    %dma_wait3A_305 = arith.constant 0 : i32
    %dma_wait3A_306 = arith.constant 0 : i32
    %dma_wait3A_307 = arith.constant 0 : i32
    %dma_wait3A_308 = tpu.memref_slice %arg15[%dma_wait3A_305, %dma_wait3A_306, %dma_wait3A_307] : memref<8x8x129xf32, #tpu.memory_space<vmem>> -> memref<8x8x128xf32, #tpu.memory_space<vmem>>
    %dma_wait3A_309 = arith.constant 0 : i32
    %dma_wait3A_310 = arith.constant 0 : i32
    %dma_wait3A_311 = arith.constant 0 : i32
    %dma_wait3A_312 = tpu.memref_slice %arg5[%dma_wait3A_304, %dma_wait3A_309, %add3A, %dma_wait3A_310, %dma_wait3A_311] : memref<200x8x32x8x128xf32, #tpu.memory_space<hbm>> -> memref<1x8x1x8x128xf32, #tpu.memory_space<hbm>>
    %dma_wait3A_313 = tpu.memref_squeeze %dma_wait3A_312 : memref<1x8x1x8x128xf32, #tpu.memory_space<hbm>> -> memref<8x8x128xf32, #tpu.memory_space<hbm>>
    %dma_wait3A_314 = arith.constant 0 : i32
    %dma_wait3A_315 = arith.constant 0 : i32
    %dma_wait3A_316 = arith.constant 0 : i32
    %dma_wait3A_317 = tpu.memref_slice %arg5[%dma_wait3A_304, %dma_wait3A_314, %add3A, %dma_wait3A_315, %dma_wait3A_316] : memref<200x8x32x8x128xf32, #tpu.memory_space<hbm>> -> memref<1x8x1x8x128xf32, #tpu.memory_space<hbm>>
    %dma_wait3A_318 = tpu.memref_squeeze %dma_wait3A_317 : memref<1x8x1x8x128xf32, #tpu.memory_space<hbm>> -> memref<8x8x128xf32, #tpu.memory_space<hbm>>
    %dma_wait3A_319 = arith.constant 0 : i32
    %dma_wait3A_320 = arith.constant 0 : i32
    %dma_wait3A_321 = arith.constant 0 : i32
    %dma_wait3A_322 = tpu.memref_slice %arg15[%dma_wait3A_319, %dma_wait3A_320, %dma_wait3A_321] : memref<8x8x129xf32, #tpu.memory_space<vmem>> -> memref<8x8x128xf32, #tpu.memory_space<vmem>>
    tpu.wait_dma2 semaphore(%arg25 : memref<!tpu.dma_semaphore, #tpu.memory_space<semaphore_mem>>) src(%dma_wait3A_322 : memref<8x8x128xf32, #tpu.memory_space<vmem>>) dst(%dma_wait3A_318 : memref<8x8x128xf32, #tpu.memory_space<hbm>>)
    %dma_wait3A_323 = arith.constant 0 : i32
    %dma_wait3A_324 = arith.constant 0 : i32
    %dma_wait3A_325 = arith.constant 0 : i32
    %dma_wait3A_326 = arith.constant 0 : i32
    %dma_wait3A_327 = tpu.memref_slice %arg16[%dma_wait3A_324, %dma_wait3A_325, %dma_wait3A_326] : memref<8x8x129xf32, #tpu.memory_space<vmem>> -> memref<8x8x128xf32, #tpu.memory_space<vmem>>
    %dma_wait3A_328 = arith.constant 0 : i32
    %dma_wait3A_329 = arith.constant 0 : i32
    %dma_wait3A_330 = arith.constant 0 : i32
    %dma_wait3A_331 = tpu.memref_slice %arg5[%dma_wait3A_323, %dma_wait3A_328, %add3A, %dma_wait3A_329, %dma_wait3A_330] : memref<200x8x32x8x128xf32, #tpu.memory_space<hbm>> -> memref<1x8x1x8x128xf32, #tpu.memory_space<hbm>>
    %dma_wait3A_332 = tpu.memref_squeeze %dma_wait3A_331 : memref<1x8x1x8x128xf32, #tpu.memory_space<hbm>> -> memref<8x8x128xf32, #tpu.memory_space<hbm>>
    %dma_wait3A_333 = arith.constant 0 : i32
    %dma_wait3A_334 = arith.constant 0 : i32
    %dma_wait3A_335 = arith.constant 0 : i32
    %dma_wait3A_336 = tpu.memref_slice %arg5[%dma_wait3A_323, %dma_wait3A_333, %add3A, %dma_wait3A_334, %dma_wait3A_335] : memref<200x8x32x8x128xf32, #tpu.memory_space<hbm>> -> memref<1x8x1x8x128xf32, #tpu.memory_space<hbm>>
    %dma_wait3A_337 = tpu.memref_squeeze %dma_wait3A_336 : memref<1x8x1x8x128xf32, #tpu.memory_space<hbm>> -> memref<8x8x128xf32, #tpu.memory_space<hbm>>
    %dma_wait3A_338 = arith.constant 0 : i32
    %dma_wait3A_339 = arith.constant 0 : i32
    %dma_wait3A_340 = arith.constant 0 : i32
    %dma_wait3A_341 = tpu.memref_slice %arg16[%dma_wait3A_338, %dma_wait3A_339, %dma_wait3A_340] : memref<8x8x129xf32, #tpu.memory_space<vmem>> -> memref<8x8x128xf32, #tpu.memory_space<vmem>>
    tpu.wait_dma2 semaphore(%arg26 : memref<!tpu.dma_semaphore, #tpu.memory_space<semaphore_mem>>) src(%dma_wait3A_341 : memref<8x8x128xf32, #tpu.memory_space<vmem>>) dst(%dma_wait3A_337 : memref<8x8x128xf32, #tpu.memory_space<hbm>>)
    %dma_wait3A_342 = arith.constant 0 : i32
    %dma_wait3A_343 = tpu.memref_slice %arg3[%dma_wait3A_342, %mul3A_233] : memref<200x4096xi32, #tpu.memory_space<hbm>> -> memref<200x128xi32, #tpu.memory_space<hbm>>
    %dma_wait3A_344 = arith.constant 0 : i32
    %dma_wait3A_345 = tpu.memref_slice %arg3[%dma_wait3A_344, %mul3A_233] : memref<200x4096xi32, #tpu.memory_space<hbm>> -> memref<200x128xi32, #tpu.memory_space<hbm>>
    tpu.wait_dma2 semaphore(%arg18 : memref<!tpu.dma_semaphore, #tpu.memory_space<semaphore_mem>>) src(%dma_wait3A_345 : memref<200x128xi32, #tpu.memory_space<hbm>>) dst(%arg8 : memref<200x128xi32, #tpu.memory_space<vmem>>)
    %dma_start3A_346 = arith.constant 0 : i32
    %dma_start3A_347 = arith.constant 0 : i32
    %dma_start3A_348 = tpu.memref_slice %arg8[%dma_start3A_346, %dma_start3A_347] : memref<200x128xi32, #tpu.memory_space<vmem>> -> memref<1x128xi32, #tpu.memory_space<vmem>>
    %dma_start3A_349 = tpu.memref_squeeze %dma_start3A_348 : memref<1x128xi32, #tpu.memory_space<vmem>> -> memref<128xi32, #tpu.memory_space<vmem>>
    %dma_start3A_350 = arith.constant 0 : i32
    %dma_start3A_351 = arith.constant 0 : i32
    %dma_start3A_352 = tpu.memref_slice %arg4[%dma_start3A_350, %dma_start3A_351] : memref<100001x64xf32, #tpu.memory_space<hbm>> -> memref<100001x64xf32, #tpu.memory_space<hbm>>
    tpu.enqueue_indirect_dma source(%dma_start3A_352 : memref<100001x64xf32, #tpu.memory_space<hbm>>) target(%arg9 : memref<128x64xf32, #tpu.memory_space<vmem>>) offsets(%dma_start3A_349 : memref<128xi32, #tpu.memory_space<vmem>>) semaphore(%arg19 : memref<!tpu.dma_semaphore, #tpu.memory_space<semaphore_mem>>)
    %dma_start3A_353 = arith.constant 1 : i32
    %dma_start3A_354 = arith.constant 0 : i32
    %dma_start3A_355 = tpu.memref_slice %arg8[%dma_start3A_353, %dma_start3A_354] : memref<200x128xi32, #tpu.memory_space<vmem>> -> memref<1x128xi32, #tpu.memory_space<vmem>>
    %dma_start3A_356 = tpu.memref_squeeze %dma_start3A_355 : memref<1x128xi32, #tpu.memory_space<vmem>> -> memref<128xi32, #tpu.memory_space<vmem>>
    %dma_start3A_357 = arith.constant 0 : i32
    %dma_start3A_358 = arith.constant 0 : i32
    %dma_start3A_359 = tpu.memref_slice %arg4[%dma_start3A_357, %dma_start3A_358] : memref<100001x64xf32, #tpu.memory_space<hbm>> -> memref<100001x64xf32, #tpu.memory_space<hbm>>
    tpu.enqueue_indirect_dma source(%dma_start3A_359 : memref<100001x64xf32, #tpu.memory_space<hbm>>) target(%arg10 : memref<128x64xf32, #tpu.memory_space<vmem>>) offsets(%dma_start3A_356 : memref<128xi32, #tpu.memory_space<vmem>>) semaphore(%arg20 : memref<!tpu.dma_semaphore, #tpu.memory_space<semaphore_mem>>)
    %dma_start3A_360 = arith.constant 2 : i32
    %dma_start3A_361 = arith.constant 0 : i32
    %dma_start3A_362 = tpu.memref_slice %arg8[%dma_start3A_360, %dma_start3A_361] : memref<200x128xi32, #tpu.memory_space<vmem>> -> memref<1x128xi32, #tpu.memory_space<vmem>>
    %dma_start3A_363 = tpu.memref_squeeze %dma_start3A_362 : memref<1x128xi32, #tpu.memory_space<vmem>> -> memref<128xi32, #tpu.memory_space<vmem>>
    %dma_start3A_364 = arith.constant 0 : i32
    %dma_start3A_365 = arith.constant 0 : i32
    %dma_start3A_366 = tpu.memref_slice %arg4[%dma_start3A_364, %dma_start3A_365] : memref<100001x64xf32, #tpu.memory_space<hbm>> -> memref<100001x64xf32, #tpu.memory_space<hbm>>
    tpu.enqueue_indirect_dma source(%dma_start3A_366 : memref<100001x64xf32, #tpu.memory_space<hbm>>) target(%arg11 : memref<128x64xf32, #tpu.memory_space<vmem>>) offsets(%dma_start3A_363 : memref<128xi32, #tpu.memory_space<vmem>>) semaphore(%arg21 : memref<!tpu.dma_semaphore, #tpu.memory_space<semaphore_mem>>)
    %scan3A_367 = arith.constant 0 : i32
    %scan3A_368 = arith.constant 50 : i32
    %scan3A_369 = arith.addi %scan3A_367, %scan3A_368 : i32
    %scan3A_370 = arith.constant 1 : i32
    scf.for %scan3A_448 = %scan3A_367 to %scan3A_369 step %scan3A_370  : i32 {
      %mul3A_449 = arith.constant 4 : i32
      %mul3A_450 = arith.muli %scan3A_448, %mul3A_449 : i32
      %add3A_451 = arith.constant 0 : i32
      %add3A_452 = arith.addi %add3A_451, %mul3A_450 : i32
      %add3A_453 = arith.constant 0 : i32
      %add3A_454 = arith.addi %add3A_452, %add3A_453 : i32
      %dma_wait3A_455 = arith.constant 0 : i32
      %dma_wait3A_456 = arith.constant 0 : i32
      %dma_wait3A_457 = tpu.memref_slice %arg8[%dma_wait3A_455, %dma_wait3A_456] : memref<200x128xi32, #tpu.memory_space<vmem>> -> memref<1x128xi32, #tpu.memory_space<vmem>>
      %dma_wait3A_458 = tpu.memref_squeeze %dma_wait3A_457 : memref<1x128xi32, #tpu.memory_space<vmem>> -> memref<128xi32, #tpu.memory_space<vmem>>
      %dma_wait3A_459 = arith.constant 0 : i32
      %dma_wait3A_460 = arith.constant 0 : i32
      %dma_wait3A_461 = tpu.memref_slice %arg4[%dma_wait3A_459, %dma_wait3A_460] : memref<100001x64xf32, #tpu.memory_space<hbm>> -> memref<100001x64xf32, #tpu.memory_space<hbm>>
      tpu.wait_indirect_dma semaphore(%arg19 : memref<!tpu.dma_semaphore, #tpu.memory_space<semaphore_mem>>) src(%dma_wait3A_461 : memref<100001x64xf32, #tpu.memory_space<hbm>>) dst(%arg9 : memref<128x64xf32, #tpu.memory_space<vmem>>)
      %ge3A = arith.constant 4 : i32
      %ge3A_462 = arith.cmpi sge, %add3A_452, %ge3A : i32
      %convert_element_type3A = arith.extui %ge3A_462 : i1 to i32
      %cond3A = arith.constant 0 : i32
      %cond3A_463 = arith.cmpi ne, %convert_element_type3A, %cond3A : i32
      scf.if %cond3A_463 {
        %dma_wait3A_625 = arith.constant 0 : i32
        %dma_wait3A_626 = arith.constant 0 : i32
        %dma_wait3A_627 = arith.constant 0 : i32
        %dma_wait3A_628 = arith.constant 0 : i32
        %dma_wait3A_629 = tpu.memref_slice %arg13[%dma_wait3A_626, %dma_wait3A_627, %dma_wait3A_628] : memref<8x8x129xf32, #tpu.memory_space<vmem>> -> memref<8x8x128xf32, #tpu.memory_space<vmem>>
        %dma_wait3A_630 = arith.constant 0 : i32
        %dma_wait3A_631 = arith.constant 0 : i32
        %dma_wait3A_632 = arith.constant 0 : i32
        %dma_wait3A_633 = tpu.memref_slice %arg6[%dma_wait3A_625, %dma_wait3A_630, %add3A, %dma_wait3A_631, %dma_wait3A_632] : memref<200x8x32x8x128xf32, #tpu.memory_space<hbm>> -> memref<1x8x1x8x128xf32, #tpu.memory_space<hbm>>
        %dma_wait3A_634 = tpu.memref_squeeze %dma_wait3A_633 : memref<1x8x1x8x128xf32, #tpu.memory_space<hbm>> -> memref<8x8x128xf32, #tpu.memory_space<hbm>>
        %dma_wait3A_635 = arith.constant 0 : i32
        %dma_wait3A_636 = arith.constant 0 : i32
        %dma_wait3A_637 = arith.constant 0 : i32
        %dma_wait3A_638 = tpu.memref_slice %arg6[%dma_wait3A_625, %dma_wait3A_635, %add3A, %dma_wait3A_636, %dma_wait3A_637] : memref<200x8x32x8x128xf32, #tpu.memory_space<hbm>> -> memref<1x8x1x8x128xf32, #tpu.memory_space<hbm>>
        %dma_wait3A_639 = tpu.memref_squeeze %dma_wait3A_638 : memref<1x8x1x8x128xf32, #tpu.memory_space<hbm>> -> memref<8x8x128xf32, #tpu.memory_space<hbm>>
        %dma_wait3A_640 = arith.constant 0 : i32
        %dma_wait3A_641 = arith.constant 0 : i32
        %dma_wait3A_642 = arith.constant 0 : i32
        %dma_wait3A_643 = tpu.memref_slice %arg13[%dma_wait3A_640, %dma_wait3A_641, %dma_wait3A_642] : memref<8x8x129xf32, #tpu.memory_space<vmem>> -> memref<8x8x128xf32, #tpu.memory_space<vmem>>
        tpu.wait_dma2 semaphore(%arg23 : memref<!tpu.dma_semaphore, #tpu.memory_space<semaphore_mem>>) src(%dma_wait3A_643 : memref<8x8x128xf32, #tpu.memory_space<vmem>>) dst(%dma_wait3A_639 : memref<8x8x128xf32, #tpu.memory_space<hbm>>)
      } else {
      }
      %add3A_464 = arith.constant 4 : i32
      %add3A_465 = arith.addi %add3A_454, %add3A_464 : i32
      %sub3A_466 = arith.constant 1 : i32
      %sub3A_467 = arith.subi %add3A_465, %sub3A_466 : i32
      %lt3A_468 = arith.constant 200 : i32
      %lt3A_469 = arith.cmpi slt, %sub3A_467, %lt3A_468 : i32
      %convert_element_type3A_470 = arith.extui %lt3A_469 : i1 to i32
      %cond3A_471 = arith.constant 0 : i32
      %cond3A_472 = arith.cmpi ne, %convert_element_type3A_470, %cond3A_471 : i32
      scf.if %cond3A_472 {
        %add3A_625 = arith.constant 4 : i32
        %add3A_626 = arith.addi %add3A_454, %add3A_625 : i32
        %sub3A_627 = arith.constant 1 : i32
        %sub3A_628 = arith.subi %add3A_626, %sub3A_627 : i32
        %dma_start3A_629 = arith.constant 0 : i32
        %dma_start3A_630 = tpu.memref_slice %arg8[%sub3A_628, %dma_start3A_629] : memref<200x128xi32, #tpu.memory_space<vmem>> -> memref<1x128xi32, #tpu.memory_space<vmem>>
        %dma_start3A_631 = tpu.memref_squeeze %dma_start3A_630 : memref<1x128xi32, #tpu.memory_space<vmem>> -> memref<128xi32, #tpu.memory_space<vmem>>
        %dma_start3A_632 = arith.constant 0 : i32
        %dma_start3A_633 = arith.constant 0 : i32
        %dma_start3A_634 = tpu.memref_slice %arg4[%dma_start3A_632, %dma_start3A_633] : memref<100001x64xf32, #tpu.memory_space<hbm>> -> memref<100001x64xf32, #tpu.memory_space<hbm>>
        tpu.enqueue_indirect_dma source(%dma_start3A_634 : memref<100001x64xf32, #tpu.memory_space<hbm>>) target(%arg12 : memref<128x64xf32, #tpu.memory_space<vmem>>) offsets(%dma_start3A_631 : memref<128xi32, #tpu.memory_space<vmem>>) semaphore(%arg22 : memref<!tpu.dma_semaphore, #tpu.memory_space<semaphore_mem>>)
      } else {
      }
      %parallel_loop3A = arith.constant 0 : i32
      %parallel_loop3A_473 = arith.constant 128 : i32
      %parallel_loop3A_474 = arith.constant 1 : i32
      scf.for %parallel_loop3A_625 = %parallel_loop3A to %parallel_loop3A_473 step %parallel_loop3A_474  : i32 {
        %parallel_loop3A_626 = arith.constant 0 : i32
        %parallel_loop3A_627 = vector.broadcast %parallel_loop3A_626 : i32 to vector<16xi32>
        %parallel_loop3A_628 = vector.broadcast %parallel_loop3A_625 : i32 to vector<16xi32>
        %parallel_loop3A_629 = arith.addi %parallel_loop3A_627, %parallel_loop3A_628 : vector<16xi32>
        %parallel_loop3A_630 = arith.index_cast %parallel_loop3A_625 : i32 to index
        %parallel_loop3A_631 = arith.constant 0 : index
        %parallel_loop3A_632 = tpu.vector_load %arg9[%parallel_loop3A_630, %parallel_loop3A_631] {strides = array<i32>} : memref<128x64xf32, #tpu.memory_space<vmem>>, vector<16xf32>,
        tpu.vector_store_idx %arg13[%select_n3A, %select_n3A_49, %parallel_loop3A_629], %parallel_loop3A_632 : memref<8x8x129xf32, #tpu.memory_space<vmem>>[vector<16xi32>, vector<16xi32>, vector<16xi32>], vector<16xf32>,
        %parallel_loop3A_633 = arith.index_cast %parallel_loop3A_625 : i32 to index
        %parallel_loop3A_634 = arith.constant 16 : index
        %parallel_loop3A_635 = tpu.vector_load %arg9[%parallel_loop3A_633, %parallel_loop3A_634] {strides = array<i32>} : memref<128x64xf32, #tpu.memory_space<vmem>>, vector<16xf32>,
        tpu.vector_store_idx %arg13[%select_n3A_83, %select_n3A_108, %parallel_loop3A_629], %parallel_loop3A_635 : memref<8x8x129xf32, #tpu.memory_space<vmem>>[vector<16xi32>, vector<16xi32>, vector<16xi32>], vector<16xf32>,
        %parallel_loop3A_636 = arith.index_cast %parallel_loop3A_625 : i32 to index
        %parallel_loop3A_637 = arith.constant 32 : index
        %parallel_loop3A_638 = tpu.vector_load %arg9[%parallel_loop3A_636, %parallel_loop3A_637] {strides = array<i32>} : memref<128x64xf32, #tpu.memory_space<vmem>>, vector<16xf32>,
        tpu.vector_store_idx %arg13[%select_n3A_142, %select_n3A_167, %parallel_loop3A_629], %parallel_loop3A_638 : memref<8x8x129xf32, #tpu.memory_space<vmem>>[vector<16xi32>, vector<16xi32>, vector<16xi32>], vector<16xf32>,
        %parallel_loop3A_639 = arith.index_cast %parallel_loop3A_625 : i32 to index
        %parallel_loop3A_640 = arith.constant 48 : index
        %parallel_loop3A_641 = tpu.vector_load %arg9[%parallel_loop3A_639, %parallel_loop3A_640] {strides = array<i32>} : memref<128x64xf32, #tpu.memory_space<vmem>>, vector<16xf32>,
        tpu.vector_store_idx %arg13[%select_n3A_201, %select_n3A_226, %parallel_loop3A_629], %parallel_loop3A_641 : memref<8x8x129xf32, #tpu.memory_space<vmem>>[vector<16xi32>, vector<16xi32>, vector<16xi32>], vector<16xf32>,
      } {sc.loop_unroll_factor = 8 : i64, sc.parallel_access}
      %dma_start3A_475 = arith.constant 0 : i32
      %dma_start3A_476 = arith.constant 0 : i32
      %dma_start3A_477 = arith.constant 0 : i32
      %dma_start3A_478 = tpu.memref_slice %arg13[%dma_start3A_475, %dma_start3A_476, %dma_start3A_477] : memref<8x8x129xf32, #tpu.memory_space<vmem>> -> memref<8x8x128xf32, #tpu.memory_space<vmem>>
      %dma_start3A_479 = arith.constant 0 : i32
      %dma_start3A_480 = arith.constant 0 : i32
      %dma_start3A_481 = arith.constant 0 : i32
      %dma_start3A_482 = tpu.memref_slice %arg6[%add3A_454, %dma_start3A_479, %add3A, %dma_start3A_480, %dma_start3A_481] : memref<200x8x32x8x128xf32, #tpu.memory_space<hbm>> -> memref<1x8x1x8x128xf32, #tpu.memory_space<hbm>>
      %dma_start3A_483 = tpu.memref_squeeze %dma_start3A_482 : memref<1x8x1x8x128xf32, #tpu.memory_space<hbm>> -> memref<8x8x128xf32, #tpu.memory_space<hbm>>
      %dma_start3A_484 = arith.constant 0 : i32
      %dma_start3A_485 = arith.constant 0 : i32
      %dma_start3A_486 = arith.constant 0 : i32
      %dma_start3A_487 = tpu.memref_slice %arg6[%add3A_454, %dma_start3A_484, %add3A, %dma_start3A_485, %dma_start3A_486] : memref<200x8x32x8x128xf32, #tpu.memory_space<hbm>> -> memref<1x8x1x8x128xf32, #tpu.memory_space<hbm>>
      %dma_start3A_488 = tpu.memref_squeeze %dma_start3A_487 : memref<1x8x1x8x128xf32, #tpu.memory_space<hbm>> -> memref<8x8x128xf32, #tpu.memory_space<hbm>>
      %dma_start3A_489 = arith.constant 0 : i32
      %dma_start3A_490 = arith.constant 0 : i32
      %dma_start3A_491 = arith.constant 0 : i32
      %dma_start3A_492 = tpu.memref_slice %arg13[%dma_start3A_489, %dma_start3A_490, %dma_start3A_491] : memref<8x8x129xf32, #tpu.memory_space<vmem>> -> memref<8x8x128xf32, #tpu.memory_space<vmem>>
      tpu.enqueue_dma source(%dma_start3A_492 : memref<8x8x128xf32, #tpu.memory_space<vmem>>) target(%dma_start3A_488 : memref<8x8x128xf32, #tpu.memory_space<hbm>>) target_semaphore(%arg23 : memref<!tpu.dma_semaphore, #tpu.memory_space<semaphore_mem>>)
      %add3A_493 = arith.constant 1 : i32
      %add3A_494 = arith.addi %add3A_452, %add3A_493 : i32
      %dma_wait3A_495 = arith.constant 0 : i32
      %dma_wait3A_496 = arith.constant 0 : i32
      %dma_wait3A_497 = tpu.memref_slice %arg8[%dma_wait3A_495, %dma_wait3A_496] : memref<200x128xi32, #tpu.memory_space<vmem>> -> memref<1x128xi32, #tpu.memory_space<vmem>>
      %dma_wait3A_498 = tpu.memref_squeeze %dma_wait3A_497 : memref<1x128xi32, #tpu.memory_space<vmem>> -> memref<128xi32, #tpu.memory_space<vmem>>
      %dma_wait3A_499 = arith.constant 0 : i32
      %dma_wait3A_500 = arith.constant 0 : i32
      %dma_wait3A_501 = tpu.memref_slice %arg4[%dma_wait3A_499, %dma_wait3A_500] : memref<100001x64xf32, #tpu.memory_space<hbm>> -> memref<100001x64xf32, #tpu.memory_space<hbm>>
      tpu.wait_indirect_dma semaphore(%arg20 : memref<!tpu.dma_semaphore, #tpu.memory_space<semaphore_mem>>) src(%dma_wait3A_501 : memref<100001x64xf32, #tpu.memory_space<hbm>>) dst(%arg10 : memref<128x64xf32, #tpu.memory_space<vmem>>)
      %ge3A_502 = arith.constant 4 : i32
      %ge3A_503 = arith.cmpi sge, %add3A_452, %ge3A_502 : i32
      %convert_element_type3A_504 = arith.extui %ge3A_503 : i1 to i32
      %cond3A_505 = arith.constant 0 : i32
      %cond3A_506 = arith.cmpi ne, %convert_element_type3A_504, %cond3A_505 : i32
      scf.if %cond3A_506 {
        %dma_wait3A_625 = arith.constant 0 : i32
        %dma_wait3A_626 = arith.constant 0 : i32
        %dma_wait3A_627 = arith.constant 0 : i32
        %dma_wait3A_628 = arith.constant 0 : i32
        %dma_wait3A_629 = tpu.memref_slice %arg14[%dma_wait3A_626, %dma_wait3A_627, %dma_wait3A_628] : memref<8x8x129xf32, #tpu.memory_space<vmem>> -> memref<8x8x128xf32, #tpu.memory_space<vmem>>
        %dma_wait3A_630 = arith.constant 0 : i32
        %dma_wait3A_631 = arith.constant 0 : i32
        %dma_wait3A_632 = arith.constant 0 : i32
        %dma_wait3A_633 = tpu.memref_slice %arg6[%dma_wait3A_625, %dma_wait3A_630, %add3A, %dma_wait3A_631, %dma_wait3A_632] : memref<200x8x32x8x128xf32, #tpu.memory_space<hbm>> -> memref<1x8x1x8x128xf32, #tpu.memory_space<hbm>>
        %dma_wait3A_634 = tpu.memref_squeeze %dma_wait3A_633 : memref<1x8x1x8x128xf32, #tpu.memory_space<hbm>> -> memref<8x8x128xf32, #tpu.memory_space<hbm>>
        %dma_wait3A_635 = arith.constant 0 : i32
        %dma_wait3A_636 = arith.constant 0 : i32
        %dma_wait3A_637 = arith.constant 0 : i32
        %dma_wait3A_638 = tpu.memref_slice %arg6[%dma_wait3A_625, %dma_wait3A_635, %add3A, %dma_wait3A_636, %dma_wait3A_637] : memref<200x8x32x8x128xf32, #tpu.memory_space<hbm>> -> memref<1x8x1x8x128xf32, #tpu.memory_space<hbm>>
        %dma_wait3A_639 = tpu.memref_squeeze %dma_wait3A_638 : memref<1x8x1x8x128xf32, #tpu.memory_space<hbm>> -> memref<8x8x128xf32, #tpu.memory_space<hbm>>
        %dma_wait3A_640 = arith.constant 0 : i32
        %dma_wait3A_641 = arith.constant 0 : i32
        %dma_wait3A_642 = arith.constant 0 : i32
        %dma_wait3A_643 = tpu.memref_slice %arg14[%dma_wait3A_640, %dma_wait3A_641, %dma_wait3A_642] : memref<8x8x129xf32, #tpu.memory_space<vmem>> -> memref<8x8x128xf32, #tpu.memory_space<vmem>>
        tpu.wait_dma2 semaphore(%arg24 : memref<!tpu.dma_semaphore, #tpu.memory_space<semaphore_mem>>) src(%dma_wait3A_643 : memref<8x8x128xf32, #tpu.memory_space<vmem>>) dst(%dma_wait3A_639 : memref<8x8x128xf32, #tpu.memory_space<hbm>>)
      } else {
      }
      %add3A_507 = arith.constant 4 : i32
      %add3A_508 = arith.addi %add3A_494, %add3A_507 : i32
      %sub3A_509 = arith.constant 1 : i32
      %sub3A_510 = arith.subi %add3A_508, %sub3A_509 : i32
      %lt3A_511 = arith.constant 200 : i32
      %lt3A_512 = arith.cmpi slt, %sub3A_510, %lt3A_511 : i32
      %convert_element_type3A_513 = arith.extui %lt3A_512 : i1 to i32
      %cond3A_514 = arith.constant 0 : i32
      %cond3A_515 = arith.cmpi ne, %convert_element_type3A_513, %cond3A_514 : i32
      scf.if %cond3A_515 {
        %add3A_625 = arith.constant 4 : i32
        %add3A_626 = arith.addi %add3A_494, %add3A_625 : i32
        %sub3A_627 = arith.constant 1 : i32
        %sub3A_628 = arith.subi %add3A_626, %sub3A_627 : i32
        %dma_start3A_629 = arith.constant 0 : i32
        %dma_start3A_630 = tpu.memref_slice %arg8[%sub3A_628, %dma_start3A_629] : memref<200x128xi32, #tpu.memory_space<vmem>> -> memref<1x128xi32, #tpu.memory_space<vmem>>
        %dma_start3A_631 = tpu.memref_squeeze %dma_start3A_630 : memref<1x128xi32, #tpu.memory_space<vmem>> -> memref<128xi32, #tpu.memory_space<vmem>>
        %dma_start3A_632 = arith.constant 0 : i32
        %dma_start3A_633 = arith.constant 0 : i32
        %dma_start3A_634 = tpu.memref_slice %arg4[%dma_start3A_632, %dma_start3A_633] : memref<100001x64xf32, #tpu.memory_space<hbm>> -> memref<100001x64xf32, #tpu.memory_space<hbm>>
        tpu.enqueue_indirect_dma source(%dma_start3A_634 : memref<100001x64xf32, #tpu.memory_space<hbm>>) target(%arg9 : memref<128x64xf32, #tpu.memory_space<vmem>>) offsets(%dma_start3A_631 : memref<128xi32, #tpu.memory_space<vmem>>) semaphore(%arg19 : memref<!tpu.dma_semaphore, #tpu.memory_space<semaphore_mem>>)
      } else {
      }
      %parallel_loop3A_516 = arith.constant 0 : i32
      %parallel_loop3A_517 = arith.constant 128 : i32
      %parallel_loop3A_518 = arith.constant 1 : i32
      scf.for %parallel_loop3A_625 = %parallel_loop3A_516 to %parallel_loop3A_517 step %parallel_loop3A_518  : i32 {
        %parallel_loop3A_626 = arith.constant 0 : i32
        %parallel_loop3A_627 = vector.broadcast %parallel_loop3A_626 : i32 to vector<16xi32>
        %parallel_loop3A_628 = vector.broadcast %parallel_loop3A_625 : i32 to vector<16xi32>
        %parallel_loop3A_629 = arith.addi %parallel_loop3A_627, %parallel_loop3A_628 : vector<16xi32>
        %parallel_loop3A_630 = arith.index_cast %parallel_loop3A_625 : i32 to index
        %parallel_loop3A_631 = arith.constant 0 : index
        %parallel_loop3A_632 = tpu.vector_load %arg10[%parallel_loop3A_630, %parallel_loop3A_631] {strides = array<i32>} : memref<128x64xf32, #tpu.memory_space<vmem>>, vector<16xf32>,
        tpu.vector_store_idx %arg14[%select_n3A, %select_n3A_49, %parallel_loop3A_629], %parallel_loop3A_632 : memref<8x8x129xf32, #tpu.memory_space<vmem>>[vector<16xi32>, vector<16xi32>, vector<16xi32>], vector<16xf32>,
        %parallel_loop3A_633 = arith.index_cast %parallel_loop3A_625 : i32 to index
        %parallel_loop3A_634 = arith.constant 16 : index
        %parallel_loop3A_635 = tpu.vector_load %arg10[%parallel_loop3A_633, %parallel_loop3A_634] {strides = array<i32>} : memref<128x64xf32, #tpu.memory_space<vmem>>, vector<16xf32>,
        tpu.vector_store_idx %arg14[%select_n3A_83, %select_n3A_108, %parallel_loop3A_629], %parallel_loop3A_635 : memref<8x8x129xf32, #tpu.memory_space<vmem>>[vector<16xi32>, vector<16xi32>, vector<16xi32>], vector<16xf32>,
        %parallel_loop3A_636 = arith.index_cast %parallel_loop3A_625 : i32 to index
        %parallel_loop3A_637 = arith.constant 32 : index
        %parallel_loop3A_638 = tpu.vector_load %arg10[%parallel_loop3A_636, %parallel_loop3A_637] {strides = array<i32>} : memref<128x64xf32, #tpu.memory_space<vmem>>, vector<16xf32>,
        tpu.vector_store_idx %arg14[%select_n3A_142, %select_n3A_167, %parallel_loop3A_629], %parallel_loop3A_638 : memref<8x8x129xf32, #tpu.memory_space<vmem>>[vector<16xi32>, vector<16xi32>, vector<16xi32>], vector<16xf32>,
        %parallel_loop3A_639 = arith.index_cast %parallel_loop3A_625 : i32 to index
        %parallel_loop3A_640 = arith.constant 48 : index
        %parallel_loop3A_641 = tpu.vector_load %arg10[%parallel_loop3A_639, %parallel_loop3A_640] {strides = array<i32>} : memref<128x64xf32, #tpu.memory_space<vmem>>, vector<16xf32>,
        tpu.vector_store_idx %arg14[%select_n3A_201, %select_n3A_226, %parallel_loop3A_629], %parallel_loop3A_641 : memref<8x8x129xf32, #tpu.memory_space<vmem>>[vector<16xi32>, vector<16xi32>, vector<16xi32>], vector<16xf32>,
      } {sc.loop_unroll_factor = 8 : i64, sc.parallel_access}
      %dma_start3A_519 = arith.constant 0 : i32
      %dma_start3A_520 = arith.constant 0 : i32
      %dma_start3A_521 = arith.constant 0 : i32
      %dma_start3A_522 = tpu.memref_slice %arg14[%dma_start3A_519, %dma_start3A_520, %dma_start3A_521] : memref<8x8x129xf32, #tpu.memory_space<vmem>> -> memref<8x8x128xf32, #tpu.memory_space<vmem>>
      %dma_start3A_523 = arith.constant 0 : i32
      %dma_start3A_524 = arith.constant 0 : i32
      %dma_start3A_525 = arith.constant 0 : i32
      %dma_start3A_526 = tpu.memref_slice %arg6[%add3A_494, %dma_start3A_523, %add3A, %dma_start3A_524, %dma_start3A_525] : memref<200x8x32x8x128xf32, #tpu.memory_space<hbm>> -> memref<1x8x1x8x128xf32, #tpu.memory_space<hbm>>
      %dma_start3A_527 = tpu.memref_squeeze %dma_start3A_526 : memref<1x8x1x8x128xf32, #tpu.memory_space<hbm>> -> memref<8x8x128xf32, #tpu.memory_space<hbm>>
      %dma_start3A_528 = arith.constant 0 : i32
      %dma_start3A_529 = arith.constant 0 : i32
      %dma_start3A_530 = arith.constant 0 : i32
      %dma_start3A_531 = tpu.memref_slice %arg6[%add3A_494, %dma_start3A_528, %add3A, %dma_start3A_529, %dma_start3A_530] : memref<200x8x32x8x128xf32, #tpu.memory_space<hbm>> -> memref<1x8x1x8x128xf32, #tpu.memory_space<hbm>>
      %dma_start3A_532 = tpu.memref_squeeze %dma_start3A_531 : memref<1x8x1x8x128xf32, #tpu.memory_space<hbm>> -> memref<8x8x128xf32, #tpu.memory_space<hbm>>
      %dma_start3A_533 = arith.constant 0 : i32
      %dma_start3A_534 = arith.constant 0 : i32
      %dma_start3A_535 = arith.constant 0 : i32
      %dma_start3A_536 = tpu.memref_slice %arg14[%dma_start3A_533, %dma_start3A_534, %dma_start3A_535] : memref<8x8x129xf32, #tpu.memory_space<vmem>> -> memref<8x8x128xf32, #tpu.memory_space<vmem>>
      tpu.enqueue_dma source(%dma_start3A_536 : memref<8x8x128xf32, #tpu.memory_space<vmem>>) target(%dma_start3A_532 : memref<8x8x128xf32, #tpu.memory_space<hbm>>) target_semaphore(%arg24 : memref<!tpu.dma_semaphore, #tpu.memory_space<semaphore_mem>>)
      %add3A_537 = arith.constant 2 : i32
      %add3A_538 = arith.addi %add3A_452, %add3A_537 : i32
      %dma_wait3A_539 = arith.constant 0 : i32
      %dma_wait3A_540 = arith.constant 0 : i32
      %dma_wait3A_541 = tpu.memref_slice %arg8[%dma_wait3A_539, %dma_wait3A_540] : memref<200x128xi32, #tpu.memory_space<vmem>> -> memref<1x128xi32, #tpu.memory_space<vmem>>
      %dma_wait3A_542 = tpu.memref_squeeze %dma_wait3A_541 : memref<1x128xi32, #tpu.memory_space<vmem>> -> memref<128xi32, #tpu.memory_space<vmem>>
      %dma_wait3A_543 = arith.constant 0 : i32
      %dma_wait3A_544 = arith.constant 0 : i32
      %dma_wait3A_545 = tpu.memref_slice %arg4[%dma_wait3A_543, %dma_wait3A_544] : memref<100001x64xf32, #tpu.memory_space<hbm>> -> memref<100001x64xf32, #tpu.memory_space<hbm>>
      tpu.wait_indirect_dma semaphore(%arg21 : memref<!tpu.dma_semaphore, #tpu.memory_space<semaphore_mem>>) src(%dma_wait3A_545 : memref<100001x64xf32, #tpu.memory_space<hbm>>) dst(%arg11 : memref<128x64xf32, #tpu.memory_space<vmem>>)
      %ge3A_546 = arith.constant 4 : i32
      %ge3A_547 = arith.cmpi sge, %add3A_452, %ge3A_546 : i32
      %convert_element_type3A_548 = arith.extui %ge3A_547 : i1 to i32
      %cond3A_549 = arith.constant 0 : i32
      %cond3A_550 = arith.cmpi ne, %convert_element_type3A_548, %cond3A_549 : i32
      scf.if %cond3A_550 {
        %dma_wait3A_625 = arith.constant 0 : i32
        %dma_wait3A_626 = arith.constant 0 : i32
        %dma_wait3A_627 = arith.constant 0 : i32
        %dma_wait3A_628 = arith.constant 0 : i32
        %dma_wait3A_629 = tpu.memref_slice %arg15[%dma_wait3A_626, %dma_wait3A_627, %dma_wait3A_628] : memref<8x8x129xf32, #tpu.memory_space<vmem>> -> memref<8x8x128xf32, #tpu.memory_space<vmem>>
        %dma_wait3A_630 = arith.constant 0 : i32
        %dma_wait3A_631 = arith.constant 0 : i32
        %dma_wait3A_632 = arith.constant 0 : i32
        %dma_wait3A_633 = tpu.memref_slice %arg6[%dma_wait3A_625, %dma_wait3A_630, %add3A, %dma_wait3A_631, %dma_wait3A_632] : memref<200x8x32x8x128xf32, #tpu.memory_space<hbm>> -> memref<1x8x1x8x128xf32, #tpu.memory_space<hbm>>
        %dma_wait3A_634 = tpu.memref_squeeze %dma_wait3A_633 : memref<1x8x1x8x128xf32, #tpu.memory_space<hbm>> -> memref<8x8x128xf32, #tpu.memory_space<hbm>>
        %dma_wait3A_635 = arith.constant 0 : i32
        %dma_wait3A_636 = arith.constant 0 : i32
        %dma_wait3A_637 = arith.constant 0 : i32
        %dma_wait3A_638 = tpu.memref_slice %arg6[%dma_wait3A_625, %dma_wait3A_635, %add3A, %dma_wait3A_636, %dma_wait3A_637] : memref<200x8x32x8x128xf32, #tpu.memory_space<hbm>> -> memref<1x8x1x8x128xf32, #tpu.memory_space<hbm>>
        %dma_wait3A_639 = tpu.memref_squeeze %dma_wait3A_638 : memref<1x8x1x8x128xf32, #tpu.memory_space<hbm>> -> memref<8x8x128xf32, #tpu.memory_space<hbm>>
        %dma_wait3A_640 = arith.constant 0 : i32
        %dma_wait3A_641 = arith.constant 0 : i32
        %dma_wait3A_642 = arith.constant 0 : i32
        %dma_wait3A_643 = tpu.memref_slice %arg15[%dma_wait3A_640, %dma_wait3A_641, %dma_wait3A_642] : memref<8x8x129xf32, #tpu.memory_space<vmem>> -> memref<8x8x128xf32, #tpu.memory_space<vmem>>
        tpu.wait_dma2 semaphore(%arg25 : memref<!tpu.dma_semaphore, #tpu.memory_space<semaphore_mem>>) src(%dma_wait3A_643 : memref<8x8x128xf32, #tpu.memory_space<vmem>>) dst(%dma_wait3A_639 : memref<8x8x128xf32, #tpu.memory_space<hbm>>)
      } else {
      }
      %add3A_551 = arith.constant 4 : i32
      %add3A_552 = arith.addi %add3A_538, %add3A_551 : i32
      %sub3A_553 = arith.constant 1 : i32
      %sub3A_554 = arith.subi %add3A_552, %sub3A_553 : i32
      %lt3A_555 = arith.constant 200 : i32
      %lt3A_556 = arith.cmpi slt, %sub3A_554, %lt3A_555 : i32
      %convert_element_type3A_557 = arith.extui %lt3A_556 : i1 to i32
      %cond3A_558 = arith.constant 0 : i32
      %cond3A_559 = arith.cmpi ne, %convert_element_type3A_557, %cond3A_558 : i32
      scf.if %cond3A_559 {
        %add3A_625 = arith.constant 4 : i32
        %add3A_626 = arith.addi %add3A_538, %add3A_625 : i32
        %sub3A_627 = arith.constant 1 : i32
        %sub3A_628 = arith.subi %add3A_626, %sub3A_627 : i32
        %dma_start3A_629 = arith.constant 0 : i32
        %dma_start3A_630 = tpu.memref_slice %arg8[%sub3A_628, %dma_start3A_629] : memref<200x128xi32, #tpu.memory_space<vmem>> -> memref<1x128xi32, #tpu.memory_space<vmem>>
        %dma_start3A_631 = tpu.memref_squeeze %dma_start3A_630 : memref<1x128xi32, #tpu.memory_space<vmem>> -> memref<128xi32, #tpu.memory_space<vmem>>
        %dma_start3A_632 = arith.constant 0 : i32
        %dma_start3A_633 = arith.constant 0 : i32
        %dma_start3A_634 = tpu.memref_slice %arg4[%dma_start3A_632, %dma_start3A_633] : memref<100001x64xf32, #tpu.memory_space<hbm>> -> memref<100001x64xf32, #tpu.memory_space<hbm>>
        tpu.enqueue_indirect_dma source(%dma_start3A_634 : memref<100001x64xf32, #tpu.memory_space<hbm>>) target(%arg10 : memref<128x64xf32, #tpu.memory_space<vmem>>) offsets(%dma_start3A_631 : memref<128xi32, #tpu.memory_space<vmem>>) semaphore(%arg20 : memref<!tpu.dma_semaphore, #tpu.memory_space<semaphore_mem>>)
      } else {
      }
      %parallel_loop3A_560 = arith.constant 0 : i32
      %parallel_loop3A_561 = arith.constant 128 : i32
      %parallel_loop3A_562 = arith.constant 1 : i32
      scf.for %parallel_loop3A_625 = %parallel_loop3A_560 to %parallel_loop3A_561 step %parallel_loop3A_562  : i32 {
        %parallel_loop3A_626 = arith.constant 0 : i32
        %parallel_loop3A_627 = vector.broadcast %parallel_loop3A_626 : i32 to vector<16xi32>
        %parallel_loop3A_628 = vector.broadcast %parallel_loop3A_625 : i32 to vector<16xi32>
        %parallel_loop3A_629 = arith.addi %parallel_loop3A_627, %parallel_loop3A_628 : vector<16xi32>
        %parallel_loop3A_630 = arith.index_cast %parallel_loop3A_625 : i32 to index
        %parallel_loop3A_631 = arith.constant 0 : index
        %parallel_loop3A_632 = tpu.vector_load %arg11[%parallel_loop3A_630, %parallel_loop3A_631] {strides = array<i32>} : memref<128x64xf32, #tpu.memory_space<vmem>>, vector<16xf32>,
        tpu.vector_store_idx %arg15[%select_n3A, %select_n3A_49, %parallel_loop3A_629], %parallel_loop3A_632 : memref<8x8x129xf32, #tpu.memory_space<vmem>>[vector<16xi32>, vector<16xi32>, vector<16xi32>], vector<16xf32>,
        %parallel_loop3A_633 = arith.index_cast %parallel_loop3A_625 : i32 to index
        %parallel_loop3A_634 = arith.constant 16 : index
        %parallel_loop3A_635 = tpu.vector_load %arg11[%parallel_loop3A_633, %parallel_loop3A_634] {strides = array<i32>} : memref<128x64xf32, #tpu.memory_space<vmem>>, vector<16xf32>,
        tpu.vector_store_idx %arg15[%select_n3A_83, %select_n3A_108, %parallel_loop3A_629], %parallel_loop3A_635 : memref<8x8x129xf32, #tpu.memory_space<vmem>>[vector<16xi32>, vector<16xi32>, vector<16xi32>], vector<16xf32>,
        %parallel_loop3A_636 = arith.index_cast %parallel_loop3A_625 : i32 to index
        %parallel_loop3A_637 = arith.constant 32 : index
        %parallel_loop3A_638 = tpu.vector_load %arg11[%parallel_loop3A_636, %parallel_loop3A_637] {strides = array<i32>} : memref<128x64xf32, #tpu.memory_space<vmem>>, vector<16xf32>,
        tpu.vector_store_idx %arg15[%select_n3A_142, %select_n3A_167, %parallel_loop3A_629], %parallel_loop3A_638 : memref<8x8x129xf32, #tpu.memory_space<vmem>>[vector<16xi32>, vector<16xi32>, vector<16xi32>], vector<16xf32>,
        %parallel_loop3A_639 = arith.index_cast %parallel_loop3A_625 : i32 to index
        %parallel_loop3A_640 = arith.constant 48 : index
        %parallel_loop3A_641 = tpu.vector_load %arg11[%parallel_loop3A_639, %parallel_loop3A_640] {strides = array<i32>} : memref<128x64xf32, #tpu.memory_space<vmem>>, vector<16xf32>,
        tpu.vector_store_idx %arg15[%select_n3A_201, %select_n3A_226, %parallel_loop3A_629], %parallel_loop3A_641 : memref<8x8x129xf32, #tpu.memory_space<vmem>>[vector<16xi32>, vector<16xi32>, vector<16xi32>], vector<16xf32>,
      } {sc.loop_unroll_factor = 8 : i64, sc.parallel_access}
      %dma_start3A_563 = arith.constant 0 : i32
      %dma_start3A_564 = arith.constant 0 : i32
      %dma_start3A_565 = arith.constant 0 : i32
      %dma_start3A_566 = tpu.memref_slice %arg15[%dma_start3A_563, %dma_start3A_564, %dma_start3A_565] : memref<8x8x129xf32, #tpu.memory_space<vmem>> -> memref<8x8x128xf32, #tpu.memory_space<vmem>>
      %dma_start3A_567 = arith.constant 0 : i32
      %dma_start3A_568 = arith.constant 0 : i32
      %dma_start3A_569 = arith.constant 0 : i32
      %dma_start3A_570 = tpu.memref_slice %arg6[%add3A_538, %dma_start3A_567, %add3A, %dma_start3A_568, %dma_start3A_569] : memref<200x8x32x8x128xf32, #tpu.memory_space<hbm>> -> memref<1x8x1x8x128xf32, #tpu.memory_space<hbm>>
      %dma_start3A_571 = tpu.memref_squeeze %dma_start3A_570 : memref<1x8x1x8x128xf32, #tpu.memory_space<hbm>> -> memref<8x8x128xf32, #tpu.memory_space<hbm>>
      %dma_start3A_572 = arith.constant 0 : i32
      %dma_start3A_573 = arith.constant 0 : i32
      %dma_start3A_574 = arith.constant 0 : i32
      %dma_start3A_575 = tpu.memref_slice %arg6[%add3A_538, %dma_start3A_572, %add3A, %dma_start3A_573, %dma_start3A_574] : memref<200x8x32x8x128xf32, #tpu.memory_space<hbm>> -> memref<1x8x1x8x128xf32, #tpu.memory_space<hbm>>
      %dma_start3A_576 = tpu.memref_squeeze %dma_start3A_575 : memref<1x8x1x8x128xf32, #tpu.memory_space<hbm>> -> memref<8x8x128xf32, #tpu.memory_space<hbm>>
      %dma_start3A_577 = arith.constant 0 : i32
      %dma_start3A_578 = arith.constant 0 : i32
      %dma_start3A_579 = arith.constant 0 : i32
      %dma_start3A_580 = tpu.memref_slice %arg15[%dma_start3A_577, %dma_start3A_578, %dma_start3A_579] : memref<8x8x129xf32, #tpu.memory_space<vmem>> -> memref<8x8x128xf32, #tpu.memory_space<vmem>>
      tpu.enqueue_dma source(%dma_start3A_580 : memref<8x8x128xf32, #tpu.memory_space<vmem>>) target(%dma_start3A_576 : memref<8x8x128xf32, #tpu.memory_space<hbm>>) target_semaphore(%arg25 : memref<!tpu.dma_semaphore, #tpu.memory_space<semaphore_mem>>)
      %add3A_581 = arith.constant 3 : i32
      %add3A_582 = arith.addi %add3A_452, %add3A_581 : i32
      %dma_wait3A_583 = arith.constant 0 : i32
      %dma_wait3A_584 = arith.constant 0 : i32
      %dma_wait3A_585 = tpu.memref_slice %arg8[%dma_wait3A_583, %dma_wait3A_584] : memref<200x128xi32, #tpu.memory_space<vmem>> -> memref<1x128xi32, #tpu.memory_space<vmem>>
      %dma_wait3A_586 = tpu.memref_squeeze %dma_wait3A_585 : memref<1x128xi32, #tpu.memory_space<vmem>> -> memref<128xi32, #tpu.memory_space<vmem>>
      %dma_wait3A_587 = arith.constant 0 : i32
      %dma_wait3A_588 = arith.constant 0 : i32
      %dma_wait3A_589 = tpu.memref_slice %arg4[%dma_wait3A_587, %dma_wait3A_588] : memref<100001x64xf32, #tpu.memory_space<hbm>> -> memref<100001x64xf32, #tpu.memory_space<hbm>>
      tpu.wait_indirect_dma semaphore(%arg22 : memref<!tpu.dma_semaphore, #tpu.memory_space<semaphore_mem>>) src(%dma_wait3A_589 : memref<100001x64xf32, #tpu.memory_space<hbm>>) dst(%arg12 : memref<128x64xf32, #tpu.memory_space<vmem>>)
      %ge3A_590 = arith.constant 4 : i32
      %ge3A_591 = arith.cmpi sge, %add3A_452, %ge3A_590 : i32
      %convert_element_type3A_592 = arith.extui %ge3A_591 : i1 to i32
      %cond3A_593 = arith.constant 0 : i32
      %cond3A_594 = arith.cmpi ne, %convert_element_type3A_592, %cond3A_593 : i32
      scf.if %cond3A_594 {
        %dma_wait3A_625 = arith.constant 0 : i32
        %dma_wait3A_626 = arith.constant 0 : i32
        %dma_wait3A_627 = arith.constant 0 : i32
        %dma_wait3A_628 = arith.constant 0 : i32
        %dma_wait3A_629 = tpu.memref_slice %arg16[%dma_wait3A_626, %dma_wait3A_627, %dma_wait3A_628] : memref<8x8x129xf32, #tpu.memory_space<vmem>> -> memref<8x8x128xf32, #tpu.memory_space<vmem>>
        %dma_wait3A_630 = arith.constant 0 : i32
        %dma_wait3A_631 = arith.constant 0 : i32
        %dma_wait3A_632 = arith.constant 0 : i32
        %dma_wait3A_633 = tpu.memref_slice %arg6[%dma_wait3A_625, %dma_wait3A_630, %add3A, %dma_wait3A_631, %dma_wait3A_632] : memref<200x8x32x8x128xf32, #tpu.memory_space<hbm>> -> memref<1x8x1x8x128xf32, #tpu.memory_space<hbm>>
        %dma_wait3A_634 = tpu.memref_squeeze %dma_wait3A_633 : memref<1x8x1x8x128xf32, #tpu.memory_space<hbm>> -> memref<8x8x128xf32, #tpu.memory_space<hbm>>
        %dma_wait3A_635 = arith.constant 0 : i32
        %dma_wait3A_636 = arith.constant 0 : i32
        %dma_wait3A_637 = arith.constant 0 : i32
        %dma_wait3A_638 = tpu.memref_slice %arg6[%dma_wait3A_625, %dma_wait3A_635, %add3A, %dma_wait3A_636, %dma_wait3A_637] : memref<200x8x32x8x128xf32, #tpu.memory_space<hbm>> -> memref<1x8x1x8x128xf32, #tpu.memory_space<hbm>>
        %dma_wait3A_639 = tpu.memref_squeeze %dma_wait3A_638 : memref<1x8x1x8x128xf32, #tpu.memory_space<hbm>> -> memref<8x8x128xf32, #tpu.memory_space<hbm>>
        %dma_wait3A_640 = arith.constant 0 : i32
        %dma_wait3A_641 = arith.constant 0 : i32
        %dma_wait3A_642 = arith.constant 0 : i32
        %dma_wait3A_643 = tpu.memref_slice %arg16[%dma_wait3A_640, %dma_wait3A_641, %dma_wait3A_642] : memref<8x8x129xf32, #tpu.memory_space<vmem>> -> memref<8x8x128xf32, #tpu.memory_space<vmem>>
        tpu.wait_dma2 semaphore(%arg26 : memref<!tpu.dma_semaphore, #tpu.memory_space<semaphore_mem>>) src(%dma_wait3A_643 : memref<8x8x128xf32, #tpu.memory_space<vmem>>) dst(%dma_wait3A_639 : memref<8x8x128xf32, #tpu.memory_space<hbm>>)
      } else {
      }
      %add3A_595 = arith.constant 4 : i32
      %add3A_596 = arith.addi %add3A_582, %add3A_595 : i32
      %sub3A_597 = arith.constant 1 : i32
      %sub3A_598 = arith.subi %add3A_596, %sub3A_597 : i32
      %lt3A_599 = arith.constant 200 : i32
      %lt3A_600 = arith.cmpi slt, %sub3A_598, %lt3A_599 : i32
      %convert_element_type3A_601 = arith.extui %lt3A_600 : i1 to i32
      %cond3A_602 = arith.constant 0 : i32
      %cond3A_603 = arith.cmpi ne, %convert_element_type3A_601, %cond3A_602 : i32
      scf.if %cond3A_603 {
        %add3A_625 = arith.constant 4 : i32
        %add3A_626 = arith.addi %add3A_582, %add3A_625 : i32
        %sub3A_627 = arith.constant 1 : i32
        %sub3A_628 = arith.subi %add3A_626, %sub3A_627 : i32
        %dma_start3A_629 = arith.constant 0 : i32
        %dma_start3A_630 = tpu.memref_slice %arg8[%sub3A_628, %dma_start3A_629] : memref<200x128xi32, #tpu.memory_space<vmem>> -> memref<1x128xi32, #tpu.memory_space<vmem>>
        %dma_start3A_631 = tpu.memref_squeeze %dma_start3A_630 : memref<1x128xi32, #tpu.memory_space<vmem>> -> memref<128xi32, #tpu.memory_space<vmem>>
        %dma_start3A_632 = arith.constant 0 : i32
        %dma_start3A_633 = arith.constant 0 : i32
        %dma_start3A_634 = tpu.memref_slice %arg4[%dma_start3A_632, %dma_start3A_633] : memref<100001x64xf32, #tpu.memory_space<hbm>> -> memref<100001x64xf32, #tpu.memory_space<hbm>>
        tpu.enqueue_indirect_dma source(%dma_start3A_634 : memref<100001x64xf32, #tpu.memory_space<hbm>>) target(%arg11 : memref<128x64xf32, #tpu.memory_space<vmem>>) offsets(%dma_start3A_631 : memref<128xi32, #tpu.memory_space<vmem>>) semaphore(%arg21 : memref<!tpu.dma_semaphore, #tpu.memory_space<semaphore_mem>>)
      } else {
      }
      %parallel_loop3A_604 = arith.constant 0 : i32
      %parallel_loop3A_605 = arith.constant 128 : i32
      %parallel_loop3A_606 = arith.constant 1 : i32
      scf.for %parallel_loop3A_625 = %parallel_loop3A_604 to %parallel_loop3A_605 step %parallel_loop3A_606  : i32 {
        %parallel_loop3A_626 = arith.constant 0 : i32
        %parallel_loop3A_627 = vector.broadcast %parallel_loop3A_626 : i32 to vector<16xi32>
        %parallel_loop3A_628 = vector.broadcast %parallel_loop3A_625 : i32 to vector<16xi32>
        %parallel_loop3A_629 = arith.addi %parallel_loop3A_627, %parallel_loop3A_628 : vector<16xi32>
        %parallel_loop3A_630 = arith.index_cast %parallel_loop3A_625 : i32 to index
        %parallel_loop3A_631 = arith.constant 0 : index
        %parallel_loop3A_632 = tpu.vector_load %arg12[%parallel_loop3A_630, %parallel_loop3A_631] {strides = array<i32>} : memref<128x64xf32, #tpu.memory_space<vmem>>, vector<16xf32>,
        tpu.vector_store_idx %arg16[%select_n3A, %select_n3A_49, %parallel_loop3A_629], %parallel_loop3A_632 : memref<8x8x129xf32, #tpu.memory_space<vmem>>[vector<16xi32>, vector<16xi32>, vector<16xi32>], vector<16xf32>,
        %parallel_loop3A_633 = arith.index_cast %parallel_loop3A_625 : i32 to index
        %parallel_loop3A_634 = arith.constant 16 : index
        %parallel_loop3A_635 = tpu.vector_load %arg12[%parallel_loop3A_633, %parallel_loop3A_634] {strides = array<i32>} : memref<128x64xf32, #tpu.memory_space<vmem>>, vector<16xf32>,
        tpu.vector_store_idx %arg16[%select_n3A_83, %select_n3A_108, %parallel_loop3A_629], %parallel_loop3A_635 : memref<8x8x129xf32, #tpu.memory_space<vmem>>[vector<16xi32>, vector<16xi32>, vector<16xi32>], vector<16xf32>,
        %parallel_loop3A_636 = arith.index_cast %parallel_loop3A_625 : i32 to index
        %parallel_loop3A_637 = arith.constant 32 : index
        %parallel_loop3A_638 = tpu.vector_load %arg12[%parallel_loop3A_636, %parallel_loop3A_637] {strides = array<i32>} : memref<128x64xf32, #tpu.memory_space<vmem>>, vector<16xf32>,
        tpu.vector_store_idx %arg16[%select_n3A_142, %select_n3A_167, %parallel_loop3A_629], %parallel_loop3A_638 : memref<8x8x129xf32, #tpu.memory_space<vmem>>[vector<16xi32>, vector<16xi32>, vector<16xi32>], vector<16xf32>,
        %parallel_loop3A_639 = arith.index_cast %parallel_loop3A_625 : i32 to index
        %parallel_loop3A_640 = arith.constant 48 : index
        %parallel_loop3A_641 = tpu.vector_load %arg12[%parallel_loop3A_639, %parallel_loop3A_640] {strides = array<i32>} : memref<128x64xf32, #tpu.memory_space<vmem>>, vector<16xf32>,
        tpu.vector_store_idx %arg16[%select_n3A_201, %select_n3A_226, %parallel_loop3A_629], %parallel_loop3A_641 : memref<8x8x129xf32, #tpu.memory_space<vmem>>[vector<16xi32>, vector<16xi32>, vector<16xi32>], vector<16xf32>,
      } {sc.loop_unroll_factor = 8 : i64, sc.parallel_access}
      %dma_start3A_607 = arith.constant 0 : i32
      %dma_start3A_608 = arith.constant 0 : i32
      %dma_start3A_609 = arith.constant 0 : i32
      %dma_start3A_610 = tpu.memref_slice %arg16[%dma_start3A_607, %dma_start3A_608, %dma_start3A_609] : memref<8x8x129xf32, #tpu.memory_space<vmem>> -> memref<8x8x128xf32, #tpu.memory_space<vmem>>
      %dma_start3A_611 = arith.constant 0 : i32
      %dma_start3A_612 = arith.constant 0 : i32
      %dma_start3A_613 = arith.constant 0 : i32
      %dma_start3A_614 = tpu.memref_slice %arg6[%add3A_582, %dma_start3A_611, %add3A, %dma_start3A_612, %dma_start3A_613] : memref<200x8x32x8x128xf32, #tpu.memory_space<hbm>> -> memref<1x8x1x8x128xf32, #tpu.memory_space<hbm>>
      %dma_start3A_615 = tpu.memref_squeeze %dma_start3A_614 : memref<1x8x1x8x128xf32, #tpu.memory_space<hbm>> -> memref<8x8x128xf32, #tpu.memory_space<hbm>>
      %dma_start3A_616 = arith.constant 0 : i32
      %dma_start3A_617 = arith.constant 0 : i32
      %dma_start3A_618 = arith.constant 0 : i32
      %dma_start3A_619 = tpu.memref_slice %arg6[%add3A_582, %dma_start3A_616, %add3A, %dma_start3A_617, %dma_start3A_618] : memref<200x8x32x8x128xf32, #tpu.memory_space<hbm>> -> memref<1x8x1x8x128xf32, #tpu.memory_space<hbm>>
      %dma_start3A_620 = tpu.memref_squeeze %dma_start3A_619 : memref<1x8x1x8x128xf32, #tpu.memory_space<hbm>> -> memref<8x8x128xf32, #tpu.memory_space<hbm>>
      %dma_start3A_621 = arith.constant 0 : i32
      %dma_start3A_622 = arith.constant 0 : i32
      %dma_start3A_623 = arith.constant 0 : i32
      %dma_start3A_624 = tpu.memref_slice %arg16[%dma_start3A_621, %dma_start3A_622, %dma_start3A_623] : memref<8x8x129xf32, #tpu.memory_space<vmem>> -> memref<8x8x128xf32, #tpu.memory_space<vmem>>
      tpu.enqueue_dma source(%dma_start3A_624 : memref<8x8x128xf32, #tpu.memory_space<vmem>>) target(%dma_start3A_620 : memref<8x8x128xf32, #tpu.memory_space<hbm>>) target_semaphore(%arg26 : memref<!tpu.dma_semaphore, #tpu.memory_space<semaphore_mem>>)
    }
    %scan3A_371 = arith.constant 50 : i32
    %dma_wait3A_372 = arith.constant 0 : i32
    %dma_wait3A_373 = arith.constant 0 : i32
    %dma_wait3A_374 = arith.constant 0 : i32
    %dma_wait3A_375 = arith.constant 0 : i32
    %dma_wait3A_376 = tpu.memref_slice %arg13[%dma_wait3A_373, %dma_wait3A_374, %dma_wait3A_375] : memref<8x8x129xf32, #tpu.memory_space<vmem>> -> memref<8x8x128xf32, #tpu.memory_space<vmem>>
    %dma_wait3A_377 = arith.constant 0 : i32
    %dma_wait3A_378 = arith.constant 0 : i32
    %dma_wait3A_379 = arith.constant 0 : i32
    %dma_wait3A_380 = tpu.memref_slice %arg6[%dma_wait3A_372, %dma_wait3A_377, %add3A, %dma_wait3A_378, %dma_wait3A_379] : memref<200x8x32x8x128xf32, #tpu.memory_space<hbm>> -> memref<1x8x1x8x128xf32, #tpu.memory_space<hbm>>
    %dma_wait3A_381 = tpu.memref_squeeze %dma_wait3A_380 : memref<1x8x1x8x128xf32, #tpu.memory_space<hbm>> -> memref<8x8x128xf32, #tpu.memory_space<hbm>>
    %dma_wait3A_382 = arith.constant 0 : i32
    %dma_wait3A_383 = arith.constant 0 : i32
    %dma_wait3A_384 = arith.constant 0 : i32
    %dma_wait3A_385 = tpu.memref_slice %arg6[%dma_wait3A_372, %dma_wait3A_382, %add3A, %dma_wait3A_383, %dma_wait3A_384] : memref<200x8x32x8x128xf32, #tpu.memory_space<hbm>> -> memref<1x8x1x8x128xf32, #tpu.memory_space<hbm>>
    %dma_wait3A_386 = tpu.memref_squeeze %dma_wait3A_385 : memref<1x8x1x8x128xf32, #tpu.memory_space<hbm>> -> memref<8x8x128xf32, #tpu.memory_space<hbm>>
    %dma_wait3A_387 = arith.constant 0 : i32
    %dma_wait3A_388 = arith.constant 0 : i32
    %dma_wait3A_389 = arith.constant 0 : i32
    %dma_wait3A_390 = tpu.memref_slice %arg13[%dma_wait3A_387, %dma_wait3A_388, %dma_wait3A_389] : memref<8x8x129xf32, #tpu.memory_space<vmem>> -> memref<8x8x128xf32, #tpu.memory_space<vmem>>
    tpu.wait_dma2 semaphore(%arg23 : memref<!tpu.dma_semaphore, #tpu.memory_space<semaphore_mem>>) src(%dma_wait3A_390 : memref<8x8x128xf32, #tpu.memory_space<vmem>>) dst(%dma_wait3A_386 : memref<8x8x128xf32, #tpu.memory_space<hbm>>)
    %dma_wait3A_391 = arith.constant 0 : i32
    %dma_wait3A_392 = arith.constant 0 : i32
    %dma_wait3A_393 = arith.constant 0 : i32
    %dma_wait3A_394 = arith.constant 0 : i32
    %dma_wait3A_395 = tpu.memref_slice %arg14[%dma_wait3A_392, %dma_wait3A_393, %dma_wait3A_394] : memref<8x8x129xf32, #tpu.memory_space<vmem>> -> memref<8x8x128xf32, #tpu.memory_space<vmem>>
    %dma_wait3A_396 = arith.constant 0 : i32
    %dma_wait3A_397 = arith.constant 0 : i32
    %dma_wait3A_398 = arith.constant 0 : i32
    %dma_wait3A_399 = tpu.memref_slice %arg6[%dma_wait3A_391, %dma_wait3A_396, %add3A, %dma_wait3A_397, %dma_wait3A_398] : memref<200x8x32x8x128xf32, #tpu.memory_space<hbm>> -> memref<1x8x1x8x128xf32, #tpu.memory_space<hbm>>
    %dma_wait3A_400 = tpu.memref_squeeze %dma_wait3A_399 : memref<1x8x1x8x128xf32, #tpu.memory_space<hbm>> -> memref<8x8x128xf32, #tpu.memory_space<hbm>>
    %dma_wait3A_401 = arith.constant 0 : i32
    %dma_wait3A_402 = arith.constant 0 : i32
    %dma_wait3A_403 = arith.constant 0 : i32
    %dma_wait3A_404 = tpu.memref_slice %arg6[%dma_wait3A_391, %dma_wait3A_401, %add3A, %dma_wait3A_402, %dma_wait3A_403] : memref<200x8x32x8x128xf32, #tpu.memory_space<hbm>> -> memref<1x8x1x8x128xf32, #tpu.memory_space<hbm>>
    %dma_wait3A_405 = tpu.memref_squeeze %dma_wait3A_404 : memref<1x8x1x8x128xf32, #tpu.memory_space<hbm>> -> memref<8x8x128xf32, #tpu.memory_space<hbm>>
    %dma_wait3A_406 = arith.constant 0 : i32
    %dma_wait3A_407 = arith.constant 0 : i32
    %dma_wait3A_408 = arith.constant 0 : i32
    %dma_wait3A_409 = tpu.memref_slice %arg14[%dma_wait3A_406, %dma_wait3A_407, %dma_wait3A_408] : memref<8x8x129xf32, #tpu.memory_space<vmem>> -> memref<8x8x128xf32, #tpu.memory_space<vmem>>
    tpu.wait_dma2 semaphore(%arg24 : memref<!tpu.dma_semaphore, #tpu.memory_space<semaphore_mem>>) src(%dma_wait3A_409 : memref<8x8x128xf32, #tpu.memory_space<vmem>>) dst(%dma_wait3A_405 : memref<8x8x128xf32, #tpu.memory_space<hbm>>)
    %dma_wait3A_410 = arith.constant 0 : i32
    %dma_wait3A_411 = arith.constant 0 : i32
    %dma_wait3A_412 = arith.constant 0 : i32
    %dma_wait3A_413 = arith.constant 0 : i32
    %dma_wait3A_414 = tpu.memref_slice %arg15[%dma_wait3A_411, %dma_wait3A_412, %dma_wait3A_413] : memref<8x8x129xf32, #tpu.memory_space<vmem>> -> memref<8x8x128xf32, #tpu.memory_space<vmem>>
    %dma_wait3A_415 = arith.constant 0 : i32
    %dma_wait3A_416 = arith.constant 0 : i32
    %dma_wait3A_417 = arith.constant 0 : i32
    %dma_wait3A_418 = tpu.memref_slice %arg6[%dma_wait3A_410, %dma_wait3A_415, %add3A, %dma_wait3A_416, %dma_wait3A_417] : memref<200x8x32x8x128xf32, #tpu.memory_space<hbm>> -> memref<1x8x1x8x128xf32, #tpu.memory_space<hbm>>
    %dma_wait3A_419 = tpu.memref_squeeze %dma_wait3A_418 : memref<1x8x1x8x128xf32, #tpu.memory_space<hbm>> -> memref<8x8x128xf32, #tpu.memory_space<hbm>>
    %dma_wait3A_420 = arith.constant 0 : i32
    %dma_wait3A_421 = arith.constant 0 : i32
    %dma_wait3A_422 = arith.constant 0 : i32
    %dma_wait3A_423 = tpu.memref_slice %arg6[%dma_wait3A_410, %dma_wait3A_420, %add3A, %dma_wait3A_421, %dma_wait3A_422] : memref<200x8x32x8x128xf32, #tpu.memory_space<hbm>> -> memref<1x8x1x8x128xf32, #tpu.memory_space<hbm>>
    %dma_wait3A_424 = tpu.memref_squeeze %dma_wait3A_423 : memref<1x8x1x8x128xf32, #tpu.memory_space<hbm>> -> memref<8x8x128xf32, #tpu.memory_space<hbm>>
    %dma_wait3A_425 = arith.constant 0 : i32
    %dma_wait3A_426 = arith.constant 0 : i32
    %dma_wait3A_427 = arith.constant 0 : i32
    %dma_wait3A_428 = tpu.memref_slice %arg15[%dma_wait3A_425, %dma_wait3A_426, %dma_wait3A_427] : memref<8x8x129xf32, #tpu.memory_space<vmem>> -> memref<8x8x128xf32, #tpu.memory_space<vmem>>
    tpu.wait_dma2 semaphore(%arg25 : memref<!tpu.dma_semaphore, #tpu.memory_space<semaphore_mem>>) src(%dma_wait3A_428 : memref<8x8x128xf32, #tpu.memory_space<vmem>>) dst(%dma_wait3A_424 : memref<8x8x128xf32, #tpu.memory_space<hbm>>)
    %dma_wait3A_429 = arith.constant 0 : i32
    %dma_wait3A_430 = arith.constant 0 : i32
    %dma_wait3A_431 = arith.constant 0 : i32
    %dma_wait3A_432 = arith.constant 0 : i32
    %dma_wait3A_433 = tpu.memref_slice %arg16[%dma_wait3A_430, %dma_wait3A_431, %dma_wait3A_432] : memref<8x8x129xf32, #tpu.memory_space<vmem>> -> memref<8x8x128xf32, #tpu.memory_space<vmem>>
    %dma_wait3A_434 = arith.constant 0 : i32
    %dma_wait3A_435 = arith.constant 0 : i32
    %dma_wait3A_436 = arith.constant 0 : i32
    %dma_wait3A_437 = tpu.memref_slice %arg6[%dma_wait3A_429, %dma_wait3A_434, %add3A, %dma_wait3A_435, %dma_wait3A_436] : memref<200x8x32x8x128xf32, #tpu.memory_space<hbm>> -> memref<1x8x1x8x128xf32, #tpu.memory_space<hbm>>
    %dma_wait3A_438 = tpu.memref_squeeze %dma_wait3A_437 : memref<1x8x1x8x128xf32, #tpu.memory_space<hbm>> -> memref<8x8x128xf32, #tpu.memory_space<hbm>>
    %dma_wait3A_439 = arith.constant 0 : i32
    %dma_wait3A_440 = arith.constant 0 : i32
    %dma_wait3A_441 = arith.constant 0 : i32
    %dma_wait3A_442 = tpu.memref_slice %arg6[%dma_wait3A_429, %dma_wait3A_439, %add3A, %dma_wait3A_440, %dma_wait3A_441] : memref<200x8x32x8x128xf32, #tpu.memory_space<hbm>> -> memref<1x8x1x8x128xf32, #tpu.memory_space<hbm>>
    %dma_wait3A_443 = tpu.memref_squeeze %dma_wait3A_442 : memref<1x8x1x8x128xf32, #tpu.memory_space<hbm>> -> memref<8x8x128xf32, #tpu.memory_space<hbm>>
    %dma_wait3A_444 = arith.constant 0 : i32
    %dma_wait3A_445 = arith.constant 0 : i32
    %dma_wait3A_446 = arith.constant 0 : i32
    %dma_wait3A_447 = tpu.memref_slice %arg16[%dma_wait3A_444, %dma_wait3A_445, %dma_wait3A_446] : memref<8x8x129xf32, #tpu.memory_space<vmem>> -> memref<8x8x128xf32, #tpu.memory_space<vmem>>
    tpu.wait_dma2 semaphore(%arg26 : memref<!tpu.dma_semaphore, #tpu.memory_space<semaphore_mem>>) src(%dma_wait3A_447 : memref<8x8x128xf32, #tpu.memory_space<vmem>>) dst(%dma_wait3A_443 : memref<8x8x128xf32, #tpu.memory_space<hbm>>)
    return
  }
}

</mosaic_0001>

<sc_bundles>
// kernel: kernel.3.cloned.1.call-start
scs
__scs_entry_jumppad:
0x0: {  	(pc) =	sbr.rel $0x88, $3  }
0x1: {  	(tag) =	ssettag $0x0;
	lr =	simm.s32 $0x1  }
0x2: {  	[smem:$0x3F9D] =	sst lr;
	_ =	strace $0xD0000000  }
0x3: {  	_ = 	snop  }
0x4: {  	_ = 	snop  }
0x5: {  	_ = 	snop  }
0x6: {  	_ = 	snop  }
0x7: {  	_ = 	snop  }
__scs_overlays_trampoline_lowered:
0x8: {  	[smem:$0x3FAC] =	sst s0  }
0x9: {  	[smem:$0x3FAD] =	sst s1  }
0xa: {  	[smem:$0x3FAE] =	sst s2  }
0xb: {  	[smem:$0x3FAF] =	sst s3  }
0xc: {  	[smem:$0x3FB0] =	sst s4  }
0xd: {  	[smem:$0x3FB1] =	sst s5  }
0xe: {  	[smem:$0x3FB2] =	sst s6  }
0xf: {  	[smem:$0x3FB3] =	sst s7  }
0x10: {  	[smem:$0x3FB4] =	sst s8  }
0x11: {  	[smem:$0x3FB5] =	sst s9;
	s0 =	simm.s32 @!p0 $0x0  }
0x12: {  	s1 =	sld [smem:$0x3F9B];
	s0 =	simm.s32 @p0 $0x1  }
0x13: {  	[smem:$0x3FB6] =	sst s0;
	s0 =	simm.s32 @!p1 $0x0  }
0x14: {  	s2 =	sld [smem:$0x3F9A];
	s0 =	simm.s32 @p1 $0x1  }
0x15: {  	[smem:$0x3FB7] =	sst s0;
	s0 =	simm.s32 @!p2 $0x0  }
0x16: {  	s3 =	sld [smem:$0x3FDB];
	s0 =	simm.s32 @p2 $0x1  }
0x17: {  	s4 =	simm.s32 $0x1BF5;
	[smem:$0x3FB9] =	sst s0  }
0x18: {  	s0 =	sld [smem:$0x3F9C];
	_ =	swait.ge [sflag:s4], $0x0  }
0x19: {  	s7 =	sld [smem:$0x3F9D]  }
0x1a: {  	s8 =	sadd.s32 $0xFFFFE003, lr  }
0x1b: {  	s9 =	sadd.s32 $0xFFFFFEF7, lr;
	s5 =	simm.s32 $0xFFFFFFFF;
	p2 =	slt.u32 s8, $0xFFFFF086  }
0x1c: {  	p1 =	slt.u32 s9, $0xF7A;
	s5 =	simm.s32 @!p2 $0x0  }
0x1d: {  	s5 =	simm.s32 @p1 $0x1;
	p0 =	seq.s32 s7, s2  }
0x1e: {  	s7 =	smul.u32 @!p0 $0xF7A, s2;
	p2 =	seq.s32 @!p0 s5, $0x0  }
0x1f: {  	s9 =	smul.u32 $0xF7A, s1;
	s8 =	simm.s32 @!p0 $0x1BF5;
	p2 =	por !p2, p0  }
0x20: {  	[sflag:s8] =	ssyncset.s32 @!p0 $0xFFFFF086;
	s6 =	sadd.s32 @!p0 s3, s7;
	s7 =	simm.s32 @!p0 $0x108  }
0x21: {  	s3 =	sadd.s32 s3, s9;
	s6 =	sadd.s32 @!p0 $0x88, s6;
	s7 =	simm.s32 @p2 $0x1082  }
0x22: {  	[simem:s7], [sflag:s8] =	dma.local @!p0 [hbm:s6], $0xF7A  }
0x23: {  	s9 =	sor.u32 $0xD0000000, s2;
	s6 =	simm.s32 $0x108;
	_ =	swait.ge @!p0 [sflag:s8], $0x0  }
0x24: {  	s3 =	sadd.s32 $0x88, s3;
	s6 =	simm.s32 @!p1 $0x1082;
	[sflag:s4] =	ssyncset.s32 $0xFFFFF086  }
0x25: {  	[simem:s6], [sflag:s4] =	dma.local [hbm:s3], $0xF7A  }
0x26: {  	[smem:$0x3F9D] =	sst s1;
	(tag) =	ssettag s2;
	_ =	strace s9  }
0x27: {  	s1 =	sld [smem:$0x3FAD]  }
0x28: {  	s2 =	sld [smem:$0x3FAE]  }
0x29: {  	s4 =	sld [smem:$0x3FB0]  }
0x2a: {  	p0 =	seq.s32 s5, $0x0;
	s5 =	sld [smem:$0x3FB1]  }
0x2b: {  	s6 =	sld [smem:$0x3FB2]  }
0x2c: {  	s7 =	sld [smem:$0x3FB3]  }
0x2d: {  	s3 =	simm.s32 $0x108;
	s8 =	sld [smem:$0x3FB4]  }
0x2e: {  	s3 =	simm.s32 @!p0 $0x1082;
	s9 =	sld [smem:$0x3FB5]  }
0x2f: {  	lr =	sadd.s32 s0, s3;
	s0 =	sld [smem:$0x3FAC]  }
0x30: {  	s3 =	sld [smem:$0x3FAF]  }
0x31: {  	[smem:$0x3FB8] =	sst s10  }
0x32: {  	s10 =	sld [smem:$0x3FB6];
	_ =	sdelay $0x3  }
0x33: {  	p0 =	seq.s32 s10, $0x1;
	s10 =	sld [smem:$0x3FB8];
	_ =	sdelay $0x3  }
0x34: {  	[smem:$0x3FB8] =	sst s10  }
0x35: {  	s10 =	sld [smem:$0x3FB7];
	_ =	sdelay $0x3  }
0x36: {  	p1 =	seq.s32 s10, $0x1;
	s10 =	sld [smem:$0x3FB8];
	_ =	sdelay $0x3  }
0x37: {  	[smem:$0x3FB8] =	sst s10  }
0x38: {  	s10 =	sld [smem:$0x3FB9]  }
0x39: {  	_ = 	snop;
	(pc) =	sbr.ind lr, $3  }
0x3a: {  	_ = 	snop  }
0x3b: {  	_ = 	snop  }
0x3c: {  	p2 =	seq.s32 s10, $0x1;
	s10 =	sld [smem:$0x3FB8]  }
0x3d: {  	_ =	shalt  }
0x3e: {  	_ =	shalt  }
0x3f: {  	_ =	shalt  }
0x40: {  	_ =	shalt  }
0x41: {  	_ =	shalt  }
0x42: {  	_ =	shalt  }
0x43: {  	_ =	shalt  }
0x44: {  	_ =	shalt  }
0x45: {  	_ =	shalt  }
0x46: {  	_ =	shalt  }
0x47: {  	_ =	shalt  }
0x48: {  	_ =	shalt  }
0x49: {  	_ =	shalt  }
0x4a: {  	_ =	shalt  }
0x4b: {  	_ =	shalt  }
0x4c: {  	_ =	shalt  }
0x4d: {  	_ =	shalt  }
0x4e: {  	_ =	shalt  }
0x4f: {  	_ =	shalt  }
0x50: {  	_ =	shalt  }
0x51: {  	_ =	shalt  }
0x52: {  	_ =	shalt  }
0x53: {  	_ =	shalt  }
0x54: {  	_ =	shalt  }
0x55: {  	_ =	shalt  }
0x56: {  	_ =	shalt  }
0x57: {  	_ =	shalt  }
0x58: {  	_ =	shalt  }
0x59: {  	_ =	shalt  }
0x5a: {  	_ =	shalt  }
0x5b: {  	_ =	shalt  }
0x5c: {  	_ =	shalt  }
0x5d: {  	_ =	shalt  }
0x5e: {  	_ =	shalt  }
0x5f: {  	_ =	shalt  }
0x60: {  	_ =	shalt  }
0x61: {  	_ =	shalt  }
0x62: {  	_ =	shalt  }
0x63: {  	_ =	shalt  }
0x64: {  	_ =	shalt  }
0x65: {  	_ =	shalt  }
0x66: {  	_ =	shalt  }
0x67: {  	_ =	shalt  }
0x68: {  	_ =	shalt  }
0x69: {  	_ =	shalt  }
0x6a: {  	_ =	shalt  }
0x6b: {  	_ =	shalt  }
0x6c: {  	_ =	shalt  }
0x6d: {  	_ =	shalt  }
0x6e: {  	_ =	shalt  }
0x6f: {  	_ =	shalt  }
0x70: {  	_ =	shalt  }
0x71: {  	_ =	shalt  }
0x72: {  	_ =	shalt  }
0x73: {  	_ =	shalt  }
0x74: {  	_ =	shalt  }
0x75: {  	_ =	shalt  }
0x76: {  	_ =	shalt  }
0x77: {  	_ =	shalt  }
0x78: {  	_ =	shalt  }
0x79: {  	_ =	shalt  }
0x7a: {  	_ =	shalt  }
0x7b: {  	_ =	shalt  }
0x7c: {  	_ =	shalt  }
0x7d: {  	_ =	shalt  }
0x7e: {  	_ =	shalt  }
0x7f: {  	_ =	shalt  }
0x80: {  	_ =	shalt  }
0x81: {  	_ =	shalt  }
0x82: {  	_ =	shalt  }
0x83: {  	_ =	shalt  }
0x84: {  	_ =	shalt  }
0x85: {  	_ =	shalt  }
0x86: {  	_ =	shalt  }
0x87: {  	_ =	shalt  }
.Lfunc_end0:
.L_simem_size_0:
called_computation_lowered:
.L_overlay_start_0:
0x88: {  	s2 =	sld [smem:$0x3FD9]  }
0x89: {  	s3 =	sld [smem:$0x3FFE];
	_ =	sdelay $0x1  }
0x8a: {  	s1 =	srdreg.scid  }
0x8b: {  	s0 =	sand.u32 $0x1, s1  }
0x8c: {  	s14 =	sshll.u32 s0, $0xA;
	s2 =	sadd.s32 s3, s2  }
0x8d: {  	s2 =	sadd.s32 s2, s14  }
0x8e: {  	[smem:$0x3FC4] =	sst s2  }
0x8f: {  	_ = 	snop  }
0x90: {  	s2 =	sld [smem:$0x3FD0];
	_ =	sdelay $0x2  }
0x91: {  	s15 =	simm.s32 $0xA;
	s4 =	simm.s32 $0x10  }
0x92: {  	[smem:s4], [sflag:s15] =	dma.local [hbm:s2], $0x1  }
0x93: {  	_ =	swait.eq [sflag:s15], $0x1  }
0x94: {  	[sflag:s15] =	ssyncset.done $0x0  }
0x95: {  	s16 =	sld [smem:$0x10];
	[sflag:s15] =	ssyncadd.s32 $0xFFFFFFFF  }
0x96: {  	s17 =	sld [smem:$0x11];
	(tm) =	ssettm $0x1  }
0x97: {  	s18 =	sld [smem:$0x3FFB];
	_ =	sdelay $0x3  }
0x98: {  	_ =	strace s18  }
0x99: {  	s4 =	sld [smem:$0x3FFC];
	_ =	sdelay $0x3  }
0x9a: {  	_ =	strace s4  }
0x9b: {  	s4 =	sld [smem:$0x3FFD];
	_ =	sdelay $0x3  }
0x9c: {  	_ =	strace s4  }
0x9d: {  	_ =	strace $0x8FFFFFFF  }
0x9e: {  	s19 =	sld [smem:$0x3FDB];
	_ =	sdelay $0x1  }
0x9f: {  	s5 =	simm.s32 $_scs_section_size  }
0xa0: {  	s6 =	simm.s32 $_size__tile_overlayer_lowered;
	s7 =	simm.s32 $_tile_overlayer_lowered  }
0xa1: {  	s22 =	simm.s32 $0x1BFF;
	s21 =	sshll.u32 s7, $0x1;
	s4 =	sadd.s32 s5, s19  }
0xa2: {  	s8 =	simm.s32 $0x0;
	s20 =	sshll.u32 s6, $0x1;
	s6 =	sadd.s32 s21, s4  }
0xa3: {  	[timem:s8], [sflag:s22] =	dma.local [hbm:s6], s20  }
0xa4: {  	_ =	swait.ge [sflag:s22], s20  }
0xa5: {  	s5 =	ssub.s32 $0x0, s20;
	[sflag:s22] =	ssyncset.done $0x0  }
0xa6: {  	[sflag:s22] =	ssyncadd.s32 s5;
	_ =	sdelay $0x1  }
0xa7: {  	s23 =	simm.s32 $0x1B8B  }
0xa8: {  	_ =	swait.ge [sflag:s23], $0x1  }
0xa9: {  	[sflag:s23] =	ssyncset.done $0x0  }
0xaa: {  	s25 =	simm.s32 $0x1B8E;
	s24 =	sld [smem:$0x3FFE];
	[sflag:s23] =	ssyncadd.s32 $0xFFFFFFFF  }
0xab: {  	s26 =	simm.s32 $execute0_lowered;
	[smem:$0x3FD2] =	sst s25  }
0xac: {  	s6 =	sshll.u32 s26, $0x1;
	_ =	strace $0x80000046;
	[dreg:$0x1] =	wrdreg $0xFFFFFFFF  }
0xad: {  	s28 =	simm.s32 $_size_execute0_lowered;
	s4 =	sadd.s32 s4, s6;
	[dreg:$0x0] =	wrdreg $0x0  }
0xae: {  	s6 =	sshll.u32 s28, $0x1;
	[dreg:$0x2] =	wrdreg s4  }
0xaf: {  	[dreg:$0x3] =	wrdreg s6  }
0xb0: {  	[dreg:$0x4] =	wrdreg $0xC0  }
0xb1: {  	_ =	task [dreg:s8], $0x5FFFF  }
0xb2: {  	[dreg:$0x1] =	wrdreg $0xFFFFFFFF  }
0xb3: {  	[dreg:$0x0] =	wrdreg $0x60  }
0xb4: {  	[dreg:$0x2] =	wrdreg s24  }
0xb5: {  	[dreg:$0x3] =	wrdreg s16  }
0xb6: {  	[dreg:$0x4] =	wrdreg s17  }
0xb7: {  	[dreg:$0x5] =	wrdreg $0x9  }
0xb8: {  	_ =	task.clear_ibuf [dreg:s8], $0x6FFFF;
	_ =	strace $0x90000046  }
0xb9: {  	s29 =	simm.s32 $0x9;
	_ =	strace $0x80000048  }
0xba: {  	_ =	swait.ge [sflag:s29], $0x1  }
0xbb: {  	[sflag:s29] =	ssyncadd.s32 $0xFFFFFFFF  }
0xbc: {  	_ =	strace $0x90000048  }
0xbd: {  	_ =	sfence  }
0xbe: {  	s30 =	sld [smem:$0x0];
	_ =	sdelay $0x2  }
0xbf: {  	s31 =	sshll.u32 s1, $0xD;
	s1 =	sshrl.u32 s1, $0x2  }
0xc0: {  	s3 =	sand.u32 $0x4000, s31;
	s1 =	sadd.s32 s1, s30  }
0xc1: {  	s0 =	sor.u32 s3, s0;
	s1 =	sshll.u32 s1, $0x11  }
0xc2: {  	s0 =	sor.u32 s1, s0  }
0xc3: {  	s0 =	sadd.s32 $0x8F2B, s0  }
0xc4: {  	[sflag:s0] =	ssyncadd.remote.s32 $0x1  }
0xc5: {  	_ =	sfence.sel $0xFFFF  }
0xc6: {  	[dreg:$0x0] =	wrdreg $0xFFFFFFFF;
	(pc) =	sbr.abs _section_cstart, $3  }
0xc7: {  	[dreg:$0x1] =	wrdreg $0xFFFFFFFF  }
0xc8: {  	_ =	task.clear_ibuf [dreg:s8], $0x2FFFF;
	_ =	strace $0x9FFFFFFF  }
0xc9: {  	(tm) =	ssettm $0x7FFFFFFF  }
tec
execute0_lowered:
.L_overlay_start_1:
0x0: {  	(tag) =	ssettag $0x1  }
0x1: {  	s0 =	rddreg [dreg:$0x0]  }
0x2: {  	s2 =	rddreg [dreg:$0x1]  }
0x3: {  	s3 =	rddreg [dreg:$0x2];
	v0 =	vlaneseq.u32  }
0x4: {  	s1 =	srdreg.scid;
	s5 =	stileid.u32;
	v0 =	vmul.u32 $0x88, v0  }
0x5: {  	s4 =	simm.s32 $0x0;
	v1 =	vimm.s32 $0x0;
	vm0 =	vcmask $0x300;
	s14 =	simm.s32 $0x80;
	s15 =	simm.s32 $0x6400  }
0x6: {  	s18 =	simm.s32 $0xC800;
	s22 =	simm.s32 $0x3;
	s23 =	simm.s32 $0x12800;
	v1 =	vsel vm0, $0x3, v1;
	v2 =	vadd.s32 $0x880, v0  }
0x7: {  	s28 =	simm.s32 $0x5;
	s29 =	simm.s32 $0x18C00;
	s30 =	simm.s32 $0x6;
	v3 =	vadd.s32 $0x1100, v0;
	v4 =	vadd.s32 $0x1980, v0;
	v5 =	vor.u32 $0x1, v0  }
0x8: {  	s31 =	simm.s32 $0x1AE00;
	s19 =	simm.s32 $0x0;
	s1 =	sand.u32 $0x1, s1;
	v6 =	vadd.s32 $0x881, v0;
	v7 =	vadd.s32 $0x1101, v0;
	v8 =	vadd.s32 $0x1981, v0  }
0x9: {  	s5 =	sshll.u32 s5, $0x1;
	[smem:$0x7FF] =	sst s4;
	s9 =	sadd.s32 $0x8000, s2;
	v9 =	vor.u32 $0x2, v0;
	v10 =	vadd.s32 $0x882, v0;
	v11 =	vadd.s32 $0x1102, v0  }
0xa: {  	s10 =	sadd.s32 $0x10000, s2;
	s11 =	sadd.s32 $0x8000, s3;
	s6 =	sor.u32 s1, s5;
	v12 =	vadd.s32 $0x1982, v0;
	v13 =	vor.u32 $0x3, v0;
	v14 =	vadd.s32 $0x883, v0  }
0xb: {  	s12 =	sadd.s32 $0x10000, s3;
	s1 =	ssub.s32 $0x2, s1;
	s5 =	sshll.u32 s6, $0x4;
	v15 =	vadd.s32 $0x1103, v0;
	v16 =	vadd.s32 $0x1983, v0;
	v17 =	vor.u32 $0x4, v0  }
0xc: {  	_ =	strace $0x80000047;
	s7 =	sshrl.u32 s1, $0x1;
	v18 =	vadd.s32 $0x884, v0;
	v19 =	vadd.s32 $0x1104, v0;
	v20 =	vadd.s32 $0x1984, v0;
	s8 =	sadd.s32 s5, s0  }
0xd: {  	v21 =	vor.u32 $0x5, v0;
	v22 =	vadd.s32 $0x885, v0;
	v23 =	vadd.s32 $0x1105, v0;
	s5 =	sadd.s32 $0xE00, s0;
	s24 =	ssub.s32 s1, s7;
	s25 =	sadd.s32 $0xDD400, s8  }
0xe: {  	v24 =	vadd.s32 $0x1985, v0;
	v25 =	vor.u32 $0x6, v0;
	v26 =	vadd.s32 $0x886, v0;
	s26 =	sadd.s32 $0xC4400, s8;
	s8 =	sshll.u32 s6, $0xA;
	[dreg:$0x4] =	wrdreg s25  }
0xf: {  	v27 =	vadd.s32 $0x1106, v0;
	v28 =	vadd.s32 $0x1986, v0;
	v29 =	vor.u32 $0x7, v0;
	s0 =	smax.u32 s24, $0x1;
	s24 =	simm.s32 $0x14800;
	[dreg:$0x5] =	wrdreg s26  }
0x10: {  	v30 =	vadd.s32 $0x887, v0;
	v31 =	vadd.s32 $0x1107, v0;
	v32 =	vadd.s32 $0x1987, v0;
	[dreg:$0x6] =	wrdreg s0;
	s25 =	simm.s32 $0x4;
	s26 =	simm.s32 $0x16A00  }
.LBB2_1:
0x11: {  	s0 =	rddreg [dreg:$0x4];
	s1 =	simm.s32 $0x1000  }
0x12: {  	[tilespmem:s4], [sflag:$0x1] =	stream.strided.gather [hbm4b:s0+s14], $0x6400, s1, s14, $0x38;
	[tilespmem:$0x1D000] =	vst v63  }
0x13: {  	s13 =	rddreg [dreg:$0x5];
	s16 =	simm.s32 $0x1  }
0x14: {  	[tilespmem:s15], [sflag:$0x2] =	stream.strided.gather [hbm4b:s13+s14], $0x6400, s1, s14, $0x38;
	[tilespmem:$0x1D000] =	vst v63  }
0x15: {  	_ =	swait.ge [sflag:s16], $0x6400  }
0x16: {  	[sflag:s16] =	ssyncset.done $0x0  }
0x17: {  	[sflag:s16] =	ssyncadd.s32 $0xFFFF9C00  }
0x18: {  	[tilespmem:s18], [sflag:$0x3] =	stream.indirect.gather [hbm4b:s5+s14], $0x40, s4, s14, $0xb8;
	[tilespmem:$0x1D000] =	vst v63  }
0x19: {  	s17 =	simm.s32 $0xE800  }
0x1a: {  	[tilespmem:s17], [sflag:$0x4] =	stream.indirect.gather [hbm4b:s5+s14], $0x40, s14, s14, $0xb8;
	[tilespmem:$0x1D000] =	vst v63  }
0x1b: {  	s20 =	simm.s32 $0x100;
	s21 =	simm.s32 $0x10800  }
0x1c: {  	[tilespmem:s21], [sflag:$0x5] =	stream.indirect.gather [hbm4b:s5+s14], $0x40, s20, s14, $0xb8;
	[tilespmem:$0x1D000] =	vst v63  }
0x1d: {  	s21 =	simm.s32 $0x0  }
.LBB2_2:
0x1e: {  	_ =	swait.ge [sflag:s22], $0x2000  }
0x1f: {  	s1 =	simm.s32 $0x0;
	s13 =	simm.s32 $0x1;
	s6 =	simm.s32 $0x2  }
0x20: {  	s7 =	simm.s32 $0x3;
	s16 =	simm.s32 $0x4;
	s17 =	simm.s32 $0x5;
	v33 =	vmov s1;
	v34 =	vmov s13;
	v35 =	vmov s6  }
0x21: {  	p0 =	seq.s32 s21, $0x0;
	[sflag:s22] =	ssyncset.done $0x0;
	v36 =	vmov s7;
	s13 =	simm.s32 $0x7;
	v37 =	vmov s16;
	v39 =	vmov s17  }
0x22: {  	s0 =	sshll.u32 s21, $0x2;
	s1 =	simm.s32 @!p0 $0x7;
	[sflag:s22] =	ssyncadd.s32 $0xFFFFE000;
	v33 =	vshrl.u32 v33, $0x3;
	v38 =	vmov s13;
	v34 =	vshrl.u32 v34, $0x3  }
0x23: {  	s6 =	sor.u32 $0x3, s0;
	v35 =	vshrl.u32 v35, $0x3;
	v36 =	vshrl.u32 v36, $0x3;
	_ =	swait.ge @!p0 [sflag:s1], $0x2000;
	v38 =	vshrl.u32 v38, $0x3  }
0x24: {  	s20 =	sshll.u32 s6, $0x7;
	s13 =	simm.s32 $0x6;
	v37 =	vshrl.u32 v37, $0x3;
	v55 =	vshrl.u32 v39, $0x3;
	[sflag:s1] =	ssyncset.done @!p0 $0x0;
	v38 =	vshll.u32 v38, v1  }
0x25: {  	s7 =	simm.s32 $0xC900;
	v33 =	vshll.u32 v33, v1;
	s16 =	sand.u32 $0x3FFFFF80, s20;
	v40 =	vmov s13;
	[sflag:s1] =	ssyncadd.s32 @!p0 $0xFFFFE000;
	v38 =	vbroadcast v38, $0x0  }
0x26: {  	v34 =	vshll.u32 v34, v1;
	v52 =	vshll.u32 v35, v1;
	v33 =	vbroadcast v33, $0x0;
	[tilespmem:s23], [sflag:$0x6] =	stream.indirect.gather [hbm4b:s5+s14], $0x40, s16, s14, $0xb8;
	[tilespmem:$0x1D000] =	vst v63  }
0x27: {  	v53 =	vshll.u32 v36, v1;
	v45 =	vbroadcast v34, $0x0;
	v41 =	vld [tilespmem:s7+$0xC0];
	v42 =	vadd.s32 v29, v38  }
0x28: {  	v54 =	vshll.u32 v37, v1;
	v52 =	vbroadcast v52, $0x0;
	v44 =	vadd.s32 v0, v33;
	v43 =	vld [tilespmem:s7+$0xFFFFFF00]  }
0x29: {  	v36 =	vshll.u32 v55, v1;
	v35 =	vbroadcast v53, $0x0;
	v47 =	vadd.s32 v5, v45;
	v46 =	vld [tilespmem:s7+$0xFFFFFF40]  }
0x2a: {  	v34 =	vbroadcast v54, $0x0;
	v40 =	vshrl.u32 v40, $0x3;
	v49 =	vadd.s32 v9, v52;
	v48 =	vld [tilespmem:s7+$0xFFFFFF80]  }
0x2b: {  	v37 =	vbroadcast v36, $0x0;
	v56 =	vshll.u32 v40, v1;
	v50 =	vadd.s32 v13, v35;
	v39 =	vld [tilespmem:s7+$0xFFFFFFC0]  }
0x2c: {  	v53 =	vadd.s32 v17, v34;
	v36 =	vbroadcast v56, $0x0;
	v51 =	vld [tilespmem:s7+$0x0];
	[tilespmem:v42+s24+$0x0] =	vst.idx.msk $0xffff, v41  }
0x2d: {  	v60 =	vadd.s32 v21, v37;
	v59 =	vld [tilespmem:s7+$0x40];
	[tilespmem:v44+s24+$0x0] =	vst.idx.msk $0xffff, v43  }
0x2e: {  	v61 =	vld [tilespmem:s7+$0x80];
	v62 =	vadd.s32 v25, v36;
	[tilespmem:v47+s24+$0x0] =	vst.idx.msk $0xffff, v46  }
0x2f: {  	v58 =	vadd.s32 v30, v38;
	[tilespmem:v49+s24+$0x0] =	vst.idx.msk $0xffff, v48;
	v57 =	vld [tilespmem:s7+$0xD0]  }
0x30: {  	v63 =	vadd.s32 v6, v45;
	[tilespmem:v50+s24+$0x0] =	vst.idx.msk $0xffff, v39;
	v47 =	vld [tilespmem:s7+$0xFFFFFF50]  }
0x31: {  	v55 =	vadd.s32 v10, v52;
	[tilespmem:v53+s24+$0x0] =	vst.idx.msk $0xffff, v51;
	v54 =	vld [tilespmem:s7+$0xFFFFFF90]  }
0x32: {  	v56 =	vadd.s32 v14, v35;
	[tilespmem:v60+s24+$0x0] =	vst.idx.msk $0xffff, v59;
	v50 =	vld [tilespmem:s7+$0xFFFFFFD0]  }
0x33: {  	v46 =	vadd.s32 v22, v37;
	[tilespmem:v62+s24+$0x0] =	vst.idx.msk $0xffff, v61;
	v44 =	vld [tilespmem:s7+$0x50]  }
0x34: {  	v59 =	vadd.s32 v18, v34;
	[tilespmem:v58+s24+$0x0] =	vst.idx.msk $0xffff, v57;
	v58 =	vld [tilespmem:s7+$0x10]  }
0x35: {  	v57 =	vadd.s32 v31, v38;
	[tilespmem:v63+s24+$0x0] =	vst.idx.msk $0xffff, v47;
	v40 =	vld [tilespmem:s7+$0xE0]  }
0x36: {  	v60 =	vadd.s32 v26, v36;
	[tilespmem:v55+s24+$0x0] =	vst.idx.msk $0xffff, v54;
	v63 =	vld [tilespmem:s7+$0x90]  }
0x37: {  	v61 =	vld [tilespmem:s7+$0xFFFFFF10];
	v62 =	vadd.s32 v2, v33;
	[tilespmem:v56+s24+$0x0] =	vst.idx.msk $0xffff, v50  }
0x38: {  	v51 =	vadd.s32 v7, v45;
	[tilespmem:v46+s24+$0x0] =	vst.idx.msk $0xffff, v44;
	v50 =	vld [tilespmem:s7+$0xFFFFFF60]  }
0x39: {  	v56 =	vadd.s32 v11, v52;
	v55 =	vld [tilespmem:s7+$0xFFFFFFA0];
	[tilespmem:v59+s24+$0x0] =	vst.idx.msk $0xffff, v58  }
0x3a: {  	v58 =	vadd.s32 v15, v35;
	[tilespmem:v57+s24+$0x0] =	vst.idx.msk $0xffff, v40;
	v57 =	vld [tilespmem:s7+$0xFFFFFFE0]  }
0x3b: {  	[tilespmem:v60+s24+$0x0] =	vst.idx.msk $0xffff, v63;
	v60 =	vadd.s32 v19, v34;
	v59 =	vld [tilespmem:s7+$0x20]  }
0x3c: {  	s20 =	simm.s32 $0x9;
	v38 =	vadd.s32 v32, v38;
	[tilespmem:v62+s24+$0x0] =	vst.idx.msk $0xffff, v61;
	v54 =	vld [tilespmem:s7+$0xF0]  }
0x3d: {  	s17 =	simm.s32 $0x8;
	v41 =	vadd.s32 v23, v37;
	v53 =	vmov s20;
	[tilespmem:v51+s24+$0x0] =	vst.idx.msk $0xffff, v50;
	v40 =	vld [tilespmem:s7+$0x60]  }
0x3e: {  	s13 =	simm.s32 $0xB;
	s16 =	simm.s32 $0xC;
	v43 =	vadd.s32 v27, v36;
	v48 =	vadd.s32 v3, v33;
	v63 =	vmov s17;
	v42 =	vld [tilespmem:s7+$0xA0];
	[tilespmem:v56+s24+$0x0] =	vst.idx.msk $0xffff, v55  }
0x3f: {  	s20 =	simm.s32 $0xE;
	v44 =	vmov s13;
	v47 =	vmov s16;
	v46 =	vld [tilespmem:s7+$0xFFFFFF20];
	v39 =	vshrl.u32 v63, $0x3;
	[tilespmem:v58+s24+$0x0] =	vst.idx.msk $0xffff, v57  }
0x40: {  	s1 =	simm.s32 $0xA;
	s17 =	simm.s32 $0xD;
	v51 =	vadd.s32 v8, v45;
	v49 =	vld [tilespmem:s7+$0xFFFFFF70];
	v45 =	vshll.u32 v39, v1;
	v39 =	vmov s20;
	[tilespmem:v60+s24+$0x0] =	vst.idx.msk $0xffff, v59  }
0x41: {  	s0 =	simm.s32 $0xF;
	s13 =	simm.s32 $0x10;
	v52 =	vadd.s32 v12, v52;
	v50 =	vld [tilespmem:s7+$0xFFFFFFB0];
	[tilespmem:v38+s24+$0x0] =	vst.idx.msk $0xffff, v54;
	v54 =	vmov s1;
	v38 =	vmov s17  }
.LBB2_3:
0x42: {  	p1 =	slt.u32 s13, $0x78;
	v53 =	vshrl.u32 v53, $0x3;
	v55 =	vmov s0;
	v56 =	vld [tilespmem:s7+$0xFFFFFFF0];
	v35 =	vadd.s32 v16, v35;
	[tilespmem:v41+s24+$0x0] =	vst.idx.msk $0xffff, v40  }
0x43: {  	v40 =	vshrl.u32 v54, $0x3;
	v34 =	vadd.s32 v20, v34;
	v41 =	vshrl.u32 v55, $0x3;
	v54 =	vld [tilespmem:s7+$0x30];
	[tilespmem:v43+s24+$0x0] =	vst.idx.msk $0xffff, v42  }
0x44: {  	v37 =	vadd.s32 v24, v37;
	v42 =	vshrl.u32 v44, $0x3;
	v41 =	vshll.u32 v41, v1;
	[tilespmem:v48+s24+$0x0] =	vst.idx.msk $0xffff, v46;
	v43 =	vld [tilespmem:s7+$0x70]  }
0x45: {  	v36 =	vadd.s32 v28, v36;
	v44 =	vshrl.u32 v47, $0x3;
	v41 =	vbroadcast v41, $0x0;
	[tilespmem:v51+s24+$0x0] =	vst.idx.msk $0xffff, v49;
	v46 =	vld [tilespmem:s7+$0xB0]  }
0x46: {  	v47 =	vshll.u32 v53, v1;
	v49 =	vadd.s32 v4, v33;
	v33 =	vbroadcast v45, $0x0;
	v48 =	vld [tilespmem:s7+$0xFFFFFF30];
	[tilespmem:v52+s24+$0x0] =	vst.idx.msk $0xffff, v50;
	s7 =	sadd.s32 $0x200, s7  }
0x47: {  	v40 =	vshll.u32 v40, v1;
	v45 =	vbroadcast v47, $0x0;
	v47 =	vld [tilespmem:s7+$0xC0];
	v50 =	vadd.s32 v29, v41;
	[tilespmem:v35+s24+$0x0] =	vst.idx.msk $0xffff, v56  }
0x48: {  	v55 =	vbroadcast v40, $0x0;
	v52 =	vadd.s32 v0, v33;
	v35 =	vshll.u32 v42, v1;
	v51 =	vld [tilespmem:s7+$0xFFFFFF00];
	[tilespmem:v34+s24+$0x0] =	vst.idx.msk $0xffff, v54  }
0x49: {  	v42 =	vadd.s32 v5, v45;
	v35 =	vbroadcast v35, $0x0;
	v34 =	vshll.u32 v44, v1;
	v40 =	vld [tilespmem:s7+$0xFFFFFF40];
	[tilespmem:v37+s24+$0x0] =	vst.idx.msk $0xffff, v43  }
0x4a: {  	v44 =	vadd.s32 v9, v55;
	v34 =	vbroadcast v34, $0x0;
	v37 =	vshrl.u32 v38, $0x3;
	v43 =	vld [tilespmem:s7+$0xFFFFFF80];
	[tilespmem:v36+s24+$0x0] =	vst.idx.msk $0xffff, v46  }
0x4b: {  	v39 =	vshrl.u32 v39, $0x3;
	v46 =	vadd.s32 v13, v35;
	v36 =	vshll.u32 v37, v1;
	v38 =	vld [tilespmem:s7+$0xFFFFFFC0];
	[tilespmem:v49+s24+$0x0] =	vst.idx.msk $0xffff, v48  }
0x4c: {  	v49 =	vadd.s32 v17, v34;
	v37 =	vbroadcast v36, $0x0;
	v36 =	vshll.u32 v39, v1;
	v48 =	vld [tilespmem:s7+$0x0];
	[tilespmem:v50+s24+$0x0] =	vst.idx.msk $0xffff, v47  }
0x4d: {  	v36 =	vbroadcast v36, $0x0;
	v47 =	vadd.s32 v30, v41;
	[tilespmem:v52+s24+$0x0] =	vst.idx.msk $0xffff, v51;
	v39 =	vld [tilespmem:s7+$0xD0]  }
0x4e: {  	[tilespmem:v42+s24+$0x0] =	vst.idx.msk $0xffff, v40;
	v40 =	vld [tilespmem:s7+$0x40];
	v42 =	vadd.s32 v21, v37  }
0x4f: {  	[tilespmem:v44+s24+$0x0] =	vst.idx.msk $0xffff, v43;
	v43 =	vld [tilespmem:s7+$0x80];
	v44 =	vadd.s32 v25, v36  }
0x50: {  	v51 =	vadd.s32 v6, v45;
	v50 =	vld [tilespmem:s7+$0xFFFFFF50];
	[tilespmem:v46+s24+$0x0] =	vst.idx.msk $0xffff, v38  }
0x51: {  	v46 =	vadd.s32 v10, v55;
	v38 =	vld [tilespmem:s7+$0xFFFFFF90];
	[tilespmem:v49+s24+$0x0] =	vst.idx.msk $0xffff, v48  }
0x52: {  	v49 =	vadd.s32 v14, v35;
	v48 =	vld [tilespmem:s7+$0xFFFFFFD0];
	[tilespmem:v47+s24+$0x0] =	vst.idx.msk $0xffff, v39  }
0x53: {  	[tilespmem:v42+s24+$0x0] =	vst.idx.msk $0xffff, v40;
	v39 =	vld [tilespmem:s7+$0xE0];
	v40 =	vadd.s32 v31, v41  }
0x54: {  	v47 =	vadd.s32 v18, v34;
	v42 =	vld [tilespmem:s7+$0x10];
	[tilespmem:v44+s24+$0x0] =	vst.idx.msk $0xffff, v43  }
0x55: {  	v44 =	vadd.s32 v22, v37;
	[tilespmem:v51+s24+$0x0] =	vst.idx.msk $0xffff, v50;
	v43 =	vld [tilespmem:s7+$0x50]  }
0x56: {  	[tilespmem:v46+s24+$0x0] =	vst.idx.msk $0xffff, v38;
	v38 =	vld [tilespmem:s7+$0x90];
	v46 =	vadd.s32 v26, v36  }
0x57: {  	v51 =	vadd.s32 v2, v33;
	v50 =	vld [tilespmem:s7+$0xFFFFFF10];
	[tilespmem:v49+s24+$0x0] =	vst.idx.msk $0xffff, v48  }
0x58: {  	v49 =	vadd.s32 v7, v45;
	v48 =	vld [tilespmem:s7+$0xFFFFFF60];
	[tilespmem:v40+s24+$0x0] =	vst.idx.msk $0xffff, v39  }
0x59: {  	[tilespmem:v47+s24+$0x0] =	vst.idx.msk $0xffff, v42;
	v39 =	vld [tilespmem:s7+$0xF0];
	v47 =	vadd.s32 v32, v41  }
0x5a: {  	v56 =	vadd.s32 v11, v55;
	v52 =	vld [tilespmem:s7+$0xFFFFFFA0];
	[tilespmem:v44+s24+$0x0] =	vst.idx.msk $0xffff, v43  }
0x5b: {  	v58 =	vadd.s32 v15, v35;
	v57 =	vld [tilespmem:s7+$0xFFFFFFE0];
	[tilespmem:v46+s24+$0x0] =	vst.idx.msk $0xffff, v38  }
0x5c: {  	v60 =	vadd.s32 v19, v34;
	[tilespmem:v51+s24+$0x0] =	vst.idx.msk $0xffff, v50;
	v59 =	vld [tilespmem:s7+$0x20]  }
.Ltmp0:
0x5d: {  	s0 =	sadd.s32 $0x1, s13;
	v41 =	vadd.s32 v23, v37;
	v38 =	vmov s13;
	[tilespmem:v49+s24+$0x0] =	vst.idx.msk $0xffff, v48;
	v40 =	vld [tilespmem:s7+$0x60];
	(pc) =	sbr.rel @p1 .LBB2_3-.Ltmp0, $4  }
0x5e: {  	s1 =	sadd.s32 $0x3, s13;
	v53 =	vmov s0;
	s0 =	sadd.s32 $0x2, s13;
	v43 =	vadd.s32 v27, v36;
	v50 =	vshrl.u32 v38, $0x3;
	v42 =	vld [tilespmem:s7+$0xA0];
	[tilespmem:v47+s24+$0x0] =	vst.idx.msk $0xffff, v39  }
0x5f: {  	v54 =	vmov s0;
	s0 =	sadd.s32 $0x4, s13;
	v44 =	vmov s1;
	s1 =	sadd.s32 $0x5, s13;
	v48 =	vadd.s32 v3, v33;
	v46 =	vld [tilespmem:s7+$0xFFFFFF20];
	[tilespmem:v56+s24+$0x0] =	vst.idx.msk $0xffff, v52  }
0x60: {  	v38 =	vmov s1;
	v51 =	vadd.s32 v8, v45;
	v47 =	vmov s0;
	s0 =	sadd.s32 $0x6, s13;
	v49 =	vld [tilespmem:s7+$0xFFFFFF70];
	[tilespmem:v58+s24+$0x0] =	vst.idx.msk $0xffff, v57  }
0x61: {  	v45 =	vshll.u32 v50, v1;
	v39 =	vmov s0;
	s0 =	sadd.s32 $0x7, s13;
	s13 =	sadd.s32 $0x8, s13;
	v52 =	vadd.s32 v12, v55;
	v50 =	vld [tilespmem:s7+$0xFFFFFFB0];
	[tilespmem:v60+s24+$0x0] =	vst.idx.msk $0xffff, v59  }
0x62: {  	_ =	sdelay $0x2  }
0x63: {  	v53 =	vshrl.u32 v53, $0x3  }
0x64: {  	v55 =	vmov s0;
	v56 =	vld [tilespmem:s7+$0xFFFFFFF0];
	v35 =	vadd.s32 v16, v35;
	[tilespmem:v41+s24+$0x0] =	vst.idx.msk $0xffff, v40;
	v57 =	vshrl.u32 v54, $0x3  }
0x65: {  	v59 =	vld [tilespmem:s7+$0x30];
	v34 =	vadd.s32 v20, v34;
	v60 =	vshrl.u32 v44, $0x3;
	v58 =	vshrl.u32 v55, $0x3;
	[tilespmem:v43+s24+$0x0] =	vst.idx.msk $0xffff, v42  }
0x66: {  	v37 =	vadd.s32 v24, v37;
	v62 =	vshrl.u32 v47, $0x3;
	v61 =	vld [tilespmem:s7+$0x70];
	v41 =	vshll.u32 v58, v1;
	[tilespmem:v48+s24+$0x0] =	vst.idx.msk $0xffff, v46  }
0x67: {  	v36 =	vadd.s32 v28, v36;
	v45 =	vbroadcast v45, $0x0;
	v63 =	vld [tilespmem:s7+$0xB0];
	v41 =	vbroadcast v41, $0x0;
	[tilespmem:v51+s24+$0x0] =	vst.idx.msk $0xffff, v49  }
0x68: {  	v33 =	vadd.s32 v4, v33;
	s17 =	sadd.s32 $0x200, s7;
	v38 =	vshrl.u32 v38, $0x3;
	v55 =	vshll.u32 v53, v1;
	v48 =	vld [tilespmem:s7+$0xFFFFFF30];
	[tilespmem:v52+s24+$0x0] =	vst.idx.msk $0xffff, v50  }
0x69: {  	v40 =	vshll.u32 v57, v1;
	v47 =	vbroadcast v55, $0x0;
	v49 =	vld [tilespmem:s17+$0xC0];
	v50 =	vadd.s32 v29, v41;
	[tilespmem:v35+s24+$0x0] =	vst.idx.msk $0xffff, v56  }
0x6a: {  	v42 =	vshll.u32 v60, v1;
	v40 =	vbroadcast v40, $0x0;
	v35 =	vld [tilespmem:s17+$0xFFFFFF00];
	v56 =	vadd.s32 v0, v45;
	[tilespmem:v34+s24+$0x0] =	vst.idx.msk $0xffff, v59  }
0x6b: {  	v57 =	vld [tilespmem:s17+$0xFFFFFF40];
	v44 =	vshll.u32 v62, v1;
	v42 =	vbroadcast v42, $0x0;
	v58 =	vadd.s32 v5, v47;
	[tilespmem:v37+s24+$0x0] =	vst.idx.msk $0xffff, v61  }
0x6c: {  	v38 =	vshll.u32 v38, v1;
	v44 =	vbroadcast v44, $0x0;
	v60 =	vadd.s32 v9, v40;
	v59 =	vld [tilespmem:s17+$0xFFFFFF80];
	[tilespmem:v36+s24+$0x0] =	vst.idx.msk $0xffff, v63  }
0x6d: {  	v38 =	vbroadcast v38, $0x0;
	v62 =	vadd.s32 v13, v42;
	v61 =	vld [tilespmem:s17+$0xFFFFFFC0];
	[tilespmem:v33+s24+$0x0] =	vst.idx.msk $0xffff, v48  }
0x6e: {  	v39 =	vshrl.u32 v39, $0x3;
	v63 =	vadd.s32 v17, v44;
	v33 =	vld [tilespmem:s17+$0x0];
	[tilespmem:v50+s24+$0x0] =	vst.idx.msk $0xffff, v49  }
0x6f: {  	v39 =	vshll.u32 v39, v1;
	v34 =	vld [tilespmem:s17+$0x40];
	[tilespmem:v56+s24+$0x0] =	vst.idx.msk $0xffff, v35;
	v56 =	vadd.s32 v21, v38  }
0x70: {  	[tilespmem:v58+s24+$0x0] =	vst.idx.msk $0xffff, v57;
	v35 =	vbroadcast v39, $0x0;
	v49 =	vadd.s32 v30, v41;
	v39 =	vld [tilespmem:s17+$0xD0]  }
0x71: {  	[tilespmem:v60+s24+$0x0] =	vst.idx.msk $0xffff, v59;
	v59 =	vld [tilespmem:s17+$0xFFFFFF50];
	v60 =	vadd.s32 v6, v47  }
0x72: {  	v57 =	vld [tilespmem:s17+$0x80];
	[tilespmem:v62+s24+$0x0] =	vst.idx.msk $0xffff, v61;
	v58 =	vadd.s32 v25, v35  }
0x73: {  	v61 =	vld [tilespmem:s17+$0xFFFFFF90];
	v62 =	vadd.s32 v10, v40;
	[tilespmem:v63+s24+$0x0] =	vst.idx.msk $0xffff, v33  }
0x74: {  	v33 =	vld [tilespmem:s17+$0xFFFFFFD0];
	v63 =	vadd.s32 v14, v42;
	[tilespmem:v56+s24+$0x0] =	vst.idx.msk $0xffff, v34  }
0x75: {  	v56 =	vadd.s32 v18, v44;
	[tilespmem:v49+s24+$0x0] =	vst.idx.msk $0xffff, v39;
	v49 =	vld [tilespmem:s17+$0x10]  }
0x76: {  	[tilespmem:v60+s24+$0x0] =	vst.idx.msk $0xffff, v59;
	v39 =	vadd.s32 v31, v41;
	v34 =	vld [tilespmem:s17+$0xE0]  }
0x77: {  	[tilespmem:v58+s24+$0x0] =	vst.idx.msk $0xffff, v57;
	v57 =	vld [tilespmem:s17+$0x50];
	v58 =	vadd.s32 v22, v38  }
0x78: {  	[tilespmem:v62+s24+$0x0] =	vst.idx.msk $0xffff, v61;
	v61 =	vld [tilespmem:s17+$0xFFFFFF10];
	v62 =	vadd.s32 v2, v45  }
0x79: {  	v60 =	vadd.s32 v26, v35;
	v59 =	vld [tilespmem:s17+$0x90];
	[tilespmem:v63+s24+$0x0] =	vst.idx.msk $0xffff, v33  }
0x7a: {  	v55 =	vadd.s32 v11, v40;
	v54 =	vadd.s32 v32, v41;
	v41 =	vld [tilespmem:s17+$0xFFFFFFA0];
	[tilespmem:v56+s24+$0x0] =	vst.idx.msk $0xffff, v49  }
0x7b: {  	v53 =	vadd.s32 v7, v47;
	v63 =	vld [tilespmem:s17+$0xFFFFFF60];
	[tilespmem:v39+s24+$0x0] =	vst.idx.msk $0xffff, v34  }
0x7c: {  	v56 =	vld [tilespmem:s17+$0xFFFFFFE0];
	[tilespmem:v58+s24+$0x0] =	vst.idx.msk $0xffff, v57;
	v57 =	vadd.s32 v15, v42  }
0x7d: {  	[tilespmem:v62+s24+$0x0] =	vst.idx.msk $0xffff, v61;
	v34 =	vld [tilespmem:s17+$0xF0]  }
0x7e: {  	v58 =	vld [tilespmem:s17+$0x20];
	[tilespmem:v60+s24+$0x0] =	vst.idx.msk $0xffff, v59;
	v59 =	vadd.s32 v19, v44  }
0x7f: {  	v61 =	vadd.s32 v23, v38;
	[tilespmem:v55+s24+$0x0] =	vst.idx.msk $0xffff, v41;
	v60 =	vld [tilespmem:s17+$0x60]  }
0x80: {  	[tilespmem:v53+s24+$0x0] =	vst.idx.msk $0xffff, v63;
	v63 =	vadd.s32 v27, v35;
	v62 =	vld [tilespmem:s17+$0xA0]  }
0x81: {  	v47 =	vadd.s32 v8, v47;
	v55 =	vld [tilespmem:s17+$0xFFFFFF70];
	[tilespmem:v57+s24+$0x0] =	vst.idx.msk $0xffff, v56  }
0x82: {  	v53 =	vld [tilespmem:s17+$0xFFFFFF20];
	[tilespmem:v54+s24+$0x0] =	vst.idx.msk $0xffff, v34;
	v54 =	vadd.s32 v3, v45  }
0x83: {  	v40 =	vadd.s32 v12, v40;
	v56 =	vld [tilespmem:s17+$0xFFFFFFB0];
	[tilespmem:v59+s24+$0x0] =	vst.idx.msk $0xffff, v58  }
0x84: {  	v42 =	vadd.s32 v16, v42;
	v57 =	vld [tilespmem:s17+$0xFFFFFFF0];
	[tilespmem:v61+s24+$0x0] =	vst.idx.msk $0xffff, v60  }
0x85: {  	v59 =	vadd.s32 v20, v44;
	v58 =	vld [tilespmem:s17+$0x30];
	[tilespmem:v63+s24+$0x0] =	vst.idx.msk $0xffff, v62  }
0x86: {  	v38 =	vadd.s32 v24, v38;
	v60 =	vld [tilespmem:s17+$0x70];
	[tilespmem:v47+s24+$0x0] =	vst.idx.msk $0xffff, v55  }
0x87: {  	v35 =	vadd.s32 v28, v35;
	v61 =	vld [tilespmem:s17+$0xB0];
	[tilespmem:v54+s24+$0x0] =	vst.idx.msk $0xffff, v53  }
0x88: {  	v63 =	vadd.s32 v4, v45;
	[tilespmem:v40+s24+$0x0] =	vst.idx.msk $0xffff, v56;
	v62 =	vld [tilespmem:s17+$0xFFFFFF30]  }
0x89: {  	[tilespmem:v42+s24+$0x0] =	vst.idx.msk $0xffff, v57  }
0x8a: {  	s20 =	sshll.u32 s21, $0x14;
	[tilespmem:v59+s24+$0x0] =	vst.idx.msk $0xffff, v58  }
0x8b: {  	s0 =	sor.u32 s8, s20;
	[tilespmem:v38+s24+$0x0] =	vst.idx.msk $0xffff, v60  }
0x8c: {  	s7 =	sshrl.u32 s0, $0x3;
	[tilespmem:v35+s24+$0x0] =	vst.idx.msk $0xffff, v61  }
0x8d: {  	s1 =	simm.s32 $0x14800;
	s13 =	sadd.s32 s2, s7;
	[tilespmem:v63+s24+$0x0] =	vst.idx.msk $0xffff, v62  }
0x8e: {  	[hbm4b:s13+s4] =	stream.linear.scatter [tilespmem:s1], [sflag:$0x7], $0x80, $0x38;
	[tilespmem:$0x1D000] =	vst v63  }
0x8f: {  	s16 =	simm.s32 $0x14888;
	s1 =	sadd.s32 $0x10, s13  }
0x90: {  	[hbm4b:s1+s4] =	stream.linear.scatter [tilespmem:s16], [sflag:$0x7], $0x80, $0x38;
	[tilespmem:$0x1D000] =	vst v63  }
0x91: {  	s20 =	sadd.s32 $0x20, s13;
	s17 =	simm.s32 $0x14910  }
0x92: {  	[hbm4b:s20+s4] =	stream.linear.scatter [tilespmem:s17], [sflag:$0x7], $0x80, $0x38;
	[tilespmem:$0x1D000] =	vst v63  }
0x93: {  	s1 =	simm.s32 $0x14998;
	s16 =	sadd.s32 $0x30, s13  }
0x94: {  	[hbm4b:s16+s4] =	stream.linear.scatter [tilespmem:s1], [sflag:$0x7], $0x80, $0x38;
	[tilespmem:$0x1D000] =	vst v63  }
0x95: {  	s17 =	simm.s32 $0x14A20;
	s20 =	sadd.s32 $0x40, s13  }
0x96: {  	[hbm4b:s20+s4] =	stream.linear.scatter [tilespmem:s17], [sflag:$0x7], $0x80, $0x38;
	[tilespmem:$0x1D000] =	vst v63  }
0x97: {  	s0 =	simm.s32 $0x440;
	s1 =	simm.s32 $0x14AA8;
	s16 =	sadd.s32 $0x50, s13  }
0x98: {  	[hbm4b:s16+s4] =	stream.linear.scatter [tilespmem:s1], [sflag:$0x7], $0x80, $0x38;
	[tilespmem:$0x1D000] =	vst v63  }
0x99: {  	s17 =	simm.s32 $0x14B30;
	s20 =	sadd.s32 $0x60, s13;
	s16 =	simm.s32 $0x2200  }
0x9a: {  	[hbm4b:s20+s4] =	stream.linear.scatter [tilespmem:s17], [sflag:$0x7], $0x80, $0x38;
	[tilespmem:$0x1D000] =	vst v63  }
0x9b: {  	s1 =	simm.s32 $0x14BB8;
	s17 =	sadd.s32 $0x70, s13;
	s13 =	sadd.s32 $0x1000, s13  }
.LBB2_5:
0x9c: {  	[hbm4b:s17+s4] =	stream.linear.scatter [tilespmem:s1], [sflag:$0x7], $0x80, $0x38;
	[tilespmem:$0x1D000] =	vst v63  }
0x9d: {  	s1 =	smov.u32 s0;
	s0 =	smov.u32 s16  }
0x9e: {  	s20 =	sadd.s32 $0x1100, s16;
	s0 =	sshra.s32 s0, $0x2;
	s17 =	sadd.s32 $0x14800, s1  }
0x9f: {  	[hbm4b:s13+s4] =	stream.linear.scatter [tilespmem:s17], [sflag:$0x7], $0x80, $0x38;
	[tilespmem:$0x1D000] =	vst v63  }
0xa0: {  	p1 =	sne.s32 s16, $0x7700;
	s16 =	sadd.s32 $0x14888, s1;
	s17 =	sadd.s32 $0x10, s13  }
0xa1: {  	[hbm4b:s17+s4] =	stream.linear.scatter [tilespmem:s16], [sflag:$0x7], $0x80, $0x38;
	[tilespmem:$0x1D000] =	vst v63  }
0xa2: {  	s16 =	sadd.s32 $0x14910, s1;
	s17 =	sadd.s32 $0x20, s13  }
0xa3: {  	[hbm4b:s17+s4] =	stream.linear.scatter [tilespmem:s16], [sflag:$0x7], $0x80, $0x38;
	[tilespmem:$0x1D000] =	vst v63  }
0xa4: {  	s16 =	sadd.s32 $0x14998, s1;
	s17 =	sadd.s32 $0x30, s13  }
0xa5: {  	[hbm4b:s17+s4] =	stream.linear.scatter [tilespmem:s16], [sflag:$0x7], $0x80, $0x38;
	[tilespmem:$0x1D000] =	vst v63  }
0xa6: {  	s16 =	sadd.s32 $0x14A20, s1;
	s17 =	sadd.s32 $0x40, s13  }
0xa7: {  	[hbm4b:s17+s4] =	stream.linear.scatter [tilespmem:s16], [sflag:$0x7], $0x80, $0x38;
	[tilespmem:$0x1D000] =	vst v63  }
.Ltmp1:
0xa8: {  	s16 =	sadd.s32 $0x14AA8, s1;
	s17 =	sadd.s32 $0x50, s13;
	(pc) =	sbr.rel @p1 .LBB2_5-.Ltmp1, $4  }
0xa9: {  	[hbm4b:s17+s4] =	stream.linear.scatter [tilespmem:s16], [sflag:$0x7], $0x80, $0x38;
	[tilespmem:$0x1D000] =	vst v63  }
0xaa: {  	s16 =	sadd.s32 $0x14B30, s1;
	s17 =	sadd.s32 $0x60, s13;
	s1 =	sadd.s32 $0x14BB8, s1  }
0xab: {  	[hbm4b:s17+s4] =	stream.linear.scatter [tilespmem:s16], [sflag:$0x7], $0x80, $0x38;
	[tilespmem:$0x1D000] =	vst v63  }
0xac: {  	s17 =	sadd.s32 $0x70, s13;
	s13 =	sadd.s32 $0x1000, s13;
	s16 =	smov.u32 s20  }
0xad: {  	[hbm4b:s17+s4] =	stream.linear.scatter [tilespmem:s1], [sflag:$0x7], $0x80, $0x38;
	[tilespmem:$0x1D000] =	vst v63  }
0xae: {  	s17 =	sadd.s32 $0x14800, s0  }
0xaf: {  	[hbm4b:s13+s4] =	stream.linear.scatter [tilespmem:s17], [sflag:$0x7], $0x80, $0x38;
	[tilespmem:$0x1D000] =	vst v63  }
0xb0: {  	s20 =	sadd.s32 $0x14888, s0;
	s16 =	sadd.s32 $0x10, s13  }
0xb1: {  	[hbm4b:s16+s4] =	stream.linear.scatter [tilespmem:s20], [sflag:$0x7], $0x80, $0x38;
	[tilespmem:$0x1D000] =	vst v63  }
0xb2: {  	s17 =	sadd.s32 $0x14910, s0;
	s20 =	sadd.s32 $0x20, s13  }
0xb3: {  	[hbm4b:s20+s4] =	stream.linear.scatter [tilespmem:s17], [sflag:$0x7], $0x80, $0x38;
	[tilespmem:$0x1D000] =	vst v63  }
0xb4: {  	s17 =	sadd.s32 $0x14998, s0;
	s20 =	sadd.s32 $0x30, s13  }
0xb5: {  	[hbm4b:s20+s4] =	stream.linear.scatter [tilespmem:s17], [sflag:$0x7], $0x80, $0x38;
	[tilespmem:$0x1D000] =	vst v63  }
0xb6: {  	s17 =	sadd.s32 $0x14A20, s0;
	s20 =	sadd.s32 $0x40, s13  }
0xb7: {  	[hbm4b:s20+s4] =	stream.linear.scatter [tilespmem:s17], [sflag:$0x7], $0x80, $0x38;
	[tilespmem:$0x1D000] =	vst v63  }
0xb8: {  	s17 =	sadd.s32 $0x14AA8, s0;
	s20 =	sadd.s32 $0x50, s13  }
0xb9: {  	[hbm4b:s20+s4] =	stream.linear.scatter [tilespmem:s17], [sflag:$0x7], $0x80, $0x38;
	[tilespmem:$0x1D000] =	vst v63  }
0xba: {  	s16 =	simm.s32 $0x1;
	s17 =	sadd.s32 $0x14B30, s0;
	s20 =	sadd.s32 $0x60, s13  }
0xbb: {  	[hbm4b:s20+s4] =	stream.linear.scatter [tilespmem:s17], [sflag:$0x7], $0x80, $0x38;
	[tilespmem:$0x1D000] =	vst v63  }
0xbc: {  	v34 =	vmov s16;
	s16 =	simm.s32 $0x7;
	s17 =	sadd.s32 $0x14BB8, s0;
	s20 =	sadd.s32 $0x70, s13  }
0xbd: {  	[hbm4b:s20+s4] =	stream.linear.scatter [tilespmem:s17], [sflag:$0x7], $0x80, $0x38;
	[tilespmem:$0x1D000] =	vst v63  }
0xbe: {  	v38 =	vmov s16;
	_ =	swait.ge [sflag:s25], $0x2000  }
0xbf: {  	v34 =	vshrl.u32 v34, $0x3;
	v38 =	vshrl.u32 v38, $0x3;
	[sflag:s25] =	ssyncset.done $0x0  }
0xc0: {  	p1 =	seq.s32 @!p0 s21, $0x31;
	v34 =	vshll.u32 v34, v1;
	v38 =	vshll.u32 v38, v1;
	s0 =	simm.s32 @!p0 $0x8;
	[sflag:s25] =	ssyncadd.s32 $0xFFFFE000  }
0xc1: {  	p2 =	por p0, !p1;
	v45 =	vbroadcast v34, $0x0;
	v38 =	vbroadcast v38, $0x0;
	s13 =	simm.s32 $0x0;
	_ =	swait.ge @!p0 [sflag:s0], $0x2000  }
0xc2: {  	v33 =	vmov s13;
	s13 =	simm.s32 $0x4;
	s17 =	simm.s32 $0x2;
	[sflag:s0] =	ssyncset.done @!p0 $0x0  }
0xc3: {  	v47 =	vadd.s32 v5, v45;
	v42 =	vadd.s32 v29, v38;
	v33 =	vshrl.u32 v33, $0x3;
	s20 =	simm.s32 $0x3;
	[sflag:s0] =	ssyncadd.s32 @!p0 $0xFFFFE000;
	s0 =	sshll.u32 @p2 s21, $0x9  }
0xc4: {  	v37 =	vmov s13;
	v35 =	vmov s17;
	v36 =	vmov s20;
	s17 =	simm.s32 $0x5;
	s0 =	sand.u32 @p2 $0x3FFFFE00, s0  }
0xc5: {  	s13 =	simm.s32 $0xE900;
	s20 =	simm.s32 $0x6;
	v33 =	vshll.u32 v33, v1;
	v37 =	vshrl.u32 v37, $0x3;
	v39 =	vmov s17;
	s0 =	sadd.s32 @p2 $0x200, s0  }
0xc6: {  	v40 =	vmov s20;
	v35 =	vshrl.u32 v35, $0x3;
	v33 =	vbroadcast v33, $0x0;
	[tilespmem:s18], [sflag:$0x3] =	stream.indirect.gather @p2 [hbm4b:s5+s14], $0x40, s0, s14, $0xb8;
	[tilespmem:$0x1D000] =	vst v63  }
0xc7: {  	v36 =	vshrl.u32 v36, $0x3;
	v54 =	vshll.u32 v37, v1;
	v52 =	vshll.u32 v35, v1;
	v41 =	vld [tilespmem:s13+$0xC0]  }
0xc8: {  	v53 =	vshll.u32 v36, v1;
	v44 =	vadd.s32 v0, v33;
	v52 =	vbroadcast v52, $0x0;
	v43 =	vld [tilespmem:s13+$0xFFFFFF00]  }
0xc9: {  	v34 =	vbroadcast v54, $0x0;
	v55 =	vshrl.u32 v39, $0x3;
	v35 =	vbroadcast v53, $0x0;
	v46 =	vld [tilespmem:s13+$0xFFFFFF40]  }
0xca: {  	v40 =	vshrl.u32 v40, $0x3;
	v36 =	vshll.u32 v55, v1;
	v49 =	vadd.s32 v9, v52;
	v48 =	vld [tilespmem:s13+$0xFFFFFF80]  }
0xcb: {  	v56 =	vshll.u32 v40, v1;
	v37 =	vbroadcast v36, $0x0;
	v50 =	vadd.s32 v13, v35;
	v39 =	vld [tilespmem:s13+$0xFFFFFFC0]  }
0xcc: {  	v53 =	vadd.s32 v17, v34;
	v36 =	vbroadcast v56, $0x0;
	v51 =	vld [tilespmem:s13+$0x0];
	[tilespmem:v42+s26+$0x0] =	vst.idx.msk $0xffff, v41  }
0xcd: {  	v60 =	vadd.s32 v21, v37;
	v59 =	vld [tilespmem:s13+$0x40];
	[tilespmem:v44+s26+$0x0] =	vst.idx.msk $0xffff, v43  }
0xce: {  	v62 =	vadd.s32 v25, v36;
	v61 =	vld [tilespmem:s13+$0x80];
	[tilespmem:v47+s26+$0x0] =	vst.idx.msk $0xffff, v46  }
0xcf: {  	v58 =	vadd.s32 v30, v38;
	[tilespmem:v49+s26+$0x0] =	vst.idx.msk $0xffff, v48;
	v57 =	vld [tilespmem:s13+$0xD0]  }
0xd0: {  	v63 =	vadd.s32 v6, v45;
	[tilespmem:v50+s26+$0x0] =	vst.idx.msk $0xffff, v39;
	v47 =	vld [tilespmem:s13+$0xFFFFFF50]  }
0xd1: {  	v55 =	vadd.s32 v10, v52;
	[tilespmem:v53+s26+$0x0] =	vst.idx.msk $0xffff, v51;
	v54 =	vld [tilespmem:s13+$0xFFFFFF90]  }
0xd2: {  	v56 =	vadd.s32 v14, v35;
	[tilespmem:v60+s26+$0x0] =	vst.idx.msk $0xffff, v59;
	v50 =	vld [tilespmem:s13+$0xFFFFFFD0]  }
0xd3: {  	[tilespmem:v62+s26+$0x0] =	vst.idx.msk $0xffff, v61;
	v46 =	vadd.s32 v22, v37;
	v44 =	vld [tilespmem:s13+$0x50]  }
0xd4: {  	v59 =	vadd.s32 v18, v34;
	[tilespmem:v58+s26+$0x0] =	vst.idx.msk $0xffff, v57;
	v58 =	vld [tilespmem:s13+$0x10]  }
0xd5: {  	v57 =	vadd.s32 v31, v38;
	[tilespmem:v63+s26+$0x0] =	vst.idx.msk $0xffff, v47;
	v40 =	vld [tilespmem:s13+$0xE0]  }
0xd6: {  	v62 =	vadd.s32 v2, v33;
	v61 =	vld [tilespmem:s13+$0xFFFFFF10];
	[tilespmem:v55+s26+$0x0] =	vst.idx.msk $0xffff, v54  }
0xd7: {  	v60 =	vadd.s32 v26, v36;
	v63 =	vld [tilespmem:s13+$0x90];
	[tilespmem:v56+s26+$0x0] =	vst.idx.msk $0xffff, v50  }
0xd8: {  	v51 =	vadd.s32 v7, v45;
	[tilespmem:v46+s26+$0x0] =	vst.idx.msk $0xffff, v44;
	v50 =	vld [tilespmem:s13+$0xFFFFFF60]  }
0xd9: {  	v56 =	vadd.s32 v11, v52;
	v55 =	vld [tilespmem:s13+$0xFFFFFFA0];
	[tilespmem:v59+s26+$0x0] =	vst.idx.msk $0xffff, v58  }
0xda: {  	v58 =	vadd.s32 v15, v35;
	[tilespmem:v57+s26+$0x0] =	vst.idx.msk $0xffff, v40;
	v57 =	vld [tilespmem:s13+$0xFFFFFFE0]  }
0xdb: {  	v38 =	vadd.s32 v32, v38;
	[tilespmem:v62+s26+$0x0] =	vst.idx.msk $0xffff, v61;
	v54 =	vld [tilespmem:s13+$0xF0]  }
0xdc: {  	s16 =	simm.s32 $0x9;
	[tilespmem:v60+s26+$0x0] =	vst.idx.msk $0xffff, v63;
	v60 =	vadd.s32 v19, v34;
	v59 =	vld [tilespmem:s13+$0x20]  }
0xdd: {  	s20 =	simm.s32 $0xB;
	v41 =	vadd.s32 v23, v37;
	v53 =	vmov s16;
	[tilespmem:v51+s26+$0x0] =	vst.idx.msk $0xffff, v50;
	v40 =	vld [tilespmem:s13+$0x60]  }
0xde: {  	s1 =	simm.s32 $0x8;
	v43 =	vadd.s32 v27, v36;
	s16 =	simm.s32 $0xC;
	v48 =	vadd.s32 v3, v33;
	v44 =	vmov s20;
	v42 =	vld [tilespmem:s13+$0xA0];
	[tilespmem:v56+s26+$0x0] =	vst.idx.msk $0xffff, v55  }
0xdf: {  	s17 =	simm.s32 $0xA;
	v47 =	vmov s16;
	v52 =	vadd.s32 v12, v52;
	v46 =	vld [tilespmem:s13+$0xFFFFFF20];
	v63 =	vmov s1;
	[tilespmem:v58+s26+$0x0] =	vst.idx.msk $0xffff, v57  }
0xe0: {  	p1 =	por @!p0 $0x1, $0x1;
	s20 =	simm.s32 $0xE;
	v39 =	vshrl.u32 v63, $0x3;
	v51 =	vadd.s32 v8, v45;
	v49 =	vld [tilespmem:s13+$0xFFFFFF70];
	[tilespmem:v38+s26+$0x0] =	vst.idx.msk $0xffff, v54;
	v54 =	vmov s17;
	s17 =	simm.s32 $0xD  }
0xe1: {  	p1 =	por @p2 $0x0, $0x0;
	s0 =	simm.s32 $0xF;
	s16 =	simm.s32 $0x10;
	v45 =	vshll.u32 v39, v1;
	v39 =	vmov s20;
	v50 =	vld [tilespmem:s13+$0xFFFFFFB0];
	[tilespmem:v60+s26+$0x0] =	vst.idx.msk $0xffff, v59;
	v38 =	vmov s17  }
.LBB2_7:
0xe2: {  	p2 =	slt.u32 s16, $0x78;
	v53 =	vshrl.u32 v53, $0x3;
	v55 =	vmov s0;
	v56 =	vld [tilespmem:s13+$0xFFFFFFF0];
	v35 =	vadd.s32 v16, v35;
	[tilespmem:v41+s26+$0x0] =	vst.idx.msk $0xffff, v40  }
0xe3: {  	v40 =	vshrl.u32 v54, $0x3;
	v34 =	vadd.s32 v20, v34;
	v41 =	vshrl.u32 v55, $0x3;
	v54 =	vld [tilespmem:s13+$0x30];
	[tilespmem:v43+s26+$0x0] =	vst.idx.msk $0xffff, v42  }
0xe4: {  	v37 =	vadd.s32 v24, v37;
	v42 =	vshrl.u32 v44, $0x3;
	v41 =	vshll.u32 v41, v1;
	[tilespmem:v48+s26+$0x0] =	vst.idx.msk $0xffff, v46;
	v43 =	vld [tilespmem:s13+$0x70]  }
0xe5: {  	v36 =	vadd.s32 v28, v36;
	v44 =	vshrl.u32 v47, $0x3;
	v41 =	vbroadcast v41, $0x0;
	[tilespmem:v51+s26+$0x0] =	vst.idx.msk $0xffff, v49;
	v46 =	vld [tilespmem:s13+$0xB0]  }
0xe6: {  	v47 =	vshll.u32 v53, v1;
	v49 =	vadd.s32 v4, v33;
	v33 =	vbroadcast v45, $0x0;
	v48 =	vld [tilespmem:s13+$0xFFFFFF30];
	[tilespmem:v52+s26+$0x0] =	vst.idx.msk $0xffff, v50;
	s13 =	sadd.s32 $0x200, s13  }
0xe7: {  	v40 =	vshll.u32 v40, v1;
	v45 =	vbroadcast v47, $0x0;
	v47 =	vld [tilespmem:s13+$0xC0];
	v50 =	vadd.s32 v29, v41;
	[tilespmem:v35+s26+$0x0] =	vst.idx.msk $0xffff, v56  }
0xe8: {  	v55 =	vbroadcast v40, $0x0;
	v52 =	vadd.s32 v0, v33;
	v35 =	vshll.u32 v42, v1;
	v51 =	vld [tilespmem:s13+$0xFFFFFF00];
	[tilespmem:v34+s26+$0x0] =	vst.idx.msk $0xffff, v54  }
0xe9: {  	v42 =	vadd.s32 v5, v45;
	v35 =	vbroadcast v35, $0x0;
	v34 =	vshll.u32 v44, v1;
	v40 =	vld [tilespmem:s13+$0xFFFFFF40];
	[tilespmem:v37+s26+$0x0] =	vst.idx.msk $0xffff, v43  }
0xea: {  	v44 =	vadd.s32 v9, v55;
	v34 =	vbroadcast v34, $0x0;
	v37 =	vshrl.u32 v38, $0x3;
	v43 =	vld [tilespmem:s13+$0xFFFFFF80];
	[tilespmem:v36+s26+$0x0] =	vst.idx.msk $0xffff, v46  }
0xeb: {  	v39 =	vshrl.u32 v39, $0x3;
	v46 =	vadd.s32 v13, v35;
	v36 =	vshll.u32 v37, v1;
	v38 =	vld [tilespmem:s13+$0xFFFFFFC0];
	[tilespmem:v49+s26+$0x0] =	vst.idx.msk $0xffff, v48  }
0xec: {  	v49 =	vadd.s32 v17, v34;
	v37 =	vbroadcast v36, $0x0;
	v36 =	vshll.u32 v39, v1;
	v48 =	vld [tilespmem:s13+$0x0];
	[tilespmem:v50+s26+$0x0] =	vst.idx.msk $0xffff, v47  }
0xed: {  	v36 =	vbroadcast v36, $0x0;
	v47 =	vadd.s32 v30, v41;
	[tilespmem:v52+s26+$0x0] =	vst.idx.msk $0xffff, v51;
	v39 =	vld [tilespmem:s13+$0xD0]  }
0xee: {  	[tilespmem:v42+s26+$0x0] =	vst.idx.msk $0xffff, v40;
	v40 =	vld [tilespmem:s13+$0x40];
	v42 =	vadd.s32 v21, v37  }
0xef: {  	[tilespmem:v44+s26+$0x0] =	vst.idx.msk $0xffff, v43;
	v43 =	vld [tilespmem:s13+$0x80];
	v44 =	vadd.s32 v25, v36  }
0xf0: {  	v51 =	vadd.s32 v6, v45;
	v50 =	vld [tilespmem:s13+$0xFFFFFF50];
	[tilespmem:v46+s26+$0x0] =	vst.idx.msk $0xffff, v38  }
0xf1: {  	v46 =	vadd.s32 v10, v55;
	v38 =	vld [tilespmem:s13+$0xFFFFFF90];
	[tilespmem:v49+s26+$0x0] =	vst.idx.msk $0xffff, v48  }
0xf2: {  	v49 =	vadd.s32 v14, v35;
	v48 =	vld [tilespmem:s13+$0xFFFFFFD0];
	[tilespmem:v47+s26+$0x0] =	vst.idx.msk $0xffff, v39  }
0xf3: {  	[tilespmem:v42+s26+$0x0] =	vst.idx.msk $0xffff, v40;
	v39 =	vld [tilespmem:s13+$0xE0];
	v40 =	vadd.s32 v31, v41  }
0xf4: {  	v47 =	vadd.s32 v18, v34;
	v42 =	vld [tilespmem:s13+$0x10];
	[tilespmem:v44+s26+$0x0] =	vst.idx.msk $0xffff, v43  }
0xf5: {  	v44 =	vadd.s32 v22, v37;
	[tilespmem:v51+s26+$0x0] =	vst.idx.msk $0xffff, v50;
	v43 =	vld [tilespmem:s13+$0x50]  }
0xf6: {  	[tilespmem:v46+s26+$0x0] =	vst.idx.msk $0xffff, v38;
	v38 =	vld [tilespmem:s13+$0x90];
	v46 =	vadd.s32 v26, v36  }
0xf7: {  	v51 =	vadd.s32 v2, v33;
	v50 =	vld [tilespmem:s13+$0xFFFFFF10];
	[tilespmem:v49+s26+$0x0] =	vst.idx.msk $0xffff, v48  }
0xf8: {  	v49 =	vadd.s32 v7, v45;
	v48 =	vld [tilespmem:s13+$0xFFFFFF60];
	[tilespmem:v40+s26+$0x0] =	vst.idx.msk $0xffff, v39  }
0xf9: {  	[tilespmem:v47+s26+$0x0] =	vst.idx.msk $0xffff, v42;
	v39 =	vld [tilespmem:s13+$0xF0];
	v47 =	vadd.s32 v32, v41  }
0xfa: {  	v56 =	vadd.s32 v11, v55;
	v52 =	vld [tilespmem:s13+$0xFFFFFFA0];
	[tilespmem:v44+s26+$0x0] =	vst.idx.msk $0xffff, v43  }
0xfb: {  	v58 =	vadd.s32 v15, v35;
	v57 =	vld [tilespmem:s13+$0xFFFFFFE0];
	[tilespmem:v46+s26+$0x0] =	vst.idx.msk $0xffff, v38  }
0xfc: {  	v60 =	vadd.s32 v19, v34;
	[tilespmem:v51+s26+$0x0] =	vst.idx.msk $0xffff, v50;
	v59 =	vld [tilespmem:s13+$0x20]  }
.Ltmp2:
0xfd: {  	s0 =	sadd.s32 $0x1, s16;
	v41 =	vadd.s32 v23, v37;
	v38 =	vmov s16;
	[tilespmem:v49+s26+$0x0] =	vst.idx.msk $0xffff, v48;
	v40 =	vld [tilespmem:s13+$0x60];
	(pc) =	sbr.rel @p2 .LBB2_7-.Ltmp2, $4  }
0xfe: {  	s1 =	sadd.s32 $0x3, s16;
	v53 =	vmov s0;
	s0 =	sadd.s32 $0x2, s16;
	v43 =	vadd.s32 v27, v36;
	v50 =	vshrl.u32 v38, $0x3;
	v42 =	vld [tilespmem:s13+$0xA0];
	[tilespmem:v47+s26+$0x0] =	vst.idx.msk $0xffff, v39  }
0xff: {  	v54 =	vmov s0;
	s0 =	sadd.s32 $0x4, s16;
	v44 =	vmov s1;
	s1 =	sadd.s32 $0x5, s16;
	v48 =	vadd.s32 v3, v33;
	v46 =	vld [tilespmem:s13+$0xFFFFFF20];
	[tilespmem:v56+s26+$0x0] =	vst.idx.msk $0xffff, v52  }
0x100: {  	v38 =	vmov s1;
	v51 =	vadd.s32 v8, v45;
	v47 =	vmov s0;
	s0 =	sadd.s32 $0x6, s16;
	v49 =	vld [tilespmem:s13+$0xFFFFFF70];
	[tilespmem:v58+s26+$0x0] =	vst.idx.msk $0xffff, v57  }
0x101: {  	v45 =	vshll.u32 v50, v1;
	v39 =	vmov s0;
	s0 =	sadd.s32 $0x7, s16;
	s16 =	sadd.s32 $0x8, s16;
	v52 =	vadd.s32 v12, v55;
	v50 =	vld [tilespmem:s13+$0xFFFFFFB0];
	[tilespmem:v60+s26+$0x0] =	vst.idx.msk $0xffff, v59  }
0x102: {  	_ =	sdelay $0x2  }
0x103: {  	v53 =	vshrl.u32 v53, $0x3  }
0x104: {  	v55 =	vmov s0;
	v56 =	vld [tilespmem:s13+$0xFFFFFFF0];
	v35 =	vadd.s32 v16, v35;
	[tilespmem:v41+s26+$0x0] =	vst.idx.msk $0xffff, v40;
	v57 =	vshrl.u32 v54, $0x3  }
0x105: {  	v59 =	vld [tilespmem:s13+$0x30];
	v34 =	vadd.s32 v20, v34;
	v60 =	vshrl.u32 v44, $0x3;
	v58 =	vshrl.u32 v55, $0x3;
	[tilespmem:v43+s26+$0x0] =	vst.idx.msk $0xffff, v42  }
0x106: {  	v37 =	vadd.s32 v24, v37;
	v62 =	vshrl.u32 v47, $0x3;
	v61 =	vld [tilespmem:s13+$0x70];
	v41 =	vshll.u32 v58, v1;
	[tilespmem:v48+s26+$0x0] =	vst.idx.msk $0xffff, v46  }
0x107: {  	v36 =	vadd.s32 v28, v36;
	v45 =	vbroadcast v45, $0x0;
	v63 =	vld [tilespmem:s13+$0xB0];
	v41 =	vbroadcast v41, $0x0;
	[tilespmem:v51+s26+$0x0] =	vst.idx.msk $0xffff, v49  }
0x108: {  	v33 =	vadd.s32 v4, v33;
	s20 =	sadd.s32 $0x200, s13;
	v38 =	vshrl.u32 v38, $0x3;
	v55 =	vshll.u32 v53, v1;
	v48 =	vld [tilespmem:s13+$0xFFFFFF30];
	[tilespmem:v52+s26+$0x0] =	vst.idx.msk $0xffff, v50  }
0x109: {  	v40 =	vshll.u32 v57, v1;
	v47 =	vbroadcast v55, $0x0;
	v49 =	vld [tilespmem:s20+$0xC0];
	v50 =	vadd.s32 v29, v41;
	[tilespmem:v35+s26+$0x0] =	vst.idx.msk $0xffff, v56  }
0x10a: {  	v42 =	vshll.u32 v60, v1;
	v40 =	vbroadcast v40, $0x0;
	v35 =	vld [tilespmem:s20+$0xFFFFFF00];
	v56 =	vadd.s32 v0, v45;
	[tilespmem:v34+s26+$0x0] =	vst.idx.msk $0xffff, v59  }
0x10b: {  	v57 =	vld [tilespmem:s20+$0xFFFFFF40];
	v44 =	vshll.u32 v62, v1;
	v42 =	vbroadcast v42, $0x0;
	v58 =	vadd.s32 v5, v47;
	[tilespmem:v37+s26+$0x0] =	vst.idx.msk $0xffff, v61  }
0x10c: {  	v38 =	vshll.u32 v38, v1;
	v44 =	vbroadcast v44, $0x0;
	v60 =	vadd.s32 v9, v40;
	v59 =	vld [tilespmem:s20+$0xFFFFFF80];
	[tilespmem:v36+s26+$0x0] =	vst.idx.msk $0xffff, v63  }
0x10d: {  	v38 =	vbroadcast v38, $0x0;
	v62 =	vadd.s32 v13, v42;
	v61 =	vld [tilespmem:s20+$0xFFFFFFC0];
	[tilespmem:v33+s26+$0x0] =	vst.idx.msk $0xffff, v48  }
0x10e: {  	v39 =	vshrl.u32 v39, $0x3;
	v63 =	vadd.s32 v17, v44;
	v33 =	vld [tilespmem:s20+$0x0];
	[tilespmem:v50+s26+$0x0] =	vst.idx.msk $0xffff, v49  }
0x10f: {  	v39 =	vshll.u32 v39, v1;
	v34 =	vld [tilespmem:s20+$0x40];
	[tilespmem:v56+s26+$0x0] =	vst.idx.msk $0xffff, v35;
	v56 =	vadd.s32 v21, v38  }
0x110: {  	[tilespmem:v58+s26+$0x0] =	vst.idx.msk $0xffff, v57;
	v35 =	vbroadcast v39, $0x0;
	v49 =	vadd.s32 v30, v41;
	v39 =	vld [tilespmem:s20+$0xD0]  }
0x111: {  	[tilespmem:v60+s26+$0x0] =	vst.idx.msk $0xffff, v59;
	v59 =	vld [tilespmem:s20+$0xFFFFFF50];
	v60 =	vadd.s32 v6, v47  }
0x112: {  	v57 =	vld [tilespmem:s20+$0x80];
	[tilespmem:v62+s26+$0x0] =	vst.idx.msk $0xffff, v61;
	v58 =	vadd.s32 v25, v35  }
0x113: {  	v61 =	vld [tilespmem:s20+$0xFFFFFF90];
	v62 =	vadd.s32 v10, v40;
	[tilespmem:v63+s26+$0x0] =	vst.idx.msk $0xffff, v33  }
0x114: {  	v33 =	vld [tilespmem:s20+$0xFFFFFFD0];
	v63 =	vadd.s32 v14, v42;
	[tilespmem:v56+s26+$0x0] =	vst.idx.msk $0xffff, v34  }
0x115: {  	v56 =	vadd.s32 v18, v44;
	[tilespmem:v49+s26+$0x0] =	vst.idx.msk $0xffff, v39;
	v49 =	vld [tilespmem:s20+$0x10]  }
0x116: {  	[tilespmem:v60+s26+$0x0] =	vst.idx.msk $0xffff, v59;
	v39 =	vadd.s32 v31, v41;
	v34 =	vld [tilespmem:s20+$0xE0]  }
0x117: {  	[tilespmem:v58+s26+$0x0] =	vst.idx.msk $0xffff, v57;
	v57 =	vld [tilespmem:s20+$0x50];
	v58 =	vadd.s32 v22, v38  }
0x118: {  	[tilespmem:v62+s26+$0x0] =	vst.idx.msk $0xffff, v61;
	v61 =	vld [tilespmem:s20+$0xFFFFFF10];
	v62 =	vadd.s32 v2, v45  }
0x119: {  	v60 =	vadd.s32 v26, v35;
	v59 =	vld [tilespmem:s20+$0x90];
	[tilespmem:v63+s26+$0x0] =	vst.idx.msk $0xffff, v33  }
0x11a: {  	v55 =	vadd.s32 v11, v40;
	v54 =	vadd.s32 v32, v41;
	v41 =	vld [tilespmem:s20+$0xFFFFFFA0];
	[tilespmem:v56+s26+$0x0] =	vst.idx.msk $0xffff, v49  }
0x11b: {  	v53 =	vadd.s32 v7, v47;
	v63 =	vld [tilespmem:s20+$0xFFFFFF60];
	[tilespmem:v39+s26+$0x0] =	vst.idx.msk $0xffff, v34  }
0x11c: {  	v56 =	vld [tilespmem:s20+$0xFFFFFFE0];
	[tilespmem:v58+s26+$0x0] =	vst.idx.msk $0xffff, v57;
	v57 =	vadd.s32 v15, v42  }
0x11d: {  	[tilespmem:v62+s26+$0x0] =	vst.idx.msk $0xffff, v61;
	v34 =	vld [tilespmem:s20+$0xF0]  }
0x11e: {  	v58 =	vld [tilespmem:s20+$0x20];
	[tilespmem:v60+s26+$0x0] =	vst.idx.msk $0xffff, v59;
	v59 =	vadd.s32 v19, v44  }
0x11f: {  	v61 =	vadd.s32 v23, v38;
	[tilespmem:v55+s26+$0x0] =	vst.idx.msk $0xffff, v41;
	v60 =	vld [tilespmem:s20+$0x60]  }
0x120: {  	[tilespmem:v53+s26+$0x0] =	vst.idx.msk $0xffff, v63;
	v63 =	vadd.s32 v27, v35;
	v62 =	vld [tilespmem:s20+$0xA0]  }
0x121: {  	v47 =	vadd.s32 v8, v47;
	v55 =	vld [tilespmem:s20+$0xFFFFFF70];
	[tilespmem:v57+s26+$0x0] =	vst.idx.msk $0xffff, v56  }
0x122: {  	v53 =	vld [tilespmem:s20+$0xFFFFFF20];
	[tilespmem:v54+s26+$0x0] =	vst.idx.msk $0xffff, v34;
	v54 =	vadd.s32 v3, v45  }
0x123: {  	v40 =	vadd.s32 v12, v40;
	v56 =	vld [tilespmem:s20+$0xFFFFFFB0];
	[tilespmem:v59+s26+$0x0] =	vst.idx.msk $0xffff, v58  }
0x124: {  	v42 =	vadd.s32 v16, v42;
	v57 =	vld [tilespmem:s20+$0xFFFFFFF0];
	[tilespmem:v61+s26+$0x0] =	vst.idx.msk $0xffff, v60  }
0x125: {  	v59 =	vadd.s32 v20, v44;
	v58 =	vld [tilespmem:s20+$0x30];
	[tilespmem:v63+s26+$0x0] =	vst.idx.msk $0xffff, v62  }
0x126: {  	v38 =	vadd.s32 v24, v38;
	v60 =	vld [tilespmem:s20+$0x70];
	[tilespmem:v47+s26+$0x0] =	vst.idx.msk $0xffff, v55  }
0x127: {  	v35 =	vadd.s32 v28, v35;
	v61 =	vld [tilespmem:s20+$0xB0];
	[tilespmem:v54+s26+$0x0] =	vst.idx.msk $0xffff, v53  }
0x128: {  	v63 =	vadd.s32 v4, v45;
	[tilespmem:v40+s26+$0x0] =	vst.idx.msk $0xffff, v56;
	v62 =	vld [tilespmem:s20+$0xFFFFFF30]  }
0x129: {  	[tilespmem:v42+s26+$0x0] =	vst.idx.msk $0xffff, v57  }
0x12a: {  	[tilespmem:v59+s26+$0x0] =	vst.idx.msk $0xffff, v58  }
0x12b: {  	[tilespmem:v38+s26+$0x0] =	vst.idx.msk $0xffff, v60  }
0x12c: {  	[tilespmem:v35+s26+$0x0] =	vst.idx.msk $0xffff, v61  }
0x12d: {  	s1 =	simm.s32 $0x16A00;
	s13 =	sadd.s32 s7, s9;
	[tilespmem:v63+s26+$0x0] =	vst.idx.msk $0xffff, v62  }
0x12e: {  	[hbm4b:s13+s4] =	stream.linear.scatter [tilespmem:s1], [sflag:$0x8], $0x80, $0x38;
	[tilespmem:$0x1D000] =	vst v63  }
0x12f: {  	s16 =	simm.s32 $0x16A88;
	s1 =	sadd.s32 $0x10, s13  }
0x130: {  	[hbm4b:s1+s4] =	stream.linear.scatter [tilespmem:s16], [sflag:$0x8], $0x80, $0x38;
	[tilespmem:$0x1D000] =	vst v63  }
0x131: {  	s17 =	simm.s32 $0x16B10;
	s20 =	sadd.s32 $0x20, s13  }
0x132: {  	[hbm4b:s20+s4] =	stream.linear.scatter [tilespmem:s17], [sflag:$0x8], $0x80, $0x38;
	[tilespmem:$0x1D000] =	vst v63  }
0x133: {  	s1 =	simm.s32 $0x16B98;
	s16 =	sadd.s32 $0x30, s13  }
0x134: {  	[hbm4b:s16+s4] =	stream.linear.scatter [tilespmem:s1], [sflag:$0x8], $0x80, $0x38;
	[tilespmem:$0x1D000] =	vst v63  }
0x135: {  	s17 =	simm.s32 $0x16C20;
	s20 =	sadd.s32 $0x40, s13  }
0x136: {  	[hbm4b:s20+s4] =	stream.linear.scatter [tilespmem:s17], [sflag:$0x8], $0x80, $0x38;
	[tilespmem:$0x1D000] =	vst v63  }
0x137: {  	s0 =	simm.s32 $0x440;
	s1 =	simm.s32 $0x16CA8;
	s16 =	sadd.s32 $0x50, s13  }
0x138: {  	[hbm4b:s16+s4] =	stream.linear.scatter [tilespmem:s1], [sflag:$0x8], $0x80, $0x38;
	[tilespmem:$0x1D000] =	vst v63  }
0x139: {  	s17 =	simm.s32 $0x16D30;
	s20 =	sadd.s32 $0x60, s13;
	s16 =	simm.s32 $0x2200  }
0x13a: {  	[hbm4b:s20+s4] =	stream.linear.scatter [tilespmem:s17], [sflag:$0x8], $0x80, $0x38;
	[tilespmem:$0x1D000] =	vst v63  }
0x13b: {  	s1 =	simm.s32 $0x16DB8;
	s17 =	sadd.s32 $0x70, s13;
	s13 =	sadd.s32 $0x1000, s13  }
.LBB2_9:
0x13c: {  	[hbm4b:s17+s4] =	stream.linear.scatter [tilespmem:s1], [sflag:$0x8], $0x80, $0x38;
	[tilespmem:$0x1D000] =	vst v63  }
0x13d: {  	s1 =	smov.u32 s0;
	s0 =	smov.u32 s16  }
0x13e: {  	s20 =	sadd.s32 $0x1100, s16;
	s0 =	sshra.s32 s0, $0x2;
	s17 =	sadd.s32 $0x16A00, s1  }
0x13f: {  	[hbm4b:s13+s4] =	stream.linear.scatter [tilespmem:s17], [sflag:$0x8], $0x80, $0x38;
	[tilespmem:$0x1D000] =	vst v63  }
0x140: {  	p2 =	sne.s32 s16, $0x7700;
	s16 =	sadd.s32 $0x16A88, s1;
	s17 =	sadd.s32 $0x10, s13  }
0x141: {  	[hbm4b:s17+s4] =	stream.linear.scatter [tilespmem:s16], [sflag:$0x8], $0x80, $0x38;
	[tilespmem:$0x1D000] =	vst v63  }
0x142: {  	s16 =	sadd.s32 $0x16B10, s1;
	s17 =	sadd.s32 $0x20, s13  }
0x143: {  	[hbm4b:s17+s4] =	stream.linear.scatter [tilespmem:s16], [sflag:$0x8], $0x80, $0x38;
	[tilespmem:$0x1D000] =	vst v63  }
0x144: {  	s16 =	sadd.s32 $0x16B98, s1;
	s17 =	sadd.s32 $0x30, s13  }
0x145: {  	[hbm4b:s17+s4] =	stream.linear.scatter [tilespmem:s16], [sflag:$0x8], $0x80, $0x38;
	[tilespmem:$0x1D000] =	vst v63  }
0x146: {  	s16 =	sadd.s32 $0x16C20, s1;
	s17 =	sadd.s32 $0x40, s13  }
0x147: {  	[hbm4b:s17+s4] =	stream.linear.scatter [tilespmem:s16], [sflag:$0x8], $0x80, $0x38;
	[tilespmem:$0x1D000] =	vst v63  }
.Ltmp3:
0x148: {  	s16 =	sadd.s32 $0x16CA8, s1;
	s17 =	sadd.s32 $0x50, s13;
	(pc) =	sbr.rel @p2 .LBB2_9-.Ltmp3, $4  }
0x149: {  	[hbm4b:s17+s4] =	stream.linear.scatter [tilespmem:s16], [sflag:$0x8], $0x80, $0x38;
	[tilespmem:$0x1D000] =	vst v63  }
0x14a: {  	s16 =	sadd.s32 $0x16D30, s1;
	s17 =	sadd.s32 $0x60, s13;
	s1 =	sadd.s32 $0x16DB8, s1  }
0x14b: {  	[hbm4b:s17+s4] =	stream.linear.scatter [tilespmem:s16], [sflag:$0x8], $0x80, $0x38;
	[tilespmem:$0x1D000] =	vst v63  }
0x14c: {  	s17 =	sadd.s32 $0x70, s13;
	s13 =	sadd.s32 $0x1000, s13;
	s16 =	smov.u32 s20  }
0x14d: {  	[hbm4b:s17+s4] =	stream.linear.scatter [tilespmem:s1], [sflag:$0x8], $0x80, $0x38;
	[tilespmem:$0x1D000] =	vst v63  }
0x14e: {  	s17 =	sadd.s32 $0x16A00, s0  }
0x14f: {  	[hbm4b:s13+s4] =	stream.linear.scatter [tilespmem:s17], [sflag:$0x8], $0x80, $0x38;
	[tilespmem:$0x1D000] =	vst v63  }
0x150: {  	s20 =	sadd.s32 $0x16A88, s0;
	s16 =	sadd.s32 $0x10, s13  }
0x151: {  	[hbm4b:s16+s4] =	stream.linear.scatter [tilespmem:s20], [sflag:$0x8], $0x80, $0x38;
	[tilespmem:$0x1D000] =	vst v63  }
0x152: {  	s17 =	sadd.s32 $0x16B10, s0;
	s20 =	sadd.s32 $0x20, s13  }
0x153: {  	[hbm4b:s20+s4] =	stream.linear.scatter [tilespmem:s17], [sflag:$0x8], $0x80, $0x38;
	[tilespmem:$0x1D000] =	vst v63  }
0x154: {  	s17 =	sadd.s32 $0x16B98, s0;
	s20 =	sadd.s32 $0x30, s13  }
0x155: {  	[hbm4b:s20+s4] =	stream.linear.scatter [tilespmem:s17], [sflag:$0x8], $0x80, $0x38;
	[tilespmem:$0x1D000] =	vst v63  }
0x156: {  	s17 =	sadd.s32 $0x16C20, s0;
	s20 =	sadd.s32 $0x40, s13  }
0x157: {  	[hbm4b:s20+s4] =	stream.linear.scatter [tilespmem:s17], [sflag:$0x8], $0x80, $0x38;
	[tilespmem:$0x1D000] =	vst v63  }
0x158: {  	s1 =	simm.s32 @!p1 $0x80;
	s17 =	sadd.s32 $0x16CA8, s0;
	s20 =	sadd.s32 $0x50, s13  }
0x159: {  	[hbm4b:s20+s4] =	stream.linear.scatter [tilespmem:s17], [sflag:$0x8], $0x80, $0x38;
	[tilespmem:$0x1D000] =	vst v63  }
0x15a: {  	s16 =	simm.s32 $0x1;
	s17 =	sadd.s32 $0x16D30, s0;
	s20 =	sadd.s32 $0x60, s13  }
0x15b: {  	v34 =	vmov s16;
	[hbm4b:s20+s4] =	stream.linear.scatter [tilespmem:s17], [sflag:$0x8], $0x80, $0x38;
	[tilespmem:$0x1D000] =	vst v63  }
0x15c: {  	s16 =	sshll.u32 @!p1 s21, $0x9;
	v34 =	vshrl.u32 v34, $0x3;
	s17 =	sadd.s32 $0x16DB8, s0;
	s20 =	sadd.s32 $0x70, s13  }
0x15d: {  	v34 =	vshll.u32 v34, v1;
	[hbm4b:s20+s4] =	stream.linear.scatter [tilespmem:s17], [sflag:$0x8], $0x80, $0x38;
	[tilespmem:$0x1D000] =	vst v63  }
0x15e: {  	v45 =	vbroadcast v34, $0x0;
	s13 =	simm.s32 $0x0;
	s20 =	simm.s32 $0x3;
	_ =	swait.ge [sflag:s28], $0x2000  }
0x15f: {  	s0 =	simm.s32 @!p0 $0x9;
	v33 =	vmov s13;
	v36 =	vmov s20;
	s20 =	simm.s32 $0x7;
	[sflag:s28] =	ssyncset.done $0x0  }
0x160: {  	v47 =	vadd.s32 v5, v45;
	s13 =	sand.u32 @!p1 $0x3FFFFE00, s16;
	s17 =	simm.s32 $0x2;
	v33 =	vshrl.u32 v33, $0x3;
	v38 =	vmov s20;
	[sflag:s28] =	ssyncadd.s32 $0xFFFFE000  }
0x161: {  	s16 =	simm.s32 @!p1 $0xE800;
	v35 =	vmov s17;
	s17 =	simm.s32 $0x4;
	v33 =	vshll.u32 v33, v1;
	v38 =	vshrl.u32 v38, $0x3;
	_ =	swait.ge @!p0 [sflag:s0], $0x2000  }
0x162: {  	v37 =	vmov s17;
	s17 =	simm.s32 $0x5;
	s20 =	simm.s32 $0x6;
	v35 =	vshrl.u32 v35, $0x3;
	v38 =	vshll.u32 v38, v1;
	[sflag:s0] =	ssyncset.done @!p0 $0x0  }
0x163: {  	v36 =	vshrl.u32 v36, $0x3;
	v39 =	vmov s17;
	s17 =	simm.s32 $0x10900;
	v38 =	vbroadcast v38, $0x0;
	[sflag:s0] =	ssyncadd.s32 @!p0 $0xFFFFE000;
	s0 =	sadd.s32 @!p1 $0x280, s13  }
0x164: {  	v33 =	vbroadcast v33, $0x0;
	v40 =	vmov s20;
	v37 =	vshrl.u32 v37, $0x3;
	[tilespmem:s16], [sflag:$0x4] =	stream.indirect.gather @!p1 [hbm4b:s5+s1], $0x40, s0, s1, $0xb8;
	[tilespmem:$0x1D000] =	vst v63  }
0x165: {  	v52 =	vshll.u32 v35, v1;
	v53 =	vshll.u32 v36, v1;
	v42 =	vadd.s32 v29, v38;
	v41 =	vld [tilespmem:s17+$0xC0]  }
0x166: {  	v44 =	vadd.s32 v0, v33;
	v52 =	vbroadcast v52, $0x0;
	v35 =	vbroadcast v53, $0x0;
	v43 =	vld [tilespmem:s17+$0xFFFFFF00]  }
0x167: {  	v54 =	vshll.u32 v37, v1;
	v55 =	vshrl.u32 v39, $0x3;
	v40 =	vshrl.u32 v40, $0x3;
	v46 =	vld [tilespmem:s17+$0xFFFFFF40]  }
0x168: {  	v34 =	vbroadcast v54, $0x0;
	v36 =	vshll.u32 v55, v1;
	v49 =	vadd.s32 v9, v52;
	v48 =	vld [tilespmem:s17+$0xFFFFFF80]  }
0x169: {  	v56 =	vshll.u32 v40, v1;
	v50 =	vadd.s32 v13, v35;
	v37 =	vbroadcast v36, $0x0;
	v39 =	vld [tilespmem:s17+$0xFFFFFFC0]  }
0x16a: {  	v36 =	vbroadcast v56, $0x0;
	v53 =	vadd.s32 v17, v34;
	v51 =	vld [tilespmem:s17+$0x0];
	[tilespmem:v42+s29+$0x0] =	vst.idx.msk $0xffff, v41  }
0x16b: {  	v59 =	vld [tilespmem:s17+$0x40];
	v60 =	vadd.s32 v21, v37;
	[tilespmem:v44+s29+$0x0] =	vst.idx.msk $0xffff, v43  }
0x16c: {  	v61 =	vld [tilespmem:s17+$0x80];
	v62 =	vadd.s32 v25, v36;
	[tilespmem:v47+s29+$0x0] =	vst.idx.msk $0xffff, v46  }
0x16d: {  	v58 =	vadd.s32 v30, v38;
	[tilespmem:v49+s29+$0x0] =	vst.idx.msk $0xffff, v48;
	v57 =	vld [tilespmem:s17+$0xD0]  }
0x16e: {  	v63 =	vadd.s32 v6, v45;
	[tilespmem:v50+s29+$0x0] =	vst.idx.msk $0xffff, v39;
	v47 =	vld [tilespmem:s17+$0xFFFFFF50]  }
0x16f: {  	v55 =	vadd.s32 v10, v52;
	[tilespmem:v53+s29+$0x0] =	vst.idx.msk $0xffff, v51;
	v54 =	vld [tilespmem:s17+$0xFFFFFF90]  }
0x170: {  	v56 =	vadd.s32 v14, v35;
	[tilespmem:v60+s29+$0x0] =	vst.idx.msk $0xffff, v59;
	v50 =	vld [tilespmem:s17+$0xFFFFFFD0]  }
0x171: {  	[tilespmem:v62+s29+$0x0] =	vst.idx.msk $0xffff, v61;
	v46 =	vadd.s32 v22, v37;
	v44 =	vld [tilespmem:s17+$0x50]  }
0x172: {  	v59 =	vadd.s32 v18, v34;
	[tilespmem:v58+s29+$0x0] =	vst.idx.msk $0xffff, v57;
	v58 =	vld [tilespmem:s17+$0x10]  }
0x173: {  	v57 =	vadd.s32 v31, v38;
	[tilespmem:v63+s29+$0x0] =	vst.idx.msk $0xffff, v47;
	v40 =	vld [tilespmem:s17+$0xE0]  }
0x174: {  	v62 =	vadd.s32 v2, v33;
	v61 =	vld [tilespmem:s17+$0xFFFFFF10];
	[tilespmem:v55+s29+$0x0] =	vst.idx.msk $0xffff, v54  }
0x175: {  	v60 =	vadd.s32 v26, v36;
	v63 =	vld [tilespmem:s17+$0x90];
	[tilespmem:v56+s29+$0x0] =	vst.idx.msk $0xffff, v50  }
0x176: {  	v51 =	vadd.s32 v7, v45;
	[tilespmem:v46+s29+$0x0] =	vst.idx.msk $0xffff, v44;
	v50 =	vld [tilespmem:s17+$0xFFFFFF60]  }
0x177: {  	v56 =	vadd.s32 v11, v52;
	v55 =	vld [tilespmem:s17+$0xFFFFFFA0];
	[tilespmem:v59+s29+$0x0] =	vst.idx.msk $0xffff, v58  }
0x178: {  	v58 =	vadd.s32 v15, v35;
	[tilespmem:v57+s29+$0x0] =	vst.idx.msk $0xffff, v40;
	v57 =	vld [tilespmem:s17+$0xFFFFFFE0]  }
0x179: {  	v38 =	vadd.s32 v32, v38;
	[tilespmem:v62+s29+$0x0] =	vst.idx.msk $0xffff, v61;
	v54 =	vld [tilespmem:s17+$0xF0]  }
0x17a: {  	s1 =	simm.s32 $0x9;
	[tilespmem:v60+s29+$0x0] =	vst.idx.msk $0xffff, v63;
	v60 =	vadd.s32 v19, v34;
	v59 =	vld [tilespmem:s17+$0x20]  }
0x17b: {  	s20 =	simm.s32 $0x8;
	v41 =	vadd.s32 v23, v37;
	v53 =	vmov s1;
	[tilespmem:v51+s29+$0x0] =	vst.idx.msk $0xffff, v50;
	v40 =	vld [tilespmem:s17+$0x60]  }
0x17c: {  	v43 =	vadd.s32 v27, v36;
	s1 =	simm.s32 $0xC;
	v48 =	vadd.s32 v3, v33;
	v63 =	vmov s20;
	v42 =	vld [tilespmem:s17+$0xA0];
	[tilespmem:v56+s29+$0x0] =	vst.idx.msk $0xffff, v55  }
0x17d: {  	s16 =	simm.s32 $0xA;
	v47 =	vmov s1;
	v52 =	vadd.s32 v12, v52;
	v46 =	vld [tilespmem:s17+$0xFFFFFF20];
	s20 =	simm.s32 $0xB;
	v39 =	vshrl.u32 v63, $0x3;
	[tilespmem:v58+s29+$0x0] =	vst.idx.msk $0xffff, v57  }
0x17e: {  	v44 =	vmov s20;
	s20 =	simm.s32 $0xE;
	v51 =	vadd.s32 v8, v45;
	v49 =	vld [tilespmem:s17+$0xFFFFFF70];
	[tilespmem:v38+s29+$0x0] =	vst.idx.msk $0xffff, v54;
	v54 =	vmov s16;
	s16 =	simm.s32 $0xD  }
0x17f: {  	s0 =	simm.s32 $0xF;
	v45 =	vshll.u32 v39, v1;
	v39 =	vmov s20;
	v50 =	vld [tilespmem:s17+$0xFFFFFFB0];
	[tilespmem:v60+s29+$0x0] =	vst.idx.msk $0xffff, v59;
	v38 =	vmov s16;
	s16 =	simm.s32 $0x10  }
.LBB2_11:
0x180: {  	p2 =	slt.u32 s16, $0x78;
	v53 =	vshrl.u32 v53, $0x3;
	v55 =	vmov s0;
	v56 =	vld [tilespmem:s17+$0xFFFFFFF0];
	v35 =	vadd.s32 v16, v35;
	[tilespmem:v41+s29+$0x0] =	vst.idx.msk $0xffff, v40  }
0x181: {  	v40 =	vshrl.u32 v54, $0x3;
	v34 =	vadd.s32 v20, v34;
	v41 =	vshrl.u32 v55, $0x3;
	v54 =	vld [tilespmem:s17+$0x30];
	[tilespmem:v43+s29+$0x0] =	vst.idx.msk $0xffff, v42  }
0x182: {  	v37 =	vadd.s32 v24, v37;
	v42 =	vshrl.u32 v44, $0x3;
	v41 =	vshll.u32 v41, v1;
	[tilespmem:v48+s29+$0x0] =	vst.idx.msk $0xffff, v46;
	v43 =	vld [tilespmem:s17+$0x70]  }
0x183: {  	v36 =	vadd.s32 v28, v36;
	v44 =	vshrl.u32 v47, $0x3;
	v41 =	vbroadcast v41, $0x0;
	[tilespmem:v51+s29+$0x0] =	vst.idx.msk $0xffff, v49;
	v46 =	vld [tilespmem:s17+$0xB0]  }
0x184: {  	v47 =	vshll.u32 v53, v1;
	v49 =	vadd.s32 v4, v33;
	v33 =	vbroadcast v45, $0x0;
	v48 =	vld [tilespmem:s17+$0xFFFFFF30];
	[tilespmem:v52+s29+$0x0] =	vst.idx.msk $0xffff, v50;
	s17 =	sadd.s32 $0x200, s17  }
0x185: {  	v40 =	vshll.u32 v40, v1;
	v45 =	vbroadcast v47, $0x0;
	v47 =	vld [tilespmem:s17+$0xC0];
	v50 =	vadd.s32 v29, v41;
	[tilespmem:v35+s29+$0x0] =	vst.idx.msk $0xffff, v56  }
0x186: {  	v55 =	vbroadcast v40, $0x0;
	v52 =	vadd.s32 v0, v33;
	v35 =	vshll.u32 v42, v1;
	v51 =	vld [tilespmem:s17+$0xFFFFFF00];
	[tilespmem:v34+s29+$0x0] =	vst.idx.msk $0xffff, v54  }
0x187: {  	v42 =	vadd.s32 v5, v45;
	v35 =	vbroadcast v35, $0x0;
	v34 =	vshll.u32 v44, v1;
	v40 =	vld [tilespmem:s17+$0xFFFFFF40];
	[tilespmem:v37+s29+$0x0] =	vst.idx.msk $0xffff, v43  }
0x188: {  	v44 =	vadd.s32 v9, v55;
	v34 =	vbroadcast v34, $0x0;
	v37 =	vshrl.u32 v38, $0x3;
	v43 =	vld [tilespmem:s17+$0xFFFFFF80];
	[tilespmem:v36+s29+$0x0] =	vst.idx.msk $0xffff, v46  }
0x189: {  	v39 =	vshrl.u32 v39, $0x3;
	v46 =	vadd.s32 v13, v35;
	v36 =	vshll.u32 v37, v1;
	v38 =	vld [tilespmem:s17+$0xFFFFFFC0];
	[tilespmem:v49+s29+$0x0] =	vst.idx.msk $0xffff, v48  }
0x18a: {  	v49 =	vadd.s32 v17, v34;
	v37 =	vbroadcast v36, $0x0;
	v36 =	vshll.u32 v39, v1;
	v48 =	vld [tilespmem:s17+$0x0];
	[tilespmem:v50+s29+$0x0] =	vst.idx.msk $0xffff, v47  }
0x18b: {  	v36 =	vbroadcast v36, $0x0;
	v47 =	vadd.s32 v30, v41;
	[tilespmem:v52+s29+$0x0] =	vst.idx.msk $0xffff, v51;
	v39 =	vld [tilespmem:s17+$0xD0]  }
0x18c: {  	[tilespmem:v42+s29+$0x0] =	vst.idx.msk $0xffff, v40;
	v40 =	vld [tilespmem:s17+$0x40];
	v42 =	vadd.s32 v21, v37  }
0x18d: {  	[tilespmem:v44+s29+$0x0] =	vst.idx.msk $0xffff, v43;
	v43 =	vld [tilespmem:s17+$0x80];
	v44 =	vadd.s32 v25, v36  }
0x18e: {  	v51 =	vadd.s32 v6, v45;
	v50 =	vld [tilespmem:s17+$0xFFFFFF50];
	[tilespmem:v46+s29+$0x0] =	vst.idx.msk $0xffff, v38  }
0x18f: {  	v46 =	vadd.s32 v10, v55;
	v38 =	vld [tilespmem:s17+$0xFFFFFF90];
	[tilespmem:v49+s29+$0x0] =	vst.idx.msk $0xffff, v48  }
0x190: {  	v49 =	vadd.s32 v14, v35;
	v48 =	vld [tilespmem:s17+$0xFFFFFFD0];
	[tilespmem:v47+s29+$0x0] =	vst.idx.msk $0xffff, v39  }
0x191: {  	[tilespmem:v42+s29+$0x0] =	vst.idx.msk $0xffff, v40;
	v39 =	vld [tilespmem:s17+$0xE0];
	v40 =	vadd.s32 v31, v41  }
0x192: {  	v47 =	vadd.s32 v18, v34;
	v42 =	vld [tilespmem:s17+$0x10];
	[tilespmem:v44+s29+$0x0] =	vst.idx.msk $0xffff, v43  }
0x193: {  	v44 =	vadd.s32 v22, v37;
	[tilespmem:v51+s29+$0x0] =	vst.idx.msk $0xffff, v50;
	v43 =	vld [tilespmem:s17+$0x50]  }
0x194: {  	[tilespmem:v46+s29+$0x0] =	vst.idx.msk $0xffff, v38;
	v38 =	vld [tilespmem:s17+$0x90];
	v46 =	vadd.s32 v26, v36  }
0x195: {  	v51 =	vadd.s32 v2, v33;
	v50 =	vld [tilespmem:s17+$0xFFFFFF10];
	[tilespmem:v49+s29+$0x0] =	vst.idx.msk $0xffff, v48  }
0x196: {  	v49 =	vadd.s32 v7, v45;
	v48 =	vld [tilespmem:s17+$0xFFFFFF60];
	[tilespmem:v40+s29+$0x0] =	vst.idx.msk $0xffff, v39  }
0x197: {  	[tilespmem:v47+s29+$0x0] =	vst.idx.msk $0xffff, v42;
	v39 =	vld [tilespmem:s17+$0xF0];
	v47 =	vadd.s32 v32, v41  }
0x198: {  	v56 =	vadd.s32 v11, v55;
	v52 =	vld [tilespmem:s17+$0xFFFFFFA0];
	[tilespmem:v44+s29+$0x0] =	vst.idx.msk $0xffff, v43  }
0x199: {  	v58 =	vadd.s32 v15, v35;
	v57 =	vld [tilespmem:s17+$0xFFFFFFE0];
	[tilespmem:v46+s29+$0x0] =	vst.idx.msk $0xffff, v38  }
0x19a: {  	v60 =	vadd.s32 v19, v34;
	[tilespmem:v51+s29+$0x0] =	vst.idx.msk $0xffff, v50;
	v59 =	vld [tilespmem:s17+$0x20]  }
.Ltmp4:
0x19b: {  	s0 =	sadd.s32 $0x1, s16;
	v41 =	vadd.s32 v23, v37;
	v38 =	vmov s16;
	[tilespmem:v49+s29+$0x0] =	vst.idx.msk $0xffff, v48;
	v40 =	vld [tilespmem:s17+$0x60];
	(pc) =	sbr.rel @p2 .LBB2_11-.Ltmp4, $4  }
0x19c: {  	s1 =	sadd.s32 $0x3, s16;
	v53 =	vmov s0;
	s0 =	sadd.s32 $0x2, s16;
	v43 =	vadd.s32 v27, v36;
	v50 =	vshrl.u32 v38, $0x3;
	v42 =	vld [tilespmem:s17+$0xA0];
	[tilespmem:v47+s29+$0x0] =	vst.idx.msk $0xffff, v39  }
0x19d: {  	v54 =	vmov s0;
	s0 =	sadd.s32 $0x4, s16;
	v44 =	vmov s1;
	s1 =	sadd.s32 $0x5, s16;
	v48 =	vadd.s32 v3, v33;
	v46 =	vld [tilespmem:s17+$0xFFFFFF20];
	[tilespmem:v56+s29+$0x0] =	vst.idx.msk $0xffff, v52  }
0x19e: {  	v38 =	vmov s1;
	v51 =	vadd.s32 v8, v45;
	v47 =	vmov s0;
	s0 =	sadd.s32 $0x6, s16;
	v49 =	vld [tilespmem:s17+$0xFFFFFF70];
	[tilespmem:v58+s29+$0x0] =	vst.idx.msk $0xffff, v57  }
0x19f: {  	v45 =	vshll.u32 v50, v1;
	v39 =	vmov s0;
	s0 =	sadd.s32 $0x7, s16;
	s16 =	sadd.s32 $0x8, s16;
	v52 =	vadd.s32 v12, v55;
	v50 =	vld [tilespmem:s17+$0xFFFFFFB0];
	[tilespmem:v60+s29+$0x0] =	vst.idx.msk $0xffff, v59  }
0x1a0: {  	_ =	sdelay $0x2  }
0x1a1: {  	v53 =	vshrl.u32 v53, $0x3  }
0x1a2: {  	v55 =	vmov s0;
	v56 =	vld [tilespmem:s17+$0xFFFFFFF0];
	v35 =	vadd.s32 v16, v35;
	[tilespmem:v41+s29+$0x0] =	vst.idx.msk $0xffff, v40;
	v57 =	vshrl.u32 v54, $0x3  }
0x1a3: {  	v59 =	vld [tilespmem:s17+$0x30];
	v34 =	vadd.s32 v20, v34;
	v60 =	vshrl.u32 v44, $0x3;
	v58 =	vshrl.u32 v55, $0x3;
	[tilespmem:v43+s29+$0x0] =	vst.idx.msk $0xffff, v42  }
0x1a4: {  	v37 =	vadd.s32 v24, v37;
	v62 =	vshrl.u32 v47, $0x3;
	v61 =	vld [tilespmem:s17+$0x70];
	v41 =	vshll.u32 v58, v1;
	[tilespmem:v48+s29+$0x0] =	vst.idx.msk $0xffff, v46  }
0x1a5: {  	v36 =	vadd.s32 v28, v36;
	v45 =	vbroadcast v45, $0x0;
	v63 =	vld [tilespmem:s17+$0xB0];
	v41 =	vbroadcast v41, $0x0;
	[tilespmem:v51+s29+$0x0] =	vst.idx.msk $0xffff, v49  }
0x1a6: {  	v33 =	vadd.s32 v4, v33;
	s20 =	sadd.s32 $0x200, s17;
	v38 =	vshrl.u32 v38, $0x3;
	v55 =	vshll.u32 v53, v1;
	v48 =	vld [tilespmem:s17+$0xFFFFFF30];
	[tilespmem:v52+s29+$0x0] =	vst.idx.msk $0xffff, v50  }
0x1a7: {  	v40 =	vshll.u32 v57, v1;
	v47 =	vbroadcast v55, $0x0;
	v49 =	vld [tilespmem:s20+$0xC0];
	v50 =	vadd.s32 v29, v41;
	[tilespmem:v35+s29+$0x0] =	vst.idx.msk $0xffff, v56  }
0x1a8: {  	v42 =	vshll.u32 v60, v1;
	v40 =	vbroadcast v40, $0x0;
	v35 =	vld [tilespmem:s20+$0xFFFFFF00];
	v56 =	vadd.s32 v0, v45;
	[tilespmem:v34+s29+$0x0] =	vst.idx.msk $0xffff, v59  }
0x1a9: {  	v57 =	vld [tilespmem:s20+$0xFFFFFF40];
	v44 =	vshll.u32 v62, v1;
	v42 =	vbroadcast v42, $0x0;
	v58 =	vadd.s32 v5, v47;
	[tilespmem:v37+s29+$0x0] =	vst.idx.msk $0xffff, v61  }
0x1aa: {  	v38 =	vshll.u32 v38, v1;
	v44 =	vbroadcast v44, $0x0;
	v60 =	vadd.s32 v9, v40;
	v59 =	vld [tilespmem:s20+$0xFFFFFF80];
	[tilespmem:v36+s29+$0x0] =	vst.idx.msk $0xffff, v63  }
0x1ab: {  	v38 =	vbroadcast v38, $0x0;
	v62 =	vadd.s32 v13, v42;
	v61 =	vld [tilespmem:s20+$0xFFFFFFC0];
	[tilespmem:v33+s29+$0x0] =	vst.idx.msk $0xffff, v48  }
0x1ac: {  	v39 =	vshrl.u32 v39, $0x3;
	v63 =	vadd.s32 v17, v44;
	v33 =	vld [tilespmem:s20+$0x0];
	[tilespmem:v50+s29+$0x0] =	vst.idx.msk $0xffff, v49  }
0x1ad: {  	v39 =	vshll.u32 v39, v1;
	v34 =	vld [tilespmem:s20+$0x40];
	[tilespmem:v56+s29+$0x0] =	vst.idx.msk $0xffff, v35;
	v56 =	vadd.s32 v21, v38  }
0x1ae: {  	[tilespmem:v58+s29+$0x0] =	vst.idx.msk $0xffff, v57;
	v35 =	vbroadcast v39, $0x0;
	v49 =	vadd.s32 v30, v41;
	v39 =	vld [tilespmem:s20+$0xD0]  }
0x1af: {  	[tilespmem:v60+s29+$0x0] =	vst.idx.msk $0xffff, v59;
	v59 =	vld [tilespmem:s20+$0xFFFFFF50];
	v60 =	vadd.s32 v6, v47  }
0x1b0: {  	v57 =	vld [tilespmem:s20+$0x80];
	[tilespmem:v62+s29+$0x0] =	vst.idx.msk $0xffff, v61;
	v58 =	vadd.s32 v25, v35  }
0x1b1: {  	v61 =	vld [tilespmem:s20+$0xFFFFFF90];
	v62 =	vadd.s32 v10, v40;
	[tilespmem:v63+s29+$0x0] =	vst.idx.msk $0xffff, v33  }
0x1b2: {  	v33 =	vld [tilespmem:s20+$0xFFFFFFD0];
	v63 =	vadd.s32 v14, v42;
	[tilespmem:v56+s29+$0x0] =	vst.idx.msk $0xffff, v34  }
0x1b3: {  	v56 =	vadd.s32 v18, v44;
	[tilespmem:v49+s29+$0x0] =	vst.idx.msk $0xffff, v39;
	v49 =	vld [tilespmem:s20+$0x10]  }
0x1b4: {  	[tilespmem:v60+s29+$0x0] =	vst.idx.msk $0xffff, v59;
	v39 =	vadd.s32 v31, v41;
	v34 =	vld [tilespmem:s20+$0xE0]  }
0x1b5: {  	[tilespmem:v58+s29+$0x0] =	vst.idx.msk $0xffff, v57;
	v57 =	vld [tilespmem:s20+$0x50];
	v58 =	vadd.s32 v22, v38  }
0x1b6: {  	[tilespmem:v62+s29+$0x0] =	vst.idx.msk $0xffff, v61;
	v61 =	vld [tilespmem:s20+$0xFFFFFF10];
	v62 =	vadd.s32 v2, v45  }
0x1b7: {  	v60 =	vadd.s32 v26, v35;
	v59 =	vld [tilespmem:s20+$0x90];
	[tilespmem:v63+s29+$0x0] =	vst.idx.msk $0xffff, v33  }
0x1b8: {  	v55 =	vadd.s32 v11, v40;
	v54 =	vadd.s32 v32, v41;
	v41 =	vld [tilespmem:s20+$0xFFFFFFA0];
	[tilespmem:v56+s29+$0x0] =	vst.idx.msk $0xffff, v49  }
0x1b9: {  	v53 =	vadd.s32 v7, v47;
	v63 =	vld [tilespmem:s20+$0xFFFFFF60];
	[tilespmem:v39+s29+$0x0] =	vst.idx.msk $0xffff, v34  }
0x1ba: {  	v56 =	vld [tilespmem:s20+$0xFFFFFFE0];
	[tilespmem:v58+s29+$0x0] =	vst.idx.msk $0xffff, v57;
	v57 =	vadd.s32 v15, v42  }
0x1bb: {  	[tilespmem:v62+s29+$0x0] =	vst.idx.msk $0xffff, v61;
	v34 =	vld [tilespmem:s20+$0xF0]  }
0x1bc: {  	v58 =	vld [tilespmem:s20+$0x20];
	[tilespmem:v60+s29+$0x0] =	vst.idx.msk $0xffff, v59;
	v59 =	vadd.s32 v19, v44  }
0x1bd: {  	v61 =	vadd.s32 v23, v38;
	[tilespmem:v55+s29+$0x0] =	vst.idx.msk $0xffff, v41;
	v60 =	vld [tilespmem:s20+$0x60]  }
0x1be: {  	[tilespmem:v53+s29+$0x0] =	vst.idx.msk $0xffff, v63;
	v63 =	vadd.s32 v27, v35;
	v62 =	vld [tilespmem:s20+$0xA0]  }
0x1bf: {  	v47 =	vadd.s32 v8, v47;
	v55 =	vld [tilespmem:s20+$0xFFFFFF70];
	[tilespmem:v57+s29+$0x0] =	vst.idx.msk $0xffff, v56  }
0x1c0: {  	v53 =	vld [tilespmem:s20+$0xFFFFFF20];
	[tilespmem:v54+s29+$0x0] =	vst.idx.msk $0xffff, v34;
	v54 =	vadd.s32 v3, v45  }
0x1c1: {  	v40 =	vadd.s32 v12, v40;
	v56 =	vld [tilespmem:s20+$0xFFFFFFB0];
	[tilespmem:v59+s29+$0x0] =	vst.idx.msk $0xffff, v58  }
0x1c2: {  	v42 =	vadd.s32 v16, v42;
	v57 =	vld [tilespmem:s20+$0xFFFFFFF0];
	[tilespmem:v61+s29+$0x0] =	vst.idx.msk $0xffff, v60  }
0x1c3: {  	v59 =	vadd.s32 v20, v44;
	v58 =	vld [tilespmem:s20+$0x30];
	[tilespmem:v63+s29+$0x0] =	vst.idx.msk $0xffff, v62  }
0x1c4: {  	v38 =	vadd.s32 v24, v38;
	v60 =	vld [tilespmem:s20+$0x70];
	[tilespmem:v47+s29+$0x0] =	vst.idx.msk $0xffff, v55  }
0x1c5: {  	v35 =	vadd.s32 v28, v35;
	v61 =	vld [tilespmem:s20+$0xB0];
	[tilespmem:v54+s29+$0x0] =	vst.idx.msk $0xffff, v53  }
0x1c6: {  	v63 =	vadd.s32 v4, v45;
	[tilespmem:v40+s29+$0x0] =	vst.idx.msk $0xffff, v56;
	v62 =	vld [tilespmem:s20+$0xFFFFFF30]  }
0x1c7: {  	[tilespmem:v42+s29+$0x0] =	vst.idx.msk $0xffff, v57  }
0x1c8: {  	[tilespmem:v59+s29+$0x0] =	vst.idx.msk $0xffff, v58  }
0x1c9: {  	[tilespmem:v38+s29+$0x0] =	vst.idx.msk $0xffff, v60  }
0x1ca: {  	[tilespmem:v35+s29+$0x0] =	vst.idx.msk $0xffff, v61  }
0x1cb: {  	s7 =	sadd.s32 s7, s10;
	s1 =	simm.s32 $0x18C00;
	[tilespmem:v63+s29+$0x0] =	vst.idx.msk $0xffff, v62  }
0x1cc: {  	[hbm4b:s7+s4] =	stream.linear.scatter [tilespmem:s1], [sflag:$0x9], $0x80, $0x38;
	[tilespmem:$0x1D000] =	vst v63  }
0x1cd: {  	s16 =	simm.s32 $0x18C88;
	s1 =	sadd.s32 $0x10, s7  }
0x1ce: {  	[hbm4b:s1+s4] =	stream.linear.scatter [tilespmem:s16], [sflag:$0x9], $0x80, $0x38;
	[tilespmem:$0x1D000] =	vst v63  }
0x1cf: {  	s17 =	simm.s32 $0x18D10;
	s20 =	sadd.s32 $0x20, s7  }
0x1d0: {  	[hbm4b:s20+s4] =	stream.linear.scatter [tilespmem:s17], [sflag:$0x9], $0x80, $0x38;
	[tilespmem:$0x1D000] =	vst v63  }
0x1d1: {  	s1 =	simm.s32 $0x18D98;
	s16 =	sadd.s32 $0x30, s7  }
0x1d2: {  	[hbm4b:s16+s4] =	stream.linear.scatter [tilespmem:s1], [sflag:$0x9], $0x80, $0x38;
	[tilespmem:$0x1D000] =	vst v63  }
0x1d3: {  	s17 =	simm.s32 $0x18E20;
	s20 =	sadd.s32 $0x40, s7  }
0x1d4: {  	[hbm4b:s20+s4] =	stream.linear.scatter [tilespmem:s17], [sflag:$0x9], $0x80, $0x38;
	[tilespmem:$0x1D000] =	vst v63  }
0x1d5: {  	s0 =	simm.s32 $0x440;
	s1 =	simm.s32 $0x18EA8;
	s16 =	sadd.s32 $0x50, s7  }
0x1d6: {  	[hbm4b:s16+s4] =	stream.linear.scatter [tilespmem:s1], [sflag:$0x9], $0x80, $0x38;
	[tilespmem:$0x1D000] =	vst v63  }
0x1d7: {  	s17 =	simm.s32 $0x18F30;
	s20 =	sadd.s32 $0x60, s7;
	s16 =	simm.s32 $0x2200  }
0x1d8: {  	[hbm4b:s20+s4] =	stream.linear.scatter [tilespmem:s17], [sflag:$0x9], $0x80, $0x38;
	[tilespmem:$0x1D000] =	vst v63  }
0x1d9: {  	s1 =	simm.s32 $0x18FB8;
	s17 =	sadd.s32 $0x70, s7;
	s7 =	sadd.s32 $0x1000, s7  }
.LBB2_13:
0x1da: {  	[hbm4b:s17+s4] =	stream.linear.scatter [tilespmem:s1], [sflag:$0x9], $0x80, $0x38;
	[tilespmem:$0x1D000] =	vst v63  }
0x1db: {  	s1 =	smov.u32 s0;
	s0 =	smov.u32 s16  }
0x1dc: {  	s20 =	sadd.s32 $0x1100, s16;
	s0 =	sshra.s32 s0, $0x2;
	s17 =	sadd.s32 $0x18C00, s1  }
0x1dd: {  	[hbm4b:s7+s4] =	stream.linear.scatter [tilespmem:s17], [sflag:$0x9], $0x80, $0x38;
	[tilespmem:$0x1D000] =	vst v63  }
0x1de: {  	p2 =	sne.s32 s16, $0x7700;
	s16 =	sadd.s32 $0x18C88, s1;
	s17 =	sadd.s32 $0x10, s7  }
0x1df: {  	[hbm4b:s17+s4] =	stream.linear.scatter [tilespmem:s16], [sflag:$0x9], $0x80, $0x38;
	[tilespmem:$0x1D000] =	vst v63  }
0x1e0: {  	s16 =	sadd.s32 $0x18D10, s1;
	s17 =	sadd.s32 $0x20, s7  }
0x1e1: {  	[hbm4b:s17+s4] =	stream.linear.scatter [tilespmem:s16], [sflag:$0x9], $0x80, $0x38;
	[tilespmem:$0x1D000] =	vst v63  }
0x1e2: {  	s16 =	sadd.s32 $0x18D98, s1;
	s17 =	sadd.s32 $0x30, s7  }
0x1e3: {  	[hbm4b:s17+s4] =	stream.linear.scatter [tilespmem:s16], [sflag:$0x9], $0x80, $0x38;
	[tilespmem:$0x1D000] =	vst v63  }
0x1e4: {  	s16 =	sadd.s32 $0x18E20, s1;
	s17 =	sadd.s32 $0x40, s7  }
0x1e5: {  	[hbm4b:s17+s4] =	stream.linear.scatter [tilespmem:s16], [sflag:$0x9], $0x80, $0x38;
	[tilespmem:$0x1D000] =	vst v63  }
.Ltmp5:
0x1e6: {  	s16 =	sadd.s32 $0x18EA8, s1;
	s17 =	sadd.s32 $0x50, s7;
	(pc) =	sbr.rel @p2 .LBB2_13-.Ltmp5, $4  }
0x1e7: {  	[hbm4b:s17+s4] =	stream.linear.scatter [tilespmem:s16], [sflag:$0x9], $0x80, $0x38;
	[tilespmem:$0x1D000] =	vst v63  }
0x1e8: {  	s16 =	sadd.s32 $0x18F30, s1;
	s17 =	sadd.s32 $0x60, s7;
	s1 =	sadd.s32 $0x18FB8, s1  }
0x1e9: {  	[hbm4b:s17+s4] =	stream.linear.scatter [tilespmem:s16], [sflag:$0x9], $0x80, $0x38;
	[tilespmem:$0x1D000] =	vst v63  }
0x1ea: {  	s17 =	sadd.s32 $0x70, s7;
	s7 =	sadd.s32 $0x1000, s7;
	s16 =	smov.u32 s20  }
0x1eb: {  	[hbm4b:s17+s4] =	stream.linear.scatter [tilespmem:s1], [sflag:$0x9], $0x80, $0x38;
	[tilespmem:$0x1D000] =	vst v63  }
0x1ec: {  	s17 =	sadd.s32 $0x18C00, s0  }
0x1ed: {  	[hbm4b:s7+s4] =	stream.linear.scatter [tilespmem:s17], [sflag:$0x9], $0x80, $0x38;
	[tilespmem:$0x1D000] =	vst v63  }
0x1ee: {  	s20 =	sadd.s32 $0x18C88, s0;
	s16 =	sadd.s32 $0x10, s7  }
0x1ef: {  	[hbm4b:s16+s4] =	stream.linear.scatter [tilespmem:s20], [sflag:$0x9], $0x80, $0x38;
	[tilespmem:$0x1D000] =	vst v63  }
0x1f0: {  	s17 =	sadd.s32 $0x18D10, s0;
	s20 =	sadd.s32 $0x20, s7  }
0x1f1: {  	[hbm4b:s20+s4] =	stream.linear.scatter [tilespmem:s17], [sflag:$0x9], $0x80, $0x38;
	[tilespmem:$0x1D000] =	vst v63  }
0x1f2: {  	s17 =	sadd.s32 $0x18D98, s0;
	s20 =	sadd.s32 $0x30, s7  }
0x1f3: {  	[hbm4b:s20+s4] =	stream.linear.scatter [tilespmem:s17], [sflag:$0x9], $0x80, $0x38;
	[tilespmem:$0x1D000] =	vst v63  }
0x1f4: {  	s17 =	sadd.s32 $0x18E20, s0;
	s20 =	sadd.s32 $0x40, s7  }
0x1f5: {  	[hbm4b:s20+s4] =	stream.linear.scatter [tilespmem:s17], [sflag:$0x9], $0x80, $0x38;
	[tilespmem:$0x1D000] =	vst v63  }
0x1f6: {  	s17 =	sadd.s32 $0x18EA8, s0;
	s20 =	sadd.s32 $0x50, s7  }
0x1f7: {  	[hbm4b:s20+s4] =	stream.linear.scatter [tilespmem:s17], [sflag:$0x9], $0x80, $0x38;
	[tilespmem:$0x1D000] =	vst v63  }
0x1f8: {  	s17 =	sadd.s32 $0x18F30, s0;
	s20 =	sadd.s32 $0x60, s7  }
0x1f9: {  	[hbm4b:s20+s4] =	stream.linear.scatter [tilespmem:s17], [sflag:$0x9], $0x80, $0x38;
	[tilespmem:$0x1D000] =	vst v63  }
0x1fa: {  	s16 =	simm.s32 $0x1;
	s17 =	sadd.s32 $0x18FB8, s0;
	s20 =	sadd.s32 $0x70, s7  }
0x1fb: {  	[hbm4b:s20+s4] =	stream.linear.scatter [tilespmem:s17], [sflag:$0x9], $0x80, $0x38;
	[tilespmem:$0x1D000] =	vst v63  }
0x1fc: {  	v34 =	vmov s16;
	s16 =	simm.s32 $0x4;
	_ =	swait.ge [sflag:s30], $0x2000  }
0x1fd: {  	v37 =	vmov s16;
	s16 =	simm.s32 $0x6;
	v34 =	vshrl.u32 v34, $0x3;
	s17 =	simm.s32 $0x2;
	[sflag:s30] =	ssyncset.done $0x0  }
0x1fe: {  	v40 =	vmov s16;
	v34 =	vshll.u32 v34, v1;
	s0 =	simm.s32 @!p0 $0xA;
	v35 =	vmov s17;
	s17 =	simm.s32 $0x7;
	[sflag:s30] =	ssyncadd.s32 $0xFFFFE000  }
0x1ff: {  	s1 =	sadd.s32 @!p1 $0x300, s13;
	v37 =	vshrl.u32 v37, $0x3;
	v45 =	vbroadcast v34, $0x0;
	s7 =	simm.s32 $0x0;
	v38 =	vmov s17;
	_ =	swait.ge @!p0 [sflag:s0], $0x2000  }
0x200: {  	s13 =	simm.s32 @!p1 $0x10800;
	v54 =	vshll.u32 v37, v1;
	v33 =	vmov s7;
	s20 =	simm.s32 $0x3;
	v38 =	vshrl.u32 v38, $0x3;
	[sflag:s0] =	ssyncset.done @!p0 $0x0  }
0x201: {  	s7 =	simm.s32 @!p1 $0x80;
	v33 =	vshrl.u32 v33, $0x3;
	v36 =	vmov s20;
	s20 =	simm.s32 $0x5;
	v38 =	vshll.u32 v38, v1;
	[sflag:s0] =	ssyncadd.s32 @!p0 $0xFFFFE000  }
0x202: {  	v40 =	vshrl.u32 v40, $0x3;
	v33 =	vshll.u32 v33, v1;
	v38 =	vbroadcast v38, $0x0;
	[tilespmem:s13], [sflag:$0x5] =	stream.indirect.gather @!p1 [hbm4b:s5+s7], $0x40, s1, s7, $0xb8;
	[tilespmem:$0x1D000] =	vst v63  }
0x203: {  	v39 =	vmov s20;
	v35 =	vshrl.u32 v35, $0x3;
	v33 =	vbroadcast v33, $0x0;
	s7 =	simm.s32 $0x12900  }
0x204: {  	v36 =	vshrl.u32 v36, $0x3;
	v52 =	vshll.u32 v35, v1;
	v42 =	vadd.s32 v29, v38;
	v41 =	vld [tilespmem:s7+$0xC0]  }
0x205: {  	v53 =	vshll.u32 v36, v1;
	v44 =	vadd.s32 v0, v33;
	v52 =	vbroadcast v52, $0x0;
	v43 =	vld [tilespmem:s7+$0xFFFFFF00]  }
0x206: {  	v47 =	vadd.s32 v5, v45;
	v55 =	vshrl.u32 v39, $0x3;
	v35 =	vbroadcast v53, $0x0;
	v46 =	vld [tilespmem:s7+$0xFFFFFF40]  }
0x207: {  	v34 =	vbroadcast v54, $0x0;
	v36 =	vshll.u32 v55, v1;
	v49 =	vadd.s32 v9, v52;
	v48 =	vld [tilespmem:s7+$0xFFFFFF80]  }
0x208: {  	v56 =	vshll.u32 v40, v1;
	v37 =	vbroadcast v36, $0x0;
	v50 =	vadd.s32 v13, v35;
	v39 =	vld [tilespmem:s7+$0xFFFFFFC0]  }
0x209: {  	v53 =	vadd.s32 v17, v34;
	v36 =	vbroadcast v56, $0x0;
	v51 =	vld [tilespmem:s7+$0x0];
	[tilespmem:v42+s31+$0x0] =	vst.idx.msk $0xffff, v41  }
0x20a: {  	v60 =	vadd.s32 v21, v37;
	v59 =	vld [tilespmem:s7+$0x40];
	[tilespmem:v44+s31+$0x0] =	vst.idx.msk $0xffff, v43  }
0x20b: {  	v62 =	vadd.s32 v25, v36;
	v61 =	vld [tilespmem:s7+$0x80];
	[tilespmem:v47+s31+$0x0] =	vst.idx.msk $0xffff, v46  }
0x20c: {  	v58 =	vadd.s32 v30, v38;
	[tilespmem:v49+s31+$0x0] =	vst.idx.msk $0xffff, v48;
	v57 =	vld [tilespmem:s7+$0xD0]  }
0x20d: {  	v63 =	vadd.s32 v6, v45;
	[tilespmem:v50+s31+$0x0] =	vst.idx.msk $0xffff, v39;
	v47 =	vld [tilespmem:s7+$0xFFFFFF50]  }
0x20e: {  	v55 =	vadd.s32 v10, v52;
	[tilespmem:v53+s31+$0x0] =	vst.idx.msk $0xffff, v51;
	v54 =	vld [tilespmem:s7+$0xFFFFFF90]  }
0x20f: {  	v56 =	vadd.s32 v14, v35;
	[tilespmem:v60+s31+$0x0] =	vst.idx.msk $0xffff, v59;
	v50 =	vld [tilespmem:s7+$0xFFFFFFD0]  }
0x210: {  	[tilespmem:v62+s31+$0x0] =	vst.idx.msk $0xffff, v61;
	v46 =	vadd.s32 v22, v37;
	v44 =	vld [tilespmem:s7+$0x50]  }
0x211: {  	v59 =	vadd.s32 v18, v34;
	[tilespmem:v58+s31+$0x0] =	vst.idx.msk $0xffff, v57;
	v58 =	vld [tilespmem:s7+$0x10]  }
0x212: {  	v57 =	vadd.s32 v31, v38;
	[tilespmem:v63+s31+$0x0] =	vst.idx.msk $0xffff, v47;
	v40 =	vld [tilespmem:s7+$0xE0]  }
0x213: {  	v60 =	vadd.s32 v26, v36;
	[tilespmem:v55+s31+$0x0] =	vst.idx.msk $0xffff, v54;
	v63 =	vld [tilespmem:s7+$0x90]  }
0x214: {  	v62 =	vadd.s32 v2, v33;
	v61 =	vld [tilespmem:s7+$0xFFFFFF10];
	[tilespmem:v56+s31+$0x0] =	vst.idx.msk $0xffff, v50  }
0x215: {  	v51 =	vadd.s32 v7, v45;
	[tilespmem:v46+s31+$0x0] =	vst.idx.msk $0xffff, v44;
	v50 =	vld [tilespmem:s7+$0xFFFFFF60]  }
0x216: {  	v56 =	vadd.s32 v11, v52;
	v55 =	vld [tilespmem:s7+$0xFFFFFFA0];
	[tilespmem:v59+s31+$0x0] =	vst.idx.msk $0xffff, v58  }
0x217: {  	v58 =	vadd.s32 v15, v35;
	[tilespmem:v57+s31+$0x0] =	vst.idx.msk $0xffff, v40;
	v57 =	vld [tilespmem:s7+$0xFFFFFFE0]  }
0x218: {  	[tilespmem:v60+s31+$0x0] =	vst.idx.msk $0xffff, v63;
	v60 =	vadd.s32 v19, v34;
	v59 =	vld [tilespmem:s7+$0x20]  }
0x219: {  	s20 =	simm.s32 $0x9;
	v38 =	vadd.s32 v32, v38;
	[tilespmem:v62+s31+$0x0] =	vst.idx.msk $0xffff, v61;
	v54 =	vld [tilespmem:s7+$0xF0]  }
0x21a: {  	s17 =	simm.s32 $0x8;
	v41 =	vadd.s32 v23, v37;
	v53 =	vmov s20;
	[tilespmem:v51+s31+$0x0] =	vst.idx.msk $0xffff, v50;
	v40 =	vld [tilespmem:s7+$0x60]  }
0x21b: {  	s16 =	simm.s32 $0xC;
	s13 =	simm.s32 $0xB;
	v43 =	vadd.s32 v27, v36;
	v48 =	vadd.s32 v3, v33;
	v63 =	vmov s17;
	v42 =	vld [tilespmem:s7+$0xA0];
	[tilespmem:v56+s31+$0x0] =	vst.idx.msk $0xffff, v55  }
0x21c: {  	s20 =	simm.s32 $0xE;
	v44 =	vmov s13;
	v47 =	vmov s16;
	v46 =	vld [tilespmem:s7+$0xFFFFFF20];
	v39 =	vshrl.u32 v63, $0x3;
	[tilespmem:v58+s31+$0x0] =	vst.idx.msk $0xffff, v57  }
0x21d: {  	s1 =	simm.s32 $0xA;
	s17 =	simm.s32 $0xD;
	v51 =	vadd.s32 v8, v45;
	v49 =	vld [tilespmem:s7+$0xFFFFFF70];
	v45 =	vshll.u32 v39, v1;
	v39 =	vmov s20;
	[tilespmem:v60+s31+$0x0] =	vst.idx.msk $0xffff, v59  }
0x21e: {  	s0 =	simm.s32 $0xF;
	s13 =	simm.s32 $0x10;
	v52 =	vadd.s32 v12, v52;
	v50 =	vld [tilespmem:s7+$0xFFFFFFB0];
	[tilespmem:v38+s31+$0x0] =	vst.idx.msk $0xffff, v54;
	v54 =	vmov s1;
	v38 =	vmov s17  }
.LBB2_15:
0x21f: {  	p0 =	slt.u32 s13, $0x78;
	v53 =	vshrl.u32 v53, $0x3;
	v55 =	vmov s0;
	v56 =	vld [tilespmem:s7+$0xFFFFFFF0];
	v35 =	vadd.s32 v16, v35;
	[tilespmem:v41+s31+$0x0] =	vst.idx.msk $0xffff, v40  }
0x220: {  	v40 =	vshrl.u32 v54, $0x3;
	v34 =	vadd.s32 v20, v34;
	v41 =	vshrl.u32 v55, $0x3;
	v54 =	vld [tilespmem:s7+$0x30];
	[tilespmem:v43+s31+$0x0] =	vst.idx.msk $0xffff, v42  }
0x221: {  	v37 =	vadd.s32 v24, v37;
	v42 =	vshrl.u32 v44, $0x3;
	v41 =	vshll.u32 v41, v1;
	[tilespmem:v48+s31+$0x0] =	vst.idx.msk $0xffff, v46;
	v43 =	vld [tilespmem:s7+$0x70]  }
0x222: {  	v36 =	vadd.s32 v28, v36;
	v44 =	vshrl.u32 v47, $0x3;
	v41 =	vbroadcast v41, $0x0;
	[tilespmem:v51+s31+$0x0] =	vst.idx.msk $0xffff, v49;
	v46 =	vld [tilespmem:s7+$0xB0]  }
0x223: {  	v47 =	vshll.u32 v53, v1;
	v49 =	vadd.s32 v4, v33;
	v33 =	vbroadcast v45, $0x0;
	v48 =	vld [tilespmem:s7+$0xFFFFFF30];
	[tilespmem:v52+s31+$0x0] =	vst.idx.msk $0xffff, v50;
	s7 =	sadd.s32 $0x200, s7  }
0x224: {  	v40 =	vshll.u32 v40, v1;
	v45 =	vbroadcast v47, $0x0;
	v47 =	vld [tilespmem:s7+$0xC0];
	v50 =	vadd.s32 v29, v41;
	[tilespmem:v35+s31+$0x0] =	vst.idx.msk $0xffff, v56  }
0x225: {  	v55 =	vbroadcast v40, $0x0;
	v52 =	vadd.s32 v0, v33;
	v35 =	vshll.u32 v42, v1;
	v51 =	vld [tilespmem:s7+$0xFFFFFF00];
	[tilespmem:v34+s31+$0x0] =	vst.idx.msk $0xffff, v54  }
0x226: {  	v42 =	vadd.s32 v5, v45;
	v35 =	vbroadcast v35, $0x0;
	v34 =	vshll.u32 v44, v1;
	v40 =	vld [tilespmem:s7+$0xFFFFFF40];
	[tilespmem:v37+s31+$0x0] =	vst.idx.msk $0xffff, v43  }
0x227: {  	v44 =	vadd.s32 v9, v55;
	v34 =	vbroadcast v34, $0x0;
	v37 =	vshrl.u32 v38, $0x3;
	v43 =	vld [tilespmem:s7+$0xFFFFFF80];
	[tilespmem:v36+s31+$0x0] =	vst.idx.msk $0xffff, v46  }
0x228: {  	v39 =	vshrl.u32 v39, $0x3;
	v46 =	vadd.s32 v13, v35;
	v36 =	vshll.u32 v37, v1;
	v38 =	vld [tilespmem:s7+$0xFFFFFFC0];
	[tilespmem:v49+s31+$0x0] =	vst.idx.msk $0xffff, v48  }
0x229: {  	v49 =	vadd.s32 v17, v34;
	v37 =	vbroadcast v36, $0x0;
	v36 =	vshll.u32 v39, v1;
	v48 =	vld [tilespmem:s7+$0x0];
	[tilespmem:v50+s31+$0x0] =	vst.idx.msk $0xffff, v47  }
0x22a: {  	v36 =	vbroadcast v36, $0x0;
	v47 =	vadd.s32 v30, v41;
	[tilespmem:v52+s31+$0x0] =	vst.idx.msk $0xffff, v51;
	v39 =	vld [tilespmem:s7+$0xD0]  }
0x22b: {  	[tilespmem:v42+s31+$0x0] =	vst.idx.msk $0xffff, v40;
	v40 =	vld [tilespmem:s7+$0x40];
	v42 =	vadd.s32 v21, v37  }
0x22c: {  	[tilespmem:v44+s31+$0x0] =	vst.idx.msk $0xffff, v43;
	v43 =	vld [tilespmem:s7+$0x80];
	v44 =	vadd.s32 v25, v36  }
0x22d: {  	v51 =	vadd.s32 v6, v45;
	v50 =	vld [tilespmem:s7+$0xFFFFFF50];
	[tilespmem:v46+s31+$0x0] =	vst.idx.msk $0xffff, v38  }
0x22e: {  	v46 =	vadd.s32 v10, v55;
	v38 =	vld [tilespmem:s7+$0xFFFFFF90];
	[tilespmem:v49+s31+$0x0] =	vst.idx.msk $0xffff, v48  }
0x22f: {  	v49 =	vadd.s32 v14, v35;
	v48 =	vld [tilespmem:s7+$0xFFFFFFD0];
	[tilespmem:v47+s31+$0x0] =	vst.idx.msk $0xffff, v39  }
0x230: {  	[tilespmem:v42+s31+$0x0] =	vst.idx.msk $0xffff, v40;
	v39 =	vld [tilespmem:s7+$0xE0];
	v40 =	vadd.s32 v31, v41  }
0x231: {  	v47 =	vadd.s32 v18, v34;
	v42 =	vld [tilespmem:s7+$0x10];
	[tilespmem:v44+s31+$0x0] =	vst.idx.msk $0xffff, v43  }
0x232: {  	v44 =	vadd.s32 v22, v37;
	[tilespmem:v51+s31+$0x0] =	vst.idx.msk $0xffff, v50;
	v43 =	vld [tilespmem:s7+$0x50]  }
0x233: {  	[tilespmem:v46+s31+$0x0] =	vst.idx.msk $0xffff, v38;
	v38 =	vld [tilespmem:s7+$0x90];
	v46 =	vadd.s32 v26, v36  }
0x234: {  	v51 =	vadd.s32 v2, v33;
	v50 =	vld [tilespmem:s7+$0xFFFFFF10];
	[tilespmem:v49+s31+$0x0] =	vst.idx.msk $0xffff, v48  }
0x235: {  	v49 =	vadd.s32 v7, v45;
	v48 =	vld [tilespmem:s7+$0xFFFFFF60];
	[tilespmem:v40+s31+$0x0] =	vst.idx.msk $0xffff, v39  }
0x236: {  	[tilespmem:v47+s31+$0x0] =	vst.idx.msk $0xffff, v42;
	v39 =	vld [tilespmem:s7+$0xF0];
	v47 =	vadd.s32 v32, v41  }
0x237: {  	v56 =	vadd.s32 v11, v55;
	v52 =	vld [tilespmem:s7+$0xFFFFFFA0];
	[tilespmem:v44+s31+$0x0] =	vst.idx.msk $0xffff, v43  }
0x238: {  	v58 =	vadd.s32 v15, v35;
	v57 =	vld [tilespmem:s7+$0xFFFFFFE0];
	[tilespmem:v46+s31+$0x0] =	vst.idx.msk $0xffff, v38  }
0x239: {  	v60 =	vadd.s32 v19, v34;
	[tilespmem:v51+s31+$0x0] =	vst.idx.msk $0xffff, v50;
	v59 =	vld [tilespmem:s7+$0x20]  }
.Ltmp6:
0x23a: {  	s0 =	sadd.s32 $0x1, s13;
	v41 =	vadd.s32 v23, v37;
	v38 =	vmov s13;
	[tilespmem:v49+s31+$0x0] =	vst.idx.msk $0xffff, v48;
	v40 =	vld [tilespmem:s7+$0x60];
	(pc) =	sbr.rel @p0 .LBB2_15-.Ltmp6, $4  }
0x23b: {  	s1 =	sadd.s32 $0x3, s13;
	v53 =	vmov s0;
	s0 =	sadd.s32 $0x2, s13;
	v43 =	vadd.s32 v27, v36;
	v50 =	vshrl.u32 v38, $0x3;
	v42 =	vld [tilespmem:s7+$0xA0];
	[tilespmem:v47+s31+$0x0] =	vst.idx.msk $0xffff, v39  }
0x23c: {  	v54 =	vmov s0;
	s0 =	sadd.s32 $0x4, s13;
	v44 =	vmov s1;
	s1 =	sadd.s32 $0x5, s13;
	v48 =	vadd.s32 v3, v33;
	v46 =	vld [tilespmem:s7+$0xFFFFFF20];
	[tilespmem:v56+s31+$0x0] =	vst.idx.msk $0xffff, v52  }
0x23d: {  	v38 =	vmov s1;
	v51 =	vadd.s32 v8, v45;
	v47 =	vmov s0;
	s0 =	sadd.s32 $0x6, s13;
	v49 =	vld [tilespmem:s7+$0xFFFFFF70];
	[tilespmem:v58+s31+$0x0] =	vst.idx.msk $0xffff, v57  }
0x23e: {  	v45 =	vshll.u32 v50, v1;
	v39 =	vmov s0;
	s0 =	sadd.s32 $0x7, s13;
	s13 =	sadd.s32 $0x8, s13;
	v52 =	vadd.s32 v12, v55;
	v50 =	vld [tilespmem:s7+$0xFFFFFFB0];
	[tilespmem:v60+s31+$0x0] =	vst.idx.msk $0xffff, v59  }
0x23f: {  	_ =	sdelay $0x2  }
0x240: {  	v53 =	vshrl.u32 v53, $0x3  }
0x241: {  	v55 =	vmov s0;
	v56 =	vld [tilespmem:s7+$0xFFFFFFF0];
	v35 =	vadd.s32 v16, v35;
	[tilespmem:v41+s31+$0x0] =	vst.idx.msk $0xffff, v40;
	v57 =	vshrl.u32 v54, $0x3  }
0x242: {  	v59 =	vld [tilespmem:s7+$0x30];
	v34 =	vadd.s32 v20, v34;
	v60 =	vshrl.u32 v44, $0x3;
	v58 =	vshrl.u32 v55, $0x3;
	[tilespmem:v43+s31+$0x0] =	vst.idx.msk $0xffff, v42  }
0x243: {  	v37 =	vadd.s32 v24, v37;
	v62 =	vshrl.u32 v47, $0x3;
	v61 =	vld [tilespmem:s7+$0x70];
	v41 =	vshll.u32 v58, v1;
	[tilespmem:v48+s31+$0x0] =	vst.idx.msk $0xffff, v46  }
0x244: {  	v36 =	vadd.s32 v28, v36;
	v45 =	vbroadcast v45, $0x0;
	v63 =	vld [tilespmem:s7+$0xB0];
	v41 =	vbroadcast v41, $0x0;
	[tilespmem:v51+s31+$0x0] =	vst.idx.msk $0xffff, v49  }
0x245: {  	v33 =	vadd.s32 v4, v33;
	s17 =	sadd.s32 $0x200, s7;
	v38 =	vshrl.u32 v38, $0x3;
	v55 =	vshll.u32 v53, v1;
	v48 =	vld [tilespmem:s7+$0xFFFFFF30];
	[tilespmem:v52+s31+$0x0] =	vst.idx.msk $0xffff, v50  }
0x246: {  	v40 =	vshll.u32 v57, v1;
	v47 =	vbroadcast v55, $0x0;
	v49 =	vld [tilespmem:s17+$0xC0];
	v50 =	vadd.s32 v29, v41;
	[tilespmem:v35+s31+$0x0] =	vst.idx.msk $0xffff, v56  }
0x247: {  	v42 =	vshll.u32 v60, v1;
	v40 =	vbroadcast v40, $0x0;
	v35 =	vld [tilespmem:s17+$0xFFFFFF00];
	v56 =	vadd.s32 v0, v45;
	[tilespmem:v34+s31+$0x0] =	vst.idx.msk $0xffff, v59  }
0x248: {  	v57 =	vld [tilespmem:s17+$0xFFFFFF40];
	v44 =	vshll.u32 v62, v1;
	v42 =	vbroadcast v42, $0x0;
	v58 =	vadd.s32 v5, v47;
	[tilespmem:v37+s31+$0x0] =	vst.idx.msk $0xffff, v61  }
0x249: {  	v38 =	vshll.u32 v38, v1;
	v44 =	vbroadcast v44, $0x0;
	v60 =	vadd.s32 v9, v40;
	v59 =	vld [tilespmem:s17+$0xFFFFFF80];
	[tilespmem:v36+s31+$0x0] =	vst.idx.msk $0xffff, v63  }
0x24a: {  	v38 =	vbroadcast v38, $0x0;
	v62 =	vadd.s32 v13, v42;
	v61 =	vld [tilespmem:s17+$0xFFFFFFC0];
	[tilespmem:v33+s31+$0x0] =	vst.idx.msk $0xffff, v48  }
0x24b: {  	v39 =	vshrl.u32 v39, $0x3;
	v63 =	vadd.s32 v17, v44;
	v33 =	vld [tilespmem:s17+$0x0];
	[tilespmem:v50+s31+$0x0] =	vst.idx.msk $0xffff, v49  }
0x24c: {  	v39 =	vshll.u32 v39, v1;
	v34 =	vld [tilespmem:s17+$0x40];
	[tilespmem:v56+s31+$0x0] =	vst.idx.msk $0xffff, v35;
	v56 =	vadd.s32 v21, v38  }
0x24d: {  	[tilespmem:v58+s31+$0x0] =	vst.idx.msk $0xffff, v57;
	v35 =	vbroadcast v39, $0x0;
	v49 =	vadd.s32 v30, v41;
	v39 =	vld [tilespmem:s17+$0xD0]  }
0x24e: {  	[tilespmem:v60+s31+$0x0] =	vst.idx.msk $0xffff, v59;
	v59 =	vld [tilespmem:s17+$0xFFFFFF50];
	v60 =	vadd.s32 v6, v47  }
0x24f: {  	v57 =	vld [tilespmem:s17+$0x80];
	[tilespmem:v62+s31+$0x0] =	vst.idx.msk $0xffff, v61;
	v58 =	vadd.s32 v25, v35  }
0x250: {  	v61 =	vld [tilespmem:s17+$0xFFFFFF90];
	v62 =	vadd.s32 v10, v40;
	[tilespmem:v63+s31+$0x0] =	vst.idx.msk $0xffff, v33  }
0x251: {  	v33 =	vld [tilespmem:s17+$0xFFFFFFD0];
	v63 =	vadd.s32 v14, v42;
	[tilespmem:v56+s31+$0x0] =	vst.idx.msk $0xffff, v34  }
0x252: {  	v56 =	vadd.s32 v18, v44;
	[tilespmem:v49+s31+$0x0] =	vst.idx.msk $0xffff, v39;
	v49 =	vld [tilespmem:s17+$0x10]  }
0x253: {  	[tilespmem:v60+s31+$0x0] =	vst.idx.msk $0xffff, v59;
	v39 =	vadd.s32 v31, v41;
	v34 =	vld [tilespmem:s17+$0xE0]  }
0x254: {  	[tilespmem:v58+s31+$0x0] =	vst.idx.msk $0xffff, v57;
	v57 =	vld [tilespmem:s17+$0x50];
	v58 =	vadd.s32 v22, v38  }
0x255: {  	[tilespmem:v62+s31+$0x0] =	vst.idx.msk $0xffff, v61;
	v61 =	vld [tilespmem:s17+$0xFFFFFF10];
	v62 =	vadd.s32 v2, v45  }
0x256: {  	v60 =	vadd.s32 v26, v35;
	v59 =	vld [tilespmem:s17+$0x90];
	[tilespmem:v63+s31+$0x0] =	vst.idx.msk $0xffff, v33  }
0x257: {  	v55 =	vadd.s32 v11, v40;
	v54 =	vadd.s32 v32, v41;
	v41 =	vld [tilespmem:s17+$0xFFFFFFA0];
	[tilespmem:v56+s31+$0x0] =	vst.idx.msk $0xffff, v49  }
0x258: {  	v53 =	vadd.s32 v7, v47;
	v63 =	vld [tilespmem:s17+$0xFFFFFF60];
	[tilespmem:v39+s31+$0x0] =	vst.idx.msk $0xffff, v34  }
0x259: {  	v56 =	vld [tilespmem:s17+$0xFFFFFFE0];
	[tilespmem:v58+s31+$0x0] =	vst.idx.msk $0xffff, v57;
	v57 =	vadd.s32 v15, v42  }
0x25a: {  	[tilespmem:v62+s31+$0x0] =	vst.idx.msk $0xffff, v61;
	v34 =	vld [tilespmem:s17+$0xF0]  }
0x25b: {  	v58 =	vld [tilespmem:s17+$0x20];
	[tilespmem:v60+s31+$0x0] =	vst.idx.msk $0xffff, v59;
	v59 =	vadd.s32 v19, v44  }
0x25c: {  	v61 =	vadd.s32 v23, v38;
	[tilespmem:v55+s31+$0x0] =	vst.idx.msk $0xffff, v41;
	v60 =	vld [tilespmem:s17+$0x60]  }
0x25d: {  	[tilespmem:v53+s31+$0x0] =	vst.idx.msk $0xffff, v63;
	v63 =	vadd.s32 v27, v35;
	v62 =	vld [tilespmem:s17+$0xA0]  }
0x25e: {  	v47 =	vadd.s32 v8, v47;
	v55 =	vld [tilespmem:s17+$0xFFFFFF70];
	[tilespmem:v57+s31+$0x0] =	vst.idx.msk $0xffff, v56  }
0x25f: {  	v53 =	vld [tilespmem:s17+$0xFFFFFF20];
	[tilespmem:v54+s31+$0x0] =	vst.idx.msk $0xffff, v34;
	v54 =	vadd.s32 v3, v45  }
0x260: {  	v40 =	vadd.s32 v12, v40;
	v56 =	vld [tilespmem:s17+$0xFFFFFFB0];
	[tilespmem:v59+s31+$0x0] =	vst.idx.msk $0xffff, v58  }
0x261: {  	v42 =	vadd.s32 v16, v42;
	v57 =	vld [tilespmem:s17+$0xFFFFFFF0];
	[tilespmem:v61+s31+$0x0] =	vst.idx.msk $0xffff, v60  }
0x262: {  	v59 =	vadd.s32 v20, v44;
	v58 =	vld [tilespmem:s17+$0x30];
	[tilespmem:v63+s31+$0x0] =	vst.idx.msk $0xffff, v62  }
0x263: {  	v38 =	vadd.s32 v24, v38;
	v60 =	vld [tilespmem:s17+$0x70];
	[tilespmem:v47+s31+$0x0] =	vst.idx.msk $0xffff, v55  }
0x264: {  	v35 =	vadd.s32 v28, v35;
	v61 =	vld [tilespmem:s17+$0xB0];
	[tilespmem:v54+s31+$0x0] =	vst.idx.msk $0xffff, v53  }
0x265: {  	v63 =	vadd.s32 v4, v45;
	[tilespmem:v40+s31+$0x0] =	vst.idx.msk $0xffff, v56;
	v62 =	vld [tilespmem:s17+$0xFFFFFF30]  }
0x266: {  	[tilespmem:v42+s31+$0x0] =	vst.idx.msk $0xffff, v57  }
0x267: {  	s20 =	sshll.u32 s6, $0x12;
	[tilespmem:v59+s31+$0x0] =	vst.idx.msk $0xffff, v58  }
0x268: {  	s0 =	sor.u32 s8, s20;
	[tilespmem:v38+s31+$0x0] =	vst.idx.msk $0xffff, v60  }
0x269: {  	s0 =	sshrl.u32 s0, $0x3;
	[tilespmem:v35+s31+$0x0] =	vst.idx.msk $0xffff, v61  }
0x26a: {  	s1 =	simm.s32 $0x1AE00;
	s6 =	sadd.s32 s2, s0;
	[tilespmem:v63+s31+$0x0] =	vst.idx.msk $0xffff, v62  }
0x26b: {  	[hbm4b:s6+s4] =	stream.linear.scatter [tilespmem:s1], [sflag:$0xA], $0x80, $0x38;
	[tilespmem:$0x1D000] =	vst v63  }
0x26c: {  	s7 =	simm.s32 $0x1AE88;
	s1 =	sadd.s32 $0x10, s6  }
0x26d: {  	[hbm4b:s1+s4] =	stream.linear.scatter [tilespmem:s7], [sflag:$0xA], $0x80, $0x38;
	[tilespmem:$0x1D000] =	vst v63  }
0x26e: {  	s13 =	simm.s32 $0x1AF10;
	s0 =	simm.s32 $0x440;
	s16 =	sadd.s32 $0x20, s6  }
0x26f: {  	[hbm4b:s16+s4] =	stream.linear.scatter [tilespmem:s13], [sflag:$0xA], $0x80, $0x38;
	[tilespmem:$0x1D000] =	vst v63  }
0x270: {  	s20 =	sadd.s32 $0x30, s6;
	s17 =	simm.s32 $0x1AF98;
	s1 =	simm.s32 $0x1B020  }
0x271: {  	[hbm4b:s20+s4] =	stream.linear.scatter [tilespmem:s17], [sflag:$0xA], $0x80, $0x38;
	[tilespmem:$0x1D000] =	vst v63  }
0x272: {  	s7 =	sadd.s32 $0x40, s6;
	s13 =	simm.s32 $0x1B0A8;
	s16 =	sadd.s32 $0x50, s6  }
0x273: {  	[hbm4b:s7+s4] =	stream.linear.scatter [tilespmem:s1], [sflag:$0xA], $0x80, $0x38;
	[tilespmem:$0x1D000] =	vst v63  }
0x274: {  	s17 =	simm.s32 $0x1B130;
	s20 =	sadd.s32 $0x60, s6;
	s7 =	simm.s32 $0x2200  }
0x275: {  	[hbm4b:s16+s4] =	stream.linear.scatter [tilespmem:s13], [sflag:$0xA], $0x80, $0x38;
	[tilespmem:$0x1D000] =	vst v63  }
0x276: {  	s1 =	simm.s32 $0x1B1B8;
	s13 =	sadd.s32 $0x70, s6;
	s6 =	sadd.s32 $0x1000, s6  }
0x277: {  	[hbm4b:s20+s4] =	stream.linear.scatter [tilespmem:s17], [sflag:$0xA], $0x80, $0x38;
	[tilespmem:$0x1D000] =	vst v63  }
.LBB2_17:
0x278: {  	[hbm4b:s13+s4] =	stream.linear.scatter [tilespmem:s1], [sflag:$0xA], $0x80, $0x38;
	[tilespmem:$0x1D000] =	vst v63  }
0x279: {  	s1 =	smov.u32 s0;
	s0 =	smov.u32 s7  }
0x27a: {  	s16 =	sadd.s32 $0x1100, s7;
	s0 =	sshra.s32 s0, $0x2;
	s13 =	sadd.s32 $0x1AE00, s1  }
0x27b: {  	[hbm4b:s6+s4] =	stream.linear.scatter [tilespmem:s13], [sflag:$0xA], $0x80, $0x38;
	[tilespmem:$0x1D000] =	vst v63  }
0x27c: {  	p0 =	sne.s32 s7, $0x7700;
	s7 =	sadd.s32 $0x1AE88, s1;
	s13 =	sadd.s32 $0x10, s6  }
0x27d: {  	[hbm4b:s13+s4] =	stream.linear.scatter [tilespmem:s7], [sflag:$0xA], $0x80, $0x38;
	[tilespmem:$0x1D000] =	vst v63  }
0x27e: {  	s7 =	sadd.s32 $0x1AF10, s1;
	s13 =	sadd.s32 $0x20, s6  }
0x27f: {  	[hbm4b:s13+s4] =	stream.linear.scatter [tilespmem:s7], [sflag:$0xA], $0x80, $0x38;
	[tilespmem:$0x1D000] =	vst v63  }
0x280: {  	s7 =	sadd.s32 $0x1AF98, s1;
	s13 =	sadd.s32 $0x30, s6  }
0x281: {  	[hbm4b:s13+s4] =	stream.linear.scatter [tilespmem:s7], [sflag:$0xA], $0x80, $0x38;
	[tilespmem:$0x1D000] =	vst v63  }
0x282: {  	s7 =	sadd.s32 $0x1B020, s1;
	s13 =	sadd.s32 $0x40, s6  }
0x283: {  	[hbm4b:s13+s4] =	stream.linear.scatter [tilespmem:s7], [sflag:$0xA], $0x80, $0x38;
	[tilespmem:$0x1D000] =	vst v63  }
.Ltmp7:
0x284: {  	s7 =	sadd.s32 $0x1B0A8, s1;
	s13 =	sadd.s32 $0x50, s6;
	(pc) =	sbr.rel @p0 .LBB2_17-.Ltmp7, $4  }
0x285: {  	[hbm4b:s13+s4] =	stream.linear.scatter [tilespmem:s7], [sflag:$0xA], $0x80, $0x38;
	[tilespmem:$0x1D000] =	vst v63  }
0x286: {  	s7 =	sadd.s32 $0x1B130, s1;
	s13 =	sadd.s32 $0x60, s6;
	s1 =	sadd.s32 $0x1B1B8, s1  }
0x287: {  	[hbm4b:s13+s4] =	stream.linear.scatter [tilespmem:s7], [sflag:$0xA], $0x80, $0x38;
	[tilespmem:$0x1D000] =	vst v63  }
0x288: {  	s13 =	sadd.s32 $0x70, s6;
	s6 =	sadd.s32 $0x1000, s6;
	s7 =	smov.u32 s16  }
0x289: {  	[hbm4b:s13+s4] =	stream.linear.scatter [tilespmem:s1], [sflag:$0xA], $0x80, $0x38;
	[tilespmem:$0x1D000] =	vst v63  }
0x28a: {  	s17 =	sadd.s32 $0x1AE00, s0  }
0x28b: {  	[hbm4b:s6+s4] =	stream.linear.scatter [tilespmem:s17], [sflag:$0xA], $0x80, $0x38;
	[tilespmem:$0x1D000] =	vst v63  }
0x28c: {  	s20 =	sadd.s32 $0x1AE88, s0;
	s7 =	sadd.s32 $0x10, s6  }
0x28d: {  	[hbm4b:s7+s4] =	stream.linear.scatter [tilespmem:s20], [sflag:$0xA], $0x80, $0x38;
	[tilespmem:$0x1D000] =	vst v63  }
0x28e: {  	s13 =	sadd.s32 $0x1AF10, s0;
	s16 =	sadd.s32 $0x20, s6  }
0x28f: {  	[hbm4b:s16+s4] =	stream.linear.scatter [tilespmem:s13], [sflag:$0xA], $0x80, $0x38;
	[tilespmem:$0x1D000] =	vst v63  }
0x290: {  	s17 =	sadd.s32 $0x1AF98, s0;
	s20 =	sadd.s32 $0x30, s6  }
0x291: {  	[hbm4b:s20+s4] =	stream.linear.scatter [tilespmem:s17], [sflag:$0xA], $0x80, $0x38;
	[tilespmem:$0x1D000] =	vst v63  }
0x292: {  	s21 =	sadd.s32 $0x1, s21;
	s13 =	sadd.s32 $0x1B020, s0;
	s16 =	sadd.s32 $0x40, s6  }
0x293: {  	[hbm4b:s16+s4] =	stream.linear.scatter [tilespmem:s13], [sflag:$0xA], $0x80, $0x38;
	[tilespmem:$0x1D000] =	vst v63  }
0x294: {  	p0 =	sne.s32 s21, $0x32;
	s17 =	sadd.s32 $0x1B0A8, s0;
	s20 =	sadd.s32 $0x50, s6  }
0x295: {  	[hbm4b:s20+s4] =	stream.linear.scatter [tilespmem:s17], [sflag:$0xA], $0x80, $0x38;
	[tilespmem:$0x1D000] =	vst v63  }
.Ltmp8:
0x296: {  	_ = 	snop;
	(pc) =	sbr.rel @p0 .LBB2_2-.Ltmp8, $4  }
0x297: {  	s13 =	sadd.s32 $0x1B130, s0;
	s16 =	sadd.s32 $0x60, s6  }
0x298: {  	[hbm4b:s16+s4] =	stream.linear.scatter [tilespmem:s13], [sflag:$0xA], $0x80, $0x38;
	[tilespmem:$0x1D000] =	vst v63  }
0x299: {  	s17 =	sadd.s32 $0x1B1B8, s0;
	s20 =	sadd.s32 $0x70, s6  }
0x29a: {  	[hbm4b:s20+s4] =	stream.linear.scatter [tilespmem:s17], [sflag:$0xA], $0x80, $0x38;
	[tilespmem:$0x1D000] =	vst v63  }
0x29b: {  	s0 =	simm.s32 $0x7  }
0x29c: {  	_ =	swait.ge [sflag:s0], $0x2000  }
0x29d: {  	[sflag:s0] =	ssyncset.done $0x0  }
0x29e: {  	s6 =	simm.s32 $0x8;
	[sflag:s0] =	ssyncadd.s32 $0xFFFFE000  }
0x29f: {  	_ =	swait.ge [sflag:s6], $0x2000  }
0x2a0: {  	[sflag:s6] =	ssyncset.done $0x0  }
0x2a1: {  	s7 =	simm.s32 $0x9;
	[sflag:s6] =	ssyncadd.s32 $0xFFFFE000  }
0x2a2: {  	_ =	swait.ge [sflag:s7], $0x2000  }
0x2a3: {  	[sflag:s7] =	ssyncset.done $0x0  }
0x2a4: {  	s13 =	simm.s32 $0xA;
	[sflag:s7] =	ssyncadd.s32 $0xFFFFE000  }
0x2a5: {  	_ =	swait.ge [sflag:s13], $0x2000  }
0x2a6: {  	[sflag:s13] =	ssyncset.done $0x0  }
0x2a7: {  	s16 =	simm.s32 $0x2;
	[sflag:s13] =	ssyncadd.s32 $0xFFFFE000  }
0x2a8: {  	_ =	swait.ge [sflag:s16], $0x6400  }
0x2a9: {  	[sflag:s16] =	ssyncset.done $0x0  }
0x2aa: {  	[sflag:s16] =	ssyncadd.s32 $0xFFFF9C00  }
0x2ab: {  	[tilespmem:s18], [sflag:$0x3] =	stream.indirect.gather [hbm4b:s5+s14], $0x40, s15, s14, $0xb8;
	[tilespmem:$0x1D000] =	vst v63  }
0x2ac: {  	s17 =	simm.s32 $0xE800;
	s1 =	simm.s32 $0x6480  }
0x2ad: {  	[tilespmem:s17], [sflag:$0x4] =	stream.indirect.gather [hbm4b:s5+s14], $0x40, s1, s14, $0xb8;
	[tilespmem:$0x1D000] =	vst v63  }
0x2ae: {  	s20 =	simm.s32 $0x10800;
	s21 =	simm.s32 $0x6500  }
0x2af: {  	[tilespmem:s20], [sflag:$0x5] =	stream.indirect.gather [hbm4b:s5+s14], $0x40, s21, s14, $0xb8;
	[tilespmem:$0x1D000] =	vst v63  }
0x2b0: {  	s6 =	simm.s32 $0x0;
	s21 =	simm.s32 $0x0  }
.LBB2_20:
0x2b1: {  	_ =	swait.ge [sflag:s22], $0x2000  }
0x2b2: {  	s0 =	sshll.u32 s6, $0x2;
	s1 =	simm.s32 $0x1;
	s15 =	simm.s32 $0x2  }
0x2b3: {  	p0 =	seq.s32 s6, $0x0;
	s16 =	simm.s32 $0x3;
	v34 =	vmov s21;
	s17 =	simm.s32 $0x7;
	v33 =	vmov s1;
	v35 =	vmov s15  }
0x2b4: {  	[sflag:s22] =	ssyncset.done $0x0;
	v36 =	vmov s16;
	s16 =	simm.s32 $0x4;
	v34 =	vshrl.u32 v34, $0x3;
	v38 =	vmov s17;
	s15 =	simm.s32 $0x5  }
0x2b5: {  	s13 =	simm.s32 @!p0 $0x7;
	s7 =	sor.u32 $0x3, s0;
	[sflag:s22] =	ssyncadd.s32 $0xFFFFE000;
	v37 =	vmov s16;
	v39 =	vmov s15;
	v34 =	vshll.u32 v34, v1  }
0x2b6: {  	s20 =	sshll.u32 s7, $0x7;
	s16 =	simm.s32 $0x6;
	v38 =	vshrl.u32 v38, $0x3;
	v41 =	vshrl.u32 v33, $0x3;
	v35 =	vshrl.u32 v35, $0x3;
	_ =	swait.ge @!p0 [sflag:s13], $0x2000  }
0x2b7: {  	v36 =	vshrl.u32 v36, $0x3;
	s0 =	sand.u32 $0x3FFFFF80, s20;
	v40 =	vmov s16;
	v60 =	vshll.u32 v38, v1;
	[sflag:s13] =	ssyncset.done @!p0 $0x0  }
0x2b8: {  	v37 =	vshrl.u32 v37, $0x3;
	v33 =	vbroadcast v34, $0x0;
	s0 =	sadd.s32 $0x6400, s0;
	v38 =	vbroadcast v60, $0x0;
	[sflag:s13] =	ssyncadd.s32 @!p0 $0xFFFFE000;
	s13 =	simm.s32 $0xC900  }
0x2b9: {  	v61 =	vshll.u32 v41, v1;
	v62 =	vshll.u32 v35, v1;
	v53 =	vshll.u32 v36, v1;
	[tilespmem:s23], [sflag:$0x6] =	stream.indirect.gather [hbm4b:s5+s14], $0x40, s0, s14, $0xb8;
	[tilespmem:$0x1D000] =	vst v63  }
0x2ba: {  	v55 =	vshrl.u32 v39, $0x3;
	v45 =	vbroadcast v61, $0x0;
	v42 =	vadd.s32 v29, v38;
	v63 =	vld [tilespmem:s13+$0xC0]  }
0x2bb: {  	v52 =	vbroadcast v62, $0x0;
	v35 =	vbroadcast v53, $0x0;
	v44 =	vadd.s32 v0, v33;
	v43 =	vld [tilespmem:s13+$0xFFFFFF00]  }
0x2bc: {  	v54 =	vshll.u32 v37, v1;
	v36 =	vshll.u32 v55, v1;
	v47 =	vadd.s32 v5, v45;
	v46 =	vld [tilespmem:s13+$0xFFFFFF40]  }
0x2bd: {  	v40 =	vshrl.u32 v40, $0x3;
	v34 =	vbroadcast v54, $0x0;
	v49 =	vadd.s32 v9, v52;
	v48 =	vld [tilespmem:s13+$0xFFFFFF80]  }
0x2be: {  	v37 =	vbroadcast v36, $0x0;
	v56 =	vshll.u32 v40, v1;
	v50 =	vadd.s32 v13, v35;
	v39 =	vld [tilespmem:s13+$0xFFFFFFC0]  }
0x2bf: {  	v36 =	vbroadcast v56, $0x0;
	v51 =	vld [tilespmem:s13+$0x0];
	v53 =	vadd.s32 v17, v34;
	[tilespmem:v42+s24+$0x0] =	vst.idx.msk $0xffff, v63  }
0x2c0: {  	v59 =	vld [tilespmem:s13+$0x40];
	v60 =	vadd.s32 v21, v37;
	[tilespmem:v44+s24+$0x0] =	vst.idx.msk $0xffff, v43  }
0x2c1: {  	v61 =	vld [tilespmem:s13+$0x80];
	v62 =	vadd.s32 v25, v36;
	[tilespmem:v47+s24+$0x0] =	vst.idx.msk $0xffff, v46  }
0x2c2: {  	v58 =	vadd.s32 v30, v38;
	[tilespmem:v49+s24+$0x0] =	vst.idx.msk $0xffff, v48;
	v57 =	vld [tilespmem:s13+$0xD0]  }
0x2c3: {  	v63 =	vadd.s32 v6, v45;
	[tilespmem:v50+s24+$0x0] =	vst.idx.msk $0xffff, v39;
	v47 =	vld [tilespmem:s13+$0xFFFFFF50]  }
0x2c4: {  	v55 =	vadd.s32 v10, v52;
	[tilespmem:v53+s24+$0x0] =	vst.idx.msk $0xffff, v51;
	v54 =	vld [tilespmem:s13+$0xFFFFFF90]  }
0x2c5: {  	v56 =	vadd.s32 v14, v35;
	[tilespmem:v60+s24+$0x0] =	vst.idx.msk $0xffff, v59;
	v50 =	vld [tilespmem:s13+$0xFFFFFFD0]  }
0x2c6: {  	v46 =	vadd.s32 v22, v37;
	[tilespmem:v62+s24+$0x0] =	vst.idx.msk $0xffff, v61;
	v44 =	vld [tilespmem:s13+$0x50]  }
0x2c7: {  	v59 =	vadd.s32 v18, v34;
	[tilespmem:v58+s24+$0x0] =	vst.idx.msk $0xffff, v57;
	v58 =	vld [tilespmem:s13+$0x10]  }
0x2c8: {  	v57 =	vadd.s32 v31, v38;
	[tilespmem:v63+s24+$0x0] =	vst.idx.msk $0xffff, v47;
	v40 =	vld [tilespmem:s13+$0xE0]  }
0x2c9: {  	v60 =	vadd.s32 v26, v36;
	[tilespmem:v55+s24+$0x0] =	vst.idx.msk $0xffff, v54;
	v63 =	vld [tilespmem:s13+$0x90]  }
0x2ca: {  	v61 =	vld [tilespmem:s13+$0xFFFFFF10];
	v62 =	vadd.s32 v2, v33;
	[tilespmem:v56+s24+$0x0] =	vst.idx.msk $0xffff, v50  }
0x2cb: {  	v51 =	vadd.s32 v7, v45;
	[tilespmem:v46+s24+$0x0] =	vst.idx.msk $0xffff, v44;
	v50 =	vld [tilespmem:s13+$0xFFFFFF60]  }
0x2cc: {  	v56 =	vadd.s32 v11, v52;
	v55 =	vld [tilespmem:s13+$0xFFFFFFA0];
	[tilespmem:v59+s24+$0x0] =	vst.idx.msk $0xffff, v58  }
0x2cd: {  	v58 =	vadd.s32 v15, v35;
	[tilespmem:v57+s24+$0x0] =	vst.idx.msk $0xffff, v40;
	v57 =	vld [tilespmem:s13+$0xFFFFFFE0]  }
0x2ce: {  	[tilespmem:v60+s24+$0x0] =	vst.idx.msk $0xffff, v63;
	v60 =	vadd.s32 v19, v34;
	v59 =	vld [tilespmem:s13+$0x20]  }
0x2cf: {  	s20 =	simm.s32 $0x9;
	v38 =	vadd.s32 v32, v38;
	[tilespmem:v62+s24+$0x0] =	vst.idx.msk $0xffff, v61;
	v54 =	vld [tilespmem:s13+$0xF0]  }
0x2d0: {  	s17 =	simm.s32 $0x8;
	v41 =	vadd.s32 v23, v37;
	v53 =	vmov s20;
	[tilespmem:v51+s24+$0x0] =	vst.idx.msk $0xffff, v50;
	v40 =	vld [tilespmem:s13+$0x60]  }
0x2d1: {  	s15 =	simm.s32 $0xB;
	s16 =	simm.s32 $0xC;
	v43 =	vadd.s32 v27, v36;
	v48 =	vadd.s32 v3, v33;
	v63 =	vmov s17;
	v42 =	vld [tilespmem:s13+$0xA0];
	[tilespmem:v56+s24+$0x0] =	vst.idx.msk $0xffff, v55  }
0x2d2: {  	s20 =	simm.s32 $0xE;
	v44 =	vmov s15;
	v47 =	vmov s16;
	v46 =	vld [tilespmem:s13+$0xFFFFFF20];
	v39 =	vshrl.u32 v63, $0x3;
	[tilespmem:v58+s24+$0x0] =	vst.idx.msk $0xffff, v57  }
0x2d3: {  	s1 =	simm.s32 $0xA;
	s17 =	simm.s32 $0xD;
	v51 =	vadd.s32 v8, v45;
	v49 =	vld [tilespmem:s13+$0xFFFFFF70];
	v45 =	vshll.u32 v39, v1;
	v39 =	vmov s20;
	[tilespmem:v60+s24+$0x0] =	vst.idx.msk $0xffff, v59  }
0x2d4: {  	s0 =	simm.s32 $0xF;
	s16 =	simm.s32 $0x10;
	v52 =	vadd.s32 v12, v52;
	v50 =	vld [tilespmem:s13+$0xFFFFFFB0];
	[tilespmem:v38+s24+$0x0] =	vst.idx.msk $0xffff, v54;
	v54 =	vmov s1;
	v38 =	vmov s17  }
.LBB2_21:
0x2d5: {  	p1 =	slt.u32 s16, $0x78;
	v53 =	vshrl.u32 v53, $0x3;
	v55 =	vmov s0;
	v56 =	vld [tilespmem:s13+$0xFFFFFFF0];
	v35 =	vadd.s32 v16, v35;
	[tilespmem:v41+s24+$0x0] =	vst.idx.msk $0xffff, v40  }
0x2d6: {  	v40 =	vshrl.u32 v54, $0x3;
	v34 =	vadd.s32 v20, v34;
	v41 =	vshrl.u32 v55, $0x3;
	v54 =	vld [tilespmem:s13+$0x30];
	[tilespmem:v43+s24+$0x0] =	vst.idx.msk $0xffff, v42  }
0x2d7: {  	v37 =	vadd.s32 v24, v37;
	v42 =	vshrl.u32 v44, $0x3;
	v41 =	vshll.u32 v41, v1;
	[tilespmem:v48+s24+$0x0] =	vst.idx.msk $0xffff, v46;
	v43 =	vld [tilespmem:s13+$0x70]  }
0x2d8: {  	v36 =	vadd.s32 v28, v36;
	v44 =	vshrl.u32 v47, $0x3;
	v41 =	vbroadcast v41, $0x0;
	[tilespmem:v51+s24+$0x0] =	vst.idx.msk $0xffff, v49;
	v46 =	vld [tilespmem:s13+$0xB0]  }
0x2d9: {  	v47 =	vshll.u32 v53, v1;
	v49 =	vadd.s32 v4, v33;
	v33 =	vbroadcast v45, $0x0;
	v48 =	vld [tilespmem:s13+$0xFFFFFF30];
	[tilespmem:v52+s24+$0x0] =	vst.idx.msk $0xffff, v50;
	s13 =	sadd.s32 $0x200, s13  }
0x2da: {  	v40 =	vshll.u32 v40, v1;
	v45 =	vbroadcast v47, $0x0;
	v47 =	vld [tilespmem:s13+$0xC0];
	v50 =	vadd.s32 v29, v41;
	[tilespmem:v35+s24+$0x0] =	vst.idx.msk $0xffff, v56  }
0x2db: {  	v55 =	vbroadcast v40, $0x0;
	v52 =	vadd.s32 v0, v33;
	v35 =	vshll.u32 v42, v1;
	v51 =	vld [tilespmem:s13+$0xFFFFFF00];
	[tilespmem:v34+s24+$0x0] =	vst.idx.msk $0xffff, v54  }
0x2dc: {  	v42 =	vadd.s32 v5, v45;
	v35 =	vbroadcast v35, $0x0;
	v34 =	vshll.u32 v44, v1;
	v40 =	vld [tilespmem:s13+$0xFFFFFF40];
	[tilespmem:v37+s24+$0x0] =	vst.idx.msk $0xffff, v43  }
0x2dd: {  	v44 =	vadd.s32 v9, v55;
	v34 =	vbroadcast v34, $0x0;
	v37 =	vshrl.u32 v38, $0x3;
	v43 =	vld [tilespmem:s13+$0xFFFFFF80];
	[tilespmem:v36+s24+$0x0] =	vst.idx.msk $0xffff, v46  }
0x2de: {  	v39 =	vshrl.u32 v39, $0x3;
	v46 =	vadd.s32 v13, v35;
	v36 =	vshll.u32 v37, v1;
	v38 =	vld [tilespmem:s13+$0xFFFFFFC0];
	[tilespmem:v49+s24+$0x0] =	vst.idx.msk $0xffff, v48  }
0x2df: {  	v49 =	vadd.s32 v17, v34;
	v37 =	vbroadcast v36, $0x0;
	v36 =	vshll.u32 v39, v1;
	v48 =	vld [tilespmem:s13+$0x0];
	[tilespmem:v50+s24+$0x0] =	vst.idx.msk $0xffff, v47  }
0x2e0: {  	v36 =	vbroadcast v36, $0x0;
	v47 =	vadd.s32 v30, v41;
	[tilespmem:v52+s24+$0x0] =	vst.idx.msk $0xffff, v51;
	v39 =	vld [tilespmem:s13+$0xD0]  }
0x2e1: {  	[tilespmem:v42+s24+$0x0] =	vst.idx.msk $0xffff, v40;
	v40 =	vld [tilespmem:s13+$0x40];
	v42 =	vadd.s32 v21, v37  }
0x2e2: {  	[tilespmem:v44+s24+$0x0] =	vst.idx.msk $0xffff, v43;
	v43 =	vld [tilespmem:s13+$0x80];
	v44 =	vadd.s32 v25, v36  }
0x2e3: {  	v51 =	vadd.s32 v6, v45;
	v50 =	vld [tilespmem:s13+$0xFFFFFF50];
	[tilespmem:v46+s24+$0x0] =	vst.idx.msk $0xffff, v38  }
0x2e4: {  	v46 =	vadd.s32 v10, v55;
	v38 =	vld [tilespmem:s13+$0xFFFFFF90];
	[tilespmem:v49+s24+$0x0] =	vst.idx.msk $0xffff, v48  }
0x2e5: {  	v49 =	vadd.s32 v14, v35;
	v48 =	vld [tilespmem:s13+$0xFFFFFFD0];
	[tilespmem:v47+s24+$0x0] =	vst.idx.msk $0xffff, v39  }
0x2e6: {  	[tilespmem:v42+s24+$0x0] =	vst.idx.msk $0xffff, v40;
	v39 =	vld [tilespmem:s13+$0xE0];
	v40 =	vadd.s32 v31, v41  }
0x2e7: {  	v47 =	vadd.s32 v18, v34;
	v42 =	vld [tilespmem:s13+$0x10];
	[tilespmem:v44+s24+$0x0] =	vst.idx.msk $0xffff, v43  }
0x2e8: {  	v44 =	vadd.s32 v22, v37;
	[tilespmem:v51+s24+$0x0] =	vst.idx.msk $0xffff, v50;
	v43 =	vld [tilespmem:s13+$0x50]  }
0x2e9: {  	[tilespmem:v46+s24+$0x0] =	vst.idx.msk $0xffff, v38;
	v38 =	vld [tilespmem:s13+$0x90];
	v46 =	vadd.s32 v26, v36  }
0x2ea: {  	v51 =	vadd.s32 v2, v33;
	v50 =	vld [tilespmem:s13+$0xFFFFFF10];
	[tilespmem:v49+s24+$0x0] =	vst.idx.msk $0xffff, v48  }
0x2eb: {  	v49 =	vadd.s32 v7, v45;
	v48 =	vld [tilespmem:s13+$0xFFFFFF60];
	[tilespmem:v40+s24+$0x0] =	vst.idx.msk $0xffff, v39  }
0x2ec: {  	[tilespmem:v47+s24+$0x0] =	vst.idx.msk $0xffff, v42;
	v39 =	vld [tilespmem:s13+$0xF0];
	v47 =	vadd.s32 v32, v41  }
0x2ed: {  	v56 =	vadd.s32 v11, v55;
	v52 =	vld [tilespmem:s13+$0xFFFFFFA0];
	[tilespmem:v44+s24+$0x0] =	vst.idx.msk $0xffff, v43  }
0x2ee: {  	v58 =	vadd.s32 v15, v35;
	v57 =	vld [tilespmem:s13+$0xFFFFFFE0];
	[tilespmem:v46+s24+$0x0] =	vst.idx.msk $0xffff, v38  }
0x2ef: {  	v60 =	vadd.s32 v19, v34;
	[tilespmem:v51+s24+$0x0] =	vst.idx.msk $0xffff, v50;
	v59 =	vld [tilespmem:s13+$0x20]  }
.Ltmp9:
0x2f0: {  	s0 =	sadd.s32 $0x1, s16;
	v41 =	vadd.s32 v23, v37;
	v38 =	vmov s16;
	[tilespmem:v49+s24+$0x0] =	vst.idx.msk $0xffff, v48;
	v40 =	vld [tilespmem:s13+$0x60];
	(pc) =	sbr.rel @p1 .LBB2_21-.Ltmp9, $4  }
0x2f1: {  	s1 =	sadd.s32 $0x3, s16;
	v53 =	vmov s0;
	s0 =	sadd.s32 $0x2, s16;
	v43 =	vadd.s32 v27, v36;
	v50 =	vshrl.u32 v38, $0x3;
	v42 =	vld [tilespmem:s13+$0xA0];
	[tilespmem:v47+s24+$0x0] =	vst.idx.msk $0xffff, v39  }
0x2f2: {  	v54 =	vmov s0;
	s0 =	sadd.s32 $0x4, s16;
	v44 =	vmov s1;
	s1 =	sadd.s32 $0x5, s16;
	v48 =	vadd.s32 v3, v33;
	v46 =	vld [tilespmem:s13+$0xFFFFFF20];
	[tilespmem:v56+s24+$0x0] =	vst.idx.msk $0xffff, v52  }
0x2f3: {  	v38 =	vmov s1;
	v51 =	vadd.s32 v8, v45;
	v47 =	vmov s0;
	s0 =	sadd.s32 $0x6, s16;
	v49 =	vld [tilespmem:s13+$0xFFFFFF70];
	[tilespmem:v58+s24+$0x0] =	vst.idx.msk $0xffff, v57  }
0x2f4: {  	v45 =	vshll.u32 v50, v1;
	v39 =	vmov s0;
	s0 =	sadd.s32 $0x7, s16;
	s16 =	sadd.s32 $0x8, s16;
	v52 =	vadd.s32 v12, v55;
	v50 =	vld [tilespmem:s13+$0xFFFFFFB0];
	[tilespmem:v60+s24+$0x0] =	vst.idx.msk $0xffff, v59  }
0x2f5: {  	_ =	sdelay $0x2  }
0x2f6: {  	v53 =	vshrl.u32 v53, $0x3  }
0x2f7: {  	v55 =	vmov s0;
	v56 =	vld [tilespmem:s13+$0xFFFFFFF0];
	v35 =	vadd.s32 v16, v35;
	[tilespmem:v41+s24+$0x0] =	vst.idx.msk $0xffff, v40;
	v57 =	vshrl.u32 v54, $0x3  }
0x2f8: {  	v59 =	vld [tilespmem:s13+$0x30];
	v34 =	vadd.s32 v20, v34;
	v60 =	vshrl.u32 v44, $0x3;
	v58 =	vshrl.u32 v55, $0x3;
	[tilespmem:v43+s24+$0x0] =	vst.idx.msk $0xffff, v42  }
0x2f9: {  	v37 =	vadd.s32 v24, v37;
	v62 =	vshrl.u32 v47, $0x3;
	v61 =	vld [tilespmem:s13+$0x70];
	v41 =	vshll.u32 v58, v1;
	[tilespmem:v48+s24+$0x0] =	vst.idx.msk $0xffff, v46  }
0x2fa: {  	v36 =	vadd.s32 v28, v36;
	v45 =	vbroadcast v45, $0x0;
	v63 =	vld [tilespmem:s13+$0xB0];
	v41 =	vbroadcast v41, $0x0;
	[tilespmem:v51+s24+$0x0] =	vst.idx.msk $0xffff, v49  }
0x2fb: {  	v33 =	vadd.s32 v4, v33;
	s17 =	sadd.s32 $0x200, s13;
	v38 =	vshrl.u32 v38, $0x3;
	v55 =	vshll.u32 v53, v1;
	v48 =	vld [tilespmem:s13+$0xFFFFFF30];
	[tilespmem:v52+s24+$0x0] =	vst.idx.msk $0xffff, v50  }
0x2fc: {  	v40 =	vshll.u32 v57, v1;
	v47 =	vbroadcast v55, $0x0;
	v49 =	vld [tilespmem:s17+$0xC0];
	v50 =	vadd.s32 v29, v41;
	[tilespmem:v35+s24+$0x0] =	vst.idx.msk $0xffff, v56  }
0x2fd: {  	v42 =	vshll.u32 v60, v1;
	v40 =	vbroadcast v40, $0x0;
	v35 =	vld [tilespmem:s17+$0xFFFFFF00];
	v56 =	vadd.s32 v0, v45;
	[tilespmem:v34+s24+$0x0] =	vst.idx.msk $0xffff, v59  }
0x2fe: {  	v57 =	vld [tilespmem:s17+$0xFFFFFF40];
	v44 =	vshll.u32 v62, v1;
	v42 =	vbroadcast v42, $0x0;
	v58 =	vadd.s32 v5, v47;
	[tilespmem:v37+s24+$0x0] =	vst.idx.msk $0xffff, v61  }
0x2ff: {  	v38 =	vshll.u32 v38, v1;
	v44 =	vbroadcast v44, $0x0;
	v60 =	vadd.s32 v9, v40;
	v59 =	vld [tilespmem:s17+$0xFFFFFF80];
	[tilespmem:v36+s24+$0x0] =	vst.idx.msk $0xffff, v63  }
0x300: {  	v38 =	vbroadcast v38, $0x0;
	v62 =	vadd.s32 v13, v42;
	v61 =	vld [tilespmem:s17+$0xFFFFFFC0];
	[tilespmem:v33+s24+$0x0] =	vst.idx.msk $0xffff, v48  }
0x301: {  	v39 =	vshrl.u32 v39, $0x3;
	v63 =	vadd.s32 v17, v44;
	v33 =	vld [tilespmem:s17+$0x0];
	[tilespmem:v50+s24+$0x0] =	vst.idx.msk $0xffff, v49  }
0x302: {  	v39 =	vshll.u32 v39, v1;
	v34 =	vld [tilespmem:s17+$0x40];
	[tilespmem:v56+s24+$0x0] =	vst.idx.msk $0xffff, v35;
	v56 =	vadd.s32 v21, v38  }
0x303: {  	[tilespmem:v58+s24+$0x0] =	vst.idx.msk $0xffff, v57;
	v35 =	vbroadcast v39, $0x0;
	v49 =	vadd.s32 v30, v41;
	v39 =	vld [tilespmem:s17+$0xD0]  }
0x304: {  	[tilespmem:v60+s24+$0x0] =	vst.idx.msk $0xffff, v59;
	v59 =	vld [tilespmem:s17+$0xFFFFFF50];
	v60 =	vadd.s32 v6, v47  }
0x305: {  	v57 =	vld [tilespmem:s17+$0x80];
	[tilespmem:v62+s24+$0x0] =	vst.idx.msk $0xffff, v61;
	v58 =	vadd.s32 v25, v35  }
0x306: {  	v61 =	vld [tilespmem:s17+$0xFFFFFF90];
	v62 =	vadd.s32 v10, v40;
	[tilespmem:v63+s24+$0x0] =	vst.idx.msk $0xffff, v33  }
0x307: {  	v33 =	vld [tilespmem:s17+$0xFFFFFFD0];
	v63 =	vadd.s32 v14, v42;
	[tilespmem:v56+s24+$0x0] =	vst.idx.msk $0xffff, v34  }
0x308: {  	v56 =	vadd.s32 v18, v44;
	[tilespmem:v49+s24+$0x0] =	vst.idx.msk $0xffff, v39;
	v49 =	vld [tilespmem:s17+$0x10]  }
0x309: {  	[tilespmem:v60+s24+$0x0] =	vst.idx.msk $0xffff, v59;
	v39 =	vadd.s32 v31, v41;
	v34 =	vld [tilespmem:s17+$0xE0]  }
0x30a: {  	[tilespmem:v58+s24+$0x0] =	vst.idx.msk $0xffff, v57;
	v57 =	vld [tilespmem:s17+$0x50];
	v58 =	vadd.s32 v22, v38  }
0x30b: {  	[tilespmem:v62+s24+$0x0] =	vst.idx.msk $0xffff, v61;
	v61 =	vld [tilespmem:s17+$0xFFFFFF10];
	v62 =	vadd.s32 v2, v45  }
0x30c: {  	v60 =	vadd.s32 v26, v35;
	v59 =	vld [tilespmem:s17+$0x90];
	[tilespmem:v63+s24+$0x0] =	vst.idx.msk $0xffff, v33  }
0x30d: {  	v55 =	vadd.s32 v11, v40;
	v54 =	vadd.s32 v32, v41;
	v41 =	vld [tilespmem:s17+$0xFFFFFFA0];
	[tilespmem:v56+s24+$0x0] =	vst.idx.msk $0xffff, v49  }
0x30e: {  	v53 =	vadd.s32 v7, v47;
	v63 =	vld [tilespmem:s17+$0xFFFFFF60];
	[tilespmem:v39+s24+$0x0] =	vst.idx.msk $0xffff, v34  }
0x30f: {  	v56 =	vld [tilespmem:s17+$0xFFFFFFE0];
	[tilespmem:v58+s24+$0x0] =	vst.idx.msk $0xffff, v57;
	v57 =	vadd.s32 v15, v42  }
0x310: {  	[tilespmem:v62+s24+$0x0] =	vst.idx.msk $0xffff, v61;
	v34 =	vld [tilespmem:s17+$0xF0]  }
0x311: {  	v58 =	vld [tilespmem:s17+$0x20];
	[tilespmem:v60+s24+$0x0] =	vst.idx.msk $0xffff, v59;
	v59 =	vadd.s32 v19, v44  }
0x312: {  	v61 =	vadd.s32 v23, v38;
	[tilespmem:v55+s24+$0x0] =	vst.idx.msk $0xffff, v41;
	v60 =	vld [tilespmem:s17+$0x60]  }
0x313: {  	[tilespmem:v53+s24+$0x0] =	vst.idx.msk $0xffff, v63;
	v63 =	vadd.s32 v27, v35;
	v62 =	vld [tilespmem:s17+$0xA0]  }
0x314: {  	v47 =	vadd.s32 v8, v47;
	v55 =	vld [tilespmem:s17+$0xFFFFFF70];
	[tilespmem:v57+s24+$0x0] =	vst.idx.msk $0xffff, v56  }
0x315: {  	v53 =	vld [tilespmem:s17+$0xFFFFFF20];
	[tilespmem:v54+s24+$0x0] =	vst.idx.msk $0xffff, v34;
	v54 =	vadd.s32 v3, v45  }
0x316: {  	v40 =	vadd.s32 v12, v40;
	v56 =	vld [tilespmem:s17+$0xFFFFFFB0];
	[tilespmem:v59+s24+$0x0] =	vst.idx.msk $0xffff, v58  }
0x317: {  	v42 =	vadd.s32 v16, v42;
	v57 =	vld [tilespmem:s17+$0xFFFFFFF0];
	[tilespmem:v61+s24+$0x0] =	vst.idx.msk $0xffff, v60  }
0x318: {  	v59 =	vadd.s32 v20, v44;
	v58 =	vld [tilespmem:s17+$0x30];
	[tilespmem:v63+s24+$0x0] =	vst.idx.msk $0xffff, v62  }
0x319: {  	v38 =	vadd.s32 v24, v38;
	v60 =	vld [tilespmem:s17+$0x70];
	[tilespmem:v47+s24+$0x0] =	vst.idx.msk $0xffff, v55  }
0x31a: {  	v35 =	vadd.s32 v28, v35;
	v61 =	vld [tilespmem:s17+$0xB0];
	[tilespmem:v54+s24+$0x0] =	vst.idx.msk $0xffff, v53  }
0x31b: {  	v63 =	vadd.s32 v4, v45;
	[tilespmem:v40+s24+$0x0] =	vst.idx.msk $0xffff, v56;
	v62 =	vld [tilespmem:s17+$0xFFFFFF30]  }
0x31c: {  	[tilespmem:v42+s24+$0x0] =	vst.idx.msk $0xffff, v57  }
0x31d: {  	s20 =	sshll.u32 s6, $0x14;
	[tilespmem:v59+s24+$0x0] =	vst.idx.msk $0xffff, v58  }
0x31e: {  	s0 =	sor.u32 s8, s20;
	[tilespmem:v38+s24+$0x0] =	vst.idx.msk $0xffff, v60  }
0x31f: {  	s13 =	sshrl.u32 s0, $0x3;
	[tilespmem:v35+s24+$0x0] =	vst.idx.msk $0xffff, v61  }
0x320: {  	s1 =	simm.s32 $0x14800;
	s16 =	sadd.s32 s3, s13;
	[tilespmem:v63+s24+$0x0] =	vst.idx.msk $0xffff, v62  }
0x321: {  	[hbm4b:s16+s4] =	stream.linear.scatter [tilespmem:s1], [sflag:$0x7], $0x80, $0x38;
	[tilespmem:$0x1D000] =	vst v63  }
0x322: {  	s15 =	simm.s32 $0x14888;
	s1 =	sadd.s32 $0x10, s16  }
0x323: {  	[hbm4b:s1+s4] =	stream.linear.scatter [tilespmem:s15], [sflag:$0x7], $0x80, $0x38;
	[tilespmem:$0x1D000] =	vst v63  }
0x324: {  	s20 =	sadd.s32 $0x20, s16;
	s17 =	simm.s32 $0x14910  }
0x325: {  	[hbm4b:s20+s4] =	stream.linear.scatter [tilespmem:s17], [sflag:$0x7], $0x80, $0x38;
	[tilespmem:$0x1D000] =	vst v63  }
0x326: {  	s1 =	simm.s32 $0x14998;
	s15 =	sadd.s32 $0x30, s16  }
0x327: {  	[hbm4b:s15+s4] =	stream.linear.scatter [tilespmem:s1], [sflag:$0x7], $0x80, $0x38;
	[tilespmem:$0x1D000] =	vst v63  }
0x328: {  	s17 =	simm.s32 $0x14A20;
	s20 =	sadd.s32 $0x40, s16  }
0x329: {  	[hbm4b:s20+s4] =	stream.linear.scatter [tilespmem:s17], [sflag:$0x7], $0x80, $0x38;
	[tilespmem:$0x1D000] =	vst v63  }
0x32a: {  	s0 =	simm.s32 $0x440;
	s1 =	simm.s32 $0x14AA8;
	s15 =	sadd.s32 $0x50, s16  }
0x32b: {  	[hbm4b:s15+s4] =	stream.linear.scatter [tilespmem:s1], [sflag:$0x7], $0x80, $0x38;
	[tilespmem:$0x1D000] =	vst v63  }
0x32c: {  	s17 =	simm.s32 $0x14B30;
	s20 =	sadd.s32 $0x60, s16;
	s1 =	simm.s32 $0x14BB8  }
0x32d: {  	[hbm4b:s20+s4] =	stream.linear.scatter [tilespmem:s17], [sflag:$0x7], $0x80, $0x38;
	[tilespmem:$0x1D000] =	vst v63  }
0x32e: {  	s17 =	simm.s32 $0x2200;
	s20 =	sadd.s32 $0x70, s16;
	s16 =	sadd.s32 $0x1000, s16  }
.LBB2_23:
0x32f: {  	[hbm4b:s20+s4] =	stream.linear.scatter [tilespmem:s1], [sflag:$0x7], $0x80, $0x38;
	[tilespmem:$0x1D000] =	vst v63  }
0x330: {  	s1 =	smov.u32 s0;
	s0 =	smov.u32 s17  }
0x331: {  	s15 =	sadd.s32 $0x1100, s17;
	s0 =	sshra.s32 s0, $0x2;
	s20 =	sadd.s32 $0x14800, s1  }
0x332: {  	[hbm4b:s16+s4] =	stream.linear.scatter [tilespmem:s20], [sflag:$0x7], $0x80, $0x38;
	[tilespmem:$0x1D000] =	vst v63  }
0x333: {  	p1 =	sne.s32 s17, $0x7700;
	s17 =	sadd.s32 $0x14888, s1;
	s20 =	sadd.s32 $0x10, s16  }
0x334: {  	[hbm4b:s20+s4] =	stream.linear.scatter [tilespmem:s17], [sflag:$0x7], $0x80, $0x38;
	[tilespmem:$0x1D000] =	vst v63  }
0x335: {  	s17 =	sadd.s32 $0x14910, s1;
	s20 =	sadd.s32 $0x20, s16  }
0x336: {  	[hbm4b:s20+s4] =	stream.linear.scatter [tilespmem:s17], [sflag:$0x7], $0x80, $0x38;
	[tilespmem:$0x1D000] =	vst v63  }
0x337: {  	s17 =	sadd.s32 $0x14998, s1;
	s20 =	sadd.s32 $0x30, s16  }
0x338: {  	[hbm4b:s20+s4] =	stream.linear.scatter [tilespmem:s17], [sflag:$0x7], $0x80, $0x38;
	[tilespmem:$0x1D000] =	vst v63  }
0x339: {  	s17 =	sadd.s32 $0x14A20, s1;
	s20 =	sadd.s32 $0x40, s16  }
0x33a: {  	[hbm4b:s20+s4] =	stream.linear.scatter [tilespmem:s17], [sflag:$0x7], $0x80, $0x38;
	[tilespmem:$0x1D000] =	vst v63  }
.Ltmp10:
0x33b: {  	s17 =	sadd.s32 $0x14AA8, s1;
	s20 =	sadd.s32 $0x50, s16;
	(pc) =	sbr.rel @p1 .LBB2_23-.Ltmp10, $4  }
0x33c: {  	[hbm4b:s20+s4] =	stream.linear.scatter [tilespmem:s17], [sflag:$0x7], $0x80, $0x38;
	[tilespmem:$0x1D000] =	vst v63  }
0x33d: {  	s17 =	sadd.s32 $0x14B30, s1;
	s20 =	sadd.s32 $0x60, s16;
	s1 =	sadd.s32 $0x14BB8, s1  }
0x33e: {  	[hbm4b:s20+s4] =	stream.linear.scatter [tilespmem:s17], [sflag:$0x7], $0x80, $0x38;
	[tilespmem:$0x1D000] =	vst v63  }
0x33f: {  	s20 =	sadd.s32 $0x70, s16;
	s16 =	sadd.s32 $0x1000, s16;
	s17 =	smov.u32 s15  }
0x340: {  	[hbm4b:s20+s4] =	stream.linear.scatter [tilespmem:s1], [sflag:$0x7], $0x80, $0x38;
	[tilespmem:$0x1D000] =	vst v63  }
0x341: {  	s17 =	sadd.s32 $0x14800, s0  }
0x342: {  	[hbm4b:s16+s4] =	stream.linear.scatter [tilespmem:s17], [sflag:$0x7], $0x80, $0x38;
	[tilespmem:$0x1D000] =	vst v63  }
0x343: {  	s20 =	sadd.s32 $0x14888, s0;
	s15 =	sadd.s32 $0x10, s16  }
0x344: {  	[hbm4b:s15+s4] =	stream.linear.scatter [tilespmem:s20], [sflag:$0x7], $0x80, $0x38;
	[tilespmem:$0x1D000] =	vst v63  }
0x345: {  	s17 =	sadd.s32 $0x14910, s0;
	s20 =	sadd.s32 $0x20, s16  }
0x346: {  	[hbm4b:s20+s4] =	stream.linear.scatter [tilespmem:s17], [sflag:$0x7], $0x80, $0x38;
	[tilespmem:$0x1D000] =	vst v63  }
0x347: {  	s17 =	sadd.s32 $0x14998, s0;
	s20 =	sadd.s32 $0x30, s16  }
0x348: {  	[hbm4b:s20+s4] =	stream.linear.scatter [tilespmem:s17], [sflag:$0x7], $0x80, $0x38;
	[tilespmem:$0x1D000] =	vst v63  }
0x349: {  	s17 =	sadd.s32 $0x14A20, s0;
	s20 =	sadd.s32 $0x40, s16  }
0x34a: {  	[hbm4b:s20+s4] =	stream.linear.scatter [tilespmem:s17], [sflag:$0x7], $0x80, $0x38;
	[tilespmem:$0x1D000] =	vst v63  }
0x34b: {  	s17 =	sadd.s32 $0x14AA8, s0;
	s20 =	sadd.s32 $0x50, s16  }
0x34c: {  	[hbm4b:s20+s4] =	stream.linear.scatter [tilespmem:s17], [sflag:$0x7], $0x80, $0x38;
	[tilespmem:$0x1D000] =	vst v63  }
0x34d: {  	s17 =	sadd.s32 $0x14B30, s0;
	s20 =	sadd.s32 $0x60, s16  }
0x34e: {  	[hbm4b:s20+s4] =	stream.linear.scatter [tilespmem:s17], [sflag:$0x7], $0x80, $0x38;
	[tilespmem:$0x1D000] =	vst v63  }
0x34f: {  	s15 =	simm.s32 $0x0;
	s17 =	sadd.s32 $0x14BB8, s0;
	s20 =	sadd.s32 $0x70, s16  }
0x350: {  	[hbm4b:s20+s4] =	stream.linear.scatter [tilespmem:s17], [sflag:$0x7], $0x80, $0x38;
	[tilespmem:$0x1D000] =	vst v63  }
0x351: {  	v33 =	vmov s15;
	_ =	swait.ge [sflag:s25], $0x2000  }
0x352: {  	s15 =	simm.s32 $0x4;
	v33 =	vshrl.u32 v33, $0x3;
	[sflag:s25] =	ssyncset.done $0x0  }
0x353: {  	v37 =	vmov s15;
	v33 =	vshll.u32 v33, v1;
	s0 =	simm.s32 @!p0 $0x8;
	s16 =	simm.s32 $0x1;
	[sflag:s25] =	ssyncadd.s32 $0xFFFFE000  }
0x354: {  	p1 =	seq.s32 @!p0 s6, $0x31;
	v37 =	vshrl.u32 v37, $0x3;
	v33 =	vbroadcast v33, $0x0;
	v34 =	vmov s16;
	s16 =	simm.s32 $0x7;
	_ =	swait.ge @!p0 [sflag:s0], $0x2000  }
0x355: {  	p2 =	por p0, !p1;
	v54 =	vshll.u32 v37, v1;
	s17 =	simm.s32 $0x2;
	v38 =	vmov s16;
	[sflag:s0] =	ssyncset.done @!p0 $0x0  }
0x356: {  	v44 =	vadd.s32 v0, v33;
	s20 =	simm.s32 $0x3;
	v34 =	vshrl.u32 v34, $0x3;
	v38 =	vshrl.u32 v38, $0x3;
	[sflag:s0] =	ssyncadd.s32 @!p0 $0xFFFFE000;
	s0 =	sshll.u32 @p2 s6, $0x9  }
0x357: {  	v35 =	vmov s17;
	v36 =	vmov s20;
	s17 =	simm.s32 $0x5;
	v38 =	vshll.u32 v38, v1;
	s0 =	sand.u32 @p2 $0x3FFFFE00, s0  }
0x358: {  	s20 =	simm.s32 $0x6;
	v34 =	vshll.u32 v34, v1;
	v39 =	vmov s17;
	s17 =	simm.s32 $0xE900;
	v38 =	vbroadcast v38, $0x0;
	s0 =	sadd.s32 @p2 $0x6600, s0  }
0x359: {  	v40 =	vmov s20;
	v35 =	vshrl.u32 v35, $0x3;
	v36 =	vshrl.u32 v36, $0x3;
	[tilespmem:s18], [sflag:$0x3] =	stream.indirect.gather @p2 [hbm4b:s5+s14], $0x40, s0, s14, $0xb8;
	[tilespmem:$0x1D000] =	vst v63  }
0x35a: {  	v45 =	vbroadcast v34, $0x0;
	v52 =	vshll.u32 v35, v1;
	v42 =	vadd.s32 v29, v38;
	v41 =	vld [tilespmem:s17+$0xC0]  }
0x35b: {  	v34 =	vbroadcast v54, $0x0;
	v53 =	vshll.u32 v36, v1;
	v52 =	vbroadcast v52, $0x0;
	v43 =	vld [tilespmem:s17+$0xFFFFFF00]  }
0x35c: {  	v55 =	vshrl.u32 v39, $0x3;
	v47 =	vadd.s32 v5, v45;
	v35 =	vbroadcast v53, $0x0;
	v46 =	vld [tilespmem:s17+$0xFFFFFF40]  }
0x35d: {  	v40 =	vshrl.u32 v40, $0x3;
	v36 =	vshll.u32 v55, v1;
	v49 =	vadd.s32 v9, v52;
	v48 =	vld [tilespmem:s17+$0xFFFFFF80]  }
0x35e: {  	v56 =	vshll.u32 v40, v1;
	v37 =	vbroadcast v36, $0x0;
	v50 =	vadd.s32 v13, v35;
	v39 =	vld [tilespmem:s17+$0xFFFFFFC0]  }
0x35f: {  	v53 =	vadd.s32 v17, v34;
	v36 =	vbroadcast v56, $0x0;
	v51 =	vld [tilespmem:s17+$0x0];
	[tilespmem:v42+s26+$0x0] =	vst.idx.msk $0xffff, v41  }
0x360: {  	v60 =	vadd.s32 v21, v37;
	v59 =	vld [tilespmem:s17+$0x40];
	[tilespmem:v44+s26+$0x0] =	vst.idx.msk $0xffff, v43  }
0x361: {  	v62 =	vadd.s32 v25, v36;
	v61 =	vld [tilespmem:s17+$0x80];
	[tilespmem:v47+s26+$0x0] =	vst.idx.msk $0xffff, v46  }
0x362: {  	v58 =	vadd.s32 v30, v38;
	[tilespmem:v49+s26+$0x0] =	vst.idx.msk $0xffff, v48;
	v57 =	vld [tilespmem:s17+$0xD0]  }
0x363: {  	v63 =	vadd.s32 v6, v45;
	[tilespmem:v50+s26+$0x0] =	vst.idx.msk $0xffff, v39;
	v47 =	vld [tilespmem:s17+$0xFFFFFF50]  }
0x364: {  	v55 =	vadd.s32 v10, v52;
	[tilespmem:v53+s26+$0x0] =	vst.idx.msk $0xffff, v51;
	v54 =	vld [tilespmem:s17+$0xFFFFFF90]  }
0x365: {  	v56 =	vadd.s32 v14, v35;
	[tilespmem:v60+s26+$0x0] =	vst.idx.msk $0xffff, v59;
	v50 =	vld [tilespmem:s17+$0xFFFFFFD0]  }
0x366: {  	[tilespmem:v62+s26+$0x0] =	vst.idx.msk $0xffff, v61;
	v46 =	vadd.s32 v22, v37;
	v44 =	vld [tilespmem:s17+$0x50]  }
0x367: {  	v59 =	vadd.s32 v18, v34;
	[tilespmem:v58+s26+$0x0] =	vst.idx.msk $0xffff, v57;
	v58 =	vld [tilespmem:s17+$0x10]  }
0x368: {  	v57 =	vadd.s32 v31, v38;
	[tilespmem:v63+s26+$0x0] =	vst.idx.msk $0xffff, v47;
	v40 =	vld [tilespmem:s17+$0xE0]  }
0x369: {  	v62 =	vadd.s32 v2, v33;
	v61 =	vld [tilespmem:s17+$0xFFFFFF10];
	[tilespmem:v55+s26+$0x0] =	vst.idx.msk $0xffff, v54  }
0x36a: {  	v60 =	vadd.s32 v26, v36;
	v63 =	vld [tilespmem:s17+$0x90];
	[tilespmem:v56+s26+$0x0] =	vst.idx.msk $0xffff, v50  }
0x36b: {  	v51 =	vadd.s32 v7, v45;
	[tilespmem:v46+s26+$0x0] =	vst.idx.msk $0xffff, v44;
	v50 =	vld [tilespmem:s17+$0xFFFFFF60]  }
0x36c: {  	v56 =	vadd.s32 v11, v52;
	v55 =	vld [tilespmem:s17+$0xFFFFFFA0];
	[tilespmem:v59+s26+$0x0] =	vst.idx.msk $0xffff, v58  }
0x36d: {  	v58 =	vadd.s32 v15, v35;
	[tilespmem:v57+s26+$0x0] =	vst.idx.msk $0xffff, v40;
	v57 =	vld [tilespmem:s17+$0xFFFFFFE0]  }
0x36e: {  	v38 =	vadd.s32 v32, v38;
	[tilespmem:v62+s26+$0x0] =	vst.idx.msk $0xffff, v61;
	v54 =	vld [tilespmem:s17+$0xF0]  }
0x36f: {  	s15 =	simm.s32 $0x9;
	[tilespmem:v60+s26+$0x0] =	vst.idx.msk $0xffff, v63;
	v60 =	vadd.s32 v19, v34;
	v59 =	vld [tilespmem:s17+$0x20]  }
0x370: {  	s20 =	simm.s32 $0xB;
	v41 =	vadd.s32 v23, v37;
	v53 =	vmov s15;
	[tilespmem:v51+s26+$0x0] =	vst.idx.msk $0xffff, v50;
	v40 =	vld [tilespmem:s17+$0x60]  }
0x371: {  	s1 =	simm.s32 $0x8;
	v43 =	vadd.s32 v27, v36;
	s15 =	simm.s32 $0xC;
	v48 =	vadd.s32 v3, v33;
	v44 =	vmov s20;
	v42 =	vld [tilespmem:s17+$0xA0];
	[tilespmem:v56+s26+$0x0] =	vst.idx.msk $0xffff, v55  }
0x372: {  	s16 =	simm.s32 $0xA;
	v47 =	vmov s15;
	v52 =	vadd.s32 v12, v52;
	v46 =	vld [tilespmem:s17+$0xFFFFFF20];
	v63 =	vmov s1;
	[tilespmem:v58+s26+$0x0] =	vst.idx.msk $0xffff, v57  }
0x373: {  	p1 =	por @!p0 $0x1, $0x1;
	s20 =	simm.s32 $0xE;
	v39 =	vshrl.u32 v63, $0x3;
	v51 =	vadd.s32 v8, v45;
	v49 =	vld [tilespmem:s17+$0xFFFFFF70];
	[tilespmem:v38+s26+$0x0] =	vst.idx.msk $0xffff, v54;
	v54 =	vmov s16;
	s16 =	simm.s32 $0xD  }
0x374: {  	p1 =	por @p2 $0x0, $0x0;
	s0 =	simm.s32 $0xF;
	v45 =	vshll.u32 v39, v1;
	v39 =	vmov s20;
	v50 =	vld [tilespmem:s17+$0xFFFFFFB0];
	[tilespmem:v60+s26+$0x0] =	vst.idx.msk $0xffff, v59;
	v38 =	vmov s16;
	s16 =	simm.s32 $0x10  }
.LBB2_25:
0x375: {  	p2 =	slt.u32 s16, $0x78;
	v53 =	vshrl.u32 v53, $0x3;
	v55 =	vmov s0;
	v56 =	vld [tilespmem:s17+$0xFFFFFFF0];
	v35 =	vadd.s32 v16, v35;
	[tilespmem:v41+s26+$0x0] =	vst.idx.msk $0xffff, v40  }
0x376: {  	v40 =	vshrl.u32 v54, $0x3;
	v34 =	vadd.s32 v20, v34;
	v41 =	vshrl.u32 v55, $0x3;
	v54 =	vld [tilespmem:s17+$0x30];
	[tilespmem:v43+s26+$0x0] =	vst.idx.msk $0xffff, v42  }
0x377: {  	v37 =	vadd.s32 v24, v37;
	v42 =	vshrl.u32 v44, $0x3;
	v41 =	vshll.u32 v41, v1;
	[tilespmem:v48+s26+$0x0] =	vst.idx.msk $0xffff, v46;
	v43 =	vld [tilespmem:s17+$0x70]  }
0x378: {  	v36 =	vadd.s32 v28, v36;
	v44 =	vshrl.u32 v47, $0x3;
	v41 =	vbroadcast v41, $0x0;
	[tilespmem:v51+s26+$0x0] =	vst.idx.msk $0xffff, v49;
	v46 =	vld [tilespmem:s17+$0xB0]  }
0x379: {  	v47 =	vshll.u32 v53, v1;
	v49 =	vadd.s32 v4, v33;
	v33 =	vbroadcast v45, $0x0;
	v48 =	vld [tilespmem:s17+$0xFFFFFF30];
	[tilespmem:v52+s26+$0x0] =	vst.idx.msk $0xffff, v50;
	s17 =	sadd.s32 $0x200, s17  }
0x37a: {  	v40 =	vshll.u32 v40, v1;
	v45 =	vbroadcast v47, $0x0;
	v47 =	vld [tilespmem:s17+$0xC0];
	v50 =	vadd.s32 v29, v41;
	[tilespmem:v35+s26+$0x0] =	vst.idx.msk $0xffff, v56  }
0x37b: {  	v55 =	vbroadcast v40, $0x0;
	v52 =	vadd.s32 v0, v33;
	v35 =	vshll.u32 v42, v1;
	v51 =	vld [tilespmem:s17+$0xFFFFFF00];
	[tilespmem:v34+s26+$0x0] =	vst.idx.msk $0xffff, v54  }
0x37c: {  	v42 =	vadd.s32 v5, v45;
	v35 =	vbroadcast v35, $0x0;
	v34 =	vshll.u32 v44, v1;
	v40 =	vld [tilespmem:s17+$0xFFFFFF40];
	[tilespmem:v37+s26+$0x0] =	vst.idx.msk $0xffff, v43  }
0x37d: {  	v44 =	vadd.s32 v9, v55;
	v34 =	vbroadcast v34, $0x0;
	v37 =	vshrl.u32 v38, $0x3;
	v43 =	vld [tilespmem:s17+$0xFFFFFF80];
	[tilespmem:v36+s26+$0x0] =	vst.idx.msk $0xffff, v46  }
0x37e: {  	v39 =	vshrl.u32 v39, $0x3;
	v46 =	vadd.s32 v13, v35;
	v36 =	vshll.u32 v37, v1;
	v38 =	vld [tilespmem:s17+$0xFFFFFFC0];
	[tilespmem:v49+s26+$0x0] =	vst.idx.msk $0xffff, v48  }
0x37f: {  	v49 =	vadd.s32 v17, v34;
	v37 =	vbroadcast v36, $0x0;
	v36 =	vshll.u32 v39, v1;
	v48 =	vld [tilespmem:s17+$0x0];
	[tilespmem:v50+s26+$0x0] =	vst.idx.msk $0xffff, v47  }
0x380: {  	v36 =	vbroadcast v36, $0x0;
	v47 =	vadd.s32 v30, v41;
	[tilespmem:v52+s26+$0x0] =	vst.idx.msk $0xffff, v51;
	v39 =	vld [tilespmem:s17+$0xD0]  }
0x381: {  	[tilespmem:v42+s26+$0x0] =	vst.idx.msk $0xffff, v40;
	v40 =	vld [tilespmem:s17+$0x40];
	v42 =	vadd.s32 v21, v37  }
0x382: {  	[tilespmem:v44+s26+$0x0] =	vst.idx.msk $0xffff, v43;
	v43 =	vld [tilespmem:s17+$0x80];
	v44 =	vadd.s32 v25, v36  }
0x383: {  	v51 =	vadd.s32 v6, v45;
	v50 =	vld [tilespmem:s17+$0xFFFFFF50];
	[tilespmem:v46+s26+$0x0] =	vst.idx.msk $0xffff, v38  }
0x384: {  	v46 =	vadd.s32 v10, v55;
	v38 =	vld [tilespmem:s17+$0xFFFFFF90];
	[tilespmem:v49+s26+$0x0] =	vst.idx.msk $0xffff, v48  }
0x385: {  	v49 =	vadd.s32 v14, v35;
	v48 =	vld [tilespmem:s17+$0xFFFFFFD0];
	[tilespmem:v47+s26+$0x0] =	vst.idx.msk $0xffff, v39  }
0x386: {  	[tilespmem:v42+s26+$0x0] =	vst.idx.msk $0xffff, v40;
	v39 =	vld [tilespmem:s17+$0xE0];
	v40 =	vadd.s32 v31, v41  }
0x387: {  	v47 =	vadd.s32 v18, v34;
	v42 =	vld [tilespmem:s17+$0x10];
	[tilespmem:v44+s26+$0x0] =	vst.idx.msk $0xffff, v43  }
0x388: {  	v44 =	vadd.s32 v22, v37;
	[tilespmem:v51+s26+$0x0] =	vst.idx.msk $0xffff, v50;
	v43 =	vld [tilespmem:s17+$0x50]  }
0x389: {  	[tilespmem:v46+s26+$0x0] =	vst.idx.msk $0xffff, v38;
	v38 =	vld [tilespmem:s17+$0x90];
	v46 =	vadd.s32 v26, v36  }
0x38a: {  	v51 =	vadd.s32 v2, v33;
	v50 =	vld [tilespmem:s17+$0xFFFFFF10];
	[tilespmem:v49+s26+$0x0] =	vst.idx.msk $0xffff, v48  }
0x38b: {  	v49 =	vadd.s32 v7, v45;
	v48 =	vld [tilespmem:s17+$0xFFFFFF60];
	[tilespmem:v40+s26+$0x0] =	vst.idx.msk $0xffff, v39  }
0x38c: {  	[tilespmem:v47+s26+$0x0] =	vst.idx.msk $0xffff, v42;
	v39 =	vld [tilespmem:s17+$0xF0];
	v47 =	vadd.s32 v32, v41  }
0x38d: {  	v56 =	vadd.s32 v11, v55;
	v52 =	vld [tilespmem:s17+$0xFFFFFFA0];
	[tilespmem:v44+s26+$0x0] =	vst.idx.msk $0xffff, v43  }
0x38e: {  	v58 =	vadd.s32 v15, v35;
	v57 =	vld [tilespmem:s17+$0xFFFFFFE0];
	[tilespmem:v46+s26+$0x0] =	vst.idx.msk $0xffff, v38  }
0x38f: {  	v60 =	vadd.s32 v19, v34;
	[tilespmem:v51+s26+$0x0] =	vst.idx.msk $0xffff, v50;
	v59 =	vld [tilespmem:s17+$0x20]  }
.Ltmp11:
0x390: {  	s0 =	sadd.s32 $0x1, s16;
	v41 =	vadd.s32 v23, v37;
	v38 =	vmov s16;
	[tilespmem:v49+s26+$0x0] =	vst.idx.msk $0xffff, v48;
	v40 =	vld [tilespmem:s17+$0x60];
	(pc) =	sbr.rel @p2 .LBB2_25-.Ltmp11, $4  }
0x391: {  	s1 =	sadd.s32 $0x3, s16;
	v53 =	vmov s0;
	s0 =	sadd.s32 $0x2, s16;
	v43 =	vadd.s32 v27, v36;
	v50 =	vshrl.u32 v38, $0x3;
	v42 =	vld [tilespmem:s17+$0xA0];
	[tilespmem:v47+s26+$0x0] =	vst.idx.msk $0xffff, v39  }
0x392: {  	v54 =	vmov s0;
	s0 =	sadd.s32 $0x4, s16;
	v44 =	vmov s1;
	s1 =	sadd.s32 $0x5, s16;
	v48 =	vadd.s32 v3, v33;
	v46 =	vld [tilespmem:s17+$0xFFFFFF20];
	[tilespmem:v56+s26+$0x0] =	vst.idx.msk $0xffff, v52  }
0x393: {  	v38 =	vmov s1;
	v51 =	vadd.s32 v8, v45;
	v47 =	vmov s0;
	s0 =	sadd.s32 $0x6, s16;
	v49 =	vld [tilespmem:s17+$0xFFFFFF70];
	[tilespmem:v58+s26+$0x0] =	vst.idx.msk $0xffff, v57  }
0x394: {  	v45 =	vshll.u32 v50, v1;
	v39 =	vmov s0;
	s0 =	sadd.s32 $0x7, s16;
	s16 =	sadd.s32 $0x8, s16;
	v52 =	vadd.s32 v12, v55;
	v50 =	vld [tilespmem:s17+$0xFFFFFFB0];
	[tilespmem:v60+s26+$0x0] =	vst.idx.msk $0xffff, v59  }
0x395: {  	_ =	sdelay $0x2  }
0x396: {  	v53 =	vshrl.u32 v53, $0x3  }
0x397: {  	v55 =	vmov s0;
	v56 =	vld [tilespmem:s17+$0xFFFFFFF0];
	v35 =	vadd.s32 v16, v35;
	[tilespmem:v41+s26+$0x0] =	vst.idx.msk $0xffff, v40;
	v57 =	vshrl.u32 v54, $0x3  }
0x398: {  	v59 =	vld [tilespmem:s17+$0x30];
	v34 =	vadd.s32 v20, v34;
	v60 =	vshrl.u32 v44, $0x3;
	v58 =	vshrl.u32 v55, $0x3;
	[tilespmem:v43+s26+$0x0] =	vst.idx.msk $0xffff, v42  }
0x399: {  	v37 =	vadd.s32 v24, v37;
	v62 =	vshrl.u32 v47, $0x3;
	v61 =	vld [tilespmem:s17+$0x70];
	v41 =	vshll.u32 v58, v1;
	[tilespmem:v48+s26+$0x0] =	vst.idx.msk $0xffff, v46  }
0x39a: {  	v36 =	vadd.s32 v28, v36;
	v45 =	vbroadcast v45, $0x0;
	v63 =	vld [tilespmem:s17+$0xB0];
	v41 =	vbroadcast v41, $0x0;
	[tilespmem:v51+s26+$0x0] =	vst.idx.msk $0xffff, v49  }
0x39b: {  	v33 =	vadd.s32 v4, v33;
	s20 =	sadd.s32 $0x200, s17;
	v38 =	vshrl.u32 v38, $0x3;
	v55 =	vshll.u32 v53, v1;
	v48 =	vld [tilespmem:s17+$0xFFFFFF30];
	[tilespmem:v52+s26+$0x0] =	vst.idx.msk $0xffff, v50  }
0x39c: {  	v40 =	vshll.u32 v57, v1;
	v47 =	vbroadcast v55, $0x0;
	v49 =	vld [tilespmem:s20+$0xC0];
	v50 =	vadd.s32 v29, v41;
	[tilespmem:v35+s26+$0x0] =	vst.idx.msk $0xffff, v56  }
0x39d: {  	v42 =	vshll.u32 v60, v1;
	v40 =	vbroadcast v40, $0x0;
	v35 =	vld [tilespmem:s20+$0xFFFFFF00];
	v56 =	vadd.s32 v0, v45;
	[tilespmem:v34+s26+$0x0] =	vst.idx.msk $0xffff, v59  }
0x39e: {  	v57 =	vld [tilespmem:s20+$0xFFFFFF40];
	v44 =	vshll.u32 v62, v1;
	v42 =	vbroadcast v42, $0x0;
	v58 =	vadd.s32 v5, v47;
	[tilespmem:v37+s26+$0x0] =	vst.idx.msk $0xffff, v61  }
0x39f: {  	v38 =	vshll.u32 v38, v1;
	v44 =	vbroadcast v44, $0x0;
	v60 =	vadd.s32 v9, v40;
	v59 =	vld [tilespmem:s20+$0xFFFFFF80];
	[tilespmem:v36+s26+$0x0] =	vst.idx.msk $0xffff, v63  }
0x3a0: {  	v38 =	vbroadcast v38, $0x0;
	v62 =	vadd.s32 v13, v42;
	v61 =	vld [tilespmem:s20+$0xFFFFFFC0];
	[tilespmem:v33+s26+$0x0] =	vst.idx.msk $0xffff, v48  }
0x3a1: {  	v39 =	vshrl.u32 v39, $0x3;
	v63 =	vadd.s32 v17, v44;
	v33 =	vld [tilespmem:s20+$0x0];
	[tilespmem:v50+s26+$0x0] =	vst.idx.msk $0xffff, v49  }
0x3a2: {  	v39 =	vshll.u32 v39, v1;
	v34 =	vld [tilespmem:s20+$0x40];
	[tilespmem:v56+s26+$0x0] =	vst.idx.msk $0xffff, v35;
	v56 =	vadd.s32 v21, v38  }
0x3a3: {  	[tilespmem:v58+s26+$0x0] =	vst.idx.msk $0xffff, v57;
	v35 =	vbroadcast v39, $0x0;
	v49 =	vadd.s32 v30, v41;
	v39 =	vld [tilespmem:s20+$0xD0]  }
0x3a4: {  	[tilespmem:v60+s26+$0x0] =	vst.idx.msk $0xffff, v59;
	v59 =	vld [tilespmem:s20+$0xFFFFFF50];
	v60 =	vadd.s32 v6, v47  }
0x3a5: {  	v57 =	vld [tilespmem:s20+$0x80];
	[tilespmem:v62+s26+$0x0] =	vst.idx.msk $0xffff, v61;
	v58 =	vadd.s32 v25, v35  }
0x3a6: {  	v61 =	vld [tilespmem:s20+$0xFFFFFF90];
	v62 =	vadd.s32 v10, v40;
	[tilespmem:v63+s26+$0x0] =	vst.idx.msk $0xffff, v33  }
0x3a7: {  	v33 =	vld [tilespmem:s20+$0xFFFFFFD0];
	v63 =	vadd.s32 v14, v42;
	[tilespmem:v56+s26+$0x0] =	vst.idx.msk $0xffff, v34  }
0x3a8: {  	v56 =	vadd.s32 v18, v44;
	[tilespmem:v49+s26+$0x0] =	vst.idx.msk $0xffff, v39;
	v49 =	vld [tilespmem:s20+$0x10]  }
0x3a9: {  	[tilespmem:v60+s26+$0x0] =	vst.idx.msk $0xffff, v59;
	v39 =	vadd.s32 v31, v41;
	v34 =	vld [tilespmem:s20+$0xE0]  }
0x3aa: {  	[tilespmem:v58+s26+$0x0] =	vst.idx.msk $0xffff, v57;
	v57 =	vld [tilespmem:s20+$0x50];
	v58 =	vadd.s32 v22, v38  }
0x3ab: {  	[tilespmem:v62+s26+$0x0] =	vst.idx.msk $0xffff, v61;
	v61 =	vld [tilespmem:s20+$0xFFFFFF10];
	v62 =	vadd.s32 v2, v45  }
0x3ac: {  	v60 =	vadd.s32 v26, v35;
	v59 =	vld [tilespmem:s20+$0x90];
	[tilespmem:v63+s26+$0x0] =	vst.idx.msk $0xffff, v33  }
0x3ad: {  	v55 =	vadd.s32 v11, v40;
	v54 =	vadd.s32 v32, v41;
	v41 =	vld [tilespmem:s20+$0xFFFFFFA0];
	[tilespmem:v56+s26+$0x0] =	vst.idx.msk $0xffff, v49  }
0x3ae: {  	v53 =	vadd.s32 v7, v47;
	v63 =	vld [tilespmem:s20+$0xFFFFFF60];
	[tilespmem:v39+s26+$0x0] =	vst.idx.msk $0xffff, v34  }
0x3af: {  	v56 =	vld [tilespmem:s20+$0xFFFFFFE0];
	[tilespmem:v58+s26+$0x0] =	vst.idx.msk $0xffff, v57;
	v57 =	vadd.s32 v15, v42  }
0x3b0: {  	[tilespmem:v62+s26+$0x0] =	vst.idx.msk $0xffff, v61;
	v34 =	vld [tilespmem:s20+$0xF0]  }
0x3b1: {  	v58 =	vld [tilespmem:s20+$0x20];
	[tilespmem:v60+s26+$0x0] =	vst.idx.msk $0xffff, v59;
	v59 =	vadd.s32 v19, v44  }
0x3b2: {  	v61 =	vadd.s32 v23, v38;
	[tilespmem:v55+s26+$0x0] =	vst.idx.msk $0xffff, v41;
	v60 =	vld [tilespmem:s20+$0x60]  }
0x3b3: {  	[tilespmem:v53+s26+$0x0] =	vst.idx.msk $0xffff, v63;
	v63 =	vadd.s32 v27, v35;
	v62 =	vld [tilespmem:s20+$0xA0]  }
0x3b4: {  	v47 =	vadd.s32 v8, v47;
	v55 =	vld [tilespmem:s20+$0xFFFFFF70];
	[tilespmem:v57+s26+$0x0] =	vst.idx.msk $0xffff, v56  }
0x3b5: {  	v53 =	vld [tilespmem:s20+$0xFFFFFF20];
	[tilespmem:v54+s26+$0x0] =	vst.idx.msk $0xffff, v34;
	v54 =	vadd.s32 v3, v45  }
0x3b6: {  	v40 =	vadd.s32 v12, v40;
	v56 =	vld [tilespmem:s20+$0xFFFFFFB0];
	[tilespmem:v59+s26+$0x0] =	vst.idx.msk $0xffff, v58  }
0x3b7: {  	v42 =	vadd.s32 v16, v42;
	v57 =	vld [tilespmem:s20+$0xFFFFFFF0];
	[tilespmem:v61+s26+$0x0] =	vst.idx.msk $0xffff, v60  }
0x3b8: {  	v59 =	vadd.s32 v20, v44;
	v58 =	vld [tilespmem:s20+$0x30];
	[tilespmem:v63+s26+$0x0] =	vst.idx.msk $0xffff, v62  }
0x3b9: {  	v38 =	vadd.s32 v24, v38;
	v60 =	vld [tilespmem:s20+$0x70];
	[tilespmem:v47+s26+$0x0] =	vst.idx.msk $0xffff, v55  }
0x3ba: {  	v35 =	vadd.s32 v28, v35;
	v61 =	vld [tilespmem:s20+$0xB0];
	[tilespmem:v54+s26+$0x0] =	vst.idx.msk $0xffff, v53  }
0x3bb: {  	v63 =	vadd.s32 v4, v45;
	[tilespmem:v40+s26+$0x0] =	vst.idx.msk $0xffff, v56;
	v62 =	vld [tilespmem:s20+$0xFFFFFF30]  }
0x3bc: {  	[tilespmem:v42+s26+$0x0] =	vst.idx.msk $0xffff, v57  }
0x3bd: {  	[tilespmem:v59+s26+$0x0] =	vst.idx.msk $0xffff, v58  }
0x3be: {  	[tilespmem:v38+s26+$0x0] =	vst.idx.msk $0xffff, v60  }
0x3bf: {  	[tilespmem:v35+s26+$0x0] =	vst.idx.msk $0xffff, v61  }
0x3c0: {  	s15 =	sadd.s32 s13, s11;
	s1 =	simm.s32 $0x16A00;
	[tilespmem:v63+s26+$0x0] =	vst.idx.msk $0xffff, v62  }
0x3c1: {  	[hbm4b:s15+s4] =	stream.linear.scatter [tilespmem:s1], [sflag:$0x8], $0x80, $0x38;
	[tilespmem:$0x1D000] =	vst v63  }
0x3c2: {  	s16 =	simm.s32 $0x16A88;
	s1 =	sadd.s32 $0x10, s15  }
0x3c3: {  	[hbm4b:s1+s4] =	stream.linear.scatter [tilespmem:s16], [sflag:$0x8], $0x80, $0x38;
	[tilespmem:$0x1D000] =	vst v63  }
0x3c4: {  	s17 =	simm.s32 $0x16B10;
	s20 =	sadd.s32 $0x20, s15  }
0x3c5: {  	[hbm4b:s20+s4] =	stream.linear.scatter [tilespmem:s17], [sflag:$0x8], $0x80, $0x38;
	[tilespmem:$0x1D000] =	vst v63  }
0x3c6: {  	s1 =	simm.s32 $0x16B98;
	s16 =	sadd.s32 $0x30, s15  }
0x3c7: {  	[hbm4b:s16+s4] =	stream.linear.scatter [tilespmem:s1], [sflag:$0x8], $0x80, $0x38;
	[tilespmem:$0x1D000] =	vst v63  }
0x3c8: {  	s17 =	simm.s32 $0x16C20;
	s20 =	sadd.s32 $0x40, s15  }
0x3c9: {  	[hbm4b:s20+s4] =	stream.linear.scatter [tilespmem:s17], [sflag:$0x8], $0x80, $0x38;
	[tilespmem:$0x1D000] =	vst v63  }
0x3ca: {  	s0 =	simm.s32 $0x440;
	s1 =	simm.s32 $0x16CA8;
	s16 =	sadd.s32 $0x50, s15  }
0x3cb: {  	[hbm4b:s16+s4] =	stream.linear.scatter [tilespmem:s1], [sflag:$0x8], $0x80, $0x38;
	[tilespmem:$0x1D000] =	vst v63  }
0x3cc: {  	s17 =	simm.s32 $0x16D30;
	s20 =	sadd.s32 $0x60, s15;
	s1 =	simm.s32 $0x16DB8  }
0x3cd: {  	[hbm4b:s20+s4] =	stream.linear.scatter [tilespmem:s17], [sflag:$0x8], $0x80, $0x38;
	[tilespmem:$0x1D000] =	vst v63  }
0x3ce: {  	s16 =	sadd.s32 $0x1000, s15;
	s17 =	simm.s32 $0x2200;
	s20 =	sadd.s32 $0x70, s15  }
.LBB2_27:
0x3cf: {  	[hbm4b:s20+s4] =	stream.linear.scatter [tilespmem:s1], [sflag:$0x8], $0x80, $0x38;
	[tilespmem:$0x1D000] =	vst v63  }
0x3d0: {  	s1 =	smov.u32 s0;
	s0 =	smov.u32 s17  }
0x3d1: {  	s15 =	sadd.s32 $0x1100, s17;
	s0 =	sshra.s32 s0, $0x2;
	s20 =	sadd.s32 $0x16A00, s1  }
0x3d2: {  	[hbm4b:s16+s4] =	stream.linear.scatter [tilespmem:s20], [sflag:$0x8], $0x80, $0x38;
	[tilespmem:$0x1D000] =	vst v63  }
0x3d3: {  	p2 =	sne.s32 s17, $0x7700;
	s17 =	sadd.s32 $0x16A88, s1;
	s20 =	sadd.s32 $0x10, s16  }
0x3d4: {  	[hbm4b:s20+s4] =	stream.linear.scatter [tilespmem:s17], [sflag:$0x8], $0x80, $0x38;
	[tilespmem:$0x1D000] =	vst v63  }
0x3d5: {  	s17 =	sadd.s32 $0x16B10, s1;
	s20 =	sadd.s32 $0x20, s16  }
0x3d6: {  	[hbm4b:s20+s4] =	stream.linear.scatter [tilespmem:s17], [sflag:$0x8], $0x80, $0x38;
	[tilespmem:$0x1D000] =	vst v63  }
0x3d7: {  	s17 =	sadd.s32 $0x16B98, s1;
	s20 =	sadd.s32 $0x30, s16  }
0x3d8: {  	[hbm4b:s20+s4] =	stream.linear.scatter [tilespmem:s17], [sflag:$0x8], $0x80, $0x38;
	[tilespmem:$0x1D000] =	vst v63  }
0x3d9: {  	s17 =	sadd.s32 $0x16C20, s1;
	s20 =	sadd.s32 $0x40, s16  }
0x3da: {  	[hbm4b:s20+s4] =	stream.linear.scatter [tilespmem:s17], [sflag:$0x8], $0x80, $0x38;
	[tilespmem:$0x1D000] =	vst v63  }
.Ltmp12:
0x3db: {  	s17 =	sadd.s32 $0x16CA8, s1;
	s20 =	sadd.s32 $0x50, s16;
	(pc) =	sbr.rel @p2 .LBB2_27-.Ltmp12, $4  }
0x3dc: {  	[hbm4b:s20+s4] =	stream.linear.scatter [tilespmem:s17], [sflag:$0x8], $0x80, $0x38;
	[tilespmem:$0x1D000] =	vst v63  }
0x3dd: {  	s17 =	sadd.s32 $0x16D30, s1;
	s20 =	sadd.s32 $0x60, s16;
	s1 =	sadd.s32 $0x16DB8, s1  }
0x3de: {  	[hbm4b:s20+s4] =	stream.linear.scatter [tilespmem:s17], [sflag:$0x8], $0x80, $0x38;
	[tilespmem:$0x1D000] =	vst v63  }
0x3df: {  	s20 =	sadd.s32 $0x70, s16;
	s16 =	sadd.s32 $0x1000, s16;
	s17 =	smov.u32 s15  }
0x3e0: {  	[hbm4b:s20+s4] =	stream.linear.scatter [tilespmem:s1], [sflag:$0x8], $0x80, $0x38;
	[tilespmem:$0x1D000] =	vst v63  }
0x3e1: {  	s17 =	sadd.s32 $0x16A00, s0  }
0x3e2: {  	[hbm4b:s16+s4] =	stream.linear.scatter [tilespmem:s17], [sflag:$0x8], $0x80, $0x38;
	[tilespmem:$0x1D000] =	vst v63  }
0x3e3: {  	s20 =	sadd.s32 $0x16A88, s0;
	s15 =	sadd.s32 $0x10, s16  }
0x3e4: {  	[hbm4b:s15+s4] =	stream.linear.scatter [tilespmem:s20], [sflag:$0x8], $0x80, $0x38;
	[tilespmem:$0x1D000] =	vst v63  }
0x3e5: {  	s17 =	sadd.s32 $0x16B10, s0;
	s20 =	sadd.s32 $0x20, s16  }
0x3e6: {  	[hbm4b:s20+s4] =	stream.linear.scatter [tilespmem:s17], [sflag:$0x8], $0x80, $0x38;
	[tilespmem:$0x1D000] =	vst v63  }
0x3e7: {  	s17 =	sadd.s32 $0x16B98, s0;
	s20 =	sadd.s32 $0x30, s16  }
0x3e8: {  	[hbm4b:s20+s4] =	stream.linear.scatter [tilespmem:s17], [sflag:$0x8], $0x80, $0x38;
	[tilespmem:$0x1D000] =	vst v63  }
0x3e9: {  	s17 =	sadd.s32 $0x16C20, s0;
	s20 =	sadd.s32 $0x40, s16  }
0x3ea: {  	[hbm4b:s20+s4] =	stream.linear.scatter [tilespmem:s17], [sflag:$0x8], $0x80, $0x38;
	[tilespmem:$0x1D000] =	vst v63  }
0x3eb: {  	s17 =	sadd.s32 $0x16CA8, s0;
	s20 =	sadd.s32 $0x50, s16  }
0x3ec: {  	[hbm4b:s20+s4] =	stream.linear.scatter [tilespmem:s17], [sflag:$0x8], $0x80, $0x38;
	[tilespmem:$0x1D000] =	vst v63  }
0x3ed: {  	s1 =	simm.s32 $0x5;
	s17 =	sadd.s32 $0x16D30, s0;
	s20 =	sadd.s32 $0x60, s16  }
0x3ee: {  	[hbm4b:s20+s4] =	stream.linear.scatter [tilespmem:s17], [sflag:$0x8], $0x80, $0x38;
	[tilespmem:$0x1D000] =	vst v63  }
0x3ef: {  	s15 =	simm.s32 $0x0;
	s17 =	sadd.s32 $0x16DB8, s0;
	s20 =	sadd.s32 $0x70, s16  }
0x3f0: {  	v33 =	vmov s15;
	[hbm4b:s20+s4] =	stream.linear.scatter [tilespmem:s17], [sflag:$0x8], $0x80, $0x38;
	[tilespmem:$0x1D000] =	vst v63  }
0x3f1: {  	v39 =	vmov s1;
	s1 =	simm.s32 @!p1 $0x80;
	v33 =	vshrl.u32 v33, $0x3;
	s17 =	simm.s32 $0x2;
	_ =	swait.ge [sflag:s28], $0x2000  }
0x3f2: {  	v55 =	vshrl.u32 v39, $0x3;
	s15 =	simm.s32 $0x4;
	v33 =	vshll.u32 v33, v1;
	v35 =	vmov s17;
	s17 =	simm.s32 $0x7;
	[sflag:s28] =	ssyncset.done $0x0  }
0x3f3: {  	v37 =	vmov s15;
	v33 =	vbroadcast v33, $0x0;
	s0 =	simm.s32 @!p0 $0x9;
	s16 =	simm.s32 $0x1;
	v38 =	vmov s17;
	[sflag:s28] =	ssyncadd.s32 $0xFFFFE000  }
0x3f4: {  	s15 =	simm.s32 @!p1 $0xE800;
	v37 =	vshrl.u32 v37, $0x3;
	v34 =	vmov s16;
	s16 =	sshll.u32 @!p1 s6, $0x9;
	v38 =	vshrl.u32 v38, $0x3;
	_ =	swait.ge @!p0 [sflag:s0], $0x2000  }
0x3f5: {  	v54 =	vshll.u32 v37, v1;
	v44 =	vadd.s32 v0, v33;
	s20 =	simm.s32 $0x3;
	s17 =	sand.u32 @!p1 $0x3FFFFE00, s16;
	v38 =	vshll.u32 v38, v1;
	[sflag:s0] =	ssyncset.done @!p0 $0x0  }
0x3f6: {  	v34 =	vshrl.u32 v34, $0x3;
	v36 =	vmov s20;
	s16 =	simm.s32 $0x10900;
	v38 =	vbroadcast v38, $0x0;
	[sflag:s0] =	ssyncadd.s32 @!p0 $0xFFFFE000;
	s0 =	sadd.s32 @!p1 $0x6680, s17  }
0x3f7: {  	v34 =	vshll.u32 v34, v1;
	v35 =	vshrl.u32 v35, $0x3;
	v36 =	vshrl.u32 v36, $0x3;
	[tilespmem:s15], [sflag:$0x4] =	stream.indirect.gather @!p1 [hbm4b:s5+s1], $0x40, s0, s1, $0xb8;
	[tilespmem:$0x1D000] =	vst v63  }
0x3f8: {  	s20 =	simm.s32 $0x6;
	v45 =	vbroadcast v34, $0x0;
	v52 =	vshll.u32 v35, v1;
	v42 =	vadd.s32 v29, v38;
	v41 =	vld [tilespmem:s16+$0xC0]  }
0x3f9: {  	v40 =	vmov s20;
	v53 =	vshll.u32 v36, v1;
	v52 =	vbroadcast v52, $0x0;
	v43 =	vld [tilespmem:s16+$0xFFFFFF00]  }
0x3fa: {  	v34 =	vbroadcast v54, $0x0;
	v47 =	vadd.s32 v5, v45;
	v35 =	vbroadcast v53, $0x0;
	v46 =	vld [tilespmem:s16+$0xFFFFFF40]  }
0x3fb: {  	v36 =	vshll.u32 v55, v1;
	v40 =	vshrl.u32 v40, $0x3;
	v49 =	vadd.s32 v9, v52;
	v48 =	vld [tilespmem:s16+$0xFFFFFF80]  }
0x3fc: {  	v37 =	vbroadcast v36, $0x0;
	v56 =	vshll.u32 v40, v1;
	v50 =	vadd.s32 v13, v35;
	v39 =	vld [tilespmem:s16+$0xFFFFFFC0]  }
0x3fd: {  	v53 =	vadd.s32 v17, v34;
	v36 =	vbroadcast v56, $0x0;
	v51 =	vld [tilespmem:s16+$0x0];
	[tilespmem:v42+s29+$0x0] =	vst.idx.msk $0xffff, v41  }
0x3fe: {  	v60 =	vadd.s32 v21, v37;
	v59 =	vld [tilespmem:s16+$0x40];
	[tilespmem:v44+s29+$0x0] =	vst.idx.msk $0xffff, v43  }
0x3ff: {  	v62 =	vadd.s32 v25, v36;
	v61 =	vld [tilespmem:s16+$0x80];
	[tilespmem:v47+s29+$0x0] =	vst.idx.msk $0xffff, v46  }
0x400: {  	v58 =	vadd.s32 v30, v38;
	[tilespmem:v49+s29+$0x0] =	vst.idx.msk $0xffff, v48;
	v57 =	vld [tilespmem:s16+$0xD0]  }
0x401: {  	v63 =	vadd.s32 v6, v45;
	[tilespmem:v50+s29+$0x0] =	vst.idx.msk $0xffff, v39;
	v47 =	vld [tilespmem:s16+$0xFFFFFF50]  }
0x402: {  	v55 =	vadd.s32 v10, v52;
	[tilespmem:v53+s29+$0x0] =	vst.idx.msk $0xffff, v51;
	v54 =	vld [tilespmem:s16+$0xFFFFFF90]  }
0x403: {  	v56 =	vadd.s32 v14, v35;
	[tilespmem:v60+s29+$0x0] =	vst.idx.msk $0xffff, v59;
	v50 =	vld [tilespmem:s16+$0xFFFFFFD0]  }
0x404: {  	[tilespmem:v62+s29+$0x0] =	vst.idx.msk $0xffff, v61;
	v46 =	vadd.s32 v22, v37;
	v44 =	vld [tilespmem:s16+$0x50]  }
0x405: {  	v59 =	vadd.s32 v18, v34;
	[tilespmem:v58+s29+$0x0] =	vst.idx.msk $0xffff, v57;
	v58 =	vld [tilespmem:s16+$0x10]  }
0x406: {  	v57 =	vadd.s32 v31, v38;
	[tilespmem:v63+s29+$0x0] =	vst.idx.msk $0xffff, v47;
	v40 =	vld [tilespmem:s16+$0xE0]  }
0x407: {  	v62 =	vadd.s32 v2, v33;
	v61 =	vld [tilespmem:s16+$0xFFFFFF10];
	[tilespmem:v55+s29+$0x0] =	vst.idx.msk $0xffff, v54  }
0x408: {  	v60 =	vadd.s32 v26, v36;
	v63 =	vld [tilespmem:s16+$0x90];
	[tilespmem:v56+s29+$0x0] =	vst.idx.msk $0xffff, v50  }
0x409: {  	v51 =	vadd.s32 v7, v45;
	[tilespmem:v46+s29+$0x0] =	vst.idx.msk $0xffff, v44;
	v50 =	vld [tilespmem:s16+$0xFFFFFF60]  }
0x40a: {  	v56 =	vadd.s32 v11, v52;
	v55 =	vld [tilespmem:s16+$0xFFFFFFA0];
	[tilespmem:v59+s29+$0x0] =	vst.idx.msk $0xffff, v58  }
0x40b: {  	v58 =	vadd.s32 v15, v35;
	[tilespmem:v57+s29+$0x0] =	vst.idx.msk $0xffff, v40;
	v57 =	vld [tilespmem:s16+$0xFFFFFFE0]  }
0x40c: {  	v38 =	vadd.s32 v32, v38;
	[tilespmem:v62+s29+$0x0] =	vst.idx.msk $0xffff, v61;
	v54 =	vld [tilespmem:s16+$0xF0]  }
0x40d: {  	s1 =	simm.s32 $0x9;
	[tilespmem:v60+s29+$0x0] =	vst.idx.msk $0xffff, v63;
	v60 =	vadd.s32 v19, v34;
	v59 =	vld [tilespmem:s16+$0x20]  }
0x40e: {  	s20 =	simm.s32 $0x8;
	v41 =	vadd.s32 v23, v37;
	v53 =	vmov s1;
	[tilespmem:v51+s29+$0x0] =	vst.idx.msk $0xffff, v50;
	v40 =	vld [tilespmem:s16+$0x60]  }
0x40f: {  	v43 =	vadd.s32 v27, v36;
	s1 =	simm.s32 $0xC;
	v48 =	vadd.s32 v3, v33;
	v63 =	vmov s20;
	v42 =	vld [tilespmem:s16+$0xA0];
	[tilespmem:v56+s29+$0x0] =	vst.idx.msk $0xffff, v55  }
0x410: {  	s15 =	simm.s32 $0xA;
	v47 =	vmov s1;
	v52 =	vadd.s32 v12, v52;
	v46 =	vld [tilespmem:s16+$0xFFFFFF20];
	s20 =	simm.s32 $0xB;
	v39 =	vshrl.u32 v63, $0x3;
	[tilespmem:v58+s29+$0x0] =	vst.idx.msk $0xffff, v57  }
0x411: {  	v44 =	vmov s20;
	s20 =	simm.s32 $0xE;
	v51 =	vadd.s32 v8, v45;
	v49 =	vld [tilespmem:s16+$0xFFFFFF70];
	[tilespmem:v38+s29+$0x0] =	vst.idx.msk $0xffff, v54;
	v54 =	vmov s15;
	s15 =	simm.s32 $0xD  }
0x412: {  	s0 =	simm.s32 $0x10;
	s1 =	simm.s32 $0xF;
	v45 =	vshll.u32 v39, v1;
	v39 =	vmov s20;
	v50 =	vld [tilespmem:s16+$0xFFFFFFB0];
	[tilespmem:v60+s29+$0x0] =	vst.idx.msk $0xffff, v59;
	v38 =	vmov s15  }
.LBB2_29:
0x413: {  	p2 =	slt.u32 s0, $0x78;
	v53 =	vshrl.u32 v53, $0x3;
	v55 =	vmov s1;
	v56 =	vld [tilespmem:s16+$0xFFFFFFF0];
	v35 =	vadd.s32 v16, v35;
	[tilespmem:v41+s29+$0x0] =	vst.idx.msk $0xffff, v40  }
0x414: {  	v40 =	vshrl.u32 v54, $0x3;
	v34 =	vadd.s32 v20, v34;
	v41 =	vshrl.u32 v55, $0x3;
	v54 =	vld [tilespmem:s16+$0x30];
	[tilespmem:v43+s29+$0x0] =	vst.idx.msk $0xffff, v42  }
0x415: {  	v37 =	vadd.s32 v24, v37;
	v42 =	vshrl.u32 v44, $0x3;
	v41 =	vshll.u32 v41, v1;
	[tilespmem:v48+s29+$0x0] =	vst.idx.msk $0xffff, v46;
	v43 =	vld [tilespmem:s16+$0x70]  }
0x416: {  	v36 =	vadd.s32 v28, v36;
	v44 =	vshrl.u32 v47, $0x3;
	v41 =	vbroadcast v41, $0x0;
	[tilespmem:v51+s29+$0x0] =	vst.idx.msk $0xffff, v49;
	v46 =	vld [tilespmem:s16+$0xB0]  }
0x417: {  	v47 =	vshll.u32 v53, v1;
	v49 =	vadd.s32 v4, v33;
	v33 =	vbroadcast v45, $0x0;
	v48 =	vld [tilespmem:s16+$0xFFFFFF30];
	[tilespmem:v52+s29+$0x0] =	vst.idx.msk $0xffff, v50;
	s16 =	sadd.s32 $0x200, s16  }
0x418: {  	v40 =	vshll.u32 v40, v1;
	v45 =	vbroadcast v47, $0x0;
	v47 =	vld [tilespmem:s16+$0xC0];
	v50 =	vadd.s32 v29, v41;
	[tilespmem:v35+s29+$0x0] =	vst.idx.msk $0xffff, v56  }
0x419: {  	v55 =	vbroadcast v40, $0x0;
	v52 =	vadd.s32 v0, v33;
	v35 =	vshll.u32 v42, v1;
	v51 =	vld [tilespmem:s16+$0xFFFFFF00];
	[tilespmem:v34+s29+$0x0] =	vst.idx.msk $0xffff, v54  }
0x41a: {  	v42 =	vadd.s32 v5, v45;
	v35 =	vbroadcast v35, $0x0;
	v34 =	vshll.u32 v44, v1;
	v40 =	vld [tilespmem:s16+$0xFFFFFF40];
	[tilespmem:v37+s29+$0x0] =	vst.idx.msk $0xffff, v43  }
0x41b: {  	v44 =	vadd.s32 v9, v55;
	v34 =	vbroadcast v34, $0x0;
	v37 =	vshrl.u32 v38, $0x3;
	v43 =	vld [tilespmem:s16+$0xFFFFFF80];
	[tilespmem:v36+s29+$0x0] =	vst.idx.msk $0xffff, v46  }
0x41c: {  	v39 =	vshrl.u32 v39, $0x3;
	v46 =	vadd.s32 v13, v35;
	v36 =	vshll.u32 v37, v1;
	v38 =	vld [tilespmem:s16+$0xFFFFFFC0];
	[tilespmem:v49+s29+$0x0] =	vst.idx.msk $0xffff, v48  }
0x41d: {  	v49 =	vadd.s32 v17, v34;
	v37 =	vbroadcast v36, $0x0;
	v36 =	vshll.u32 v39, v1;
	v48 =	vld [tilespmem:s16+$0x0];
	[tilespmem:v50+s29+$0x0] =	vst.idx.msk $0xffff, v47  }
0x41e: {  	v36 =	vbroadcast v36, $0x0;
	v47 =	vadd.s32 v30, v41;
	[tilespmem:v52+s29+$0x0] =	vst.idx.msk $0xffff, v51;
	v39 =	vld [tilespmem:s16+$0xD0]  }
0x41f: {  	[tilespmem:v42+s29+$0x0] =	vst.idx.msk $0xffff, v40;
	v40 =	vld [tilespmem:s16+$0x40];
	v42 =	vadd.s32 v21, v37  }
0x420: {  	[tilespmem:v44+s29+$0x0] =	vst.idx.msk $0xffff, v43;
	v43 =	vld [tilespmem:s16+$0x80];
	v44 =	vadd.s32 v25, v36  }
0x421: {  	v51 =	vadd.s32 v6, v45;
	v50 =	vld [tilespmem:s16+$0xFFFFFF50];
	[tilespmem:v46+s29+$0x0] =	vst.idx.msk $0xffff, v38  }
0x422: {  	v46 =	vadd.s32 v10, v55;
	v38 =	vld [tilespmem:s16+$0xFFFFFF90];
	[tilespmem:v49+s29+$0x0] =	vst.idx.msk $0xffff, v48  }
0x423: {  	v49 =	vadd.s32 v14, v35;
	v48 =	vld [tilespmem:s16+$0xFFFFFFD0];
	[tilespmem:v47+s29+$0x0] =	vst.idx.msk $0xffff, v39  }
0x424: {  	[tilespmem:v42+s29+$0x0] =	vst.idx.msk $0xffff, v40;
	v39 =	vld [tilespmem:s16+$0xE0];
	v40 =	vadd.s32 v31, v41  }
0x425: {  	v47 =	vadd.s32 v18, v34;
	v42 =	vld [tilespmem:s16+$0x10];
	[tilespmem:v44+s29+$0x0] =	vst.idx.msk $0xffff, v43  }
0x426: {  	v44 =	vadd.s32 v22, v37;
	[tilespmem:v51+s29+$0x0] =	vst.idx.msk $0xffff, v50;
	v43 =	vld [tilespmem:s16+$0x50]  }
0x427: {  	[tilespmem:v46+s29+$0x0] =	vst.idx.msk $0xffff, v38;
	v38 =	vld [tilespmem:s16+$0x90];
	v46 =	vadd.s32 v26, v36  }
0x428: {  	v51 =	vadd.s32 v2, v33;
	v50 =	vld [tilespmem:s16+$0xFFFFFF10];
	[tilespmem:v49+s29+$0x0] =	vst.idx.msk $0xffff, v48  }
0x429: {  	v49 =	vadd.s32 v7, v45;
	v48 =	vld [tilespmem:s16+$0xFFFFFF60];
	[tilespmem:v40+s29+$0x0] =	vst.idx.msk $0xffff, v39  }
0x42a: {  	[tilespmem:v47+s29+$0x0] =	vst.idx.msk $0xffff, v42;
	v39 =	vld [tilespmem:s16+$0xF0];
	v47 =	vadd.s32 v32, v41  }
0x42b: {  	v56 =	vadd.s32 v11, v55;
	v52 =	vld [tilespmem:s16+$0xFFFFFFA0];
	[tilespmem:v44+s29+$0x0] =	vst.idx.msk $0xffff, v43  }
0x42c: {  	v58 =	vadd.s32 v15, v35;
	v57 =	vld [tilespmem:s16+$0xFFFFFFE0];
	[tilespmem:v46+s29+$0x0] =	vst.idx.msk $0xffff, v38  }
0x42d: {  	v60 =	vadd.s32 v19, v34;
	[tilespmem:v51+s29+$0x0] =	vst.idx.msk $0xffff, v50;
	v59 =	vld [tilespmem:s16+$0x20]  }
.Ltmp13:
0x42e: {  	s1 =	sadd.s32 $0x1, s0;
	v41 =	vadd.s32 v23, v37;
	v38 =	vmov s0;
	[tilespmem:v49+s29+$0x0] =	vst.idx.msk $0xffff, v48;
	v40 =	vld [tilespmem:s16+$0x60];
	(pc) =	sbr.rel @p2 .LBB2_29-.Ltmp13, $4  }
0x42f: {  	s15 =	sadd.s32 $0x3, s0;
	v53 =	vmov s1;
	s1 =	sadd.s32 $0x2, s0;
	v43 =	vadd.s32 v27, v36;
	v50 =	vshrl.u32 v38, $0x3;
	v42 =	vld [tilespmem:s16+$0xA0];
	[tilespmem:v47+s29+$0x0] =	vst.idx.msk $0xffff, v39  }
0x430: {  	v54 =	vmov s1;
	s1 =	sadd.s32 $0x4, s0;
	v44 =	vmov s15;
	s15 =	sadd.s32 $0x5, s0;
	v48 =	vadd.s32 v3, v33;
	v46 =	vld [tilespmem:s16+$0xFFFFFF20];
	[tilespmem:v56+s29+$0x0] =	vst.idx.msk $0xffff, v52  }
0x431: {  	v38 =	vmov s15;
	v51 =	vadd.s32 v8, v45;
	v47 =	vmov s1;
	s1 =	sadd.s32 $0x6, s0;
	v49 =	vld [tilespmem:s16+$0xFFFFFF70];
	[tilespmem:v58+s29+$0x0] =	vst.idx.msk $0xffff, v57  }
0x432: {  	v45 =	vshll.u32 v50, v1;
	v39 =	vmov s1;
	s1 =	sadd.s32 $0x7, s0;
	s0 =	sadd.s32 $0x8, s0;
	v52 =	vadd.s32 v12, v55;
	v50 =	vld [tilespmem:s16+$0xFFFFFFB0];
	[tilespmem:v60+s29+$0x0] =	vst.idx.msk $0xffff, v59  }
0x433: {  	_ =	sdelay $0x2  }
0x434: {  	v53 =	vshrl.u32 v53, $0x3  }
0x435: {  	v55 =	vmov s1;
	v56 =	vld [tilespmem:s16+$0xFFFFFFF0];
	v35 =	vadd.s32 v16, v35;
	[tilespmem:v41+s29+$0x0] =	vst.idx.msk $0xffff, v40;
	v57 =	vshrl.u32 v54, $0x3  }
0x436: {  	v59 =	vld [tilespmem:s16+$0x30];
	v34 =	vadd.s32 v20, v34;
	v60 =	vshrl.u32 v44, $0x3;
	v58 =	vshrl.u32 v55, $0x3;
	[tilespmem:v43+s29+$0x0] =	vst.idx.msk $0xffff, v42  }
0x437: {  	v37 =	vadd.s32 v24, v37;
	v62 =	vshrl.u32 v47, $0x3;
	v61 =	vld [tilespmem:s16+$0x70];
	v41 =	vshll.u32 v58, v1;
	[tilespmem:v48+s29+$0x0] =	vst.idx.msk $0xffff, v46  }
0x438: {  	v36 =	vadd.s32 v28, v36;
	v45 =	vbroadcast v45, $0x0;
	v63 =	vld [tilespmem:s16+$0xB0];
	v41 =	vbroadcast v41, $0x0;
	[tilespmem:v51+s29+$0x0] =	vst.idx.msk $0xffff, v49  }
0x439: {  	v33 =	vadd.s32 v4, v33;
	s0 =	sadd.s32 $0x200, s16;
	v38 =	vshrl.u32 v38, $0x3;
	v55 =	vshll.u32 v53, v1;
	v48 =	vld [tilespmem:s16+$0xFFFFFF30];
	[tilespmem:v52+s29+$0x0] =	vst.idx.msk $0xffff, v50  }
0x43a: {  	v40 =	vshll.u32 v57, v1;
	v47 =	vbroadcast v55, $0x0;
	v49 =	vld [tilespmem:s0+$0xC0];
	v50 =	vadd.s32 v29, v41;
	[tilespmem:v35+s29+$0x0] =	vst.idx.msk $0xffff, v56  }
0x43b: {  	v42 =	vshll.u32 v60, v1;
	v40 =	vbroadcast v40, $0x0;
	v35 =	vld [tilespmem:s0+$0xFFFFFF00];
	v56 =	vadd.s32 v0, v45;
	[tilespmem:v34+s29+$0x0] =	vst.idx.msk $0xffff, v59  }
0x43c: {  	v57 =	vld [tilespmem:s0+$0xFFFFFF40];
	v44 =	vshll.u32 v62, v1;
	v42 =	vbroadcast v42, $0x0;
	v58 =	vadd.s32 v5, v47;
	[tilespmem:v37+s29+$0x0] =	vst.idx.msk $0xffff, v61  }
0x43d: {  	v38 =	vshll.u32 v38, v1;
	v44 =	vbroadcast v44, $0x0;
	v60 =	vadd.s32 v9, v40;
	v59 =	vld [tilespmem:s0+$0xFFFFFF80];
	[tilespmem:v36+s29+$0x0] =	vst.idx.msk $0xffff, v63  }
0x43e: {  	v38 =	vbroadcast v38, $0x0;
	v62 =	vadd.s32 v13, v42;
	v61 =	vld [tilespmem:s0+$0xFFFFFFC0];
	[tilespmem:v33+s29+$0x0] =	vst.idx.msk $0xffff, v48  }
0x43f: {  	v39 =	vshrl.u32 v39, $0x3;
	v63 =	vadd.s32 v17, v44;
	v33 =	vld [tilespmem:s0+$0x0];
	[tilespmem:v50+s29+$0x0] =	vst.idx.msk $0xffff, v49  }
0x440: {  	v39 =	vshll.u32 v39, v1;
	v34 =	vld [tilespmem:s0+$0x40];
	[tilespmem:v56+s29+$0x0] =	vst.idx.msk $0xffff, v35;
	v56 =	vadd.s32 v21, v38  }
0x441: {  	[tilespmem:v58+s29+$0x0] =	vst.idx.msk $0xffff, v57;
	v35 =	vbroadcast v39, $0x0;
	v49 =	vadd.s32 v30, v41;
	v39 =	vld [tilespmem:s0+$0xD0]  }
0x442: {  	[tilespmem:v60+s29+$0x0] =	vst.idx.msk $0xffff, v59;
	v59 =	vld [tilespmem:s0+$0xFFFFFF50];
	v60 =	vadd.s32 v6, v47  }
0x443: {  	v57 =	vld [tilespmem:s0+$0x80];
	[tilespmem:v62+s29+$0x0] =	vst.idx.msk $0xffff, v61;
	v58 =	vadd.s32 v25, v35  }
0x444: {  	v61 =	vld [tilespmem:s0+$0xFFFFFF90];
	v62 =	vadd.s32 v10, v40;
	[tilespmem:v63+s29+$0x0] =	vst.idx.msk $0xffff, v33  }
0x445: {  	v33 =	vld [tilespmem:s0+$0xFFFFFFD0];
	v63 =	vadd.s32 v14, v42;
	[tilespmem:v56+s29+$0x0] =	vst.idx.msk $0xffff, v34  }
0x446: {  	v56 =	vadd.s32 v18, v44;
	[tilespmem:v49+s29+$0x0] =	vst.idx.msk $0xffff, v39;
	v49 =	vld [tilespmem:s0+$0x10]  }
0x447: {  	[tilespmem:v60+s29+$0x0] =	vst.idx.msk $0xffff, v59;
	v39 =	vadd.s32 v31, v41;
	v34 =	vld [tilespmem:s0+$0xE0]  }
0x448: {  	[tilespmem:v58+s29+$0x0] =	vst.idx.msk $0xffff, v57;
	v57 =	vld [tilespmem:s0+$0x50];
	v58 =	vadd.s32 v22, v38  }
0x449: {  	[tilespmem:v62+s29+$0x0] =	vst.idx.msk $0xffff, v61;
	v61 =	vld [tilespmem:s0+$0xFFFFFF10];
	v62 =	vadd.s32 v2, v45  }
0x44a: {  	v60 =	vadd.s32 v26, v35;
	v59 =	vld [tilespmem:s0+$0x90];
	[tilespmem:v63+s29+$0x0] =	vst.idx.msk $0xffff, v33  }
0x44b: {  	v55 =	vadd.s32 v11, v40;
	v54 =	vadd.s32 v32, v41;
	v41 =	vld [tilespmem:s0+$0xFFFFFFA0];
	[tilespmem:v56+s29+$0x0] =	vst.idx.msk $0xffff, v49  }
0x44c: {  	v53 =	vadd.s32 v7, v47;
	v63 =	vld [tilespmem:s0+$0xFFFFFF60];
	[tilespmem:v39+s29+$0x0] =	vst.idx.msk $0xffff, v34  }
0x44d: {  	v56 =	vld [tilespmem:s0+$0xFFFFFFE0];
	[tilespmem:v58+s29+$0x0] =	vst.idx.msk $0xffff, v57;
	v57 =	vadd.s32 v15, v42  }
0x44e: {  	[tilespmem:v62+s29+$0x0] =	vst.idx.msk $0xffff, v61;
	v34 =	vld [tilespmem:s0+$0xF0]  }
0x44f: {  	v58 =	vld [tilespmem:s0+$0x20];
	[tilespmem:v60+s29+$0x0] =	vst.idx.msk $0xffff, v59;
	v59 =	vadd.s32 v19, v44  }
0x450: {  	v61 =	vadd.s32 v23, v38;
	[tilespmem:v55+s29+$0x0] =	vst.idx.msk $0xffff, v41;
	v60 =	vld [tilespmem:s0+$0x60]  }
0x451: {  	[tilespmem:v53+s29+$0x0] =	vst.idx.msk $0xffff, v63;
	v63 =	vadd.s32 v27, v35;
	v62 =	vld [tilespmem:s0+$0xA0]  }
0x452: {  	v47 =	vadd.s32 v8, v47;
	v55 =	vld [tilespmem:s0+$0xFFFFFF70];
	[tilespmem:v57+s29+$0x0] =	vst.idx.msk $0xffff, v56  }
0x453: {  	v53 =	vld [tilespmem:s0+$0xFFFFFF20];
	[tilespmem:v54+s29+$0x0] =	vst.idx.msk $0xffff, v34;
	v54 =	vadd.s32 v3, v45  }
0x454: {  	v40 =	vadd.s32 v12, v40;
	v56 =	vld [tilespmem:s0+$0xFFFFFFB0];
	[tilespmem:v59+s29+$0x0] =	vst.idx.msk $0xffff, v58  }
0x455: {  	v42 =	vadd.s32 v16, v42;
	v57 =	vld [tilespmem:s0+$0xFFFFFFF0];
	[tilespmem:v61+s29+$0x0] =	vst.idx.msk $0xffff, v60  }
0x456: {  	v59 =	vadd.s32 v20, v44;
	v58 =	vld [tilespmem:s0+$0x30];
	[tilespmem:v63+s29+$0x0] =	vst.idx.msk $0xffff, v62  }
0x457: {  	v38 =	vadd.s32 v24, v38;
	v60 =	vld [tilespmem:s0+$0x70];
	[tilespmem:v47+s29+$0x0] =	vst.idx.msk $0xffff, v55  }
0x458: {  	v35 =	vadd.s32 v28, v35;
	v61 =	vld [tilespmem:s0+$0xB0];
	[tilespmem:v54+s29+$0x0] =	vst.idx.msk $0xffff, v53  }
0x459: {  	v63 =	vadd.s32 v4, v45;
	[tilespmem:v40+s29+$0x0] =	vst.idx.msk $0xffff, v56;
	v62 =	vld [tilespmem:s0+$0xFFFFFF30]  }
0x45a: {  	[tilespmem:v42+s29+$0x0] =	vst.idx.msk $0xffff, v57  }
0x45b: {  	[tilespmem:v59+s29+$0x0] =	vst.idx.msk $0xffff, v58  }
0x45c: {  	[tilespmem:v38+s29+$0x0] =	vst.idx.msk $0xffff, v60  }
0x45d: {  	[tilespmem:v35+s29+$0x0] =	vst.idx.msk $0xffff, v61  }
0x45e: {  	s13 =	sadd.s32 s13, s12;
	s20 =	simm.s32 $0x18C00;
	[tilespmem:v63+s29+$0x0] =	vst.idx.msk $0xffff, v62  }
0x45f: {  	[hbm4b:s13+s4] =	stream.linear.scatter [tilespmem:s20], [sflag:$0x9], $0x80, $0x38;
	[tilespmem:$0x1D000] =	vst v63  }
0x460: {  	s1 =	simm.s32 $0x18C88;
	s15 =	sadd.s32 $0x10, s13  }
0x461: {  	[hbm4b:s15+s4] =	stream.linear.scatter [tilespmem:s1], [sflag:$0x9], $0x80, $0x38;
	[tilespmem:$0x1D000] =	vst v63  }
0x462: {  	s16 =	simm.s32 $0x18D10;
	s20 =	sadd.s32 $0x20, s13  }
0x463: {  	[hbm4b:s20+s4] =	stream.linear.scatter [tilespmem:s16], [sflag:$0x9], $0x80, $0x38;
	[tilespmem:$0x1D000] =	vst v63  }
0x464: {  	s1 =	simm.s32 $0x18D98;
	s15 =	sadd.s32 $0x30, s13  }
0x465: {  	[hbm4b:s15+s4] =	stream.linear.scatter [tilespmem:s1], [sflag:$0x9], $0x80, $0x38;
	[tilespmem:$0x1D000] =	vst v63  }
0x466: {  	s16 =	simm.s32 $0x18E20;
	s20 =	sadd.s32 $0x40, s13  }
0x467: {  	[hbm4b:s20+s4] =	stream.linear.scatter [tilespmem:s16], [sflag:$0x9], $0x80, $0x38;
	[tilespmem:$0x1D000] =	vst v63  }
0x468: {  	s0 =	simm.s32 $0x440;
	s1 =	simm.s32 $0x18EA8;
	s15 =	sadd.s32 $0x50, s13  }
0x469: {  	[hbm4b:s15+s4] =	stream.linear.scatter [tilespmem:s1], [sflag:$0x9], $0x80, $0x38;
	[tilespmem:$0x1D000] =	vst v63  }
0x46a: {  	s16 =	simm.s32 $0x18F30;
	s20 =	sadd.s32 $0x60, s13;
	s1 =	simm.s32 $0x18FB8  }
0x46b: {  	[hbm4b:s20+s4] =	stream.linear.scatter [tilespmem:s16], [sflag:$0x9], $0x80, $0x38;
	[tilespmem:$0x1D000] =	vst v63  }
0x46c: {  	s16 =	simm.s32 $0x2200;
	s20 =	sadd.s32 $0x70, s13;
	s13 =	sadd.s32 $0x1000, s13  }
.LBB2_31:
0x46d: {  	[hbm4b:s20+s4] =	stream.linear.scatter [tilespmem:s1], [sflag:$0x9], $0x80, $0x38;
	[tilespmem:$0x1D000] =	vst v63  }
0x46e: {  	s1 =	smov.u32 s0;
	s0 =	smov.u32 s16  }
0x46f: {  	s15 =	sadd.s32 $0x1100, s16;
	s0 =	sshra.s32 s0, $0x2;
	s20 =	sadd.s32 $0x18C00, s1  }
0x470: {  	[hbm4b:s13+s4] =	stream.linear.scatter [tilespmem:s20], [sflag:$0x9], $0x80, $0x38;
	[tilespmem:$0x1D000] =	vst v63  }
0x471: {  	p2 =	sne.s32 s16, $0x7700;
	s16 =	sadd.s32 $0x18C88, s1;
	s20 =	sadd.s32 $0x10, s13  }
0x472: {  	[hbm4b:s20+s4] =	stream.linear.scatter [tilespmem:s16], [sflag:$0x9], $0x80, $0x38;
	[tilespmem:$0x1D000] =	vst v63  }
0x473: {  	s16 =	sadd.s32 $0x18D10, s1;
	s20 =	sadd.s32 $0x20, s13  }
0x474: {  	[hbm4b:s20+s4] =	stream.linear.scatter [tilespmem:s16], [sflag:$0x9], $0x80, $0x38;
	[tilespmem:$0x1D000] =	vst v63  }
0x475: {  	s16 =	sadd.s32 $0x18D98, s1;
	s20 =	sadd.s32 $0x30, s13  }
0x476: {  	[hbm4b:s20+s4] =	stream.linear.scatter [tilespmem:s16], [sflag:$0x9], $0x80, $0x38;
	[tilespmem:$0x1D000] =	vst v63  }
0x477: {  	s16 =	sadd.s32 $0x18E20, s1;
	s20 =	sadd.s32 $0x40, s13  }
0x478: {  	[hbm4b:s20+s4] =	stream.linear.scatter [tilespmem:s16], [sflag:$0x9], $0x80, $0x38;
	[tilespmem:$0x1D000] =	vst v63  }
.Ltmp14:
0x479: {  	s16 =	sadd.s32 $0x18EA8, s1;
	s20 =	sadd.s32 $0x50, s13;
	(pc) =	sbr.rel @p2 .LBB2_31-.Ltmp14, $4  }
0x47a: {  	[hbm4b:s20+s4] =	stream.linear.scatter [tilespmem:s16], [sflag:$0x9], $0x80, $0x38;
	[tilespmem:$0x1D000] =	vst v63  }
0x47b: {  	s16 =	sadd.s32 $0x18F30, s1;
	s20 =	sadd.s32 $0x60, s13;
	s1 =	sadd.s32 $0x18FB8, s1  }
0x47c: {  	[hbm4b:s20+s4] =	stream.linear.scatter [tilespmem:s16], [sflag:$0x9], $0x80, $0x38;
	[tilespmem:$0x1D000] =	vst v63  }
0x47d: {  	s20 =	sadd.s32 $0x70, s13;
	s13 =	sadd.s32 $0x1000, s13;
	s16 =	smov.u32 s15  }
0x47e: {  	[hbm4b:s20+s4] =	stream.linear.scatter [tilespmem:s1], [sflag:$0x9], $0x80, $0x38;
	[tilespmem:$0x1D000] =	vst v63  }
0x47f: {  	s16 =	sadd.s32 $0x18C00, s0  }
0x480: {  	[hbm4b:s13+s4] =	stream.linear.scatter [tilespmem:s16], [sflag:$0x9], $0x80, $0x38;
	[tilespmem:$0x1D000] =	vst v63  }
0x481: {  	s20 =	sadd.s32 $0x18C88, s0;
	s15 =	sadd.s32 $0x10, s13  }
0x482: {  	[hbm4b:s15+s4] =	stream.linear.scatter [tilespmem:s20], [sflag:$0x9], $0x80, $0x38;
	[tilespmem:$0x1D000] =	vst v63  }
0x483: {  	s16 =	sadd.s32 $0x18D10, s0;
	s20 =	sadd.s32 $0x20, s13  }
0x484: {  	[hbm4b:s20+s4] =	stream.linear.scatter [tilespmem:s16], [sflag:$0x9], $0x80, $0x38;
	[tilespmem:$0x1D000] =	vst v63  }
0x485: {  	s16 =	sadd.s32 $0x18D98, s0;
	s20 =	sadd.s32 $0x30, s13  }
0x486: {  	[hbm4b:s20+s4] =	stream.linear.scatter [tilespmem:s16], [sflag:$0x9], $0x80, $0x38;
	[tilespmem:$0x1D000] =	vst v63  }
0x487: {  	s16 =	sadd.s32 $0x18E20, s0;
	s20 =	sadd.s32 $0x40, s13  }
0x488: {  	[hbm4b:s20+s4] =	stream.linear.scatter [tilespmem:s16], [sflag:$0x9], $0x80, $0x38;
	[tilespmem:$0x1D000] =	vst v63  }
0x489: {  	s16 =	sadd.s32 $0x18EA8, s0;
	s20 =	sadd.s32 $0x50, s13  }
0x48a: {  	[hbm4b:s20+s4] =	stream.linear.scatter [tilespmem:s16], [sflag:$0x9], $0x80, $0x38;
	[tilespmem:$0x1D000] =	vst v63  }
0x48b: {  	s16 =	sadd.s32 $0x18F30, s0;
	s20 =	sadd.s32 $0x60, s13  }
0x48c: {  	[hbm4b:s20+s4] =	stream.linear.scatter [tilespmem:s16], [sflag:$0x9], $0x80, $0x38;
	[tilespmem:$0x1D000] =	vst v63  }
0x48d: {  	s15 =	simm.s32 $0x1;
	s16 =	sadd.s32 $0x18FB8, s0;
	s20 =	sadd.s32 $0x70, s13  }
0x48e: {  	[hbm4b:s20+s4] =	stream.linear.scatter [tilespmem:s16], [sflag:$0x9], $0x80, $0x38;
	[tilespmem:$0x1D000] =	vst v63  }
0x48f: {  	v34 =	vmov s15;
	s15 =	simm.s32 $0x4;
	_ =	swait.ge [sflag:s30], $0x2000  }
0x490: {  	v37 =	vmov s15;
	v34 =	vshrl.u32 v34, $0x3;
	s16 =	simm.s32 $0x2;
	[sflag:s30] =	ssyncset.done $0x0  }
0x491: {  	v37 =	vshrl.u32 v37, $0x3;
	v34 =	vshll.u32 v34, v1;
	s0 =	simm.s32 @!p0 $0xA;
	v35 =	vmov s16;
	s16 =	simm.s32 $0x7;
	[sflag:s30] =	ssyncadd.s32 $0xFFFFE000  }
0x492: {  	s1 =	sadd.s32 @!p1 $0x6700, s17;
	v45 =	vbroadcast v34, $0x0;
	v54 =	vshll.u32 v37, v1;
	s13 =	simm.s32 $0x0;
	v38 =	vmov s16;
	_ =	swait.ge @!p0 [sflag:s0], $0x2000  }
0x493: {  	s15 =	simm.s32 @!p1 $0x10800;
	v34 =	vbroadcast v54, $0x0;
	v33 =	vmov s13;
	s20 =	simm.s32 $0x3;
	v38 =	vshrl.u32 v38, $0x3;
	[sflag:s0] =	ssyncset.done @!p0 $0x0  }
0x494: {  	s13 =	simm.s32 @!p1 $0x80;
	v33 =	vshrl.u32 v33, $0x3;
	v36 =	vmov s20;
	s20 =	simm.s32 $0x5;
	v38 =	vshll.u32 v38, v1;
	[sflag:s0] =	ssyncadd.s32 @!p0 $0xFFFFE000  }
0x495: {  	v47 =	vadd.s32 v5, v45;
	v33 =	vshll.u32 v33, v1;
	v38 =	vbroadcast v38, $0x0;
	[tilespmem:s15], [sflag:$0x5] =	stream.indirect.gather @!p1 [hbm4b:s5+s13], $0x40, s1, s13, $0xb8;
	[tilespmem:$0x1D000] =	vst v63  }
0x496: {  	v39 =	vmov s20;
	v35 =	vshrl.u32 v35, $0x3;
	v33 =	vbroadcast v33, $0x0;
	s13 =	simm.s32 $0x12900  }
0x497: {  	v36 =	vshrl.u32 v36, $0x3;
	v52 =	vshll.u32 v35, v1;
	v42 =	vadd.s32 v29, v38;
	v41 =	vld [tilespmem:s13+$0xC0]  }
0x498: {  	s16 =	simm.s32 $0x6;
	v53 =	vshll.u32 v36, v1;
	v44 =	vadd.s32 v0, v33;
	v52 =	vbroadcast v52, $0x0;
	v43 =	vld [tilespmem:s13+$0xFFFFFF00]  }
0x499: {  	v40 =	vmov s16;
	v55 =	vshrl.u32 v39, $0x3;
	v35 =	vbroadcast v53, $0x0;
	v46 =	vld [tilespmem:s13+$0xFFFFFF40]  }
0x49a: {  	v36 =	vshll.u32 v55, v1;
	v40 =	vshrl.u32 v40, $0x3;
	v49 =	vadd.s32 v9, v52;
	v48 =	vld [tilespmem:s13+$0xFFFFFF80]  }
0x49b: {  	v37 =	vbroadcast v36, $0x0;
	v56 =	vshll.u32 v40, v1;
	v50 =	vadd.s32 v13, v35;
	v39 =	vld [tilespmem:s13+$0xFFFFFFC0]  }
0x49c: {  	v53 =	vadd.s32 v17, v34;
	v36 =	vbroadcast v56, $0x0;
	v51 =	vld [tilespmem:s13+$0x0];
	[tilespmem:v42+s31+$0x0] =	vst.idx.msk $0xffff, v41  }
0x49d: {  	v60 =	vadd.s32 v21, v37;
	v59 =	vld [tilespmem:s13+$0x40];
	[tilespmem:v44+s31+$0x0] =	vst.idx.msk $0xffff, v43  }
0x49e: {  	v61 =	vld [tilespmem:s13+$0x80];
	v62 =	vadd.s32 v25, v36;
	[tilespmem:v47+s31+$0x0] =	vst.idx.msk $0xffff, v46  }
0x49f: {  	v58 =	vadd.s32 v30, v38;
	[tilespmem:v49+s31+$0x0] =	vst.idx.msk $0xffff, v48;
	v57 =	vld [tilespmem:s13+$0xD0]  }
0x4a0: {  	v63 =	vadd.s32 v6, v45;
	[tilespmem:v50+s31+$0x0] =	vst.idx.msk $0xffff, v39;
	v47 =	vld [tilespmem:s13+$0xFFFFFF50]  }
0x4a1: {  	v55 =	vadd.s32 v10, v52;
	[tilespmem:v53+s31+$0x0] =	vst.idx.msk $0xffff, v51;
	v54 =	vld [tilespmem:s13+$0xFFFFFF90]  }
0x4a2: {  	v56 =	vadd.s32 v14, v35;
	[tilespmem:v60+s31+$0x0] =	vst.idx.msk $0xffff, v59;
	v50 =	vld [tilespmem:s13+$0xFFFFFFD0]  }
0x4a3: {  	[tilespmem:v62+s31+$0x0] =	vst.idx.msk $0xffff, v61;
	v46 =	vadd.s32 v22, v37;
	v44 =	vld [tilespmem:s13+$0x50]  }
0x4a4: {  	v59 =	vadd.s32 v18, v34;
	[tilespmem:v58+s31+$0x0] =	vst.idx.msk $0xffff, v57;
	v58 =	vld [tilespmem:s13+$0x10]  }
0x4a5: {  	v57 =	vadd.s32 v31, v38;
	[tilespmem:v63+s31+$0x0] =	vst.idx.msk $0xffff, v47;
	v40 =	vld [tilespmem:s13+$0xE0]  }
0x4a6: {  	v60 =	vadd.s32 v26, v36;
	[tilespmem:v55+s31+$0x0] =	vst.idx.msk $0xffff, v54;
	v63 =	vld [tilespmem:s13+$0x90]  }
0x4a7: {  	v62 =	vadd.s32 v2, v33;
	v61 =	vld [tilespmem:s13+$0xFFFFFF10];
	[tilespmem:v56+s31+$0x0] =	vst.idx.msk $0xffff, v50  }
0x4a8: {  	v51 =	vadd.s32 v7, v45;
	[tilespmem:v46+s31+$0x0] =	vst.idx.msk $0xffff, v44;
	v50 =	vld [tilespmem:s13+$0xFFFFFF60]  }
0x4a9: {  	v56 =	vadd.s32 v11, v52;
	v55 =	vld [tilespmem:s13+$0xFFFFFFA0];
	[tilespmem:v59+s31+$0x0] =	vst.idx.msk $0xffff, v58  }
0x4aa: {  	v58 =	vadd.s32 v15, v35;
	[tilespmem:v57+s31+$0x0] =	vst.idx.msk $0xffff, v40;
	v57 =	vld [tilespmem:s13+$0xFFFFFFE0]  }
0x4ab: {  	[tilespmem:v60+s31+$0x0] =	vst.idx.msk $0xffff, v63;
	v60 =	vadd.s32 v19, v34;
	v59 =	vld [tilespmem:s13+$0x20]  }
0x4ac: {  	s20 =	simm.s32 $0x9;
	v38 =	vadd.s32 v32, v38;
	[tilespmem:v62+s31+$0x0] =	vst.idx.msk $0xffff, v61;
	v54 =	vld [tilespmem:s13+$0xF0]  }
0x4ad: {  	s17 =	simm.s32 $0x8;
	v41 =	vadd.s32 v23, v37;
	v53 =	vmov s20;
	[tilespmem:v51+s31+$0x0] =	vst.idx.msk $0xffff, v50;
	v40 =	vld [tilespmem:s13+$0x60]  }
0x4ae: {  	s16 =	simm.s32 $0xC;
	s15 =	simm.s32 $0xB;
	v43 =	vadd.s32 v27, v36;
	v48 =	vadd.s32 v3, v33;
	v63 =	vmov s17;
	v42 =	vld [tilespmem:s13+$0xA0];
	[tilespmem:v56+s31+$0x0] =	vst.idx.msk $0xffff, v55  }
0x4af: {  	s20 =	simm.s32 $0xE;
	v44 =	vmov s15;
	v47 =	vmov s16;
	v46 =	vld [tilespmem:s13+$0xFFFFFF20];
	v39 =	vshrl.u32 v63, $0x3;
	[tilespmem:v58+s31+$0x0] =	vst.idx.msk $0xffff, v57  }
0x4b0: {  	s1 =	simm.s32 $0xA;
	s17 =	simm.s32 $0xD;
	v51 =	vadd.s32 v8, v45;
	v49 =	vld [tilespmem:s13+$0xFFFFFF70];
	v45 =	vshll.u32 v39, v1;
	v39 =	vmov s20;
	[tilespmem:v60+s31+$0x0] =	vst.idx.msk $0xffff, v59  }
0x4b1: {  	s0 =	simm.s32 $0x10;
	v52 =	vadd.s32 v12, v52;
	v50 =	vld [tilespmem:s13+$0xFFFFFFB0];
	[tilespmem:v38+s31+$0x0] =	vst.idx.msk $0xffff, v54;
	v54 =	vmov s1;
	v38 =	vmov s17;
	s1 =	simm.s32 $0xF  }
.LBB2_33:
0x4b2: {  	p0 =	slt.u32 s0, $0x78;
	v53 =	vshrl.u32 v53, $0x3;
	v55 =	vmov s1;
	v56 =	vld [tilespmem:s13+$0xFFFFFFF0];
	v35 =	vadd.s32 v16, v35;
	[tilespmem:v41+s31+$0x0] =	vst.idx.msk $0xffff, v40  }
0x4b3: {  	v40 =	vshrl.u32 v54, $0x3;
	v34 =	vadd.s32 v20, v34;
	v41 =	vshrl.u32 v55, $0x3;
	v54 =	vld [tilespmem:s13+$0x30];
	[tilespmem:v43+s31+$0x0] =	vst.idx.msk $0xffff, v42  }
0x4b4: {  	v37 =	vadd.s32 v24, v37;
	v42 =	vshrl.u32 v44, $0x3;
	v41 =	vshll.u32 v41, v1;
	[tilespmem:v48+s31+$0x0] =	vst.idx.msk $0xffff, v46;
	v43 =	vld [tilespmem:s13+$0x70]  }
0x4b5: {  	v36 =	vadd.s32 v28, v36;
	v44 =	vshrl.u32 v47, $0x3;
	v41 =	vbroadcast v41, $0x0;
	[tilespmem:v51+s31+$0x0] =	vst.idx.msk $0xffff, v49;
	v46 =	vld [tilespmem:s13+$0xB0]  }
0x4b6: {  	v47 =	vshll.u32 v53, v1;
	v49 =	vadd.s32 v4, v33;
	v33 =	vbroadcast v45, $0x0;
	v48 =	vld [tilespmem:s13+$0xFFFFFF30];
	[tilespmem:v52+s31+$0x0] =	vst.idx.msk $0xffff, v50;
	s13 =	sadd.s32 $0x200, s13  }
0x4b7: {  	v40 =	vshll.u32 v40, v1;
	v45 =	vbroadcast v47, $0x0;
	v47 =	vld [tilespmem:s13+$0xC0];
	v50 =	vadd.s32 v29, v41;
	[tilespmem:v35+s31+$0x0] =	vst.idx.msk $0xffff, v56  }
0x4b8: {  	v55 =	vbroadcast v40, $0x0;
	v52 =	vadd.s32 v0, v33;
	v35 =	vshll.u32 v42, v1;
	v51 =	vld [tilespmem:s13+$0xFFFFFF00];
	[tilespmem:v34+s31+$0x0] =	vst.idx.msk $0xffff, v54  }
0x4b9: {  	v42 =	vadd.s32 v5, v45;
	v35 =	vbroadcast v35, $0x0;
	v34 =	vshll.u32 v44, v1;
	v40 =	vld [tilespmem:s13+$0xFFFFFF40];
	[tilespmem:v37+s31+$0x0] =	vst.idx.msk $0xffff, v43  }
0x4ba: {  	v44 =	vadd.s32 v9, v55;
	v34 =	vbroadcast v34, $0x0;
	v37 =	vshrl.u32 v38, $0x3;
	v43 =	vld [tilespmem:s13+$0xFFFFFF80];
	[tilespmem:v36+s31+$0x0] =	vst.idx.msk $0xffff, v46  }
0x4bb: {  	v39 =	vshrl.u32 v39, $0x3;
	v46 =	vadd.s32 v13, v35;
	v36 =	vshll.u32 v37, v1;
	v38 =	vld [tilespmem:s13+$0xFFFFFFC0];
	[tilespmem:v49+s31+$0x0] =	vst.idx.msk $0xffff, v48  }
0x4bc: {  	v49 =	vadd.s32 v17, v34;
	v37 =	vbroadcast v36, $0x0;
	v36 =	vshll.u32 v39, v1;
	v48 =	vld [tilespmem:s13+$0x0];
	[tilespmem:v50+s31+$0x0] =	vst.idx.msk $0xffff, v47  }
0x4bd: {  	v36 =	vbroadcast v36, $0x0;
	v47 =	vadd.s32 v30, v41;
	[tilespmem:v52+s31+$0x0] =	vst.idx.msk $0xffff, v51;
	v39 =	vld [tilespmem:s13+$0xD0]  }
0x4be: {  	[tilespmem:v42+s31+$0x0] =	vst.idx.msk $0xffff, v40;
	v40 =	vld [tilespmem:s13+$0x40];
	v42 =	vadd.s32 v21, v37  }
0x4bf: {  	[tilespmem:v44+s31+$0x0] =	vst.idx.msk $0xffff, v43;
	v43 =	vld [tilespmem:s13+$0x80];
	v44 =	vadd.s32 v25, v36  }
0x4c0: {  	v51 =	vadd.s32 v6, v45;
	v50 =	vld [tilespmem:s13+$0xFFFFFF50];
	[tilespmem:v46+s31+$0x0] =	vst.idx.msk $0xffff, v38  }
0x4c1: {  	v46 =	vadd.s32 v10, v55;
	v38 =	vld [tilespmem:s13+$0xFFFFFF90];
	[tilespmem:v49+s31+$0x0] =	vst.idx.msk $0xffff, v48  }
0x4c2: {  	v49 =	vadd.s32 v14, v35;
	v48 =	vld [tilespmem:s13+$0xFFFFFFD0];
	[tilespmem:v47+s31+$0x0] =	vst.idx.msk $0xffff, v39  }
0x4c3: {  	[tilespmem:v42+s31+$0x0] =	vst.idx.msk $0xffff, v40;
	v39 =	vld [tilespmem:s13+$0xE0];
	v40 =	vadd.s32 v31, v41  }
0x4c4: {  	v47 =	vadd.s32 v18, v34;
	v42 =	vld [tilespmem:s13+$0x10];
	[tilespmem:v44+s31+$0x0] =	vst.idx.msk $0xffff, v43  }
0x4c5: {  	v44 =	vadd.s32 v22, v37;
	[tilespmem:v51+s31+$0x0] =	vst.idx.msk $0xffff, v50;
	v43 =	vld [tilespmem:s13+$0x50]  }
0x4c6: {  	[tilespmem:v46+s31+$0x0] =	vst.idx.msk $0xffff, v38;
	v38 =	vld [tilespmem:s13+$0x90];
	v46 =	vadd.s32 v26, v36  }
0x4c7: {  	v51 =	vadd.s32 v2, v33;
	v50 =	vld [tilespmem:s13+$0xFFFFFF10];
	[tilespmem:v49+s31+$0x0] =	vst.idx.msk $0xffff, v48  }
0x4c8: {  	v49 =	vadd.s32 v7, v45;
	v48 =	vld [tilespmem:s13+$0xFFFFFF60];
	[tilespmem:v40+s31+$0x0] =	vst.idx.msk $0xffff, v39  }
0x4c9: {  	[tilespmem:v47+s31+$0x0] =	vst.idx.msk $0xffff, v42;
	v39 =	vld [tilespmem:s13+$0xF0];
	v47 =	vadd.s32 v32, v41  }
0x4ca: {  	v56 =	vadd.s32 v11, v55;
	v52 =	vld [tilespmem:s13+$0xFFFFFFA0];
	[tilespmem:v44+s31+$0x0] =	vst.idx.msk $0xffff, v43  }
0x4cb: {  	v58 =	vadd.s32 v15, v35;
	v57 =	vld [tilespmem:s13+$0xFFFFFFE0];
	[tilespmem:v46+s31+$0x0] =	vst.idx.msk $0xffff, v38  }
0x4cc: {  	v60 =	vadd.s32 v19, v34;
	[tilespmem:v51+s31+$0x0] =	vst.idx.msk $0xffff, v50;
	v59 =	vld [tilespmem:s13+$0x20]  }
.Ltmp15:
0x4cd: {  	s1 =	sadd.s32 $0x1, s0;
	v41 =	vadd.s32 v23, v37;
	v38 =	vmov s0;
	[tilespmem:v49+s31+$0x0] =	vst.idx.msk $0xffff, v48;
	v40 =	vld [tilespmem:s13+$0x60];
	(pc) =	sbr.rel @p0 .LBB2_33-.Ltmp15, $4  }
0x4ce: {  	s15 =	sadd.s32 $0x3, s0;
	v53 =	vmov s1;
	s1 =	sadd.s32 $0x2, s0;
	v43 =	vadd.s32 v27, v36;
	v50 =	vshrl.u32 v38, $0x3;
	v42 =	vld [tilespmem:s13+$0xA0];
	[tilespmem:v47+s31+$0x0] =	vst.idx.msk $0xffff, v39  }
0x4cf: {  	v54 =	vmov s1;
	s1 =	sadd.s32 $0x4, s0;
	v44 =	vmov s15;
	s15 =	sadd.s32 $0x5, s0;
	v48 =	vadd.s32 v3, v33;
	v46 =	vld [tilespmem:s13+$0xFFFFFF20];
	[tilespmem:v56+s31+$0x0] =	vst.idx.msk $0xffff, v52  }
0x4d0: {  	v38 =	vmov s15;
	v51 =	vadd.s32 v8, v45;
	v47 =	vmov s1;
	s1 =	sadd.s32 $0x6, s0;
	v49 =	vld [tilespmem:s13+$0xFFFFFF70];
	[tilespmem:v58+s31+$0x0] =	vst.idx.msk $0xffff, v57  }
0x4d1: {  	v45 =	vshll.u32 v50, v1;
	v39 =	vmov s1;
	s1 =	sadd.s32 $0x7, s0;
	s0 =	sadd.s32 $0x8, s0;
	v52 =	vadd.s32 v12, v55;
	v50 =	vld [tilespmem:s13+$0xFFFFFFB0];
	[tilespmem:v60+s31+$0x0] =	vst.idx.msk $0xffff, v59  }
0x4d2: {  	_ =	sdelay $0x2  }
0x4d3: {  	v53 =	vshrl.u32 v53, $0x3  }
0x4d4: {  	v55 =	vmov s1;
	v56 =	vld [tilespmem:s13+$0xFFFFFFF0];
	v35 =	vadd.s32 v16, v35;
	[tilespmem:v41+s31+$0x0] =	vst.idx.msk $0xffff, v40;
	v57 =	vshrl.u32 v54, $0x3  }
0x4d5: {  	v59 =	vld [tilespmem:s13+$0x30];
	v34 =	vadd.s32 v20, v34;
	v60 =	vshrl.u32 v44, $0x3;
	v58 =	vshrl.u32 v55, $0x3;
	[tilespmem:v43+s31+$0x0] =	vst.idx.msk $0xffff, v42  }
0x4d6: {  	v37 =	vadd.s32 v24, v37;
	v62 =	vshrl.u32 v47, $0x3;
	v61 =	vld [tilespmem:s13+$0x70];
	v41 =	vshll.u32 v58, v1;
	[tilespmem:v48+s31+$0x0] =	vst.idx.msk $0xffff, v46  }
0x4d7: {  	v36 =	vadd.s32 v28, v36;
	v45 =	vbroadcast v45, $0x0;
	v63 =	vld [tilespmem:s13+$0xB0];
	v41 =	vbroadcast v41, $0x0;
	[tilespmem:v51+s31+$0x0] =	vst.idx.msk $0xffff, v49  }
0x4d8: {  	v33 =	vadd.s32 v4, v33;
	s0 =	sadd.s32 $0x200, s13;
	v38 =	vshrl.u32 v38, $0x3;
	v55 =	vshll.u32 v53, v1;
	v48 =	vld [tilespmem:s13+$0xFFFFFF30];
	[tilespmem:v52+s31+$0x0] =	vst.idx.msk $0xffff, v50  }
0x4d9: {  	v40 =	vshll.u32 v57, v1;
	v47 =	vbroadcast v55, $0x0;
	v49 =	vld [tilespmem:s0+$0xC0];
	v50 =	vadd.s32 v29, v41;
	[tilespmem:v35+s31+$0x0] =	vst.idx.msk $0xffff, v56  }
0x4da: {  	v42 =	vshll.u32 v60, v1;
	v40 =	vbroadcast v40, $0x0;
	v35 =	vld [tilespmem:s0+$0xFFFFFF00];
	v56 =	vadd.s32 v0, v45;
	[tilespmem:v34+s31+$0x0] =	vst.idx.msk $0xffff, v59  }
0x4db: {  	v57 =	vld [tilespmem:s0+$0xFFFFFF40];
	v44 =	vshll.u32 v62, v1;
	v42 =	vbroadcast v42, $0x0;
	v58 =	vadd.s32 v5, v47;
	[tilespmem:v37+s31+$0x0] =	vst.idx.msk $0xffff, v61  }
0x4dc: {  	v38 =	vshll.u32 v38, v1;
	v44 =	vbroadcast v44, $0x0;
	v60 =	vadd.s32 v9, v40;
	v59 =	vld [tilespmem:s0+$0xFFFFFF80];
	[tilespmem:v36+s31+$0x0] =	vst.idx.msk $0xffff, v63  }
0x4dd: {  	v38 =	vbroadcast v38, $0x0;
	v62 =	vadd.s32 v13, v42;
	v61 =	vld [tilespmem:s0+$0xFFFFFFC0];
	[tilespmem:v33+s31+$0x0] =	vst.idx.msk $0xffff, v48  }
0x4de: {  	v39 =	vshrl.u32 v39, $0x3;
	v63 =	vadd.s32 v17, v44;
	v33 =	vld [tilespmem:s0+$0x0];
	[tilespmem:v50+s31+$0x0] =	vst.idx.msk $0xffff, v49  }
0x4df: {  	v39 =	vshll.u32 v39, v1;
	v34 =	vld [tilespmem:s0+$0x40];
	[tilespmem:v56+s31+$0x0] =	vst.idx.msk $0xffff, v35;
	v56 =	vadd.s32 v21, v38  }
0x4e0: {  	[tilespmem:v58+s31+$0x0] =	vst.idx.msk $0xffff, v57;
	v35 =	vbroadcast v39, $0x0;
	v49 =	vadd.s32 v30, v41;
	v39 =	vld [tilespmem:s0+$0xD0]  }
0x4e1: {  	[tilespmem:v60+s31+$0x0] =	vst.idx.msk $0xffff, v59;
	v59 =	vld [tilespmem:s0+$0xFFFFFF50];
	v60 =	vadd.s32 v6, v47  }
0x4e2: {  	v57 =	vld [tilespmem:s0+$0x80];
	[tilespmem:v62+s31+$0x0] =	vst.idx.msk $0xffff, v61;
	v58 =	vadd.s32 v25, v35  }
0x4e3: {  	v61 =	vld [tilespmem:s0+$0xFFFFFF90];
	v62 =	vadd.s32 v10, v40;
	[tilespmem:v63+s31+$0x0] =	vst.idx.msk $0xffff, v33  }
0x4e4: {  	v33 =	vld [tilespmem:s0+$0xFFFFFFD0];
	v63 =	vadd.s32 v14, v42;
	[tilespmem:v56+s31+$0x0] =	vst.idx.msk $0xffff, v34  }
0x4e5: {  	v56 =	vadd.s32 v18, v44;
	[tilespmem:v49+s31+$0x0] =	vst.idx.msk $0xffff, v39;
	v49 =	vld [tilespmem:s0+$0x10]  }
0x4e6: {  	[tilespmem:v60+s31+$0x0] =	vst.idx.msk $0xffff, v59;
	v39 =	vadd.s32 v31, v41;
	v34 =	vld [tilespmem:s0+$0xE0]  }
0x4e7: {  	[tilespmem:v58+s31+$0x0] =	vst.idx.msk $0xffff, v57;
	v57 =	vld [tilespmem:s0+$0x50];
	v58 =	vadd.s32 v22, v38  }
0x4e8: {  	[tilespmem:v62+s31+$0x0] =	vst.idx.msk $0xffff, v61;
	v61 =	vld [tilespmem:s0+$0xFFFFFF10];
	v62 =	vadd.s32 v2, v45  }
0x4e9: {  	v60 =	vadd.s32 v26, v35;
	v59 =	vld [tilespmem:s0+$0x90];
	[tilespmem:v63+s31+$0x0] =	vst.idx.msk $0xffff, v33  }
0x4ea: {  	v55 =	vadd.s32 v11, v40;
	v54 =	vadd.s32 v32, v41;
	v41 =	vld [tilespmem:s0+$0xFFFFFFA0];
	[tilespmem:v56+s31+$0x0] =	vst.idx.msk $0xffff, v49  }
0x4eb: {  	v53 =	vadd.s32 v7, v47;
	v63 =	vld [tilespmem:s0+$0xFFFFFF60];
	[tilespmem:v39+s31+$0x0] =	vst.idx.msk $0xffff, v34  }
0x4ec: {  	v56 =	vld [tilespmem:s0+$0xFFFFFFE0];
	[tilespmem:v58+s31+$0x0] =	vst.idx.msk $0xffff, v57;
	v57 =	vadd.s32 v15, v42  }
0x4ed: {  	[tilespmem:v62+s31+$0x0] =	vst.idx.msk $0xffff, v61;
	v34 =	vld [tilespmem:s0+$0xF0]  }
0x4ee: {  	v58 =	vld [tilespmem:s0+$0x20];
	[tilespmem:v60+s31+$0x0] =	vst.idx.msk $0xffff, v59;
	v59 =	vadd.s32 v19, v44  }
0x4ef: {  	v61 =	vadd.s32 v23, v38;
	[tilespmem:v55+s31+$0x0] =	vst.idx.msk $0xffff, v41;
	v60 =	vld [tilespmem:s0+$0x60]  }
0x4f0: {  	[tilespmem:v53+s31+$0x0] =	vst.idx.msk $0xffff, v63;
	v63 =	vadd.s32 v27, v35;
	v62 =	vld [tilespmem:s0+$0xA0]  }
0x4f1: {  	v47 =	vadd.s32 v8, v47;
	v55 =	vld [tilespmem:s0+$0xFFFFFF70];
	[tilespmem:v57+s31+$0x0] =	vst.idx.msk $0xffff, v56  }
0x4f2: {  	v53 =	vld [tilespmem:s0+$0xFFFFFF20];
	[tilespmem:v54+s31+$0x0] =	vst.idx.msk $0xffff, v34;
	v54 =	vadd.s32 v3, v45  }
0x4f3: {  	v40 =	vadd.s32 v12, v40;
	v56 =	vld [tilespmem:s0+$0xFFFFFFB0];
	[tilespmem:v59+s31+$0x0] =	vst.idx.msk $0xffff, v58  }
0x4f4: {  	v42 =	vadd.s32 v16, v42;
	v57 =	vld [tilespmem:s0+$0xFFFFFFF0];
	[tilespmem:v61+s31+$0x0] =	vst.idx.msk $0xffff, v60  }
0x4f5: {  	v59 =	vadd.s32 v20, v44;
	v58 =	vld [tilespmem:s0+$0x30];
	[tilespmem:v63+s31+$0x0] =	vst.idx.msk $0xffff, v62  }
0x4f6: {  	v38 =	vadd.s32 v24, v38;
	v60 =	vld [tilespmem:s0+$0x70];
	[tilespmem:v47+s31+$0x0] =	vst.idx.msk $0xffff, v55  }
0x4f7: {  	v35 =	vadd.s32 v28, v35;
	v61 =	vld [tilespmem:s0+$0xB0];
	[tilespmem:v54+s31+$0x0] =	vst.idx.msk $0xffff, v53  }
0x4f8: {  	v63 =	vadd.s32 v4, v45;
	[tilespmem:v40+s31+$0x0] =	vst.idx.msk $0xffff, v56;
	v62 =	vld [tilespmem:s0+$0xFFFFFF30]  }
0x4f9: {  	[tilespmem:v42+s31+$0x0] =	vst.idx.msk $0xffff, v57  }
0x4fa: {  	s17 =	sshll.u32 s7, $0x12;
	[tilespmem:v59+s31+$0x0] =	vst.idx.msk $0xffff, v58  }
0x4fb: {  	[tilespmem:v38+s31+$0x0] =	vst.idx.msk $0xffff, v60;
	s0 =	sor.u32 s8, s17  }
0x4fc: {  	[tilespmem:v35+s31+$0x0] =	vst.idx.msk $0xffff, v61;
	s0 =	sshrl.u32 s0, $0x3  }
0x4fd: {  	s20 =	simm.s32 $0x1AE00;
	s7 =	sadd.s32 s3, s0;
	[tilespmem:v63+s31+$0x0] =	vst.idx.msk $0xffff, v62  }
0x4fe: {  	[hbm4b:s7+s4] =	stream.linear.scatter [tilespmem:s20], [sflag:$0xA], $0x80, $0x38;
	[tilespmem:$0x1D000] =	vst v63  }
0x4ff: {  	s1 =	simm.s32 $0x1AE88;
	s13 =	sadd.s32 $0x10, s7  }
0x500: {  	[hbm4b:s13+s4] =	stream.linear.scatter [tilespmem:s1], [sflag:$0xA], $0x80, $0x38;
	[tilespmem:$0x1D000] =	vst v63  }
0x501: {  	s15 =	simm.s32 $0x1AF10;
	s17 =	simm.s32 $0x1AF98;
	s16 =	sadd.s32 $0x20, s7  }
0x502: {  	[hbm4b:s16+s4] =	stream.linear.scatter [tilespmem:s15], [sflag:$0xA], $0x80, $0x38;
	[tilespmem:$0x1D000] =	vst v63  }
0x503: {  	s0 =	simm.s32 $0x440;
	s20 =	sadd.s32 $0x30, s7;
	s1 =	simm.s32 $0x1B020  }
0x504: {  	[hbm4b:s20+s4] =	stream.linear.scatter [tilespmem:s17], [sflag:$0xA], $0x80, $0x38;
	[tilespmem:$0x1D000] =	vst v63  }
0x505: {  	s13 =	sadd.s32 $0x40, s7;
	s15 =	simm.s32 $0x1B0A8;
	s16 =	sadd.s32 $0x50, s7  }
0x506: {  	[hbm4b:s13+s4] =	stream.linear.scatter [tilespmem:s1], [sflag:$0xA], $0x80, $0x38;
	[tilespmem:$0x1D000] =	vst v63  }
0x507: {  	s17 =	simm.s32 $0x1B130;
	s20 =	sadd.s32 $0x60, s7;
	s13 =	simm.s32 $0x2200  }
0x508: {  	[hbm4b:s16+s4] =	stream.linear.scatter [tilespmem:s15], [sflag:$0xA], $0x80, $0x38;
	[tilespmem:$0x1D000] =	vst v63  }
0x509: {  	s1 =	simm.s32 $0x1B1B8;
	s16 =	sadd.s32 $0x70, s7;
	s7 =	sadd.s32 $0x1000, s7  }
0x50a: {  	[hbm4b:s20+s4] =	stream.linear.scatter [tilespmem:s17], [sflag:$0xA], $0x80, $0x38;
	[tilespmem:$0x1D000] =	vst v63  }
.LBB2_35:
0x50b: {  	[hbm4b:s16+s4] =	stream.linear.scatter [tilespmem:s1], [sflag:$0xA], $0x80, $0x38;
	[tilespmem:$0x1D000] =	vst v63  }
0x50c: {  	s1 =	smov.u32 s0;
	s0 =	smov.u32 s13  }
0x50d: {  	s15 =	sadd.s32 $0x1100, s13;
	s0 =	sshra.s32 s0, $0x2;
	s16 =	sadd.s32 $0x1AE00, s1  }
0x50e: {  	[hbm4b:s7+s4] =	stream.linear.scatter [tilespmem:s16], [sflag:$0xA], $0x80, $0x38;
	[tilespmem:$0x1D000] =	vst v63  }
0x50f: {  	p0 =	sne.s32 s13, $0x7700;
	s13 =	sadd.s32 $0x1AE88, s1;
	s16 =	sadd.s32 $0x10, s7  }
0x510: {  	[hbm4b:s16+s4] =	stream.linear.scatter [tilespmem:s13], [sflag:$0xA], $0x80, $0x38;
	[tilespmem:$0x1D000] =	vst v63  }
0x511: {  	s13 =	sadd.s32 $0x1AF10, s1;
	s16 =	sadd.s32 $0x20, s7  }
0x512: {  	[hbm4b:s16+s4] =	stream.linear.scatter [tilespmem:s13], [sflag:$0xA], $0x80, $0x38;
	[tilespmem:$0x1D000] =	vst v63  }
0x513: {  	s13 =	sadd.s32 $0x1AF98, s1;
	s16 =	sadd.s32 $0x30, s7  }
0x514: {  	[hbm4b:s16+s4] =	stream.linear.scatter [tilespmem:s13], [sflag:$0xA], $0x80, $0x38;
	[tilespmem:$0x1D000] =	vst v63  }
0x515: {  	s13 =	sadd.s32 $0x1B020, s1;
	s16 =	sadd.s32 $0x40, s7  }
0x516: {  	[hbm4b:s16+s4] =	stream.linear.scatter [tilespmem:s13], [sflag:$0xA], $0x80, $0x38;
	[tilespmem:$0x1D000] =	vst v63  }
.Ltmp16:
0x517: {  	s13 =	sadd.s32 $0x1B0A8, s1;
	s16 =	sadd.s32 $0x50, s7;
	(pc) =	sbr.rel @p0 .LBB2_35-.Ltmp16, $4  }
0x518: {  	[hbm4b:s16+s4] =	stream.linear.scatter [tilespmem:s13], [sflag:$0xA], $0x80, $0x38;
	[tilespmem:$0x1D000] =	vst v63  }
0x519: {  	s13 =	sadd.s32 $0x1B130, s1;
	s16 =	sadd.s32 $0x60, s7;
	s1 =	sadd.s32 $0x1B1B8, s1  }
0x51a: {  	[hbm4b:s16+s4] =	stream.linear.scatter [tilespmem:s13], [sflag:$0xA], $0x80, $0x38;
	[tilespmem:$0x1D000] =	vst v63  }
0x51b: {  	s16 =	sadd.s32 $0x70, s7;
	s7 =	sadd.s32 $0x1000, s7;
	s13 =	smov.u32 s15  }
0x51c: {  	[hbm4b:s16+s4] =	stream.linear.scatter [tilespmem:s1], [sflag:$0xA], $0x80, $0x38;
	[tilespmem:$0x1D000] =	vst v63  }
0x51d: {  	s17 =	sadd.s32 $0x1AE00, s0  }
0x51e: {  	[hbm4b:s7+s4] =	stream.linear.scatter [tilespmem:s17], [sflag:$0xA], $0x80, $0x38;
	[tilespmem:$0x1D000] =	vst v63  }
0x51f: {  	s20 =	sadd.s32 $0x1AE88, s0;
	s13 =	sadd.s32 $0x10, s7  }
0x520: {  	[hbm4b:s13+s4] =	stream.linear.scatter [tilespmem:s20], [sflag:$0xA], $0x80, $0x38;
	[tilespmem:$0x1D000] =	vst v63  }
0x521: {  	s15 =	sadd.s32 $0x1AF10, s0;
	s16 =	sadd.s32 $0x20, s7  }
0x522: {  	[hbm4b:s16+s4] =	stream.linear.scatter [tilespmem:s15], [sflag:$0xA], $0x80, $0x38;
	[tilespmem:$0x1D000] =	vst v63  }
0x523: {  	s17 =	sadd.s32 $0x1AF98, s0;
	s20 =	sadd.s32 $0x30, s7  }
0x524: {  	[hbm4b:s20+s4] =	stream.linear.scatter [tilespmem:s17], [sflag:$0xA], $0x80, $0x38;
	[tilespmem:$0x1D000] =	vst v63  }
0x525: {  	s6 =	sadd.s32 $0x1, s6;
	s15 =	sadd.s32 $0x1B020, s0;
	s16 =	sadd.s32 $0x40, s7  }
0x526: {  	[hbm4b:s16+s4] =	stream.linear.scatter [tilespmem:s15], [sflag:$0xA], $0x80, $0x38;
	[tilespmem:$0x1D000] =	vst v63  }
0x527: {  	p0 =	sne.s32 s6, $0x32;
	s17 =	sadd.s32 $0x1B0A8, s0;
	s20 =	sadd.s32 $0x50, s7  }
0x528: {  	[hbm4b:s20+s4] =	stream.linear.scatter [tilespmem:s17], [sflag:$0xA], $0x80, $0x38;
	[tilespmem:$0x1D000] =	vst v63  }
.Ltmp17:
0x529: {  	_ = 	snop;
	(pc) =	sbr.rel @p0 .LBB2_20-.Ltmp17, $4  }
0x52a: {  	s15 =	sadd.s32 $0x1B130, s0;
	s16 =	sadd.s32 $0x60, s7  }
0x52b: {  	[hbm4b:s16+s4] =	stream.linear.scatter [tilespmem:s15], [sflag:$0xA], $0x80, $0x38;
	[tilespmem:$0x1D000] =	vst v63  }
0x52c: {  	s17 =	sadd.s32 $0x1B1B8, s0;
	s20 =	sadd.s32 $0x70, s7  }
0x52d: {  	[hbm4b:s20+s4] =	stream.linear.scatter [tilespmem:s17], [sflag:$0xA], $0x80, $0x38;
	[tilespmem:$0x1D000] =	vst v63  }
0x52e: {  	s0 =	simm.s32 $0x7  }
0x52f: {  	_ =	swait.ge [sflag:s0], $0x2000  }
0x530: {  	[sflag:s0] =	ssyncset.done $0x0  }
0x531: {  	s17 =	simm.s32 $0x8;
	[sflag:s0] =	ssyncadd.s32 $0xFFFFE000  }
0x532: {  	_ =	swait.ge [sflag:s17], $0x2000  }
0x533: {  	[sflag:s17] =	ssyncset.done $0x0  }
0x534: {  	s20 =	simm.s32 $0x9;
	[sflag:s17] =	ssyncadd.s32 $0xFFFFE000  }
0x535: {  	_ =	swait.ge [sflag:s20], $0x2000  }
0x536: {  	[sflag:s20] =	ssyncset.done $0x0  }
0x537: {  	s1 =	simm.s32 $0xA;
	[sflag:s20] =	ssyncadd.s32 $0xFFFFE000  }
0x538: {  	_ =	swait.ge [sflag:s1], $0x2000  }
0x539: {  	s19 =	sadd.s32 $0x1, s19;
	s21 =	rddreg [dreg:$0x6]  }
0x53a: {  	p0 =	sne.s32 s19, s21  }
.Ltmp18:
0x53b: {  	_ = 	snop;
	(pc) =	sbr.rel @p0 .LBB2_1-.Ltmp18, $3  }
0x53c: {  	_ =	sdelay $0x1  }
0x53d: {  	[sflag:s1] =	ssyncset.done $0x0  }
0x53e: {  	s15 =	simm.s32 $0x6400;
	[sflag:s1] =	ssyncadd.s32 $0xFFFFE000  }
0x53f: {  	_ =	sfence.sel $0x180000  }
0x540: {  	[bflag:$0x0] =	sbarrier.arrive $0xFFFF  }
0x541: {  	_ =	strace $0x90000047  }
0x542: {  	s0 =	stileid.u32;
	[bflag:$0x2] =	sbarrier.arrive $0xFFFF  }
0x543: {  	p0 =	sne.s32 s0, $0x0;
	s0 =	rddreg [dreg:$0x3]  }
0x544: {  	s0 =	sadd.s32 @!p0 $0x100000, s0  }
0x545: {  	[sflag:s0] =	ssyncadd.tile.s32 @!p0 $0x1;
	_ =	shalt  }
.Lfunc_end2:
_tile_overlayer_lowered:
.L_overlay_start_2:
0x546: {  	(tag) =	ssettag $0x2  }
0x547: {  	s0 =	rddreg [dreg:$0x0];
	s2 =	stileid.u32  }
0x548: {  	s1 =	rddreg [dreg:$0x1];
	p0 =	sne.s32 s2, $0x0  }
0x549: {  	s3 =	rddreg [dreg:$0x2];
	[bflag:$0x3] =	sbarrier.arrive $0xFFFF;
	s2 =	simm.s32 @!p0 $0x1C0B  }
0x54a: {  	[timem:s3], [sflag:s2] =	dma.local @!p0 [hbm:s0], s1  }
0x54b: {  	s0 =	simm.s32 @!p0 $0xB  }
0x54c: {  	_ =	swait.ge @!p0 [sflag:s0], s1  }
0x54d: {  	s1 =	ssub.s32 @!p0 $0x0, s1;
	[sflag:s0] =	ssyncset.done @!p0 $0x0  }
0x54e: {  	[sflag:s0] =	ssyncadd.s32 @!p0 s1  }
0x54f: {  	[bflag:$0x3] =	sbarrier.arrive $0xFFFF  }
0x550: {  	_ =	shalt  }

</sc_bundles>
